<compile_context>
chip_gen: v7x
topology: tpu7x:2x2x1
jax: 0.10.2.dev20260603
libtpu: 0.0.44.dev20260713+nightly
codegen_flags: <defaults>
</compile_context>

<pallas_src>
import functools

import jax
import jax.numpy as jnp
from jax import lax
from jax.experimental import pallas as pl
from jax.experimental.pallas import tpu as pltpu
from jax.experimental.pallas import tpu_sc as plsc

F32 = jnp.float32
NC = 2
NS = 16
NW = NC * NS
CH = 128
REG_COEF = 0.01


def _sc_mesh():
    return plsc.VectorSubcoreMesh(core_axis_name="c", subcore_axis_name="s")



DW = 16


@functools.lru_cache(maxsize=None)
def _deg_kernel(NP, NCH):
    @functools.partial(
        pl.kernel,
        out_type=jax.ShapeDtypeStruct((NC, NP, DW), F32),
        mesh=_sc_mesh(),
        compiler_params=pltpu.CompilerParams(use_tc_tiling_on_sc=False, needs_layout_passes=False),
        scratch_types=[
            pltpu.VMEM_SHARED((NP, DW), F32),
            pltpu.VMEM((NCH, CH), jnp.int32),
            pltpu.VMEM((CH, DW), F32),
            pltpu.VMEM((NP // NS, DW), F32),
        ],
    )
    def deg_kernel(dst_hbm, out_hbm, deg_s, idx_v, ones_v, zbuf):
        c = lax.axis_index("c")
        s = lax.axis_index("s")
        w = c * NS + s
        rz = NP // NS
        lanes = lax.iota(jnp.int32, 16)
        one16 = jnp.ones((16,), F32)
        z16 = jnp.zeros((16,), F32)

        def zrow(r, carry):
            rv = jnp.full((16,), r, jnp.int32)
            plsc.store_scatter(zbuf, [rv, lanes], z16)
            return carry

        lax.fori_loop(0, rz, zrow, 0)

        def orow(r, carry):
            rv = jnp.full((16,), r, jnp.int32)
            plsc.store_scatter(ones_v, [rv, lanes], one16)
            return carry

        lax.fori_loop(0, CH, orow, 0)
        pltpu.sync_copy(zbuf, deg_s.at[pl.ds(s * rz, rz)])
        pltpu.sync_copy(dst_hbm.at[pl.ds(w * NCH, NCH)], idx_v)
        plsc.subcore_barrier()

        def chunk(j, carry):
            pltpu.sync_copy(ones_v, deg_s.at[idx_v.at[j]], add=True)
            return carry

        lax.fori_loop(0, NCH, chunk, 0)
        plsc.subcore_barrier()
        pltpu.sync_copy(deg_s.at[pl.ds(s * rz, rz)], out_hbm.at[c, pl.ds(s * rz, rz)])

    return deg_kernel


@functools.lru_cache(maxsize=None)
def _agg_kernel(NP, W, NCH):
    @functools.partial(
        pl.kernel,
        out_type=jax.ShapeDtypeStruct((NC, NP, W), F32),
        mesh=_sc_mesh(),
        compiler_params=pltpu.CompilerParams(use_tc_tiling_on_sc=False, needs_layout_passes=False),
        scratch_types=[
            pltpu.VMEM_SHARED((NP, W), F32),
            pltpu.VMEM_SHARED((NP, W), F32),
            pltpu.VMEM((NCH, CH), jnp.int32),
            pltpu.VMEM((NCH, CH), jnp.int32),
            pltpu.VMEM((CH, W), F32),
            pltpu.VMEM((CH, W), F32),
            pltpu.VMEM((NP // NS, W), F32),
            pltpu.SemaphoreType.DMA,
            pltpu.SemaphoreType.DMA,
        ],
    )
    def agg_kernel(src_hbm, dst_hbm, tab_hbm, out_hbm, agg_s, tab_s, sidx, didx,
                   buf0, buf1, zbuf, sem0, sem1):
        c = lax.axis_index("c")
        s = lax.axis_index("s")
        w = c * NS + s
        rz = NP // NS
        lanes = lax.iota(jnp.int32, 16)
        z16 = jnp.zeros((16,), F32)

        def zrow(r, carry):
            rv = jnp.full((16,), r, jnp.int32)
            for k in range(W // 16):
                plsc.store_scatter(zbuf, [rv, k * 16 + lanes], z16)
            return carry

        lax.fori_loop(0, rz, zrow, 0)
        pltpu.sync_copy(zbuf, agg_s.at[pl.ds(s * rz, rz)])
        pltpu.sync_copy(tab_hbm.at[pl.ds(s * rz, rz)], tab_s.at[pl.ds(s * rz, rz)])
        pltpu.sync_copy(src_hbm.at[pl.ds(w * NCH, NCH)], sidx)
        pltpu.sync_copy(dst_hbm.at[pl.ds(w * NCH, NCH)], didx)
        plsc.subcore_barrier()

        bufs, sems = (buf0, buf1), (sem0, sem1)
        pltpu.async_copy(tab_s.at[sidx.at[0]], buf0, sem0)
        pltpu.async_copy(tab_s.at[sidx.at[1]], buf1, sem1)

        def chunk(jj, carry):
            for b in range(2):
                j = jj * 2 + b
                pltpu.make_async_copy(tab_s.at[sidx.at[j]], bufs[b], sems[b]).wait()
                pltpu.sync_copy(bufs[b], agg_s.at[didx.at[j]], add=True)

                @pl.when(j + 2 < NCH)
                def _():
                    pltpu.async_copy(tab_s.at[sidx.at[j + 2]], bufs[b], sems[b])
            return carry

        lax.fori_loop(0, NCH // 2, chunk, 0)
        plsc.subcore_barrier()
        pltpu.sync_copy(agg_s.at[pl.ds(s * rz, rz)], out_hbm.at[c, pl.ds(s * rz, rz)])

    return agg_kernel


CG = 4
SB = 40


@functools.lru_cache(maxsize=None)
def _ff_kernel(NP, GW, ECH):
    SH = NW // CG
    RS = ECH // SH
    NB = RS // SB

    @functools.partial(
        pl.kernel,
        out_type=jax.ShapeDtypeStruct((CG, ECH, CH), F32),
        mesh=_sc_mesh(),
        compiler_params=pltpu.CompilerParams(use_tc_tiling_on_sc=False, needs_layout_passes=False),
        scratch_types=(
            [pltpu.VMEM((NP, GW), F32)]
            + [pltpu.VMEM((SB, CH), jnp.int32)] * 4
            + [pltpu.VMEM((SB, CH), F32)]
            + [pltpu.SemaphoreType.DMA] * 4
        ),
    )
    def ff_kernel(src_hbm, dst_hbm, f0, f1, f2, f3, out_hbm,
                  tab, sb0, sb1, db0, db1, ob, ss0, ss1, ds0, ds1):
        c = lax.axis_index("c")
        s = lax.axis_index("s")
        w = c * NS + s
        g = w % CG
        r0 = (w // CG) * RS
        lanes = lax.iota(jnp.int32, 16)
        sbufs, dbufs = (sb0, sb1), (db0, db1)
        ssems, dsems = (ss0, ss1), (ds0, ds1)

        for k, fk in enumerate((f0, f1, f2, f3)):
            @pl.when(g == k)
            def _(fk=fk):
                pltpu.sync_copy(fk, tab)

        pltpu.async_copy(src_hbm.at[pl.ds(r0, SB)], sb0, ss0)
        pltpu.async_copy(dst_hbm.at[pl.ds(r0, SB)], db0, ds0)

        def block(nn, carry):
            for p in range(2):
                nb = nn * 2 + p
                pltpu.make_async_copy(src_hbm.at[pl.ds(r0, SB)], sbufs[p], ssems[p]).wait()
                pltpu.make_async_copy(dst_hbm.at[pl.ds(r0, SB)], dbufs[p], dsems[p]).wait()

                @pl.when(nb + 1 < NB)
                def _(p=p, nb=nb):
                    nxt = r0 + (nb + 1) * SB
                    pltpu.async_copy(src_hbm.at[pl.ds(nxt, SB)], sbufs[1 - p], ssems[1 - p])
                    pltpu.async_copy(dst_hbm.at[pl.ds(nxt, SB)], dbufs[1 - p], dsems[1 - p])

                def row(r, carry, p=p):
                    rv = jnp.full((16,), r, jnp.int32)
                    for k in range(CH // 16):
                        cl = k * 16 + lanes
                        sv = plsc.load_gather(sbufs[p], [rv, cl])
                        dv = plsc.load_gather(dbufs[p], [rv, cl])
                        ff = jnp.zeros((16,), F32)
                        for col in range(GW):
                            cv = jnp.full((16,), col, jnp.int32)
                            a = plsc.load_gather(tab, [sv, cv])
                            bv = plsc.load_gather(tab, [dv, cv])
                            ff = ff + a * bv
                        plsc.store_scatter(ob, [rv, cl], ff)
                    return carry

                lax.fori_loop(0, SB, row, 0)
                pltpu.sync_copy(ob, out_hbm.at[g, pl.ds(r0 + nb * SB, SB)])
            return carry

        lax.fori_loop(0, NB // 2, block, 0)

    return ff_kernel



def _mm1_call(degr, x_p, W1, NP, R):
    G = NP // R
    D = x_p.shape[1]
    H = W1.shape[1]

    def body(dga, dgb, x_ref, w_ref, dinv_ref, hs_ref):
        deg = dga[0, 0][:, 0:1] + dgb[0, 0][:, 0:1] + 1.0
        dinv = lax.rsqrt(deg)
        h = jnp.dot(x_ref[...], w_ref[...], preferred_element_type=F32)
        dinv_ref[0] = dinv
        hs_ref[...] = h * dinv

    return pl.pallas_call(
        body,
        grid=(G,),
        in_specs=[
            pl.BlockSpec((1, 1, R, DW), lambda i: (0, i, 0, 0)),
            pl.BlockSpec((1, 1, R, DW), lambda i: (1, i, 0, 0)),
            pl.BlockSpec((R, D), lambda i: (i, 0)),
            pl.BlockSpec((D, H), lambda i: (0, 0)),
        ],
        out_specs=[
            pl.BlockSpec((1, R, 1), lambda i: (i, 0, 0)),
            pl.BlockSpec((R, H), lambda i: (i, 0)),
        ],
        out_shape=[
            jax.ShapeDtypeStruct((G, R, 1), F32),
            jax.ShapeDtypeStruct((NP, H), F32),
        ],
    )(degr, degr, x_p, W1)


def _mm2_call(agg1, hs1, dinv, W2p, b1r, NP, R):
    G = NP // R
    H = hs1.shape[1]

    def body(ag0, ag1, hs1_ref, dinv_ref, w_ref, b_ref, hs2_ref):
        d = dinv_ref[0]
        a = ag0[0] + ag1[0] + hs1_ref[...]
        h1 = jnp.maximum(a * d + b_ref[...], 0.0)
        g = jnp.dot(h1, w_ref[...], preferred_element_type=F32)
        hs2_ref[...] = g * d

    return pl.pallas_call(
        body,
        grid=(G,),
        in_specs=[
            pl.BlockSpec((1, R, H), lambda i: (0, i, 0)),
            pl.BlockSpec((1, R, H), lambda i: (1, i, 0)),
            pl.BlockSpec((R, H), lambda i: (i, 0)),
            pl.BlockSpec((1, R, 1), lambda i: (i, 0, 0)),
            pl.BlockSpec((H, H), lambda i: (0, 0)),
            pl.BlockSpec((1, H), lambda i: (0, 0)),
        ],
        out_specs=pl.BlockSpec((R, H), lambda i: (i, 0)),
        out_shape=jax.ShapeDtypeStruct((NP, H), F32),
    )(agg1, agg1, hs1, dinv, W2p, b1r)


def _soft_call(agg2, hs2, dinv, b2p, NP, R, Nreal):
    G = NP // R
    H = hs2.shape[1]

    GW = H // CG

    def body(ag0, ag1, hs2_ref, dinv_ref, b_ref, fx_ref, cs_ref, *f_refs):
        i = pl.program_id(0)
        d = dinv_ref[0]
        logits = (ag0[0] + ag1[0] + hs2_ref[...]) * d + b_ref[...]
        m = jnp.max(logits, axis=-1, keepdims=True)
        e = jnp.exp(logits - m)
        fx = e / jnp.sum(e, axis=-1, keepdims=True)
        rows = i * R + lax.broadcasted_iota(jnp.int32, (R, 1), 0)
        fx = jnp.where(rows < Nreal, fx, 0.0)
        fx_ref[...] = fx
        for k in range(CG):
            f_refs[k][...] = fx[:, k * GW:(k + 1) * GW]
        part = jnp.sum(jnp.log(1.0 - fx * fx), axis=0, keepdims=True)

        @pl.when(i == 0)
        def _():
            cs_ref[...] = part

        @pl.when(i != 0)
        def _():
            cs_ref[...] += part

    return pl.pallas_call(
        body,
        grid=(G,),
        in_specs=[
            pl.BlockSpec((1, R, H), lambda i: (0, i, 0)),
            pl.BlockSpec((1, R, H), lambda i: (1, i, 0)),
            pl.BlockSpec((R, H), lambda i: (i, 0)),
            pl.BlockSpec((1, R, 1), lambda i: (i, 0, 0)),
            pl.BlockSpec((1, H), lambda i: (0, 0)),
        ],
        out_specs=[
            pl.BlockSpec((R, H), lambda i: (i, 0)),
            pl.BlockSpec((1, H), lambda i: (0, 0)),
        ] + [pl.BlockSpec((R, GW), lambda i: (i, 0))] * CG,
        out_shape=[
            jax.ShapeDtypeStruct((NP, H), F32),
            jax.ShapeDtypeStruct((1, H), F32),
        ] + [jax.ShapeDtypeStruct((NP, GW), F32)] * CG,
    )(agg2, agg2, hs2, dinv, b2p)


def _loss_call(part, pred, csum, E, C):
    H = csum.shape[1]
    ECH = part.shape[1]

    def body(pa_ref, pr_ref, cs_ref, out_ref):
        pa = pa_ref[...]
        ff = pa[0] + pa[1] + pa[2] + pa[3]
        d = ff - pr_ref[...]
        ffsum = jnp.sum(d * d)
        cmask = lax.broadcasted_iota(jnp.int32, (1, H), 1) < C
        reg = -jnp.sum(jnp.where(cmask, jnp.log(1.0001 - jnp.exp(cs_ref[...])), 0.0))
        out_ref[0, 0] = ffsum * (1.0 / E) + REG_COEF * reg

    return pl.pallas_call(
        body,
        grid=(1,),
        in_specs=[
            pl.BlockSpec((CG, ECH, CH), lambda i: (0, 0, 0)),
            pl.BlockSpec((ECH, CH), lambda i: (0, 0)),
            pl.BlockSpec((1, H), lambda i: (0, 0)),
        ],
        out_specs=pl.BlockSpec(memory_space=pltpu.SMEM),
        out_shape=jax.ShapeDtypeStruct((1, 1), F32),
    )(part, pred, csum)



def kernel(x, edge_index, edge_pred, W1, b1, W2, b2):
    N, D = x.shape
    H = W1.shape[1]
    C = W2.shape[1]
    E = edge_pred.shape[0]
    R = 1024
    NP = ((N + R - 1) // R) * R
    NCH = -(-(E // (NW * CH)) // 8) * 8
    EP = NW * NCH * CH
    ECH = EP // CH

    src = jnp.concatenate([edge_index[0], jnp.full((EP - E,), N, jnp.int32)])
    dst = jnp.concatenate([edge_index[1], jnp.full((EP - E,), N, jnp.int32)])
    src = src.reshape(ECH, CH)
    dst = dst.reshape(ECH, CH)
    pred = jnp.concatenate([edge_pred, jnp.zeros((EP - E,), F32)]).reshape(ECH, CH)
    x_p = jnp.pad(x, ((0, NP - N), (0, 0)))
    W2p = jnp.pad(W2, ((0, 0), (0, H - C)))
    b1r = b1.reshape(1, H)
    b2p = jnp.concatenate([b2, jnp.full((H - C,), -1e30, F32)]).reshape(1, H)

    degp = _deg_kernel(NP, NCH)(dst)
    degr = degp.reshape(NC, NP // R, R, DW)
    dinv, hs1 = _mm1_call(degr, x_p, W1, NP, R)
    agg1 = _agg_kernel(NP, H, NCH)(src, dst, hs1)
    hs2 = _mm2_call(agg1, hs1, dinv, W2p, b1r, NP, R)
    agg2 = _agg_kernel(NP, H, NCH)(src, dst, hs2)
    fxp, csum, f0, f1, f2, f3 = _soft_call(agg2, hs2, dinv, b2p, NP, R, N)
    part = _ff_kernel(NP, H // CG, ECH)(src, dst, f0, f1, f2, f3)
    lossm = _loss_call(part, pred, csum, E, C)
    return fxp[:N, :C], lossm[0, 0]

# --- scband reference (transcript-rebuilt; emitter-appended) ---
"""Pipeline reference for scband-gcnedge2-cluster-11321533792258 (READ-ONLY COPY).

The authoritative reference and input builder live on the scoring server;
editing this copy changes nothing except your own understanding.
"""

import jax, jax.numpy as jnp
import numpy as np

N = 10000
E = 320000
D = 128
H = 32
C = 30
REG = 0.01


def setup_inputs(seed: int = 0) -> dict:
    key = jax.random.key(seed)
    ks = jax.random.split(key, 6)
    x = jax.random.normal(ks[0], (N, D), dtype=jnp.float32)
    edge_index = jax.random.randint(ks[1], (2, E), 0, N, dtype=jnp.int32)
    edge_pred = jax.random.uniform(ks[2], (E,), dtype=jnp.float32)
    W1 = jax.random.normal(ks[3], (D, H), dtype=jnp.float32) * (1.0 / np.sqrt(D))
    b1 = jnp.zeros((H,), dtype=jnp.float32)
    W2 = jax.random.normal(ks[4], (H, C), dtype=jnp.float32) * (1.0 / np.sqrt(H))
    b2 = jnp.zeros((C,), dtype=jnp.float32)
    return {"x": x, "edge_index": edge_index, "edge_pred": edge_pred, "W1": W1, "b1": b1, "W2": W2, "b2": b2}


def gcn_conv(x, edge_index, W, b):
    # PyG-style GCNConv: add self-loops, symmetric normalization, scatter-add aggregation
    n = x.shape[0]
    loop = jnp.arange(n, dtype=edge_index.dtype)
    ei = jnp.concatenate([edge_index, jnp.stack([loop, loop], axis=0)], axis=1)
    src, dst = ei[0], ei[1]
    deg = jnp.zeros((n,), dtype=x.dtype).at[dst].add(1.0)
    dinv = jnp.where(deg > 0, 1.0 / jnp.sqrt(deg), 0.0)
    norm = dinv[src] * dinv[dst]
    h = x @ W
    msg = h[src] * norm[:, None]
    out = jnp.zeros((n, W.shape[1]), dtype=x.dtype).at[dst].add(msg)
    return out + b


def reference(x, edge_index, edge_pred, W1, b1, W2, b2):
    h = jax.nn.relu(gcn_conv(x, edge_index, W1, b1))
    # dropout p=0 -> identity
    h = gcn_conv(h, edge_index, W2, b2)
    FX = jax.nn.softmax(h, axis=-1)
    FF = jnp.sum(FX[edge_index[0]] * FX[edge_index[1]], axis=-1)
    NFX = jnp.log(1.0 - FX ** 2)
    pregularize = -jnp.sum(jnp.log(1.0001 - jnp.exp(jnp.sum(NFX, axis=0))), axis=0)
    loss = jnp.mean((FF - edge_pred) ** 2) + REG * pregularize
    return (FX, loss)

if __name__ == "__main__":
    import jax
    _d = setup_inputs()
    print(jax.jit(kernel)(*tuple(_d.values())))

</pallas_src>

<mosaic_0001>
#map = affine_map<(d0, d1) -> (0, 0)>
#map1 = affine_map<(d0, d1) -> (0, 0, 0)>
module attributes {stable_mosaic.version = 14 : i64} {
  func.func @deg_kernel(%arg0: i32, %arg1: i32, %arg2: memref<2560x128xi32, #tpu.memory_space<hbm>>, %arg3: memref<2x10240x16xf32, #tpu.memory_space<hbm>>, %arg4: memref<10240x16xf32, #tpu.memory_space<vmem_shared>>, %arg5: memref<80x128xi32, #tpu.memory_space<vmem>>, %arg6: memref<128x16xf32, #tpu.memory_space<vmem>>, %arg7: memref<640x16xf32, #tpu.memory_space<vmem>>) attributes {dimension_semantics = [#tpu.dimension_semantics<core_parallel>, #tpu.dimension_semantics<subcore_parallel>], iteration_bounds = array<i64: 2, 16>, scalar_prefetch = 0 : i64, scratch_operands = 4 : i64, tpu.core_type = #tpu.core_type<sc_vector_subcore>, window_params = [{transform_indices = #map}, {transform_indices = #map1}]} {
    %mul3A = arith.constant 16 : i32
    %mul3A_0 = arith.muli %arg0, %mul3A : i32
    %add3A = arith.addi %mul3A_0, %arg1 : i32
    %iota3A = tpu.iota {dimensions = array<i32: 0>} : vector<16xi32>
    %broadcast_in_dim3A = arith.constant 1.000000e+00 : f32
    %broadcast_in_dim3A_1 = vector.broadcast %broadcast_in_dim3A : f32 to vector<16xf32>
    %broadcast_in_dim3A_2 = arith.constant 0.000000e+00 : f32
    %broadcast_in_dim3A_3 = vector.broadcast %broadcast_in_dim3A_2 : f32 to vector<16xf32>
    %scan3A = arith.constant 0 : i32
    %scan3A_4 = arith.constant 0 : i32
    %scan3A_5 = arith.constant 640 : i32
    %scan3A_6 = arith.addi %scan3A_4, %scan3A_5 : i32
    %scan3A_7 = arith.constant 1 : i32
    scf.for %scan3A_30 = %scan3A_4 to %scan3A_6 step %scan3A_7  : i32 {
      %broadcast_in_dim3A_31 = vector.broadcast %scan3A_30 : i32 to vector<16xi32>
      tpu.vector_store_idx %arg7[%broadcast_in_dim3A_31, %iota3A], %broadcast_in_dim3A_3 : memref<640x16xf32, #tpu.memory_space<vmem>>[vector<16xi32>, vector<16xi32>], vector<16xf32>,
    }
    %scan3A_8 = arith.constant 640 : i32
    %scan3A_9 = arith.constant 0 : i32
    %scan3A_10 = arith.constant 0 : i32
    %scan3A_11 = arith.constant 128 : i32
    %scan3A_12 = arith.addi %scan3A_10, %scan3A_11 : i32
    %scan3A_13 = arith.constant 1 : i32
    scf.for %scan3A_30 = %scan3A_10 to %scan3A_12 step %scan3A_13  : i32 {
      %broadcast_in_dim3A_31 = vector.broadcast %scan3A_30 : i32 to vector<16xi32>
      tpu.vector_store_idx %arg6[%broadcast_in_dim3A_31, %iota3A], %broadcast_in_dim3A_1 : memref<128x16xf32, #tpu.memory_space<vmem>>[vector<16xi32>, vector<16xi32>], vector<16xf32>,
    }
    %scan3A_14 = arith.constant 128 : i32
    %mul3A_15 = arith.constant 640 : i32
    %mul3A_16 = arith.muli %arg1, %mul3A_15 : i32
    "tpu.region"() ({
      %run_scoped3A = tpu.sem_alloc : memref<!tpu.dma_semaphore, #tpu.memory_space<semaphore_mem>>
      %dma_start3A = arith.constant 0 : i32
      %dma_start3A_30 = tpu.memref_slice %arg4[%mul3A_16, %dma_start3A] : memref<10240x16xf32, #tpu.memory_space<vmem_shared>> -> memref<640x16xf32, #tpu.memory_space<vmem_shared>>
      %dma_start3A_31 = arith.constant 0 : i32
      %dma_start3A_32 = tpu.memref_slice %arg4[%mul3A_16, %dma_start3A_31] : memref<10240x16xf32, #tpu.memory_space<vmem_shared>> -> memref<640x16xf32, #tpu.memory_space<vmem_shared>>
      tpu.enqueue_dma source(%arg7 : memref<640x16xf32, #tpu.memory_space<vmem>>) target(%dma_start3A_32 : memref<640x16xf32, #tpu.memory_space<vmem_shared>>) target_semaphore(%run_scoped3A : memref<!tpu.dma_semaphore, #tpu.memory_space<semaphore_mem>>)
      %dma_wait3A = arith.constant 0 : i32
      %dma_wait3A_33 = tpu.memref_slice %arg4[%mul3A_16, %dma_wait3A] : memref<10240x16xf32, #tpu.memory_space<vmem_shared>> -> memref<640x16xf32, #tpu.memory_space<vmem_shared>>
      %dma_wait3A_34 = arith.constant 0 : i32
      %dma_wait3A_35 = tpu.memref_slice %arg4[%mul3A_16, %dma_wait3A_34] : memref<10240x16xf32, #tpu.memory_space<vmem_shared>> -> memref<640x16xf32, #tpu.memory_space<vmem_shared>>
      tpu.wait_dma2 semaphore(%run_scoped3A : memref<!tpu.dma_semaphore, #tpu.memory_space<semaphore_mem>>) src(%arg7 : memref<640x16xf32, #tpu.memory_space<vmem>>) dst(%dma_wait3A_35 : memref<640x16xf32, #tpu.memory_space<vmem_shared>>)
      tpu.yield
    }) : () -> ()
    %mul3A_17 = arith.constant 80 : i32
    %mul3A_18 = arith.muli %add3A, %mul3A_17 : i32
    "tpu.region"() ({
      %run_scoped3A = tpu.sem_alloc : memref<!tpu.dma_semaphore, #tpu.memory_space<semaphore_mem>>
      %dma_start3A = arith.constant 0 : i32
      %dma_start3A_30 = tpu.memref_slice %arg2[%mul3A_18, %dma_start3A] : memref<2560x128xi32, #tpu.memory_space<hbm>> -> memref<80x128xi32, #tpu.memory_space<hbm>>
      %dma_start3A_31 = arith.constant 0 : i32
      %dma_start3A_32 = tpu.memref_slice %arg2[%mul3A_18, %dma_start3A_31] : memref<2560x128xi32, #tpu.memory_space<hbm>> -> memref<80x128xi32, #tpu.memory_space<hbm>>
      tpu.enqueue_dma source(%dma_start3A_32 : memref<80x128xi32, #tpu.memory_space<hbm>>) target(%arg5 : memref<80x128xi32, #tpu.memory_space<vmem>>) target_semaphore(%run_scoped3A : memref<!tpu.dma_semaphore, #tpu.memory_space<semaphore_mem>>)
      %dma_wait3A = arith.constant 0 : i32
      %dma_wait3A_33 = tpu.memref_slice %arg2[%mul3A_18, %dma_wait3A] : memref<2560x128xi32, #tpu.memory_space<hbm>> -> memref<80x128xi32, #tpu.memory_space<hbm>>
      %dma_wait3A_34 = arith.constant 0 : i32
      %dma_wait3A_35 = tpu.memref_slice %arg2[%mul3A_18, %dma_wait3A_34] : memref<2560x128xi32, #tpu.memory_space<hbm>> -> memref<80x128xi32, #tpu.memory_space<hbm>>
      tpu.wait_dma2 semaphore(%run_scoped3A : memref<!tpu.dma_semaphore, #tpu.memory_space<semaphore_mem>>) src(%dma_wait3A_35 : memref<80x128xi32, #tpu.memory_space<hbm>>) dst(%arg5 : memref<80x128xi32, #tpu.memory_space<vmem>>)
      tpu.yield
    }) : () -> ()
    %barrier3A = arith.constant 0 : index
    tpu.barrier barrier_id(%barrier3A)
    %scan3A_19 = arith.constant 0 : i32
    %scan3A_20 = arith.constant 0 : i32
    %scan3A_21 = arith.constant 80 : i32
    %scan3A_22 = arith.addi %scan3A_20, %scan3A_21 : i32
    %scan3A_23 = arith.constant 1 : i32
    scf.for %scan3A_30 = %scan3A_20 to %scan3A_22 step %scan3A_23  : i32 {
      "tpu.region"() ({
        %run_scoped3A = tpu.sem_alloc : memref<!tpu.dma_semaphore, #tpu.memory_space<semaphore_mem>>
        %dma_start3A = arith.constant 0 : i32
        %dma_start3A_31 = tpu.memref_slice %arg5[%scan3A_30, %dma_start3A] : memref<80x128xi32, #tpu.memory_space<vmem>> -> memref<1x128xi32, #tpu.memory_space<vmem>>
        %dma_start3A_32 = tpu.memref_squeeze %dma_start3A_31 : memref<1x128xi32, #tpu.memory_space<vmem>> -> memref<128xi32, #tpu.memory_space<vmem>>
        %dma_start3A_33 = arith.constant 0 : i32
        %dma_start3A_34 = arith.constant 0 : i32
        %dma_start3A_35 = tpu.memref_slice %arg4[%dma_start3A_33, %dma_start3A_34] : memref<10240x16xf32, #tpu.memory_space<vmem_shared>> -> memref<10240x16xf32, #tpu.memory_space<vmem_shared>>
        tpu.enqueue_indirect_dma source(%arg6 : memref<128x16xf32, #tpu.memory_space<vmem>>) target(%dma_start3A_35 : memref<10240x16xf32, #tpu.memory_space<vmem_shared>>) offsets(%dma_start3A_32 : memref<128xi32, #tpu.memory_space<vmem>>) semaphore(%run_scoped3A : memref<!tpu.dma_semaphore, #tpu.memory_space<semaphore_mem>>) {add = true}
        %dma_wait3A = arith.constant 0 : i32
        %dma_wait3A_36 = tpu.memref_slice %arg5[%scan3A_30, %dma_wait3A] : memref<80x128xi32, #tpu.memory_space<vmem>> -> memref<1x128xi32, #tpu.memory_space<vmem>>
        %dma_wait3A_37 = tpu.memref_squeeze %dma_wait3A_36 : memref<1x128xi32, #tpu.memory_space<vmem>> -> memref<128xi32, #tpu.memory_space<vmem>>
        %dma_wait3A_38 = arith.constant 0 : i32
        %dma_wait3A_39 = arith.constant 0 : i32
        %dma_wait3A_40 = tpu.memref_slice %arg4[%dma_wait3A_38, %dma_wait3A_39] : memref<10240x16xf32, #tpu.memory_space<vmem_shared>> -> memref<10240x16xf32, #tpu.memory_space<vmem_shared>>
        tpu.wait_indirect_dma semaphore(%run_scoped3A : memref<!tpu.dma_semaphore, #tpu.memory_space<semaphore_mem>>) src(%arg6 : memref<128x16xf32, #tpu.memory_space<vmem>>) dst(%dma_wait3A_40 : memref<10240x16xf32, #tpu.memory_space<vmem_shared>>)
        tpu.yield
      }) : () -> ()
    }
    %scan3A_24 = arith.constant 80 : i32
    %barrier3A_25 = arith.constant 0 : index
    tpu.barrier barrier_id(%barrier3A_25)
    %mul3A_26 = arith.constant 640 : i32
    %mul3A_27 = arith.muli %arg1, %mul3A_26 : i32
    %mul3A_28 = arith.constant 640 : i32
    %mul3A_29 = arith.muli %arg1, %mul3A_28 : i32
    "tpu.region"() ({
      %run_scoped3A = tpu.sem_alloc : memref<!tpu.dma_semaphore, #tpu.memory_space<semaphore_mem>>
      %dma_start3A = arith.constant 0 : i32
      %dma_start3A_30 = tpu.memref_slice %arg3[%arg0, %mul3A_29, %dma_start3A] : memref<2x10240x16xf32, #tpu.memory_space<hbm>> -> memref<1x640x16xf32, #tpu.memory_space<hbm>>
      %dma_start3A_31 = tpu.memref_squeeze %dma_start3A_30 : memref<1x640x16xf32, #tpu.memory_space<hbm>> -> memref<640x16xf32, #tpu.memory_space<hbm>>
      %dma_start3A_32 = arith.constant 0 : i32
      %dma_start3A_33 = tpu.memref_slice %arg4[%mul3A_27, %dma_start3A_32] : memref<10240x16xf32, #tpu.memory_space<vmem_shared>> -> memref<640x16xf32, #tpu.memory_space<vmem_shared>>
      tpu.enqueue_dma source(%dma_start3A_33 : memref<640x16xf32, #tpu.memory_space<vmem_shared>>) target(%dma_start3A_31 : memref<640x16xf32, #tpu.memory_space<hbm>>) target_semaphore(%run_scoped3A : memref<!tpu.dma_semaphore, #tpu.memory_space<semaphore_mem>>)
      %dma_wait3A = arith.constant 0 : i32
      %dma_wait3A_34 = tpu.memref_slice %arg3[%arg0, %mul3A_29, %dma_wait3A] : memref<2x10240x16xf32, #tpu.memory_space<hbm>> -> memref<1x640x16xf32, #tpu.memory_space<hbm>>
      %dma_wait3A_35 = tpu.memref_squeeze %dma_wait3A_34 : memref<1x640x16xf32, #tpu.memory_space<hbm>> -> memref<640x16xf32, #tpu.memory_space<hbm>>
      %dma_wait3A_36 = arith.constant 0 : i32
      %dma_wait3A_37 = tpu.memref_slice %arg4[%mul3A_27, %dma_wait3A_36] : memref<10240x16xf32, #tpu.memory_space<vmem_shared>> -> memref<640x16xf32, #tpu.memory_space<vmem_shared>>
      tpu.wait_dma2 semaphore(%run_scoped3A : memref<!tpu.dma_semaphore, #tpu.memory_space<semaphore_mem>>) src(%dma_wait3A_37 : memref<640x16xf32, #tpu.memory_space<vmem_shared>>) dst(%dma_wait3A_35 : memref<640x16xf32, #tpu.memory_space<hbm>>)
      tpu.yield
    }) : () -> ()
    return
  }
}

#map = affine_map<(d0, d1) -> (0, 0)>
#map1 = affine_map<(d0, d1) -> (0, 0, 0)>
module attributes {stable_mosaic.version = 14 : i64} {
  func.func @agg_kernel(%arg0: i32, %arg1: i32, %arg2: memref<2560x128xi32, #tpu.memory_space<hbm>>, %arg3: memref<2560x128xi32, #tpu.memory_space<hbm>>, %arg4: memref<10240x32xf32, #tpu.memory_space<hbm>>, %arg5: memref<2x10240x32xf32, #tpu.memory_space<hbm>>, %arg6: memref<10240x32xf32, #tpu.memory_space<vmem_shared>>, %arg7: memref<10240x32xf32, #tpu.memory_space<vmem_shared>>, %arg8: memref<80x128xi32, #tpu.memory_space<vmem>>, %arg9: memref<80x128xi32, #tpu.memory_space<vmem>>, %arg10: memref<128x32xf32, #tpu.memory_space<vmem>>, %arg11: memref<128x32xf32, #tpu.memory_space<vmem>>, %arg12: memref<640x32xf32, #tpu.memory_space<vmem>>, %arg13: memref<!tpu.dma_semaphore, #tpu.memory_space<semaphore_mem>>, %arg14: memref<!tpu.dma_semaphore, #tpu.memory_space<semaphore_mem>>) attributes {dimension_semantics = [#tpu.dimension_semantics<core_parallel>, #tpu.dimension_semantics<subcore_parallel>], iteration_bounds = array<i64: 2, 16>, scalar_prefetch = 0 : i64, scratch_operands = 9 : i64, tpu.core_type = #tpu.core_type<sc_vector_subcore>, window_params = [{transform_indices = #map}, {transform_indices = #map}, {transform_indices = #map}, {transform_indices = #map1}]} {
    %mul3A = arith.constant 16 : i32
    %mul3A_0 = arith.muli %arg0, %mul3A : i32
    %add3A = arith.addi %mul3A_0, %arg1 : i32
    %iota3A = tpu.iota {dimensions = array<i32: 0>} : vector<16xi32>
    %broadcast_in_dim3A = arith.constant 0.000000e+00 : f32
    %broadcast_in_dim3A_1 = vector.broadcast %broadcast_in_dim3A : f32 to vector<16xf32>
    %scan3A = arith.constant 0 : i32
    %scan3A_2 = arith.constant 0 : i32
    %scan3A_3 = arith.constant 640 : i32
    %scan3A_4 = arith.addi %scan3A_2, %scan3A_3 : i32
    %scan3A_5 = arith.constant 1 : i32
    scf.for %scan3A_41 = %scan3A_2 to %scan3A_4 step %scan3A_5  : i32 {
      %broadcast_in_dim3A_42 = vector.broadcast %scan3A_41 : i32 to vector<16xi32>
      %add3A_43 = arith.constant 0 : i32
      %add3A_44 = vector.broadcast %add3A_43 : i32 to vector<16xi32>
      %add3A_45 = arith.addi %add3A_44, %iota3A : vector<16xi32>
      tpu.vector_store_idx %arg12[%broadcast_in_dim3A_42, %add3A_45], %broadcast_in_dim3A_1 : memref<640x32xf32, #tpu.memory_space<vmem>>[vector<16xi32>, vector<16xi32>], vector<16xf32>,
      %add3A_46 = arith.constant 16 : i32
      %add3A_47 = vector.broadcast %add3A_46 : i32 to vector<16xi32>
      %add3A_48 = arith.addi %add3A_47, %iota3A : vector<16xi32>
      tpu.vector_store_idx %arg12[%broadcast_in_dim3A_42, %add3A_48], %broadcast_in_dim3A_1 : memref<640x32xf32, #tpu.memory_space<vmem>>[vector<16xi32>, vector<16xi32>], vector<16xf32>,
    }
    %scan3A_6 = arith.constant 640 : i32
    %mul3A_7 = arith.constant 640 : i32
    %mul3A_8 = arith.muli %arg1, %mul3A_7 : i32
    "tpu.region"() ({
      %run_scoped3A = tpu.sem_alloc : memref<!tpu.dma_semaphore, #tpu.memory_space<semaphore_mem>>
      %dma_start3A_41 = arith.constant 0 : i32
      %dma_start3A_42 = tpu.memref_slice %arg6[%mul3A_8, %dma_start3A_41] : memref<10240x32xf32, #tpu.memory_space<vmem_shared>> -> memref<640x32xf32, #tpu.memory_space<vmem_shared>>
      %dma_start3A_43 = arith.constant 0 : i32
      %dma_start3A_44 = tpu.memref_slice %arg6[%mul3A_8, %dma_start3A_43] : memref<10240x32xf32, #tpu.memory_space<vmem_shared>> -> memref<640x32xf32, #tpu.memory_space<vmem_shared>>
      tpu.enqueue_dma source(%arg12 : memref<640x32xf32, #tpu.memory_space<vmem>>) target(%dma_start3A_44 : memref<640x32xf32, #tpu.memory_space<vmem_shared>>) target_semaphore(%run_scoped3A : memref<!tpu.dma_semaphore, #tpu.memory_space<semaphore_mem>>)
      %dma_wait3A = arith.constant 0 : i32
      %dma_wait3A_45 = tpu.memref_slice %arg6[%mul3A_8, %dma_wait3A] : memref<10240x32xf32, #tpu.memory_space<vmem_shared>> -> memref<640x32xf32, #tpu.memory_space<vmem_shared>>
      %dma_wait3A_46 = arith.constant 0 : i32
      %dma_wait3A_47 = tpu.memref_slice %arg6[%mul3A_8, %dma_wait3A_46] : memref<10240x32xf32, #tpu.memory_space<vmem_shared>> -> memref<640x32xf32, #tpu.memory_space<vmem_shared>>
      tpu.wait_dma2 semaphore(%run_scoped3A : memref<!tpu.dma_semaphore, #tpu.memory_space<semaphore_mem>>) src(%arg12 : memref<640x32xf32, #tpu.memory_space<vmem>>) dst(%dma_wait3A_47 : memref<640x32xf32, #tpu.memory_space<vmem_shared>>)
      tpu.yield
    }) : () -> ()
    %mul3A_9 = arith.constant 640 : i32
    %mul3A_10 = arith.muli %arg1, %mul3A_9 : i32
    %mul3A_11 = arith.constant 640 : i32
    %mul3A_12 = arith.muli %arg1, %mul3A_11 : i32
    "tpu.region"() ({
      %run_scoped3A = tpu.sem_alloc : memref<!tpu.dma_semaphore, #tpu.memory_space<semaphore_mem>>
      %dma_start3A_41 = arith.constant 0 : i32
      %dma_start3A_42 = tpu.memref_slice %arg7[%mul3A_12, %dma_start3A_41] : memref<10240x32xf32, #tpu.memory_space<vmem_shared>> -> memref<640x32xf32, #tpu.memory_space<vmem_shared>>
      %dma_start3A_43 = arith.constant 0 : i32
      %dma_start3A_44 = tpu.memref_slice %arg4[%mul3A_10, %dma_start3A_43] : memref<10240x32xf32, #tpu.memory_space<hbm>> -> memref<640x32xf32, #tpu.memory_space<hbm>>
      tpu.enqueue_dma source(%dma_start3A_44 : memref<640x32xf32, #tpu.memory_space<hbm>>) target(%dma_start3A_42 : memref<640x32xf32, #tpu.memory_space<vmem_shared>>) target_semaphore(%run_scoped3A : memref<!tpu.dma_semaphore, #tpu.memory_space<semaphore_mem>>)
      %dma_wait3A = arith.constant 0 : i32
      %dma_wait3A_45 = tpu.memref_slice %arg7[%mul3A_12, %dma_wait3A] : memref<10240x32xf32, #tpu.memory_space<vmem_shared>> -> memref<640x32xf32, #tpu.memory_space<vmem_shared>>
      %dma_wait3A_46 = arith.constant 0 : i32
      %dma_wait3A_47 = tpu.memref_slice %arg4[%mul3A_10, %dma_wait3A_46] : memref<10240x32xf32, #tpu.memory_space<hbm>> -> memref<640x32xf32, #tpu.memory_space<hbm>>
      tpu.wait_dma2 semaphore(%run_scoped3A : memref<!tpu.dma_semaphore, #tpu.memory_space<semaphore_mem>>) src(%dma_wait3A_47 : memref<640x32xf32, #tpu.memory_space<hbm>>) dst(%dma_wait3A_45 : memref<640x32xf32, #tpu.memory_space<vmem_shared>>)
      tpu.yield
    }) : () -> ()
    %mul3A_13 = arith.constant 80 : i32
    %mul3A_14 = arith.muli %add3A, %mul3A_13 : i32
    "tpu.region"() ({
      %run_scoped3A = tpu.sem_alloc : memref<!tpu.dma_semaphore, #tpu.memory_space<semaphore_mem>>
      %dma_start3A_41 = arith.constant 0 : i32
      %dma_start3A_42 = tpu.memref_slice %arg2[%mul3A_14, %dma_start3A_41] : memref<2560x128xi32, #tpu.memory_space<hbm>> -> memref<80x128xi32, #tpu.memory_space<hbm>>
      %dma_start3A_43 = arith.constant 0 : i32
      %dma_start3A_44 = tpu.memref_slice %arg2[%mul3A_14, %dma_start3A_43] : memref<2560x128xi32, #tpu.memory_space<hbm>> -> memref<80x128xi32, #tpu.memory_space<hbm>>
      tpu.enqueue_dma source(%dma_start3A_44 : memref<80x128xi32, #tpu.memory_space<hbm>>) target(%arg8 : memref<80x128xi32, #tpu.memory_space<vmem>>) target_semaphore(%run_scoped3A : memref<!tpu.dma_semaphore, #tpu.memory_space<semaphore_mem>>)
      %dma_wait3A = arith.constant 0 : i32
      %dma_wait3A_45 = tpu.memref_slice %arg2[%mul3A_14, %dma_wait3A] : memref<2560x128xi32, #tpu.memory_space<hbm>> -> memref<80x128xi32, #tpu.memory_space<hbm>>
      %dma_wait3A_46 = arith.constant 0 : i32
      %dma_wait3A_47 = tpu.memref_slice %arg2[%mul3A_14, %dma_wait3A_46] : memref<2560x128xi32, #tpu.memory_space<hbm>> -> memref<80x128xi32, #tpu.memory_space<hbm>>
      tpu.wait_dma2 semaphore(%run_scoped3A : memref<!tpu.dma_semaphore, #tpu.memory_space<semaphore_mem>>) src(%dma_wait3A_47 : memref<80x128xi32, #tpu.memory_space<hbm>>) dst(%arg8 : memref<80x128xi32, #tpu.memory_space<vmem>>)
      tpu.yield
    }) : () -> ()
    %mul3A_15 = arith.constant 80 : i32
    %mul3A_16 = arith.muli %add3A, %mul3A_15 : i32
    "tpu.region"() ({
      %run_scoped3A = tpu.sem_alloc : memref<!tpu.dma_semaphore, #tpu.memory_space<semaphore_mem>>
      %dma_start3A_41 = arith.constant 0 : i32
      %dma_start3A_42 = tpu.memref_slice %arg3[%mul3A_16, %dma_start3A_41] : memref<2560x128xi32, #tpu.memory_space<hbm>> -> memref<80x128xi32, #tpu.memory_space<hbm>>
      %dma_start3A_43 = arith.constant 0 : i32
      %dma_start3A_44 = tpu.memref_slice %arg3[%mul3A_16, %dma_start3A_43] : memref<2560x128xi32, #tpu.memory_space<hbm>> -> memref<80x128xi32, #tpu.memory_space<hbm>>
      tpu.enqueue_dma source(%dma_start3A_44 : memref<80x128xi32, #tpu.memory_space<hbm>>) target(%arg9 : memref<80x128xi32, #tpu.memory_space<vmem>>) target_semaphore(%run_scoped3A : memref<!tpu.dma_semaphore, #tpu.memory_space<semaphore_mem>>)
      %dma_wait3A = arith.constant 0 : i32
      %dma_wait3A_45 = tpu.memref_slice %arg3[%mul3A_16, %dma_wait3A] : memref<2560x128xi32, #tpu.memory_space<hbm>> -> memref<80x128xi32, #tpu.memory_space<hbm>>
      %dma_wait3A_46 = arith.constant 0 : i32
      %dma_wait3A_47 = tpu.memref_slice %arg3[%mul3A_16, %dma_wait3A_46] : memref<2560x128xi32, #tpu.memory_space<hbm>> -> memref<80x128xi32, #tpu.memory_space<hbm>>
      tpu.wait_dma2 semaphore(%run_scoped3A : memref<!tpu.dma_semaphore, #tpu.memory_space<semaphore_mem>>) src(%dma_wait3A_47 : memref<80x128xi32, #tpu.memory_space<hbm>>) dst(%arg9 : memref<80x128xi32, #tpu.memory_space<vmem>>)
      tpu.yield
    }) : () -> ()
    %barrier3A = arith.constant 0 : index
    tpu.barrier barrier_id(%barrier3A)
    %dma_start3A = arith.constant 0 : i32
    %dma_start3A_17 = arith.constant 0 : i32
    %dma_start3A_18 = tpu.memref_slice %arg8[%dma_start3A, %dma_start3A_17] : memref<80x128xi32, #tpu.memory_space<vmem>> -> memref<1x128xi32, #tpu.memory_space<vmem>>
    %dma_start3A_19 = tpu.memref_squeeze %dma_start3A_18 : memref<1x128xi32, #tpu.memory_space<vmem>> -> memref<128xi32, #tpu.memory_space<vmem>>
    %dma_start3A_20 = arith.constant 0 : i32
    %dma_start3A_21 = arith.constant 0 : i32
    %dma_start3A_22 = tpu.memref_slice %arg7[%dma_start3A_20, %dma_start3A_21] : memref<10240x32xf32, #tpu.memory_space<vmem_shared>> -> memref<10240x32xf32, #tpu.memory_space<vmem_shared>>
    tpu.enqueue_indirect_dma source(%dma_start3A_22 : memref<10240x32xf32, #tpu.memory_space<vmem_shared>>) target(%arg10 : memref<128x32xf32, #tpu.memory_space<vmem>>) offsets(%dma_start3A_19 : memref<128xi32, #tpu.memory_space<vmem>>) semaphore(%arg13 : memref<!tpu.dma_semaphore, #tpu.memory_space<semaphore_mem>>)
    %dma_start3A_23 = arith.constant 1 : i32
    %dma_start3A_24 = arith.constant 0 : i32
    %dma_start3A_25 = tpu.memref_slice %arg8[%dma_start3A_23, %dma_start3A_24] : memref<80x128xi32, #tpu.memory_space<vmem>> -> memref<1x128xi32, #tpu.memory_space<vmem>>
    %dma_start3A_26 = tpu.memref_squeeze %dma_start3A_25 : memref<1x128xi32, #tpu.memory_space<vmem>> -> memref<128xi32, #tpu.memory_space<vmem>>
    %dma_start3A_27 = arith.constant 0 : i32
    %dma_start3A_28 = arith.constant 0 : i32
    %dma_start3A_29 = tpu.memref_slice %arg7[%dma_start3A_27, %dma_start3A_28] : memref<10240x32xf32, #tpu.memory_space<vmem_shared>> -> memref<10240x32xf32, #tpu.memory_space<vmem_shared>>
    tpu.enqueue_indirect_dma source(%dma_start3A_29 : memref<10240x32xf32, #tpu.memory_space<vmem_shared>>) target(%arg11 : memref<128x32xf32, #tpu.memory_space<vmem>>) offsets(%dma_start3A_26 : memref<128xi32, #tpu.memory_space<vmem>>) semaphore(%arg14 : memref<!tpu.dma_semaphore, #tpu.memory_space<semaphore_mem>>)
    %scan3A_30 = arith.constant 0 : i32
    %scan3A_31 = arith.constant 0 : i32
    %scan3A_32 = arith.constant 40 : i32
    %scan3A_33 = arith.addi %scan3A_31, %scan3A_32 : i32
    %scan3A_34 = arith.constant 1 : i32
    scf.for %scan3A_41 = %scan3A_31 to %scan3A_33 step %scan3A_34  : i32 {
      %mul3A_42 = arith.constant 2 : i32
      %mul3A_43 = arith.muli %scan3A_41, %mul3A_42 : i32
      %add3A_44 = arith.constant 0 : i32
      %add3A_45 = arith.addi %mul3A_43, %add3A_44 : i32
      %dma_wait3A = arith.constant 0 : i32
      %dma_wait3A_46 = tpu.memref_slice %arg8[%add3A_45, %dma_wait3A] : memref<80x128xi32, #tpu.memory_space<vmem>> -> memref<1x128xi32, #tpu.memory_space<vmem>>
      %dma_wait3A_47 = tpu.memref_squeeze %dma_wait3A_46 : memref<1x128xi32, #tpu.memory_space<vmem>> -> memref<128xi32, #tpu.memory_space<vmem>>
      %dma_wait3A_48 = arith.constant 0 : i32
      %dma_wait3A_49 = arith.constant 0 : i32
      %dma_wait3A_50 = tpu.memref_slice %arg7[%dma_wait3A_48, %dma_wait3A_49] : memref<10240x32xf32, #tpu.memory_space<vmem_shared>> -> memref<10240x32xf32, #tpu.memory_space<vmem_shared>>
      tpu.wait_indirect_dma semaphore(%arg13 : memref<!tpu.dma_semaphore, #tpu.memory_space<semaphore_mem>>) src(%dma_wait3A_50 : memref<10240x32xf32, #tpu.memory_space<vmem_shared>>) dst(%arg10 : memref<128x32xf32, #tpu.memory_space<vmem>>)
      "tpu.region"() ({
        %run_scoped3A = tpu.sem_alloc : memref<!tpu.dma_semaphore, #tpu.memory_space<semaphore_mem>>
        %dma_start3A_72 = arith.constant 0 : i32
        %dma_start3A_73 = tpu.memref_slice %arg9[%add3A_45, %dma_start3A_72] : memref<80x128xi32, #tpu.memory_space<vmem>> -> memref<1x128xi32, #tpu.memory_space<vmem>>
        %dma_start3A_74 = tpu.memref_squeeze %dma_start3A_73 : memref<1x128xi32, #tpu.memory_space<vmem>> -> memref<128xi32, #tpu.memory_space<vmem>>
        %dma_start3A_75 = arith.constant 0 : i32
        %dma_start3A_76 = arith.constant 0 : i32
        %dma_start3A_77 = tpu.memref_slice %arg6[%dma_start3A_75, %dma_start3A_76] : memref<10240x32xf32, #tpu.memory_space<vmem_shared>> -> memref<10240x32xf32, #tpu.memory_space<vmem_shared>>
        tpu.enqueue_indirect_dma source(%arg10 : memref<128x32xf32, #tpu.memory_space<vmem>>) target(%dma_start3A_77 : memref<10240x32xf32, #tpu.memory_space<vmem_shared>>) offsets(%dma_start3A_74 : memref<128xi32, #tpu.memory_space<vmem>>) semaphore(%run_scoped3A : memref<!tpu.dma_semaphore, #tpu.memory_space<semaphore_mem>>) {add = true}
        %dma_wait3A_78 = arith.constant 0 : i32
        %dma_wait3A_79 = tpu.memref_slice %arg9[%add3A_45, %dma_wait3A_78] : memref<80x128xi32, #tpu.memory_space<vmem>> -> memref<1x128xi32, #tpu.memory_space<vmem>>
        %dma_wait3A_80 = tpu.memref_squeeze %dma_wait3A_79 : memref<1x128xi32, #tpu.memory_space<vmem>> -> memref<128xi32, #tpu.memory_space<vmem>>
        %dma_wait3A_81 = arith.constant 0 : i32
        %dma_wait3A_82 = arith.constant 0 : i32
        %dma_wait3A_83 = tpu.memref_slice %arg6[%dma_wait3A_81, %dma_wait3A_82] : memref<10240x32xf32, #tpu.memory_space<vmem_shared>> -> memref<10240x32xf32, #tpu.memory_space<vmem_shared>>
        tpu.wait_indirect_dma semaphore(%run_scoped3A : memref<!tpu.dma_semaphore, #tpu.memory_space<semaphore_mem>>) src(%arg10 : memref<128x32xf32, #tpu.memory_space<vmem>>) dst(%dma_wait3A_83 : memref<10240x32xf32, #tpu.memory_space<vmem_shared>>)
        tpu.yield
      }) : () -> ()
      %add3A_51 = arith.constant 2 : i32
      %add3A_52 = arith.addi %add3A_45, %add3A_51 : i32
      %lt3A = arith.constant 80 : i32
      %lt3A_53 = arith.cmpi slt, %add3A_52, %lt3A : i32
      %convert_element_type3A = arith.extui %lt3A_53 : i1 to i32
      %cond3A = arith.constant 0 : i32
      %cond3A_54 = arith.cmpi ne, %convert_element_type3A, %cond3A : i32
      scf.if %cond3A_54 {
        %add3A_72 = arith.constant 2 : i32
        %add3A_73 = arith.addi %add3A_45, %add3A_72 : i32
        %dma_start3A_74 = arith.constant 0 : i32
        %dma_start3A_75 = tpu.memref_slice %arg8[%add3A_73, %dma_start3A_74] : memref<80x128xi32, #tpu.memory_space<vmem>> -> memref<1x128xi32, #tpu.memory_space<vmem>>
        %dma_start3A_76 = tpu.memref_squeeze %dma_start3A_75 : memref<1x128xi32, #tpu.memory_space<vmem>> -> memref<128xi32, #tpu.memory_space<vmem>>
        %dma_start3A_77 = arith.constant 0 : i32
        %dma_start3A_78 = arith.constant 0 : i32
        %dma_start3A_79 = tpu.memref_slice %arg7[%dma_start3A_77, %dma_start3A_78] : memref<10240x32xf32, #tpu.memory_space<vmem_shared>> -> memref<10240x32xf32, #tpu.memory_space<vmem_shared>>
        tpu.enqueue_indirect_dma source(%dma_start3A_79 : memref<10240x32xf32, #tpu.memory_space<vmem_shared>>) target(%arg10 : memref<128x32xf32, #tpu.memory_space<vmem>>) offsets(%dma_start3A_76 : memref<128xi32, #tpu.memory_space<vmem>>) semaphore(%arg13 : memref<!tpu.dma_semaphore, #tpu.memory_space<semaphore_mem>>)
      } else {
      }
      %mul3A_55 = arith.constant 2 : i32
      %mul3A_56 = arith.muli %scan3A_41, %mul3A_55 : i32
      %add3A_57 = arith.constant 1 : i32
      %add3A_58 = arith.addi %mul3A_56, %add3A_57 : i32
      %dma_wait3A_59 = arith.constant 0 : i32
      %dma_wait3A_60 = tpu.memref_slice %arg8[%add3A_58, %dma_wait3A_59] : memref<80x128xi32, #tpu.memory_space<vmem>> -> memref<1x128xi32, #tpu.memory_space<vmem>>
      %dma_wait3A_61 = tpu.memref_squeeze %dma_wait3A_60 : memref<1x128xi32, #tpu.memory_space<vmem>> -> memref<128xi32, #tpu.memory_space<vmem>>
      %dma_wait3A_62 = arith.constant 0 : i32
      %dma_wait3A_63 = arith.constant 0 : i32
      %dma_wait3A_64 = tpu.memref_slice %arg7[%dma_wait3A_62, %dma_wait3A_63] : memref<10240x32xf32, #tpu.memory_space<vmem_shared>> -> memref<10240x32xf32, #tpu.memory_space<vmem_shared>>
      tpu.wait_indirect_dma semaphore(%arg14 : memref<!tpu.dma_semaphore, #tpu.memory_space<semaphore_mem>>) src(%dma_wait3A_64 : memref<10240x32xf32, #tpu.memory_space<vmem_shared>>) dst(%arg11 : memref<128x32xf32, #tpu.memory_space<vmem>>)
      "tpu.region"() ({
        %run_scoped3A = tpu.sem_alloc : memref<!tpu.dma_semaphore, #tpu.memory_space<semaphore_mem>>
        %dma_start3A_72 = arith.constant 0 : i32
        %dma_start3A_73 = tpu.memref_slice %arg9[%add3A_58, %dma_start3A_72] : memref<80x128xi32, #tpu.memory_space<vmem>> -> memref<1x128xi32, #tpu.memory_space<vmem>>
        %dma_start3A_74 = tpu.memref_squeeze %dma_start3A_73 : memref<1x128xi32, #tpu.memory_space<vmem>> -> memref<128xi32, #tpu.memory_space<vmem>>
        %dma_start3A_75 = arith.constant 0 : i32
        %dma_start3A_76 = arith.constant 0 : i32
        %dma_start3A_77 = tpu.memref_slice %arg6[%dma_start3A_75, %dma_start3A_76] : memref<10240x32xf32, #tpu.memory_space<vmem_shared>> -> memref<10240x32xf32, #tpu.memory_space<vmem_shared>>
        tpu.enqueue_indirect_dma source(%arg11 : memref<128x32xf32, #tpu.memory_space<vmem>>) target(%dma_start3A_77 : memref<10240x32xf32, #tpu.memory_space<vmem_shared>>) offsets(%dma_start3A_74 : memref<128xi32, #tpu.memory_space<vmem>>) semaphore(%run_scoped3A : memref<!tpu.dma_semaphore, #tpu.memory_space<semaphore_mem>>) {add = true}
        %dma_wait3A_78 = arith.constant 0 : i32
        %dma_wait3A_79 = tpu.memref_slice %arg9[%add3A_58, %dma_wait3A_78] : memref<80x128xi32, #tpu.memory_space<vmem>> -> memref<1x128xi32, #tpu.memory_space<vmem>>
        %dma_wait3A_80 = tpu.memref_squeeze %dma_wait3A_79 : memref<1x128xi32, #tpu.memory_space<vmem>> -> memref<128xi32, #tpu.memory_space<vmem>>
        %dma_wait3A_81 = arith.constant 0 : i32
        %dma_wait3A_82 = arith.constant 0 : i32
        %dma_wait3A_83 = tpu.memref_slice %arg6[%dma_wait3A_81, %dma_wait3A_82] : memref<10240x32xf32, #tpu.memory_space<vmem_shared>> -> memref<10240x32xf32, #tpu.memory_space<vmem_shared>>
        tpu.wait_indirect_dma semaphore(%run_scoped3A : memref<!tpu.dma_semaphore, #tpu.memory_space<semaphore_mem>>) src(%arg11 : memref<128x32xf32, #tpu.memory_space<vmem>>) dst(%dma_wait3A_83 : memref<10240x32xf32, #tpu.memory_space<vmem_shared>>)
        tpu.yield
      }) : () -> ()
      %add3A_65 = arith.constant 2 : i32
      %add3A_66 = arith.addi %add3A_58, %add3A_65 : i32
      %lt3A_67 = arith.constant 80 : i32
      %lt3A_68 = arith.cmpi slt, %add3A_66, %lt3A_67 : i32
      %convert_element_type3A_69 = arith.extui %lt3A_68 : i1 to i32
      %cond3A_70 = arith.constant 0 : i32
      %cond3A_71 = arith.cmpi ne, %convert_element_type3A_69, %cond3A_70 : i32
      scf.if %cond3A_71 {
        %add3A_72 = arith.constant 2 : i32
        %add3A_73 = arith.addi %add3A_58, %add3A_72 : i32
        %dma_start3A_74 = arith.constant 0 : i32
        %dma_start3A_75 = tpu.memref_slice %arg8[%add3A_73, %dma_start3A_74] : memref<80x128xi32, #tpu.memory_space<vmem>> -> memref<1x128xi32, #tpu.memory_space<vmem>>
        %dma_start3A_76 = tpu.memref_squeeze %dma_start3A_75 : memref<1x128xi32, #tpu.memory_space<vmem>> -> memref<128xi32, #tpu.memory_space<vmem>>
        %dma_start3A_77 = arith.constant 0 : i32
        %dma_start3A_78 = arith.constant 0 : i32
        %dma_start3A_79 = tpu.memref_slice %arg7[%dma_start3A_77, %dma_start3A_78] : memref<10240x32xf32, #tpu.memory_space<vmem_shared>> -> memref<10240x32xf32, #tpu.memory_space<vmem_shared>>
        tpu.enqueue_indirect_dma source(%dma_start3A_79 : memref<10240x32xf32, #tpu.memory_space<vmem_shared>>) target(%arg11 : memref<128x32xf32, #tpu.memory_space<vmem>>) offsets(%dma_start3A_76 : memref<128xi32, #tpu.memory_space<vmem>>) semaphore(%arg14 : memref<!tpu.dma_semaphore, #tpu.memory_space<semaphore_mem>>)
      } else {
      }
    }
    %scan3A_35 = arith.constant 40 : i32
    %barrier3A_36 = arith.constant 0 : index
    tpu.barrier barrier_id(%barrier3A_36)
    %mul3A_37 = arith.constant 640 : i32
    %mul3A_38 = arith.muli %arg1, %mul3A_37 : i32
    %mul3A_39 = arith.constant 640 : i32
    %mul3A_40 = arith.muli %arg1, %mul3A_39 : i32
    "tpu.region"() ({
      %run_scoped3A = tpu.sem_alloc : memref<!tpu.dma_semaphore, #tpu.memory_space<semaphore_mem>>
      %dma_start3A_41 = arith.constant 0 : i32
      %dma_start3A_42 = tpu.memref_slice %arg5[%arg0, %mul3A_40, %dma_start3A_41] : memref<2x10240x32xf32, #tpu.memory_space<hbm>> -> memref<1x640x32xf32, #tpu.memory_space<hbm>>
      %dma_start3A_43 = tpu.memref_squeeze %dma_start3A_42 : memref<1x640x32xf32, #tpu.memory_space<hbm>> -> memref<640x32xf32, #tpu.memory_space<hbm>>
      %dma_start3A_44 = arith.constant 0 : i32
      %dma_start3A_45 = tpu.memref_slice %arg6[%mul3A_38, %dma_start3A_44] : memref<10240x32xf32, #tpu.memory_space<vmem_shared>> -> memref<640x32xf32, #tpu.memory_space<vmem_shared>>
      tpu.enqueue_dma source(%dma_start3A_45 : memref<640x32xf32, #tpu.memory_space<vmem_shared>>) target(%dma_start3A_43 : memref<640x32xf32, #tpu.memory_space<hbm>>) target_semaphore(%run_scoped3A : memref<!tpu.dma_semaphore, #tpu.memory_space<semaphore_mem>>)
      %dma_wait3A = arith.constant 0 : i32
      %dma_wait3A_46 = tpu.memref_slice %arg5[%arg0, %mul3A_40, %dma_wait3A] : memref<2x10240x32xf32, #tpu.memory_space<hbm>> -> memref<1x640x32xf32, #tpu.memory_space<hbm>>
      %dma_wait3A_47 = tpu.memref_squeeze %dma_wait3A_46 : memref<1x640x32xf32, #tpu.memory_space<hbm>> -> memref<640x32xf32, #tpu.memory_space<hbm>>
      %dma_wait3A_48 = arith.constant 0 : i32
      %dma_wait3A_49 = tpu.memref_slice %arg6[%mul3A_38, %dma_wait3A_48] : memref<10240x32xf32, #tpu.memory_space<vmem_shared>> -> memref<640x32xf32, #tpu.memory_space<vmem_shared>>
      tpu.wait_dma2 semaphore(%run_scoped3A : memref<!tpu.dma_semaphore, #tpu.memory_space<semaphore_mem>>) src(%dma_wait3A_49 : memref<640x32xf32, #tpu.memory_space<vmem_shared>>) dst(%dma_wait3A_47 : memref<640x32xf32, #tpu.memory_space<hbm>>)
      tpu.yield
    }) : () -> ()
    return
  }
}

#map = affine_map<(d0, d1) -> (0, 0)>
#map1 = affine_map<(d0, d1) -> (0, 0, 0)>
module attributes {stable_mosaic.version = 14 : i64} {
  func.func @agg_kernel(%arg0: i32, %arg1: i32, %arg2: memref<2560x128xi32, #tpu.memory_space<hbm>>, %arg3: memref<2560x128xi32, #tpu.memory_space<hbm>>, %arg4: memref<10240x32xf32, #tpu.memory_space<hbm>>, %arg5: memref<2x10240x32xf32, #tpu.memory_space<hbm>>, %arg6: memref<10240x32xf32, #tpu.memory_space<vmem_shared>>, %arg7: memref<10240x32xf32, #tpu.memory_space<vmem_shared>>, %arg8: memref<80x128xi32, #tpu.memory_space<vmem>>, %arg9: memref<80x128xi32, #tpu.memory_space<vmem>>, %arg10: memref<128x32xf32, #tpu.memory_space<vmem>>, %arg11: memref<128x32xf32, #tpu.memory_space<vmem>>, %arg12: memref<640x32xf32, #tpu.memory_space<vmem>>, %arg13: memref<!tpu.dma_semaphore, #tpu.memory_space<semaphore_mem>>, %arg14: memref<!tpu.dma_semaphore, #tpu.memory_space<semaphore_mem>>) attributes {dimension_semantics = [#tpu.dimension_semantics<core_parallel>, #tpu.dimension_semantics<subcore_parallel>], iteration_bounds = array<i64: 2, 16>, scalar_prefetch = 0 : i64, scratch_operands = 9 : i64, tpu.core_type = #tpu.core_type<sc_vector_subcore>, window_params = [{transform_indices = #map}, {transform_indices = #map}, {transform_indices = #map}, {transform_indices = #map1}]} {
    %mul3A = arith.constant 16 : i32
    %mul3A_0 = arith.muli %arg0, %mul3A : i32
    %add3A = arith.addi %mul3A_0, %arg1 : i32
    %iota3A = tpu.iota {dimensions = array<i32: 0>} : vector<16xi32>
    %broadcast_in_dim3A = arith.constant 0.000000e+00 : f32
    %broadcast_in_dim3A_1 = vector.broadcast %broadcast_in_dim3A : f32 to vector<16xf32>
    %scan3A = arith.constant 0 : i32
    %scan3A_2 = arith.constant 0 : i32
    %scan3A_3 = arith.constant 640 : i32
    %scan3A_4 = arith.addi %scan3A_2, %scan3A_3 : i32
    %scan3A_5 = arith.constant 1 : i32
    scf.for %scan3A_41 = %scan3A_2 to %scan3A_4 step %scan3A_5  : i32 {
      %broadcast_in_dim3A_42 = vector.broadcast %scan3A_41 : i32 to vector<16xi32>
      %add3A_43 = arith.constant 0 : i32
      %add3A_44 = vector.broadcast %add3A_43 : i32 to vector<16xi32>
      %add3A_45 = arith.addi %add3A_44, %iota3A : vector<16xi32>
      tpu.vector_store_idx %arg12[%broadcast_in_dim3A_42, %add3A_45], %broadcast_in_dim3A_1 : memref<640x32xf32, #tpu.memory_space<vmem>>[vector<16xi32>, vector<16xi32>], vector<16xf32>,
      %add3A_46 = arith.constant 16 : i32
      %add3A_47 = vector.broadcast %add3A_46 : i32 to vector<16xi32>
      %add3A_48 = arith.addi %add3A_47, %iota3A : vector<16xi32>
      tpu.vector_store_idx %arg12[%broadcast_in_dim3A_42, %add3A_48], %broadcast_in_dim3A_1 : memref<640x32xf32, #tpu.memory_space<vmem>>[vector<16xi32>, vector<16xi32>], vector<16xf32>,
    }
    %scan3A_6 = arith.constant 640 : i32
    %mul3A_7 = arith.constant 640 : i32
    %mul3A_8 = arith.muli %arg1, %mul3A_7 : i32
    "tpu.region"() ({
      %run_scoped3A = tpu.sem_alloc : memref<!tpu.dma_semaphore, #tpu.memory_space<semaphore_mem>>
      %dma_start3A_41 = arith.constant 0 : i32
      %dma_start3A_42 = tpu.memref_slice %arg6[%mul3A_8, %dma_start3A_41] : memref<10240x32xf32, #tpu.memory_space<vmem_shared>> -> memref<640x32xf32, #tpu.memory_space<vmem_shared>>
      %dma_start3A_43 = arith.constant 0 : i32
      %dma_start3A_44 = tpu.memref_slice %arg6[%mul3A_8, %dma_start3A_43] : memref<10240x32xf32, #tpu.memory_space<vmem_shared>> -> memref<640x32xf32, #tpu.memory_space<vmem_shared>>
      tpu.enqueue_dma source(%arg12 : memref<640x32xf32, #tpu.memory_space<vmem>>) target(%dma_start3A_44 : memref<640x32xf32, #tpu.memory_space<vmem_shared>>) target_semaphore(%run_scoped3A : memref<!tpu.dma_semaphore, #tpu.memory_space<semaphore_mem>>)
      %dma_wait3A = arith.constant 0 : i32
      %dma_wait3A_45 = tpu.memref_slice %arg6[%mul3A_8, %dma_wait3A] : memref<10240x32xf32, #tpu.memory_space<vmem_shared>> -> memref<640x32xf32, #tpu.memory_space<vmem_shared>>
      %dma_wait3A_46 = arith.constant 0 : i32
      %dma_wait3A_47 = tpu.memref_slice %arg6[%mul3A_8, %dma_wait3A_46] : memref<10240x32xf32, #tpu.memory_space<vmem_shared>> -> memref<640x32xf32, #tpu.memory_space<vmem_shared>>
      tpu.wait_dma2 semaphore(%run_scoped3A : memref<!tpu.dma_semaphore, #tpu.memory_space<semaphore_mem>>) src(%arg12 : memref<640x32xf32, #tpu.memory_space<vmem>>) dst(%dma_wait3A_47 : memref<640x32xf32, #tpu.memory_space<vmem_shared>>)
      tpu.yield
    }) : () -> ()
    %mul3A_9 = arith.constant 640 : i32
    %mul3A_10 = arith.muli %arg1, %mul3A_9 : i32
    %mul3A_11 = arith.constant 640 : i32
    %mul3A_12 = arith.muli %arg1, %mul3A_11 : i32
    "tpu.region"() ({
      %run_scoped3A = tpu.sem_alloc : memref<!tpu.dma_semaphore, #tpu.memory_space<semaphore_mem>>
      %dma_start3A_41 = arith.constant 0 : i32
      %dma_start3A_42 = tpu.memref_slice %arg7[%mul3A_12, %dma_start3A_41] : memref<10240x32xf32, #tpu.memory_space<vmem_shared>> -> memref<640x32xf32, #tpu.memory_space<vmem_shared>>
      %dma_start3A_43 = arith.constant 0 : i32
      %dma_start3A_44 = tpu.memref_slice %arg4[%mul3A_10, %dma_start3A_43] : memref<10240x32xf32, #tpu.memory_space<hbm>> -> memref<640x32xf32, #tpu.memory_space<hbm>>
      tpu.enqueue_dma source(%dma_start3A_44 : memref<640x32xf32, #tpu.memory_space<hbm>>) target(%dma_start3A_42 : memref<640x32xf32, #tpu.memory_space<vmem_shared>>) target_semaphore(%run_scoped3A : memref<!tpu.dma_semaphore, #tpu.memory_space<semaphore_mem>>)
      %dma_wait3A = arith.constant 0 : i32
      %dma_wait3A_45 = tpu.memref_slice %arg7[%mul3A_12, %dma_wait3A] : memref<10240x32xf32, #tpu.memory_space<vmem_shared>> -> memref<640x32xf32, #tpu.memory_space<vmem_shared>>
      %dma_wait3A_46 = arith.constant 0 : i32
      %dma_wait3A_47 = tpu.memref_slice %arg4[%mul3A_10, %dma_wait3A_46] : memref<10240x32xf32, #tpu.memory_space<hbm>> -> memref<640x32xf32, #tpu.memory_space<hbm>>
      tpu.wait_dma2 semaphore(%run_scoped3A : memref<!tpu.dma_semaphore, #tpu.memory_space<semaphore_mem>>) src(%dma_wait3A_47 : memref<640x32xf32, #tpu.memory_space<hbm>>) dst(%dma_wait3A_45 : memref<640x32xf32, #tpu.memory_space<vmem_shared>>)
      tpu.yield
    }) : () -> ()
    %mul3A_13 = arith.constant 80 : i32
    %mul3A_14 = arith.muli %add3A, %mul3A_13 : i32
    "tpu.region"() ({
      %run_scoped3A = tpu.sem_alloc : memref<!tpu.dma_semaphore, #tpu.memory_space<semaphore_mem>>
      %dma_start3A_41 = arith.constant 0 : i32
      %dma_start3A_42 = tpu.memref_slice %arg2[%mul3A_14, %dma_start3A_41] : memref<2560x128xi32, #tpu.memory_space<hbm>> -> memref<80x128xi32, #tpu.memory_space<hbm>>
      %dma_start3A_43 = arith.constant 0 : i32
      %dma_start3A_44 = tpu.memref_slice %arg2[%mul3A_14, %dma_start3A_43] : memref<2560x128xi32, #tpu.memory_space<hbm>> -> memref<80x128xi32, #tpu.memory_space<hbm>>
      tpu.enqueue_dma source(%dma_start3A_44 : memref<80x128xi32, #tpu.memory_space<hbm>>) target(%arg8 : memref<80x128xi32, #tpu.memory_space<vmem>>) target_semaphore(%run_scoped3A : memref<!tpu.dma_semaphore, #tpu.memory_space<semaphore_mem>>)
      %dma_wait3A = arith.constant 0 : i32
      %dma_wait3A_45 = tpu.memref_slice %arg2[%mul3A_14, %dma_wait3A] : memref<2560x128xi32, #tpu.memory_space<hbm>> -> memref<80x128xi32, #tpu.memory_space<hbm>>
      %dma_wait3A_46 = arith.constant 0 : i32
      %dma_wait3A_47 = tpu.memref_slice %arg2[%mul3A_14, %dma_wait3A_46] : memref<2560x128xi32, #tpu.memory_space<hbm>> -> memref<80x128xi32, #tpu.memory_space<hbm>>
      tpu.wait_dma2 semaphore(%run_scoped3A : memref<!tpu.dma_semaphore, #tpu.memory_space<semaphore_mem>>) src(%dma_wait3A_47 : memref<80x128xi32, #tpu.memory_space<hbm>>) dst(%arg8 : memref<80x128xi32, #tpu.memory_space<vmem>>)
      tpu.yield
    }) : () -> ()
    %mul3A_15 = arith.constant 80 : i32
    %mul3A_16 = arith.muli %add3A, %mul3A_15 : i32
    "tpu.region"() ({
      %run_scoped3A = tpu.sem_alloc : memref<!tpu.dma_semaphore, #tpu.memory_space<semaphore_mem>>
      %dma_start3A_41 = arith.constant 0 : i32
      %dma_start3A_42 = tpu.memref_slice %arg3[%mul3A_16, %dma_start3A_41] : memref<2560x128xi32, #tpu.memory_space<hbm>> -> memref<80x128xi32, #tpu.memory_space<hbm>>
      %dma_start3A_43 = arith.constant 0 : i32
      %dma_start3A_44 = tpu.memref_slice %arg3[%mul3A_16, %dma_start3A_43] : memref<2560x128xi32, #tpu.memory_space<hbm>> -> memref<80x128xi32, #tpu.memory_space<hbm>>
      tpu.enqueue_dma source(%dma_start3A_44 : memref<80x128xi32, #tpu.memory_space<hbm>>) target(%arg9 : memref<80x128xi32, #tpu.memory_space<vmem>>) target_semaphore(%run_scoped3A : memref<!tpu.dma_semaphore, #tpu.memory_space<semaphore_mem>>)
      %dma_wait3A = arith.constant 0 : i32
      %dma_wait3A_45 = tpu.memref_slice %arg3[%mul3A_16, %dma_wait3A] : memref<2560x128xi32, #tpu.memory_space<hbm>> -> memref<80x128xi32, #tpu.memory_space<hbm>>
      %dma_wait3A_46 = arith.constant 0 : i32
      %dma_wait3A_47 = tpu.memref_slice %arg3[%mul3A_16, %dma_wait3A_46] : memref<2560x128xi32, #tpu.memory_space<hbm>> -> memref<80x128xi32, #tpu.memory_space<hbm>>
      tpu.wait_dma2 semaphore(%run_scoped3A : memref<!tpu.dma_semaphore, #tpu.memory_space<semaphore_mem>>) src(%dma_wait3A_47 : memref<80x128xi32, #tpu.memory_space<hbm>>) dst(%arg9 : memref<80x128xi32, #tpu.memory_space<vmem>>)
      tpu.yield
    }) : () -> ()
    %barrier3A = arith.constant 0 : index
    tpu.barrier barrier_id(%barrier3A)
    %dma_start3A = arith.constant 0 : i32
    %dma_start3A_17 = arith.constant 0 : i32
    %dma_start3A_18 = tpu.memref_slice %arg8[%dma_start3A, %dma_start3A_17] : memref<80x128xi32, #tpu.memory_space<vmem>> -> memref<1x128xi32, #tpu.memory_space<vmem>>
    %dma_start3A_19 = tpu.memref_squeeze %dma_start3A_18 : memref<1x128xi32, #tpu.memory_space<vmem>> -> memref<128xi32, #tpu.memory_space<vmem>>
    %dma_start3A_20 = arith.constant 0 : i32
    %dma_start3A_21 = arith.constant 0 : i32
    %dma_start3A_22 = tpu.memref_slice %arg7[%dma_start3A_20, %dma_start3A_21] : memref<10240x32xf32, #tpu.memory_space<vmem_shared>> -> memref<10240x32xf32, #tpu.memory_space<vmem_shared>>
    tpu.enqueue_indirect_dma source(%dma_start3A_22 : memref<10240x32xf32, #tpu.memory_space<vmem_shared>>) target(%arg10 : memref<128x32xf32, #tpu.memory_space<vmem>>) offsets(%dma_start3A_19 : memref<128xi32, #tpu.memory_space<vmem>>) semaphore(%arg13 : memref<!tpu.dma_semaphore, #tpu.memory_space<semaphore_mem>>)
    %dma_start3A_23 = arith.constant 1 : i32
    %dma_start3A_24 = arith.constant 0 : i32
    %dma_start3A_25 = tpu.memref_slice %arg8[%dma_start3A_23, %dma_start3A_24] : memref<80x128xi32, #tpu.memory_space<vmem>> -> memref<1x128xi32, #tpu.memory_space<vmem>>
    %dma_start3A_26 = tpu.memref_squeeze %dma_start3A_25 : memref<1x128xi32, #tpu.memory_space<vmem>> -> memref<128xi32, #tpu.memory_space<vmem>>
    %dma_start3A_27 = arith.constant 0 : i32
    %dma_start3A_28 = arith.constant 0 : i32
    %dma_start3A_29 = tpu.memref_slice %arg7[%dma_start3A_27, %dma_start3A_28] : memref<10240x32xf32, #tpu.memory_space<vmem_shared>> -> memref<10240x32xf32, #tpu.memory_space<vmem_shared>>
    tpu.enqueue_indirect_dma source(%dma_start3A_29 : memref<10240x32xf32, #tpu.memory_space<vmem_shared>>) target(%arg11 : memref<128x32xf32, #tpu.memory_space<vmem>>) offsets(%dma_start3A_26 : memref<128xi32, #tpu.memory_space<vmem>>) semaphore(%arg14 : memref<!tpu.dma_semaphore, #tpu.memory_space<semaphore_mem>>)
    %scan3A_30 = arith.constant 0 : i32
    %scan3A_31 = arith.constant 0 : i32
    %scan3A_32 = arith.constant 40 : i32
    %scan3A_33 = arith.addi %scan3A_31, %scan3A_32 : i32
    %scan3A_34 = arith.constant 1 : i32
    scf.for %scan3A_41 = %scan3A_31 to %scan3A_33 step %scan3A_34  : i32 {
      %mul3A_42 = arith.constant 2 : i32
      %mul3A_43 = arith.muli %scan3A_41, %mul3A_42 : i32
      %add3A_44 = arith.constant 0 : i32
      %add3A_45 = arith.addi %mul3A_43, %add3A_44 : i32
      %dma_wait3A = arith.constant 0 : i32
      %dma_wait3A_46 = tpu.memref_slice %arg8[%add3A_45, %dma_wait3A] : memref<80x128xi32, #tpu.memory_space<vmem>> -> memref<1x128xi32, #tpu.memory_space<vmem>>
      %dma_wait3A_47 = tpu.memref_squeeze %dma_wait3A_46 : memref<1x128xi32, #tpu.memory_space<vmem>> -> memref<128xi32, #tpu.memory_space<vmem>>
      %dma_wait3A_48 = arith.constant 0 : i32
      %dma_wait3A_49 = arith.constant 0 : i32
      %dma_wait3A_50 = tpu.memref_slice %arg7[%dma_wait3A_48, %dma_wait3A_49] : memref<10240x32xf32, #tpu.memory_space<vmem_shared>> -> memref<10240x32xf32, #tpu.memory_space<vmem_shared>>
      tpu.wait_indirect_dma semaphore(%arg13 : memref<!tpu.dma_semaphore, #tpu.memory_space<semaphore_mem>>) src(%dma_wait3A_50 : memref<10240x32xf32, #tpu.memory_space<vmem_shared>>) dst(%arg10 : memref<128x32xf32, #tpu.memory_space<vmem>>)
      "tpu.region"() ({
        %run_scoped3A = tpu.sem_alloc : memref<!tpu.dma_semaphore, #tpu.memory_space<semaphore_mem>>
        %dma_start3A_72 = arith.constant 0 : i32
        %dma_start3A_73 = tpu.memref_slice %arg9[%add3A_45, %dma_start3A_72] : memref<80x128xi32, #tpu.memory_space<vmem>> -> memref<1x128xi32, #tpu.memory_space<vmem>>
        %dma_start3A_74 = tpu.memref_squeeze %dma_start3A_73 : memref<1x128xi32, #tpu.memory_space<vmem>> -> memref<128xi32, #tpu.memory_space<vmem>>
        %dma_start3A_75 = arith.constant 0 : i32
        %dma_start3A_76 = arith.constant 0 : i32
        %dma_start3A_77 = tpu.memref_slice %arg6[%dma_start3A_75, %dma_start3A_76] : memref<10240x32xf32, #tpu.memory_space<vmem_shared>> -> memref<10240x32xf32, #tpu.memory_space<vmem_shared>>
        tpu.enqueue_indirect_dma source(%arg10 : memref<128x32xf32, #tpu.memory_space<vmem>>) target(%dma_start3A_77 : memref<10240x32xf32, #tpu.memory_space<vmem_shared>>) offsets(%dma_start3A_74 : memref<128xi32, #tpu.memory_space<vmem>>) semaphore(%run_scoped3A : memref<!tpu.dma_semaphore, #tpu.memory_space<semaphore_mem>>) {add = true}
        %dma_wait3A_78 = arith.constant 0 : i32
        %dma_wait3A_79 = tpu.memref_slice %arg9[%add3A_45, %dma_wait3A_78] : memref<80x128xi32, #tpu.memory_space<vmem>> -> memref<1x128xi32, #tpu.memory_space<vmem>>
        %dma_wait3A_80 = tpu.memref_squeeze %dma_wait3A_79 : memref<1x128xi32, #tpu.memory_space<vmem>> -> memref<128xi32, #tpu.memory_space<vmem>>
        %dma_wait3A_81 = arith.constant 0 : i32
        %dma_wait3A_82 = arith.constant 0 : i32
        %dma_wait3A_83 = tpu.memref_slice %arg6[%dma_wait3A_81, %dma_wait3A_82] : memref<10240x32xf32, #tpu.memory_space<vmem_shared>> -> memref<10240x32xf32, #tpu.memory_space<vmem_shared>>
        tpu.wait_indirect_dma semaphore(%run_scoped3A : memref<!tpu.dma_semaphore, #tpu.memory_space<semaphore_mem>>) src(%arg10 : memref<128x32xf32, #tpu.memory_space<vmem>>) dst(%dma_wait3A_83 : memref<10240x32xf32, #tpu.memory_space<vmem_shared>>)
        tpu.yield
      }) : () -> ()
      %add3A_51 = arith.constant 2 : i32
      %add3A_52 = arith.addi %add3A_45, %add3A_51 : i32
      %lt3A = arith.constant 80 : i32
      %lt3A_53 = arith.cmpi slt, %add3A_52, %lt3A : i32
      %convert_element_type3A = arith.extui %lt3A_53 : i1 to i32
      %cond3A = arith.constant 0 : i32
      %cond3A_54 = arith.cmpi ne, %convert_element_type3A, %cond3A : i32
      scf.if %cond3A_54 {
        %add3A_72 = arith.constant 2 : i32
        %add3A_73 = arith.addi %add3A_45, %add3A_72 : i32
        %dma_start3A_74 = arith.constant 0 : i32
        %dma_start3A_75 = tpu.memref_slice %arg8[%add3A_73, %dma_start3A_74] : memref<80x128xi32, #tpu.memory_space<vmem>> -> memref<1x128xi32, #tpu.memory_space<vmem>>
        %dma_start3A_76 = tpu.memref_squeeze %dma_start3A_75 : memref<1x128xi32, #tpu.memory_space<vmem>> -> memref<128xi32, #tpu.memory_space<vmem>>
        %dma_start3A_77 = arith.constant 0 : i32
        %dma_start3A_78 = arith.constant 0 : i32
        %dma_start3A_79 = tpu.memref_slice %arg7[%dma_start3A_77, %dma_start3A_78] : memref<10240x32xf32, #tpu.memory_space<vmem_shared>> -> memref<10240x32xf32, #tpu.memory_space<vmem_shared>>
        tpu.enqueue_indirect_dma source(%dma_start3A_79 : memref<10240x32xf32, #tpu.memory_space<vmem_shared>>) target(%arg10 : memref<128x32xf32, #tpu.memory_space<vmem>>) offsets(%dma_start3A_76 : memref<128xi32, #tpu.memory_space<vmem>>) semaphore(%arg13 : memref<!tpu.dma_semaphore, #tpu.memory_space<semaphore_mem>>)
      } else {
      }
      %mul3A_55 = arith.constant 2 : i32
      %mul3A_56 = arith.muli %scan3A_41, %mul3A_55 : i32
      %add3A_57 = arith.constant 1 : i32
      %add3A_58 = arith.addi %mul3A_56, %add3A_57 : i32
      %dma_wait3A_59 = arith.constant 0 : i32
      %dma_wait3A_60 = tpu.memref_slice %arg8[%add3A_58, %dma_wait3A_59] : memref<80x128xi32, #tpu.memory_space<vmem>> -> memref<1x128xi32, #tpu.memory_space<vmem>>
      %dma_wait3A_61 = tpu.memref_squeeze %dma_wait3A_60 : memref<1x128xi32, #tpu.memory_space<vmem>> -> memref<128xi32, #tpu.memory_space<vmem>>
      %dma_wait3A_62 = arith.constant 0 : i32
      %dma_wait3A_63 = arith.constant 0 : i32
      %dma_wait3A_64 = tpu.memref_slice %arg7[%dma_wait3A_62, %dma_wait3A_63] : memref<10240x32xf32, #tpu.memory_space<vmem_shared>> -> memref<10240x32xf32, #tpu.memory_space<vmem_shared>>
      tpu.wait_indirect_dma semaphore(%arg14 : memref<!tpu.dma_semaphore, #tpu.memory_space<semaphore_mem>>) src(%dma_wait3A_64 : memref<10240x32xf32, #tpu.memory_space<vmem_shared>>) dst(%arg11 : memref<128x32xf32, #tpu.memory_space<vmem>>)
      "tpu.region"() ({
        %run_scoped3A = tpu.sem_alloc : memref<!tpu.dma_semaphore, #tpu.memory_space<semaphore_mem>>
        %dma_start3A_72 = arith.constant 0 : i32
        %dma_start3A_73 = tpu.memref_slice %arg9[%add3A_58, %dma_start3A_72] : memref<80x128xi32, #tpu.memory_space<vmem>> -> memref<1x128xi32, #tpu.memory_space<vmem>>
        %dma_start3A_74 = tpu.memref_squeeze %dma_start3A_73 : memref<1x128xi32, #tpu.memory_space<vmem>> -> memref<128xi32, #tpu.memory_space<vmem>>
        %dma_start3A_75 = arith.constant 0 : i32
        %dma_start3A_76 = arith.constant 0 : i32
        %dma_start3A_77 = tpu.memref_slice %arg6[%dma_start3A_75, %dma_start3A_76] : memref<10240x32xf32, #tpu.memory_space<vmem_shared>> -> memref<10240x32xf32, #tpu.memory_space<vmem_shared>>
        tpu.enqueue_indirect_dma source(%arg11 : memref<128x32xf32, #tpu.memory_space<vmem>>) target(%dma_start3A_77 : memref<10240x32xf32, #tpu.memory_space<vmem_shared>>) offsets(%dma_start3A_74 : memref<128xi32, #tpu.memory_space<vmem>>) semaphore(%run_scoped3A : memref<!tpu.dma_semaphore, #tpu.memory_space<semaphore_mem>>) {add = true}
        %dma_wait3A_78 = arith.constant 0 : i32
        %dma_wait3A_79 = tpu.memref_slice %arg9[%add3A_58, %dma_wait3A_78] : memref<80x128xi32, #tpu.memory_space<vmem>> -> memref<1x128xi32, #tpu.memory_space<vmem>>
        %dma_wait3A_80 = tpu.memref_squeeze %dma_wait3A_79 : memref<1x128xi32, #tpu.memory_space<vmem>> -> memref<128xi32, #tpu.memory_space<vmem>>
        %dma_wait3A_81 = arith.constant 0 : i32
        %dma_wait3A_82 = arith.constant 0 : i32
        %dma_wait3A_83 = tpu.memref_slice %arg6[%dma_wait3A_81, %dma_wait3A_82] : memref<10240x32xf32, #tpu.memory_space<vmem_shared>> -> memref<10240x32xf32, #tpu.memory_space<vmem_shared>>
        tpu.wait_indirect_dma semaphore(%run_scoped3A : memref<!tpu.dma_semaphore, #tpu.memory_space<semaphore_mem>>) src(%arg11 : memref<128x32xf32, #tpu.memory_space<vmem>>) dst(%dma_wait3A_83 : memref<10240x32xf32, #tpu.memory_space<vmem_shared>>)
        tpu.yield
      }) : () -> ()
      %add3A_65 = arith.constant 2 : i32
      %add3A_66 = arith.addi %add3A_58, %add3A_65 : i32
      %lt3A_67 = arith.constant 80 : i32
      %lt3A_68 = arith.cmpi slt, %add3A_66, %lt3A_67 : i32
      %convert_element_type3A_69 = arith.extui %lt3A_68 : i1 to i32
      %cond3A_70 = arith.constant 0 : i32
      %cond3A_71 = arith.cmpi ne, %convert_element_type3A_69, %cond3A_70 : i32
      scf.if %cond3A_71 {
        %add3A_72 = arith.constant 2 : i32
        %add3A_73 = arith.addi %add3A_58, %add3A_72 : i32
        %dma_start3A_74 = arith.constant 0 : i32
        %dma_start3A_75 = tpu.memref_slice %arg8[%add3A_73, %dma_start3A_74] : memref<80x128xi32, #tpu.memory_space<vmem>> -> memref<1x128xi32, #tpu.memory_space<vmem>>
        %dma_start3A_76 = tpu.memref_squeeze %dma_start3A_75 : memref<1x128xi32, #tpu.memory_space<vmem>> -> memref<128xi32, #tpu.memory_space<vmem>>
        %dma_start3A_77 = arith.constant 0 : i32
        %dma_start3A_78 = arith.constant 0 : i32
        %dma_start3A_79 = tpu.memref_slice %arg7[%dma_start3A_77, %dma_start3A_78] : memref<10240x32xf32, #tpu.memory_space<vmem_shared>> -> memref<10240x32xf32, #tpu.memory_space<vmem_shared>>
        tpu.enqueue_indirect_dma source(%dma_start3A_79 : memref<10240x32xf32, #tpu.memory_space<vmem_shared>>) target(%arg11 : memref<128x32xf32, #tpu.memory_space<vmem>>) offsets(%dma_start3A_76 : memref<128xi32, #tpu.memory_space<vmem>>) semaphore(%arg14 : memref<!tpu.dma_semaphore, #tpu.memory_space<semaphore_mem>>)
      } else {
      }
    }
    %scan3A_35 = arith.constant 40 : i32
    %barrier3A_36 = arith.constant 0 : index
    tpu.barrier barrier_id(%barrier3A_36)
    %mul3A_37 = arith.constant 640 : i32
    %mul3A_38 = arith.muli %arg1, %mul3A_37 : i32
    %mul3A_39 = arith.constant 640 : i32
    %mul3A_40 = arith.muli %arg1, %mul3A_39 : i32
    "tpu.region"() ({
      %run_scoped3A = tpu.sem_alloc : memref<!tpu.dma_semaphore, #tpu.memory_space<semaphore_mem>>
      %dma_start3A_41 = arith.constant 0 : i32
      %dma_start3A_42 = tpu.memref_slice %arg5[%arg0, %mul3A_40, %dma_start3A_41] : memref<2x10240x32xf32, #tpu.memory_space<hbm>> -> memref<1x640x32xf32, #tpu.memory_space<hbm>>
      %dma_start3A_43 = tpu.memref_squeeze %dma_start3A_42 : memref<1x640x32xf32, #tpu.memory_space<hbm>> -> memref<640x32xf32, #tpu.memory_space<hbm>>
      %dma_start3A_44 = arith.constant 0 : i32
      %dma_start3A_45 = tpu.memref_slice %arg6[%mul3A_38, %dma_start3A_44] : memref<10240x32xf32, #tpu.memory_space<vmem_shared>> -> memref<640x32xf32, #tpu.memory_space<vmem_shared>>
      tpu.enqueue_dma source(%dma_start3A_45 : memref<640x32xf32, #tpu.memory_space<vmem_shared>>) target(%dma_start3A_43 : memref<640x32xf32, #tpu.memory_space<hbm>>) target_semaphore(%run_scoped3A : memref<!tpu.dma_semaphore, #tpu.memory_space<semaphore_mem>>)
      %dma_wait3A = arith.constant 0 : i32
      %dma_wait3A_46 = tpu.memref_slice %arg5[%arg0, %mul3A_40, %dma_wait3A] : memref<2x10240x32xf32, #tpu.memory_space<hbm>> -> memref<1x640x32xf32, #tpu.memory_space<hbm>>
      %dma_wait3A_47 = tpu.memref_squeeze %dma_wait3A_46 : memref<1x640x32xf32, #tpu.memory_space<hbm>> -> memref<640x32xf32, #tpu.memory_space<hbm>>
      %dma_wait3A_48 = arith.constant 0 : i32
      %dma_wait3A_49 = tpu.memref_slice %arg6[%mul3A_38, %dma_wait3A_48] : memref<10240x32xf32, #tpu.memory_space<vmem_shared>> -> memref<640x32xf32, #tpu.memory_space<vmem_shared>>
      tpu.wait_dma2 semaphore(%run_scoped3A : memref<!tpu.dma_semaphore, #tpu.memory_space<semaphore_mem>>) src(%dma_wait3A_49 : memref<640x32xf32, #tpu.memory_space<vmem_shared>>) dst(%dma_wait3A_47 : memref<640x32xf32, #tpu.memory_space<hbm>>)
      tpu.yield
    }) : () -> ()
    return
  }
}

#map = affine_map<(d0, d1) -> (0, 0)>
#map1 = affine_map<(d0, d1) -> (0, 0, 0)>
module attributes {stable_mosaic.version = 14 : i64} {
  func.func @ff_kernel(%arg0: i32, %arg1: i32, %arg2: memref<2560x128xi32, #tpu.memory_space<hbm>>, %arg3: memref<2560x128xi32, #tpu.memory_space<hbm>>, %arg4: memref<10240x8xf32, #tpu.memory_space<hbm>>, %arg5: memref<10240x8xf32, #tpu.memory_space<hbm>>, %arg6: memref<10240x8xf32, #tpu.memory_space<hbm>>, %arg7: memref<10240x8xf32, #tpu.memory_space<hbm>>, %arg8: memref<4x2560x128xf32, #tpu.memory_space<hbm>>, %arg9: memref<10240x8xf32, #tpu.memory_space<vmem>>, %arg10: memref<40x128xi32, #tpu.memory_space<vmem>>, %arg11: memref<40x128xi32, #tpu.memory_space<vmem>>, %arg12: memref<40x128xi32, #tpu.memory_space<vmem>>, %arg13: memref<40x128xi32, #tpu.memory_space<vmem>>, %arg14: memref<40x128xf32, #tpu.memory_space<vmem>>, %arg15: memref<!tpu.dma_semaphore, #tpu.memory_space<semaphore_mem>>, %arg16: memref<!tpu.dma_semaphore, #tpu.memory_space<semaphore_mem>>, %arg17: memref<!tpu.dma_semaphore, #tpu.memory_space<semaphore_mem>>, %arg18: memref<!tpu.dma_semaphore, #tpu.memory_space<semaphore_mem>>) attributes {dimension_semantics = [#tpu.dimension_semantics<core_parallel>, #tpu.dimension_semantics<subcore_parallel>], iteration_bounds = array<i64: 2, 16>, scalar_prefetch = 0 : i64, scratch_operands = 10 : i64, tpu.core_type = #tpu.core_type<sc_vector_subcore>, window_params = [{transform_indices = #map}, {transform_indices = #map}, {transform_indices = #map}, {transform_indices = #map}, {transform_indices = #map}, {transform_indices = #map}, {transform_indices = #map1}]} {
    %mul3A = arith.constant 16 : i32
    %mul3A_0 = arith.muli %arg0, %mul3A : i32
    %add3A = arith.addi %mul3A_0, %arg1 : i32
    %jit3A = arith.constant 4 : i32
    %eq3A = arith.constant 0 : i32
    %eq3A_1 = arith.cmpi eq, %jit3A, %eq3A : i32
    %jit3A_2 = arith.constant 1 : i32
    %select_n3A = arith.select %eq3A_1, %jit3A_2, %jit3A : i32
    %rem3A = arith.remsi %add3A, %select_n3A : i32
    %ne3A = arith.constant 0 : i32
    %ne3A_3 = arith.cmpi ne, %rem3A, %ne3A : i32
    %lt3A = arith.constant 0 : i32
    %lt3A_4 = arith.cmpi slt, %rem3A, %lt3A : i32
    %lt3A_5 = arith.constant 0 : i32
    %lt3A_6 = arith.cmpi slt, %select_n3A, %lt3A_5 : i32
    %ne3A_7 = arith.xori %lt3A_4, %lt3A_6 : i1
    %and3A = arith.andi %ne3A_7, %ne3A_3 : i1
    %add3A_8 = arith.addi %rem3A, %select_n3A : i32
    %select_n3A_9 = arith.select %and3A, %add3A_8, %rem3A : i32
    %jit3A_10 = arith.constant 4 : i32
    %div3A = arith.divsi %add3A, %jit3A_10 : i32
    %sign3A = arith.constant 0 : i32
    %sign3A_11 = arith.cmpi sgt, %add3A, %sign3A : i32
    %sign3A_12 = arith.extui %sign3A_11 : i1 to i32
    %sign3A_13 = arith.constant 0 : i32
    %sign3A_14 = arith.cmpi slt, %add3A, %sign3A_13 : i32
    %sign3A_15 = arith.extui %sign3A_14 : i1 to i32
    %sign3A_16 = arith.subi %sign3A_12, %sign3A_15 : i32
    %sign3A_17 = arith.constant 0 : i32
    %sign3A_18 = arith.cmpi sgt, %jit3A_10, %sign3A_17 : i32
    %sign3A_19 = arith.extui %sign3A_18 : i1 to i32
    %sign3A_20 = arith.constant 0 : i32
    %sign3A_21 = arith.cmpi slt, %jit3A_10, %sign3A_20 : i32
    %sign3A_22 = arith.extui %sign3A_21 : i1 to i32
    %sign3A_23 = arith.subi %sign3A_19, %sign3A_22 : i32
    %ne3A_24 = arith.cmpi ne, %sign3A_16, %sign3A_23 : i32
    %rem3A_25 = arith.remsi %add3A, %jit3A_10 : i32
    %ne3A_26 = arith.constant 0 : i32
    %ne3A_27 = arith.cmpi ne, %rem3A_25, %ne3A_26 : i32
    %and3A_28 = arith.andi %ne3A_24, %ne3A_27 : i1
    %sub3A = arith.constant 1 : i32
    %sub3A_29 = arith.subi %div3A, %sub3A : i32
    %select_n3A_30 = arith.select %and3A_28, %sub3A_29, %div3A : i32
    %mul3A_31 = arith.constant 320 : i32
    %mul3A_32 = arith.muli %select_n3A_30, %mul3A_31 : i32
    %iota3A = tpu.iota {dimensions = array<i32: 0>} : vector<16xi32>
    %eq3A_33 = arith.constant 0 : i32
    %eq3A_34 = arith.cmpi eq, %select_n3A_9, %eq3A_33 : i32
    %convert_element_type3A = arith.extui %eq3A_34 : i1 to i32
    %cond3A = arith.constant 0 : i32
    %cond3A_35 = arith.cmpi ne, %convert_element_type3A, %cond3A : i32
    scf.if %cond3A_35 {
      "tpu.region"() ({
        %run_scoped3A = tpu.sem_alloc : memref<!tpu.dma_semaphore, #tpu.memory_space<semaphore_mem>>
        tpu.enqueue_dma source(%arg4 : memref<10240x8xf32, #tpu.memory_space<hbm>>) target(%arg9 : memref<10240x8xf32, #tpu.memory_space<vmem>>) target_semaphore(%run_scoped3A : memref<!tpu.dma_semaphore, #tpu.memory_space<semaphore_mem>>)
        tpu.wait_dma2 semaphore(%run_scoped3A : memref<!tpu.dma_semaphore, #tpu.memory_space<semaphore_mem>>) src(%arg4 : memref<10240x8xf32, #tpu.memory_space<hbm>>) dst(%arg9 : memref<10240x8xf32, #tpu.memory_space<vmem>>)
        tpu.yield
      }) : () -> ()
    } else {
    }
    %eq3A_36 = arith.constant 1 : i32
    %eq3A_37 = arith.cmpi eq, %select_n3A_9, %eq3A_36 : i32
    %convert_element_type3A_38 = arith.extui %eq3A_37 : i1 to i32
    %cond3A_39 = arith.constant 0 : i32
    %cond3A_40 = arith.cmpi ne, %convert_element_type3A_38, %cond3A_39 : i32
    scf.if %cond3A_40 {
      "tpu.region"() ({
        %run_scoped3A = tpu.sem_alloc : memref<!tpu.dma_semaphore, #tpu.memory_space<semaphore_mem>>
        tpu.enqueue_dma source(%arg5 : memref<10240x8xf32, #tpu.memory_space<hbm>>) target(%arg9 : memref<10240x8xf32, #tpu.memory_space<vmem>>) target_semaphore(%run_scoped3A : memref<!tpu.dma_semaphore, #tpu.memory_space<semaphore_mem>>)
        tpu.wait_dma2 semaphore(%run_scoped3A : memref<!tpu.dma_semaphore, #tpu.memory_space<semaphore_mem>>) src(%arg5 : memref<10240x8xf32, #tpu.memory_space<hbm>>) dst(%arg9 : memref<10240x8xf32, #tpu.memory_space<vmem>>)
        tpu.yield
      }) : () -> ()
    } else {
    }
    %eq3A_41 = arith.constant 2 : i32
    %eq3A_42 = arith.cmpi eq, %select_n3A_9, %eq3A_41 : i32
    %convert_element_type3A_43 = arith.extui %eq3A_42 : i1 to i32
    %cond3A_44 = arith.constant 0 : i32
    %cond3A_45 = arith.cmpi ne, %convert_element_type3A_43, %cond3A_44 : i32
    scf.if %cond3A_45 {
      "tpu.region"() ({
        %run_scoped3A = tpu.sem_alloc : memref<!tpu.dma_semaphore, #tpu.memory_space<semaphore_mem>>
        tpu.enqueue_dma source(%arg6 : memref<10240x8xf32, #tpu.memory_space<hbm>>) target(%arg9 : memref<10240x8xf32, #tpu.memory_space<vmem>>) target_semaphore(%run_scoped3A : memref<!tpu.dma_semaphore, #tpu.memory_space<semaphore_mem>>)
        tpu.wait_dma2 semaphore(%run_scoped3A : memref<!tpu.dma_semaphore, #tpu.memory_space<semaphore_mem>>) src(%arg6 : memref<10240x8xf32, #tpu.memory_space<hbm>>) dst(%arg9 : memref<10240x8xf32, #tpu.memory_space<vmem>>)
        tpu.yield
      }) : () -> ()
    } else {
    }
    %eq3A_46 = arith.constant 3 : i32
    %eq3A_47 = arith.cmpi eq, %select_n3A_9, %eq3A_46 : i32
    %convert_element_type3A_48 = arith.extui %eq3A_47 : i1 to i32
    %cond3A_49 = arith.constant 0 : i32
    %cond3A_50 = arith.cmpi ne, %convert_element_type3A_48, %cond3A_49 : i32
    scf.if %cond3A_50 {
      "tpu.region"() ({
        %run_scoped3A = tpu.sem_alloc : memref<!tpu.dma_semaphore, #tpu.memory_space<semaphore_mem>>
        tpu.enqueue_dma source(%arg7 : memref<10240x8xf32, #tpu.memory_space<hbm>>) target(%arg9 : memref<10240x8xf32, #tpu.memory_space<vmem>>) target_semaphore(%run_scoped3A : memref<!tpu.dma_semaphore, #tpu.memory_space<semaphore_mem>>)
        tpu.wait_dma2 semaphore(%run_scoped3A : memref<!tpu.dma_semaphore, #tpu.memory_space<semaphore_mem>>) src(%arg7 : memref<10240x8xf32, #tpu.memory_space<hbm>>) dst(%arg9 : memref<10240x8xf32, #tpu.memory_space<vmem>>)
        tpu.yield
      }) : () -> ()
    } else {
    }
    %dma_start3A = arith.constant 0 : i32
    %dma_start3A_51 = tpu.memref_slice %arg2[%mul3A_32, %dma_start3A] : memref<2560x128xi32, #tpu.memory_space<hbm>> -> memref<40x128xi32, #tpu.memory_space<hbm>>
    %dma_start3A_52 = arith.constant 0 : i32
    %dma_start3A_53 = tpu.memref_slice %arg2[%mul3A_32, %dma_start3A_52] : memref<2560x128xi32, #tpu.memory_space<hbm>> -> memref<40x128xi32, #tpu.memory_space<hbm>>
    tpu.enqueue_dma source(%dma_start3A_53 : memref<40x128xi32, #tpu.memory_space<hbm>>) target(%arg10 : memref<40x128xi32, #tpu.memory_space<vmem>>) target_semaphore(%arg15 : memref<!tpu.dma_semaphore, #tpu.memory_space<semaphore_mem>>)
    %dma_start3A_54 = arith.constant 0 : i32
    %dma_start3A_55 = tpu.memref_slice %arg3[%mul3A_32, %dma_start3A_54] : memref<2560x128xi32, #tpu.memory_space<hbm>> -> memref<40x128xi32, #tpu.memory_space<hbm>>
    %dma_start3A_56 = arith.constant 0 : i32
    %dma_start3A_57 = tpu.memref_slice %arg3[%mul3A_32, %dma_start3A_56] : memref<2560x128xi32, #tpu.memory_space<hbm>> -> memref<40x128xi32, #tpu.memory_space<hbm>>
    tpu.enqueue_dma source(%dma_start3A_57 : memref<40x128xi32, #tpu.memory_space<hbm>>) target(%arg12 : memref<40x128xi32, #tpu.memory_space<vmem>>) target_semaphore(%arg17 : memref<!tpu.dma_semaphore, #tpu.memory_space<semaphore_mem>>)
    %scan3A = arith.constant 0 : i32
    %scan3A_58 = arith.constant 0 : i32
    %scan3A_59 = arith.constant 4 : i32
    %scan3A_60 = arith.addi %scan3A_58, %scan3A_59 : i32
    %scan3A_61 = arith.constant 1 : i32
    scf.for %scan3A_63 = %scan3A_58 to %scan3A_60 step %scan3A_61  : i32 {
      %mul3A_64 = arith.constant 2 : i32
      %mul3A_65 = arith.muli %scan3A_63, %mul3A_64 : i32
      %add3A_66 = arith.constant 0 : i32
      %add3A_67 = arith.addi %mul3A_65, %add3A_66 : i32
      %dma_wait3A = arith.constant 0 : i32
      %dma_wait3A_68 = tpu.memref_slice %arg2[%mul3A_32, %dma_wait3A] : memref<2560x128xi32, #tpu.memory_space<hbm>> -> memref<40x128xi32, #tpu.memory_space<hbm>>
      %dma_wait3A_69 = arith.constant 0 : i32
      %dma_wait3A_70 = tpu.memref_slice %arg2[%mul3A_32, %dma_wait3A_69] : memref<2560x128xi32, #tpu.memory_space<hbm>> -> memref<40x128xi32, #tpu.memory_space<hbm>>
      tpu.wait_dma2 semaphore(%arg15 : memref<!tpu.dma_semaphore, #tpu.memory_space<semaphore_mem>>) src(%dma_wait3A_70 : memref<40x128xi32, #tpu.memory_space<hbm>>) dst(%arg10 : memref<40x128xi32, #tpu.memory_space<vmem>>)
      %dma_wait3A_71 = arith.constant 0 : i32
      %dma_wait3A_72 = tpu.memref_slice %arg3[%mul3A_32, %dma_wait3A_71] : memref<2560x128xi32, #tpu.memory_space<hbm>> -> memref<40x128xi32, #tpu.memory_space<hbm>>
      %dma_wait3A_73 = arith.constant 0 : i32
      %dma_wait3A_74 = tpu.memref_slice %arg3[%mul3A_32, %dma_wait3A_73] : memref<2560x128xi32, #tpu.memory_space<hbm>> -> memref<40x128xi32, #tpu.memory_space<hbm>>
      tpu.wait_dma2 semaphore(%arg17 : memref<!tpu.dma_semaphore, #tpu.memory_space<semaphore_mem>>) src(%dma_wait3A_74 : memref<40x128xi32, #tpu.memory_space<hbm>>) dst(%arg12 : memref<40x128xi32, #tpu.memory_space<vmem>>)
      %add3A_75 = arith.constant 1 : i32
      %add3A_76 = arith.addi %add3A_67, %add3A_75 : i32
      %lt3A_77 = arith.constant 8 : i32
      %lt3A_78 = arith.cmpi slt, %add3A_76, %lt3A_77 : i32
      %convert_element_type3A_79 = arith.extui %lt3A_78 : i1 to i32
      %cond3A_80 = arith.constant 0 : i32
      %cond3A_81 = arith.cmpi ne, %convert_element_type3A_79, %cond3A_80 : i32
      scf.if %cond3A_81 {
        %add3A_119 = arith.constant 1 : i32
        %add3A_120 = arith.addi %add3A_67, %add3A_119 : i32
        %mul3A_121 = arith.constant 40 : i32
        %mul3A_122 = arith.muli %add3A_120, %mul3A_121 : i32
        %add3A_123 = arith.addi %mul3A_32, %mul3A_122 : i32
        %dma_start3A_124 = arith.constant 0 : i32
        %dma_start3A_125 = tpu.memref_slice %arg2[%add3A_123, %dma_start3A_124] : memref<2560x128xi32, #tpu.memory_space<hbm>> -> memref<40x128xi32, #tpu.memory_space<hbm>>
        %dma_start3A_126 = arith.constant 0 : i32
        %dma_start3A_127 = tpu.memref_slice %arg2[%add3A_123, %dma_start3A_126] : memref<2560x128xi32, #tpu.memory_space<hbm>> -> memref<40x128xi32, #tpu.memory_space<hbm>>
        tpu.enqueue_dma source(%dma_start3A_127 : memref<40x128xi32, #tpu.memory_space<hbm>>) target(%arg11 : memref<40x128xi32, #tpu.memory_space<vmem>>) target_semaphore(%arg16 : memref<!tpu.dma_semaphore, #tpu.memory_space<semaphore_mem>>)
        %dma_start3A_128 = arith.constant 0 : i32
        %dma_start3A_129 = tpu.memref_slice %arg3[%add3A_123, %dma_start3A_128] : memref<2560x128xi32, #tpu.memory_space<hbm>> -> memref<40x128xi32, #tpu.memory_space<hbm>>
        %dma_start3A_130 = arith.constant 0 : i32
        %dma_start3A_131 = tpu.memref_slice %arg3[%add3A_123, %dma_start3A_130] : memref<2560x128xi32, #tpu.memory_space<hbm>> -> memref<40x128xi32, #tpu.memory_space<hbm>>
        tpu.enqueue_dma source(%dma_start3A_131 : memref<40x128xi32, #tpu.memory_space<hbm>>) target(%arg13 : memref<40x128xi32, #tpu.memory_space<vmem>>) target_semaphore(%arg18 : memref<!tpu.dma_semaphore, #tpu.memory_space<semaphore_mem>>)
      } else {
      }
      %scan3A_82 = arith.constant 0 : i32
      %scan3A_83 = arith.constant 0 : i32
      %scan3A_84 = arith.constant 40 : i32
      %scan3A_85 = arith.addi %scan3A_83, %scan3A_84 : i32
      %scan3A_86 = arith.constant 1 : i32
      scf.for %scan3A_119 = %scan3A_83 to %scan3A_85 step %scan3A_86  : i32 {
        %broadcast_in_dim3A = vector.broadcast %scan3A_119 : i32 to vector<16xi32>
        %add3A_120 = arith.constant 0 : i32
        %add3A_121 = vector.broadcast %add3A_120 : i32 to vector<16xi32>
        %add3A_122 = arith.addi %add3A_121, %iota3A : vector<16xi32>
        %gather3A = tpu.vector_load_idx %arg10[%broadcast_in_dim3A, %add3A_122] : memref<40x128xi32, #tpu.memory_space<vmem>>[vector<16xi32>, vector<16xi32>], vector<16xi32>,
        %gather3A_123 = tpu.vector_load_idx %arg12[%broadcast_in_dim3A, %add3A_122] : memref<40x128xi32, #tpu.memory_space<vmem>>[vector<16xi32>, vector<16xi32>], vector<16xi32>,
        %broadcast_in_dim3A_124 = arith.constant 0.000000e+00 : f32
        %broadcast_in_dim3A_125 = vector.broadcast %broadcast_in_dim3A_124 : f32 to vector<16xf32>
        %broadcast_in_dim3A_126 = arith.constant 0 : i32
        %broadcast_in_dim3A_127 = vector.broadcast %broadcast_in_dim3A_126 : i32 to vector<16xi32>
        %gather3A_128 = tpu.vector_load_idx %arg9[%gather3A, %broadcast_in_dim3A_127] : memref<10240x8xf32, #tpu.memory_space<vmem>>[vector<16xi32>, vector<16xi32>], vector<16xf32>,
        %gather3A_129 = tpu.vector_load_idx %arg9[%gather3A_123, %broadcast_in_dim3A_127] : memref<10240x8xf32, #tpu.memory_space<vmem>>[vector<16xi32>, vector<16xi32>], vector<16xf32>,
        %mul3A_130 = arith.mulf %gather3A_128, %gather3A_129 : vector<16xf32>
        %add3A_131 = arith.addf %broadcast_in_dim3A_125, %mul3A_130 : vector<16xf32>
        %broadcast_in_dim3A_132 = arith.constant 1 : i32
        %broadcast_in_dim3A_133 = vector.broadcast %broadcast_in_dim3A_132 : i32 to vector<16xi32>
        %gather3A_134 = tpu.vector_load_idx %arg9[%gather3A, %broadcast_in_dim3A_133] : memref<10240x8xf32, #tpu.memory_space<vmem>>[vector<16xi32>, vector<16xi32>], vector<16xf32>,
        %gather3A_135 = tpu.vector_load_idx %arg9[%gather3A_123, %broadcast_in_dim3A_133] : memref<10240x8xf32, #tpu.memory_space<vmem>>[vector<16xi32>, vector<16xi32>], vector<16xf32>,
        %mul3A_136 = arith.mulf %gather3A_134, %gather3A_135 : vector<16xf32>
        %add3A_137 = arith.addf %add3A_131, %mul3A_136 : vector<16xf32>
        %broadcast_in_dim3A_138 = arith.constant 2 : i32
        %broadcast_in_dim3A_139 = vector.broadcast %broadcast_in_dim3A_138 : i32 to vector<16xi32>
        %gather3A_140 = tpu.vector_load_idx %arg9[%gather3A, %broadcast_in_dim3A_139] : memref<10240x8xf32, #tpu.memory_space<vmem>>[vector<16xi32>, vector<16xi32>], vector<16xf32>,
        %gather3A_141 = tpu.vector_load_idx %arg9[%gather3A_123, %broadcast_in_dim3A_139] : memref<10240x8xf32, #tpu.memory_space<vmem>>[vector<16xi32>, vector<16xi32>], vector<16xf32>,
        %mul3A_142 = arith.mulf %gather3A_140, %gather3A_141 : vector<16xf32>
        %add3A_143 = arith.addf %add3A_137, %mul3A_142 : vector<16xf32>
        %broadcast_in_dim3A_144 = arith.constant 3 : i32
        %broadcast_in_dim3A_145 = vector.broadcast %broadcast_in_dim3A_144 : i32 to vector<16xi32>
        %gather3A_146 = tpu.vector_load_idx %arg9[%gather3A, %broadcast_in_dim3A_145] : memref<10240x8xf32, #tpu.memory_space<vmem>>[vector<16xi32>, vector<16xi32>], vector<16xf32>,
        %gather3A_147 = tpu.vector_load_idx %arg9[%gather3A_123, %broadcast_in_dim3A_145] : memref<10240x8xf32, #tpu.memory_space<vmem>>[vector<16xi32>, vector<16xi32>], vector<16xf32>,
        %mul3A_148 = arith.mulf %gather3A_146, %gather3A_147 : vector<16xf32>
        %add3A_149 = arith.addf %add3A_143, %mul3A_148 : vector<16xf32>
        %broadcast_in_dim3A_150 = arith.constant 4 : i32
        %broadcast_in_dim3A_151 = vector.broadcast %broadcast_in_dim3A_150 : i32 to vector<16xi32>
        %gather3A_152 = tpu.vector_load_idx %arg9[%gather3A, %broadcast_in_dim3A_151] : memref<10240x8xf32, #tpu.memory_space<vmem>>[vector<16xi32>, vector<16xi32>], vector<16xf32>,
        %gather3A_153 = tpu.vector_load_idx %arg9[%gather3A_123, %broadcast_in_dim3A_151] : memref<10240x8xf32, #tpu.memory_space<vmem>>[vector<16xi32>, vector<16xi32>], vector<16xf32>,
        %mul3A_154 = arith.mulf %gather3A_152, %gather3A_153 : vector<16xf32>
        %add3A_155 = arith.addf %add3A_149, %mul3A_154 : vector<16xf32>
        %broadcast_in_dim3A_156 = arith.constant 5 : i32
        %broadcast_in_dim3A_157 = vector.broadcast %broadcast_in_dim3A_156 : i32 to vector<16xi32>
        %gather3A_158 = tpu.vector_load_idx %arg9[%gather3A, %broadcast_in_dim3A_157] : memref<10240x8xf32, #tpu.memory_space<vmem>>[vector<16xi32>, vector<16xi32>], vector<16xf32>,
        %gather3A_159 = tpu.vector_load_idx %arg9[%gather3A_123, %broadcast_in_dim3A_157] : memref<10240x8xf32, #tpu.memory_space<vmem>>[vector<16xi32>, vector<16xi32>], vector<16xf32>,
        %mul3A_160 = arith.mulf %gather3A_158, %gather3A_159 : vector<16xf32>
        %add3A_161 = arith.addf %add3A_155, %mul3A_160 : vector<16xf32>
        %broadcast_in_dim3A_162 = arith.constant 6 : i32
        %broadcast_in_dim3A_163 = vector.broadcast %broadcast_in_dim3A_162 : i32 to vector<16xi32>
        %gather3A_164 = tpu.vector_load_idx %arg9[%gather3A, %broadcast_in_dim3A_163] : memref<10240x8xf32, #tpu.memory_space<vmem>>[vector<16xi32>, vector<16xi32>], vector<16xf32>,
        %gather3A_165 = tpu.vector_load_idx %arg9[%gather3A_123, %broadcast_in_dim3A_163] : memref<10240x8xf32, #tpu.memory_space<vmem>>[vector<16xi32>, vector<16xi32>], vector<16xf32>,
        %mul3A_166 = arith.mulf %gather3A_164, %gather3A_165 : vector<16xf32>
        %add3A_167 = arith.addf %add3A_161, %mul3A_166 : vector<16xf32>
        %broadcast_in_dim3A_168 = arith.constant 7 : i32
        %broadcast_in_dim3A_169 = vector.broadcast %broadcast_in_dim3A_168 : i32 to vector<16xi32>
        %gather3A_170 = tpu.vector_load_idx %arg9[%gather3A, %broadcast_in_dim3A_169] : memref<10240x8xf32, #tpu.memory_space<vmem>>[vector<16xi32>, vector<16xi32>], vector<16xf32>,
        %gather3A_171 = tpu.vector_load_idx %arg9[%gather3A_123, %broadcast_in_dim3A_169] : memref<10240x8xf32, #tpu.memory_space<vmem>>[vector<16xi32>, vector<16xi32>], vector<16xf32>,
        %mul3A_172 = arith.mulf %gather3A_170, %gather3A_171 : vector<16xf32>
        %add3A_173 = arith.addf %add3A_167, %mul3A_172 : vector<16xf32>
        tpu.vector_store_idx %arg14[%broadcast_in_dim3A, %add3A_122], %add3A_173 : memref<40x128xf32, #tpu.memory_space<vmem>>[vector<16xi32>, vector<16xi32>], vector<16xf32>,
        %add3A_174 = arith.constant 16 : i32
        %add3A_175 = vector.broadcast %add3A_174 : i32 to vector<16xi32>
        %add3A_176 = arith.addi %add3A_175, %iota3A : vector<16xi32>
        %gather3A_177 = tpu.vector_load_idx %arg10[%broadcast_in_dim3A, %add3A_176] : memref<40x128xi32, #tpu.memory_space<vmem>>[vector<16xi32>, vector<16xi32>], vector<16xi32>,
        %gather3A_178 = tpu.vector_load_idx %arg12[%broadcast_in_dim3A, %add3A_176] : memref<40x128xi32, #tpu.memory_space<vmem>>[vector<16xi32>, vector<16xi32>], vector<16xi32>,
        %broadcast_in_dim3A_179 = arith.constant 0.000000e+00 : f32
        %broadcast_in_dim3A_180 = vector.broadcast %broadcast_in_dim3A_179 : f32 to vector<16xf32>
        %broadcast_in_dim3A_181 = arith.constant 0 : i32
        %broadcast_in_dim3A_182 = vector.broadcast %broadcast_in_dim3A_181 : i32 to vector<16xi32>
        %gather3A_183 = tpu.vector_load_idx %arg9[%gather3A_177, %broadcast_in_dim3A_182] : memref<10240x8xf32, #tpu.memory_space<vmem>>[vector<16xi32>, vector<16xi32>], vector<16xf32>,
        %gather3A_184 = tpu.vector_load_idx %arg9[%gather3A_178, %broadcast_in_dim3A_182] : memref<10240x8xf32, #tpu.memory_space<vmem>>[vector<16xi32>, vector<16xi32>], vector<16xf32>,
        %mul3A_185 = arith.mulf %gather3A_183, %gather3A_184 : vector<16xf32>
        %add3A_186 = arith.addf %broadcast_in_dim3A_180, %mul3A_185 : vector<16xf32>
        %broadcast_in_dim3A_187 = arith.constant 1 : i32
        %broadcast_in_dim3A_188 = vector.broadcast %broadcast_in_dim3A_187 : i32 to vector<16xi32>
        %gather3A_189 = tpu.vector_load_idx %arg9[%gather3A_177, %broadcast_in_dim3A_188] : memref<10240x8xf32, #tpu.memory_space<vmem>>[vector<16xi32>, vector<16xi32>], vector<16xf32>,
        %gather3A_190 = tpu.vector_load_idx %arg9[%gather3A_178, %broadcast_in_dim3A_188] : memref<10240x8xf32, #tpu.memory_space<vmem>>[vector<16xi32>, vector<16xi32>], vector<16xf32>,
        %mul3A_191 = arith.mulf %gather3A_189, %gather3A_190 : vector<16xf32>
        %add3A_192 = arith.addf %add3A_186, %mul3A_191 : vector<16xf32>
        %broadcast_in_dim3A_193 = arith.constant 2 : i32
        %broadcast_in_dim3A_194 = vector.broadcast %broadcast_in_dim3A_193 : i32 to vector<16xi32>
        %gather3A_195 = tpu.vector_load_idx %arg9[%gather3A_177, %broadcast_in_dim3A_194] : memref<10240x8xf32, #tpu.memory_space<vmem>>[vector<16xi32>, vector<16xi32>], vector<16xf32>,
        %gather3A_196 = tpu.vector_load_idx %arg9[%gather3A_178, %broadcast_in_dim3A_194] : memref<10240x8xf32, #tpu.memory_space<vmem>>[vector<16xi32>, vector<16xi32>], vector<16xf32>,
        %mul3A_197 = arith.mulf %gather3A_195, %gather3A_196 : vector<16xf32>
        %add3A_198 = arith.addf %add3A_192, %mul3A_197 : vector<16xf32>
        %broadcast_in_dim3A_199 = arith.constant 3 : i32
        %broadcast_in_dim3A_200 = vector.broadcast %broadcast_in_dim3A_199 : i32 to vector<16xi32>
        %gather3A_201 = tpu.vector_load_idx %arg9[%gather3A_177, %broadcast_in_dim3A_200] : memref<10240x8xf32, #tpu.memory_space<vmem>>[vector<16xi32>, vector<16xi32>], vector<16xf32>,
        %gather3A_202 = tpu.vector_load_idx %arg9[%gather3A_178, %broadcast_in_dim3A_200] : memref<10240x8xf32, #tpu.memory_space<vmem>>[vector<16xi32>, vector<16xi32>], vector<16xf32>,
        %mul3A_203 = arith.mulf %gather3A_201, %gather3A_202 : vector<16xf32>
        %add3A_204 = arith.addf %add3A_198, %mul3A_203 : vector<16xf32>
        %broadcast_in_dim3A_205 = arith.constant 4 : i32
        %broadcast_in_dim3A_206 = vector.broadcast %broadcast_in_dim3A_205 : i32 to vector<16xi32>
        %gather3A_207 = tpu.vector_load_idx %arg9[%gather3A_177, %broadcast_in_dim3A_206] : memref<10240x8xf32, #tpu.memory_space<vmem>>[vector<16xi32>, vector<16xi32>], vector<16xf32>,
        %gather3A_208 = tpu.vector_load_idx %arg9[%gather3A_178, %broadcast_in_dim3A_206] : memref<10240x8xf32, #tpu.memory_space<vmem>>[vector<16xi32>, vector<16xi32>], vector<16xf32>,
        %mul3A_209 = arith.mulf %gather3A_207, %gather3A_208 : vector<16xf32>
        %add3A_210 = arith.addf %add3A_204, %mul3A_209 : vector<16xf32>
        %broadcast_in_dim3A_211 = arith.constant 5 : i32
        %broadcast_in_dim3A_212 = vector.broadcast %broadcast_in_dim3A_211 : i32 to vector<16xi32>
        %gather3A_213 = tpu.vector_load_idx %arg9[%gather3A_177, %broadcast_in_dim3A_212] : memref<10240x8xf32, #tpu.memory_space<vmem>>[vector<16xi32>, vector<16xi32>], vector<16xf32>,
        %gather3A_214 = tpu.vector_load_idx %arg9[%gather3A_178, %broadcast_in_dim3A_212] : memref<10240x8xf32, #tpu.memory_space<vmem>>[vector<16xi32>, vector<16xi32>], vector<16xf32>,
        %mul3A_215 = arith.mulf %gather3A_213, %gather3A_214 : vector<16xf32>
        %add3A_216 = arith.addf %add3A_210, %mul3A_215 : vector<16xf32>
        %broadcast_in_dim3A_217 = arith.constant 6 : i32
        %broadcast_in_dim3A_218 = vector.broadcast %broadcast_in_dim3A_217 : i32 to vector<16xi32>
        %gather3A_219 = tpu.vector_load_idx %arg9[%gather3A_177, %broadcast_in_dim3A_218] : memref<10240x8xf32, #tpu.memory_space<vmem>>[vector<16xi32>, vector<16xi32>], vector<16xf32>,
        %gather3A_220 = tpu.vector_load_idx %arg9[%gather3A_178, %broadcast_in_dim3A_218] : memref<10240x8xf32, #tpu.memory_space<vmem>>[vector<16xi32>, vector<16xi32>], vector<16xf32>,
        %mul3A_221 = arith.mulf %gather3A_219, %gather3A_220 : vector<16xf32>
        %add3A_222 = arith.addf %add3A_216, %mul3A_221 : vector<16xf32>
        %broadcast_in_dim3A_223 = arith.constant 7 : i32
        %broadcast_in_dim3A_224 = vector.broadcast %broadcast_in_dim3A_223 : i32 to vector<16xi32>
        %gather3A_225 = tpu.vector_load_idx %arg9[%gather3A_177, %broadcast_in_dim3A_224] : memref<10240x8xf32, #tpu.memory_space<vmem>>[vector<16xi32>, vector<16xi32>], vector<16xf32>,
        %gather3A_226 = tpu.vector_load_idx %arg9[%gather3A_178, %broadcast_in_dim3A_224] : memref<10240x8xf32, #tpu.memory_space<vmem>>[vector<16xi32>, vector<16xi32>], vector<16xf32>,
        %mul3A_227 = arith.mulf %gather3A_225, %gather3A_226 : vector<16xf32>
        %add3A_228 = arith.addf %add3A_222, %mul3A_227 : vector<16xf32>
        tpu.vector_store_idx %arg14[%broadcast_in_dim3A, %add3A_176], %add3A_228 : memref<40x128xf32, #tpu.memory_space<vmem>>[vector<16xi32>, vector<16xi32>], vector<16xf32>,
        %add3A_229 = arith.constant 32 : i32
        %add3A_230 = vector.broadcast %add3A_229 : i32 to vector<16xi32>
        %add3A_231 = arith.addi %add3A_230, %iota3A : vector<16xi32>
        %gather3A_232 = tpu.vector_load_idx %arg10[%broadcast_in_dim3A, %add3A_231] : memref<40x128xi32, #tpu.memory_space<vmem>>[vector<16xi32>, vector<16xi32>], vector<16xi32>,
        %gather3A_233 = tpu.vector_load_idx %arg12[%broadcast_in_dim3A, %add3A_231] : memref<40x128xi32, #tpu.memory_space<vmem>>[vector<16xi32>, vector<16xi32>], vector<16xi32>,
        %broadcast_in_dim3A_234 = arith.constant 0.000000e+00 : f32
        %broadcast_in_dim3A_235 = vector.broadcast %broadcast_in_dim3A_234 : f32 to vector<16xf32>
        %broadcast_in_dim3A_236 = arith.constant 0 : i32
        %broadcast_in_dim3A_237 = vector.broadcast %broadcast_in_dim3A_236 : i32 to vector<16xi32>
        %gather3A_238 = tpu.vector_load_idx %arg9[%gather3A_232, %broadcast_in_dim3A_237] : memref<10240x8xf32, #tpu.memory_space<vmem>>[vector<16xi32>, vector<16xi32>], vector<16xf32>,
        %gather3A_239 = tpu.vector_load_idx %arg9[%gather3A_233, %broadcast_in_dim3A_237] : memref<10240x8xf32, #tpu.memory_space<vmem>>[vector<16xi32>, vector<16xi32>], vector<16xf32>,
        %mul3A_240 = arith.mulf %gather3A_238, %gather3A_239 : vector<16xf32>
        %add3A_241 = arith.addf %broadcast_in_dim3A_235, %mul3A_240 : vector<16xf32>
        %broadcast_in_dim3A_242 = arith.constant 1 : i32
        %broadcast_in_dim3A_243 = vector.broadcast %broadcast_in_dim3A_242 : i32 to vector<16xi32>
        %gather3A_244 = tpu.vector_load_idx %arg9[%gather3A_232, %broadcast_in_dim3A_243] : memref<10240x8xf32, #tpu.memory_space<vmem>>[vector<16xi32>, vector<16xi32>], vector<16xf32>,
        %gather3A_245 = tpu.vector_load_idx %arg9[%gather3A_233, %broadcast_in_dim3A_243] : memref<10240x8xf32, #tpu.memory_space<vmem>>[vector<16xi32>, vector<16xi32>], vector<16xf32>,
        %mul3A_246 = arith.mulf %gather3A_244, %gather3A_245 : vector<16xf32>
        %add3A_247 = arith.addf %add3A_241, %mul3A_246 : vector<16xf32>
        %broadcast_in_dim3A_248 = arith.constant 2 : i32
        %broadcast_in_dim3A_249 = vector.broadcast %broadcast_in_dim3A_248 : i32 to vector<16xi32>
        %gather3A_250 = tpu.vector_load_idx %arg9[%gather3A_232, %broadcast_in_dim3A_249] : memref<10240x8xf32, #tpu.memory_space<vmem>>[vector<16xi32>, vector<16xi32>], vector<16xf32>,
        %gather3A_251 = tpu.vector_load_idx %arg9[%gather3A_233, %broadcast_in_dim3A_249] : memref<10240x8xf32, #tpu.memory_space<vmem>>[vector<16xi32>, vector<16xi32>], vector<16xf32>,
        %mul3A_252 = arith.mulf %gather3A_250, %gather3A_251 : vector<16xf32>
        %add3A_253 = arith.addf %add3A_247, %mul3A_252 : vector<16xf32>
        %broadcast_in_dim3A_254 = arith.constant 3 : i32
        %broadcast_in_dim3A_255 = vector.broadcast %broadcast_in_dim3A_254 : i32 to vector<16xi32>
        %gather3A_256 = tpu.vector_load_idx %arg9[%gather3A_232, %broadcast_in_dim3A_255] : memref<10240x8xf32, #tpu.memory_space<vmem>>[vector<16xi32>, vector<16xi32>], vector<16xf32>,
        %gather3A_257 = tpu.vector_load_idx %arg9[%gather3A_233, %broadcast_in_dim3A_255] : memref<10240x8xf32, #tpu.memory_space<vmem>>[vector<16xi32>, vector<16xi32>], vector<16xf32>,
        %mul3A_258 = arith.mulf %gather3A_256, %gather3A_257 : vector<16xf32>
        %add3A_259 = arith.addf %add3A_253, %mul3A_258 : vector<16xf32>
        %broadcast_in_dim3A_260 = arith.constant 4 : i32
        %broadcast_in_dim3A_261 = vector.broadcast %broadcast_in_dim3A_260 : i32 to vector<16xi32>
        %gather3A_262 = tpu.vector_load_idx %arg9[%gather3A_232, %broadcast_in_dim3A_261] : memref<10240x8xf32, #tpu.memory_space<vmem>>[vector<16xi32>, vector<16xi32>], vector<16xf32>,
        %gather3A_263 = tpu.vector_load_idx %arg9[%gather3A_233, %broadcast_in_dim3A_261] : memref<10240x8xf32, #tpu.memory_space<vmem>>[vector<16xi32>, vector<16xi32>], vector<16xf32>,
        %mul3A_264 = arith.mulf %gather3A_262, %gather3A_263 : vector<16xf32>
        %add3A_265 = arith.addf %add3A_259, %mul3A_264 : vector<16xf32>
        %broadcast_in_dim3A_266 = arith.constant 5 : i32
        %broadcast_in_dim3A_267 = vector.broadcast %broadcast_in_dim3A_266 : i32 to vector<16xi32>
        %gather3A_268 = tpu.vector_load_idx %arg9[%gather3A_232, %broadcast_in_dim3A_267] : memref<10240x8xf32, #tpu.memory_space<vmem>>[vector<16xi32>, vector<16xi32>], vector<16xf32>,
        %gather3A_269 = tpu.vector_load_idx %arg9[%gather3A_233, %broadcast_in_dim3A_267] : memref<10240x8xf32, #tpu.memory_space<vmem>>[vector<16xi32>, vector<16xi32>], vector<16xf32>,
        %mul3A_270 = arith.mulf %gather3A_268, %gather3A_269 : vector<16xf32>
        %add3A_271 = arith.addf %add3A_265, %mul3A_270 : vector<16xf32>
        %broadcast_in_dim3A_272 = arith.constant 6 : i32
        %broadcast_in_dim3A_273 = vector.broadcast %broadcast_in_dim3A_272 : i32 to vector<16xi32>
        %gather3A_274 = tpu.vector_load_idx %arg9[%gather3A_232, %broadcast_in_dim3A_273] : memref<10240x8xf32, #tpu.memory_space<vmem>>[vector<16xi32>, vector<16xi32>], vector<16xf32>,
        %gather3A_275 = tpu.vector_load_idx %arg9[%gather3A_233, %broadcast_in_dim3A_273] : memref<10240x8xf32, #tpu.memory_space<vmem>>[vector<16xi32>, vector<16xi32>], vector<16xf32>,
        %mul3A_276 = arith.mulf %gather3A_274, %gather3A_275 : vector<16xf32>
        %add3A_277 = arith.addf %add3A_271, %mul3A_276 : vector<16xf32>
        %broadcast_in_dim3A_278 = arith.constant 7 : i32
        %broadcast_in_dim3A_279 = vector.broadcast %broadcast_in_dim3A_278 : i32 to vector<16xi32>
        %gather3A_280 = tpu.vector_load_idx %arg9[%gather3A_232, %broadcast_in_dim3A_279] : memref<10240x8xf32, #tpu.memory_space<vmem>>[vector<16xi32>, vector<16xi32>], vector<16xf32>,
        %gather3A_281 = tpu.vector_load_idx %arg9[%gather3A_233, %broadcast_in_dim3A_279] : memref<10240x8xf32, #tpu.memory_space<vmem>>[vector<16xi32>, vector<16xi32>], vector<16xf32>,
        %mul3A_282 = arith.mulf %gather3A_280, %gather3A_281 : vector<16xf32>
        %add3A_283 = arith.addf %add3A_277, %mul3A_282 : vector<16xf32>
        tpu.vector_store_idx %arg14[%broadcast_in_dim3A, %add3A_231], %add3A_283 : memref<40x128xf32, #tpu.memory_space<vmem>>[vector<16xi32>, vector<16xi32>], vector<16xf32>,
        %add3A_284 = arith.constant 48 : i32
        %add3A_285 = vector.broadcast %add3A_284 : i32 to vector<16xi32>
        %add3A_286 = arith.addi %add3A_285, %iota3A : vector<16xi32>
        %gather3A_287 = tpu.vector_load_idx %arg10[%broadcast_in_dim3A, %add3A_286] : memref<40x128xi32, #tpu.memory_space<vmem>>[vector<16xi32>, vector<16xi32>], vector<16xi32>,
        %gather3A_288 = tpu.vector_load_idx %arg12[%broadcast_in_dim3A, %add3A_286] : memref<40x128xi32, #tpu.memory_space<vmem>>[vector<16xi32>, vector<16xi32>], vector<16xi32>,
        %broadcast_in_dim3A_289 = arith.constant 0.000000e+00 : f32
        %broadcast_in_dim3A_290 = vector.broadcast %broadcast_in_dim3A_289 : f32 to vector<16xf32>
        %broadcast_in_dim3A_291 = arith.constant 0 : i32
        %broadcast_in_dim3A_292 = vector.broadcast %broadcast_in_dim3A_291 : i32 to vector<16xi32>
        %gather3A_293 = tpu.vector_load_idx %arg9[%gather3A_287, %broadcast_in_dim3A_292] : memref<10240x8xf32, #tpu.memory_space<vmem>>[vector<16xi32>, vector<16xi32>], vector<16xf32>,
        %gather3A_294 = tpu.vector_load_idx %arg9[%gather3A_288, %broadcast_in_dim3A_292] : memref<10240x8xf32, #tpu.memory_space<vmem>>[vector<16xi32>, vector<16xi32>], vector<16xf32>,
        %mul3A_295 = arith.mulf %gather3A_293, %gather3A_294 : vector<16xf32>
        %add3A_296 = arith.addf %broadcast_in_dim3A_290, %mul3A_295 : vector<16xf32>
        %broadcast_in_dim3A_297 = arith.constant 1 : i32
        %broadcast_in_dim3A_298 = vector.broadcast %broadcast_in_dim3A_297 : i32 to vector<16xi32>
        %gather3A_299 = tpu.vector_load_idx %arg9[%gather3A_287, %broadcast_in_dim3A_298] : memref<10240x8xf32, #tpu.memory_space<vmem>>[vector<16xi32>, vector<16xi32>], vector<16xf32>,
        %gather3A_300 = tpu.vector_load_idx %arg9[%gather3A_288, %broadcast_in_dim3A_298] : memref<10240x8xf32, #tpu.memory_space<vmem>>[vector<16xi32>, vector<16xi32>], vector<16xf32>,
        %mul3A_301 = arith.mulf %gather3A_299, %gather3A_300 : vector<16xf32>
        %add3A_302 = arith.addf %add3A_296, %mul3A_301 : vector<16xf32>
        %broadcast_in_dim3A_303 = arith.constant 2 : i32
        %broadcast_in_dim3A_304 = vector.broadcast %broadcast_in_dim3A_303 : i32 to vector<16xi32>
        %gather3A_305 = tpu.vector_load_idx %arg9[%gather3A_287, %broadcast_in_dim3A_304] : memref<10240x8xf32, #tpu.memory_space<vmem>>[vector<16xi32>, vector<16xi32>], vector<16xf32>,
        %gather3A_306 = tpu.vector_load_idx %arg9[%gather3A_288, %broadcast_in_dim3A_304] : memref<10240x8xf32, #tpu.memory_space<vmem>>[vector<16xi32>, vector<16xi32>], vector<16xf32>,
        %mul3A_307 = arith.mulf %gather3A_305, %gather3A_306 : vector<16xf32>
        %add3A_308 = arith.addf %add3A_302, %mul3A_307 : vector<16xf32>
        %broadcast_in_dim3A_309 = arith.constant 3 : i32
        %broadcast_in_dim3A_310 = vector.broadcast %broadcast_in_dim3A_309 : i32 to vector<16xi32>
        %gather3A_311 = tpu.vector_load_idx %arg9[%gather3A_287, %broadcast_in_dim3A_310] : memref<10240x8xf32, #tpu.memory_space<vmem>>[vector<16xi32>, vector<16xi32>], vector<16xf32>,
        %gather3A_312 = tpu.vector_load_idx %arg9[%gather3A_288, %broadcast_in_dim3A_310] : memref<10240x8xf32, #tpu.memory_space<vmem>>[vector<16xi32>, vector<16xi32>], vector<16xf32>,
        %mul3A_313 = arith.mulf %gather3A_311, %gather3A_312 : vector<16xf32>
        %add3A_314 = arith.addf %add3A_308, %mul3A_313 : vector<16xf32>
        %broadcast_in_dim3A_315 = arith.constant 4 : i32
        %broadcast_in_dim3A_316 = vector.broadcast %broadcast_in_dim3A_315 : i32 to vector<16xi32>
        %gather3A_317 = tpu.vector_load_idx %arg9[%gather3A_287, %broadcast_in_dim3A_316] : memref<10240x8xf32, #tpu.memory_space<vmem>>[vector<16xi32>, vector<16xi32>], vector<16xf32>,
        %gather3A_318 = tpu.vector_load_idx %arg9[%gather3A_288, %broadcast_in_dim3A_316] : memref<10240x8xf32, #tpu.memory_space<vmem>>[vector<16xi32>, vector<16xi32>], vector<16xf32>,
        %mul3A_319 = arith.mulf %gather3A_317, %gather3A_318 : vector<16xf32>
        %add3A_320 = arith.addf %add3A_314, %mul3A_319 : vector<16xf32>
        %broadcast_in_dim3A_321 = arith.constant 5 : i32
        %broadcast_in_dim3A_322 = vector.broadcast %broadcast_in_dim3A_321 : i32 to vector<16xi32>
        %gather3A_323 = tpu.vector_load_idx %arg9[%gather3A_287, %broadcast_in_dim3A_322] : memref<10240x8xf32, #tpu.memory_space<vmem>>[vector<16xi32>, vector<16xi32>], vector<16xf32>,
        %gather3A_324 = tpu.vector_load_idx %arg9[%gather3A_288, %broadcast_in_dim3A_322] : memref<10240x8xf32, #tpu.memory_space<vmem>>[vector<16xi32>, vector<16xi32>], vector<16xf32>,
        %mul3A_325 = arith.mulf %gather3A_323, %gather3A_324 : vector<16xf32>
        %add3A_326 = arith.addf %add3A_320, %mul3A_325 : vector<16xf32>
        %broadcast_in_dim3A_327 = arith.constant 6 : i32
        %broadcast_in_dim3A_328 = vector.broadcast %broadcast_in_dim3A_327 : i32 to vector<16xi32>
        %gather3A_329 = tpu.vector_load_idx %arg9[%gather3A_287, %broadcast_in_dim3A_328] : memref<10240x8xf32, #tpu.memory_space<vmem>>[vector<16xi32>, vector<16xi32>], vector<16xf32>,
        %gather3A_330 = tpu.vector_load_idx %arg9[%gather3A_288, %broadcast_in_dim3A_328] : memref<10240x8xf32, #tpu.memory_space<vmem>>[vector<16xi32>, vector<16xi32>], vector<16xf32>,
        %mul3A_331 = arith.mulf %gather3A_329, %gather3A_330 : vector<16xf32>
        %add3A_332 = arith.addf %add3A_326, %mul3A_331 : vector<16xf32>
        %broadcast_in_dim3A_333 = arith.constant 7 : i32
        %broadcast_in_dim3A_334 = vector.broadcast %broadcast_in_dim3A_333 : i32 to vector<16xi32>
        %gather3A_335 = tpu.vector_load_idx %arg9[%gather3A_287, %broadcast_in_dim3A_334] : memref<10240x8xf32, #tpu.memory_space<vmem>>[vector<16xi32>, vector<16xi32>], vector<16xf32>,
        %gather3A_336 = tpu.vector_load_idx %arg9[%gather3A_288, %broadcast_in_dim3A_334] : memref<10240x8xf32, #tpu.memory_space<vmem>>[vector<16xi32>, vector<16xi32>], vector<16xf32>,
        %mul3A_337 = arith.mulf %gather3A_335, %gather3A_336 : vector<16xf32>
        %add3A_338 = arith.addf %add3A_332, %mul3A_337 : vector<16xf32>
        tpu.vector_store_idx %arg14[%broadcast_in_dim3A, %add3A_286], %add3A_338 : memref<40x128xf32, #tpu.memory_space<vmem>>[vector<16xi32>, vector<16xi32>], vector<16xf32>,
        %add3A_339 = arith.constant 64 : i32
        %add3A_340 = vector.broadcast %add3A_339 : i32 to vector<16xi32>
        %add3A_341 = arith.addi %add3A_340, %iota3A : vector<16xi32>
        %gather3A_342 = tpu.vector_load_idx %arg10[%broadcast_in_dim3A, %add3A_341] : memref<40x128xi32, #tpu.memory_space<vmem>>[vector<16xi32>, vector<16xi32>], vector<16xi32>,
        %gather3A_343 = tpu.vector_load_idx %arg12[%broadcast_in_dim3A, %add3A_341] : memref<40x128xi32, #tpu.memory_space<vmem>>[vector<16xi32>, vector<16xi32>], vector<16xi32>,
        %broadcast_in_dim3A_344 = arith.constant 0.000000e+00 : f32
        %broadcast_in_dim3A_345 = vector.broadcast %broadcast_in_dim3A_344 : f32 to vector<16xf32>
        %broadcast_in_dim3A_346 = arith.constant 0 : i32
        %broadcast_in_dim3A_347 = vector.broadcast %broadcast_in_dim3A_346 : i32 to vector<16xi32>
        %gather3A_348 = tpu.vector_load_idx %arg9[%gather3A_342, %broadcast_in_dim3A_347] : memref<10240x8xf32, #tpu.memory_space<vmem>>[vector<16xi32>, vector<16xi32>], vector<16xf32>,
        %gather3A_349 = tpu.vector_load_idx %arg9[%gather3A_343, %broadcast_in_dim3A_347] : memref<10240x8xf32, #tpu.memory_space<vmem>>[vector<16xi32>, vector<16xi32>], vector<16xf32>,
        %mul3A_350 = arith.mulf %gather3A_348, %gather3A_349 : vector<16xf32>
        %add3A_351 = arith.addf %broadcast_in_dim3A_345, %mul3A_350 : vector<16xf32>
        %broadcast_in_dim3A_352 = arith.constant 1 : i32
        %broadcast_in_dim3A_353 = vector.broadcast %broadcast_in_dim3A_352 : i32 to vector<16xi32>
        %gather3A_354 = tpu.vector_load_idx %arg9[%gather3A_342, %broadcast_in_dim3A_353] : memref<10240x8xf32, #tpu.memory_space<vmem>>[vector<16xi32>, vector<16xi32>], vector<16xf32>,
        %gather3A_355 = tpu.vector_load_idx %arg9[%gather3A_343, %broadcast_in_dim3A_353] : memref<10240x8xf32, #tpu.memory_space<vmem>>[vector<16xi32>, vector<16xi32>], vector<16xf32>,
        %mul3A_356 = arith.mulf %gather3A_354, %gather3A_355 : vector<16xf32>
        %add3A_357 = arith.addf %add3A_351, %mul3A_356 : vector<16xf32>
        %broadcast_in_dim3A_358 = arith.constant 2 : i32
        %broadcast_in_dim3A_359 = vector.broadcast %broadcast_in_dim3A_358 : i32 to vector<16xi32>
        %gather3A_360 = tpu.vector_load_idx %arg9[%gather3A_342, %broadcast_in_dim3A_359] : memref<10240x8xf32, #tpu.memory_space<vmem>>[vector<16xi32>, vector<16xi32>], vector<16xf32>,
        %gather3A_361 = tpu.vector_load_idx %arg9[%gather3A_343, %broadcast_in_dim3A_359] : memref<10240x8xf32, #tpu.memory_space<vmem>>[vector<16xi32>, vector<16xi32>], vector<16xf32>,
        %mul3A_362 = arith.mulf %gather3A_360, %gather3A_361 : vector<16xf32>
        %add3A_363 = arith.addf %add3A_357, %mul3A_362 : vector<16xf32>
        %broadcast_in_dim3A_364 = arith.constant 3 : i32
        %broadcast_in_dim3A_365 = vector.broadcast %broadcast_in_dim3A_364 : i32 to vector<16xi32>
        %gather3A_366 = tpu.vector_load_idx %arg9[%gather3A_342, %broadcast_in_dim3A_365] : memref<10240x8xf32, #tpu.memory_space<vmem>>[vector<16xi32>, vector<16xi32>], vector<16xf32>,
        %gather3A_367 = tpu.vector_load_idx %arg9[%gather3A_343, %broadcast_in_dim3A_365] : memref<10240x8xf32, #tpu.memory_space<vmem>>[vector<16xi32>, vector<16xi32>], vector<16xf32>,
        %mul3A_368 = arith.mulf %gather3A_366, %gather3A_367 : vector<16xf32>
        %add3A_369 = arith.addf %add3A_363, %mul3A_368 : vector<16xf32>
        %broadcast_in_dim3A_370 = arith.constant 4 : i32
        %broadcast_in_dim3A_371 = vector.broadcast %broadcast_in_dim3A_370 : i32 to vector<16xi32>
        %gather3A_372 = tpu.vector_load_idx %arg9[%gather3A_342, %broadcast_in_dim3A_371] : memref<10240x8xf32, #tpu.memory_space<vmem>>[vector<16xi32>, vector<16xi32>], vector<16xf32>,
        %gather3A_373 = tpu.vector_load_idx %arg9[%gather3A_343, %broadcast_in_dim3A_371] : memref<10240x8xf32, #tpu.memory_space<vmem>>[vector<16xi32>, vector<16xi32>], vector<16xf32>,
        %mul3A_374 = arith.mulf %gather3A_372, %gather3A_373 : vector<16xf32>
        %add3A_375 = arith.addf %add3A_369, %mul3A_374 : vector<16xf32>
        %broadcast_in_dim3A_376 = arith.constant 5 : i32
        %broadcast_in_dim3A_377 = vector.broadcast %broadcast_in_dim3A_376 : i32 to vector<16xi32>
        %gather3A_378 = tpu.vector_load_idx %arg9[%gather3A_342, %broadcast_in_dim3A_377] : memref<10240x8xf32, #tpu.memory_space<vmem>>[vector<16xi32>, vector<16xi32>], vector<16xf32>,
        %gather3A_379 = tpu.vector_load_idx %arg9[%gather3A_343, %broadcast_in_dim3A_377] : memref<10240x8xf32, #tpu.memory_space<vmem>>[vector<16xi32>, vector<16xi32>], vector<16xf32>,
        %mul3A_380 = arith.mulf %gather3A_378, %gather3A_379 : vector<16xf32>
        %add3A_381 = arith.addf %add3A_375, %mul3A_380 : vector<16xf32>
        %broadcast_in_dim3A_382 = arith.constant 6 : i32
        %broadcast_in_dim3A_383 = vector.broadcast %broadcast_in_dim3A_382 : i32 to vector<16xi32>
        %gather3A_384 = tpu.vector_load_idx %arg9[%gather3A_342, %broadcast_in_dim3A_383] : memref<10240x8xf32, #tpu.memory_space<vmem>>[vector<16xi32>, vector<16xi32>], vector<16xf32>,
        %gather3A_385 = tpu.vector_load_idx %arg9[%gather3A_343, %broadcast_in_dim3A_383] : memref<10240x8xf32, #tpu.memory_space<vmem>>[vector<16xi32>, vector<16xi32>], vector<16xf32>,
        %mul3A_386 = arith.mulf %gather3A_384, %gather3A_385 : vector<16xf32>
        %add3A_387 = arith.addf %add3A_381, %mul3A_386 : vector<16xf32>
        %broadcast_in_dim3A_388 = arith.constant 7 : i32
        %broadcast_in_dim3A_389 = vector.broadcast %broadcast_in_dim3A_388 : i32 to vector<16xi32>
        %gather3A_390 = tpu.vector_load_idx %arg9[%gather3A_342, %broadcast_in_dim3A_389] : memref<10240x8xf32, #tpu.memory_space<vmem>>[vector<16xi32>, vector<16xi32>], vector<16xf32>,
        %gather3A_391 = tpu.vector_load_idx %arg9[%gather3A_343, %broadcast_in_dim3A_389] : memref<10240x8xf32, #tpu.memory_space<vmem>>[vector<16xi32>, vector<16xi32>], vector<16xf32>,
        %mul3A_392 = arith.mulf %gather3A_390, %gather3A_391 : vector<16xf32>
        %add3A_393 = arith.addf %add3A_387, %mul3A_392 : vector<16xf32>
        tpu.vector_store_idx %arg14[%broadcast_in_dim3A, %add3A_341], %add3A_393 : memref<40x128xf32, #tpu.memory_space<vmem>>[vector<16xi32>, vector<16xi32>], vector<16xf32>,
        %add3A_394 = arith.constant 80 : i32
        %add3A_395 = vector.broadcast %add3A_394 : i32 to vector<16xi32>
        %add3A_396 = arith.addi %add3A_395, %iota3A : vector<16xi32>
        %gather3A_397 = tpu.vector_load_idx %arg10[%broadcast_in_dim3A, %add3A_396] : memref<40x128xi32, #tpu.memory_space<vmem>>[vector<16xi32>, vector<16xi32>], vector<16xi32>,
        %gather3A_398 = tpu.vector_load_idx %arg12[%broadcast_in_dim3A, %add3A_396] : memref<40x128xi32, #tpu.memory_space<vmem>>[vector<16xi32>, vector<16xi32>], vector<16xi32>,
        %broadcast_in_dim3A_399 = arith.constant 0.000000e+00 : f32
        %broadcast_in_dim3A_400 = vector.broadcast %broadcast_in_dim3A_399 : f32 to vector<16xf32>
        %broadcast_in_dim3A_401 = arith.constant 0 : i32
        %broadcast_in_dim3A_402 = vector.broadcast %broadcast_in_dim3A_401 : i32 to vector<16xi32>
        %gather3A_403 = tpu.vector_load_idx %arg9[%gather3A_397, %broadcast_in_dim3A_402] : memref<10240x8xf32, #tpu.memory_space<vmem>>[vector<16xi32>, vector<16xi32>], vector<16xf32>,
        %gather3A_404 = tpu.vector_load_idx %arg9[%gather3A_398, %broadcast_in_dim3A_402] : memref<10240x8xf32, #tpu.memory_space<vmem>>[vector<16xi32>, vector<16xi32>], vector<16xf32>,
        %mul3A_405 = arith.mulf %gather3A_403, %gather3A_404 : vector<16xf32>
        %add3A_406 = arith.addf %broadcast_in_dim3A_400, %mul3A_405 : vector<16xf32>
        %broadcast_in_dim3A_407 = arith.constant 1 : i32
        %broadcast_in_dim3A_408 = vector.broadcast %broadcast_in_dim3A_407 : i32 to vector<16xi32>
        %gather3A_409 = tpu.vector_load_idx %arg9[%gather3A_397, %broadcast_in_dim3A_408] : memref<10240x8xf32, #tpu.memory_space<vmem>>[vector<16xi32>, vector<16xi32>], vector<16xf32>,
        %gather3A_410 = tpu.vector_load_idx %arg9[%gather3A_398, %broadcast_in_dim3A_408] : memref<10240x8xf32, #tpu.memory_space<vmem>>[vector<16xi32>, vector<16xi32>], vector<16xf32>,
        %mul3A_411 = arith.mulf %gather3A_409, %gather3A_410 : vector<16xf32>
        %add3A_412 = arith.addf %add3A_406, %mul3A_411 : vector<16xf32>
        %broadcast_in_dim3A_413 = arith.constant 2 : i32
        %broadcast_in_dim3A_414 = vector.broadcast %broadcast_in_dim3A_413 : i32 to vector<16xi32>
        %gather3A_415 = tpu.vector_load_idx %arg9[%gather3A_397, %broadcast_in_dim3A_414] : memref<10240x8xf32, #tpu.memory_space<vmem>>[vector<16xi32>, vector<16xi32>], vector<16xf32>,
        %gather3A_416 = tpu.vector_load_idx %arg9[%gather3A_398, %broadcast_in_dim3A_414] : memref<10240x8xf32, #tpu.memory_space<vmem>>[vector<16xi32>, vector<16xi32>], vector<16xf32>,
        %mul3A_417 = arith.mulf %gather3A_415, %gather3A_416 : vector<16xf32>
        %add3A_418 = arith.addf %add3A_412, %mul3A_417 : vector<16xf32>
        %broadcast_in_dim3A_419 = arith.constant 3 : i32
        %broadcast_in_dim3A_420 = vector.broadcast %broadcast_in_dim3A_419 : i32 to vector<16xi32>
        %gather3A_421 = tpu.vector_load_idx %arg9[%gather3A_397, %broadcast_in_dim3A_420] : memref<10240x8xf32, #tpu.memory_space<vmem>>[vector<16xi32>, vector<16xi32>], vector<16xf32>,
        %gather3A_422 = tpu.vector_load_idx %arg9[%gather3A_398, %broadcast_in_dim3A_420] : memref<10240x8xf32, #tpu.memory_space<vmem>>[vector<16xi32>, vector<16xi32>], vector<16xf32>,
        %mul3A_423 = arith.mulf %gather3A_421, %gather3A_422 : vector<16xf32>
        %add3A_424 = arith.addf %add3A_418, %mul3A_423 : vector<16xf32>
        %broadcast_in_dim3A_425 = arith.constant 4 : i32
        %broadcast_in_dim3A_426 = vector.broadcast %broadcast_in_dim3A_425 : i32 to vector<16xi32>
        %gather3A_427 = tpu.vector_load_idx %arg9[%gather3A_397, %broadcast_in_dim3A_426] : memref<10240x8xf32, #tpu.memory_space<vmem>>[vector<16xi32>, vector<16xi32>], vector<16xf32>,
        %gather3A_428 = tpu.vector_load_idx %arg9[%gather3A_398, %broadcast_in_dim3A_426] : memref<10240x8xf32, #tpu.memory_space<vmem>>[vector<16xi32>, vector<16xi32>], vector<16xf32>,
        %mul3A_429 = arith.mulf %gather3A_427, %gather3A_428 : vector<16xf32>
        %add3A_430 = arith.addf %add3A_424, %mul3A_429 : vector<16xf32>
        %broadcast_in_dim3A_431 = arith.constant 5 : i32
        %broadcast_in_dim3A_432 = vector.broadcast %broadcast_in_dim3A_431 : i32 to vector<16xi32>
        %gather3A_433 = tpu.vector_load_idx %arg9[%gather3A_397, %broadcast_in_dim3A_432] : memref<10240x8xf32, #tpu.memory_space<vmem>>[vector<16xi32>, vector<16xi32>], vector<16xf32>,
        %gather3A_434 = tpu.vector_load_idx %arg9[%gather3A_398, %broadcast_in_dim3A_432] : memref<10240x8xf32, #tpu.memory_space<vmem>>[vector<16xi32>, vector<16xi32>], vector<16xf32>,
        %mul3A_435 = arith.mulf %gather3A_433, %gather3A_434 : vector<16xf32>
        %add3A_436 = arith.addf %add3A_430, %mul3A_435 : vector<16xf32>
        %broadcast_in_dim3A_437 = arith.constant 6 : i32
        %broadcast_in_dim3A_438 = vector.broadcast %broadcast_in_dim3A_437 : i32 to vector<16xi32>
        %gather3A_439 = tpu.vector_load_idx %arg9[%gather3A_397, %broadcast_in_dim3A_438] : memref<10240x8xf32, #tpu.memory_space<vmem>>[vector<16xi32>, vector<16xi32>], vector<16xf32>,
        %gather3A_440 = tpu.vector_load_idx %arg9[%gather3A_398, %broadcast_in_dim3A_438] : memref<10240x8xf32, #tpu.memory_space<vmem>>[vector<16xi32>, vector<16xi32>], vector<16xf32>,
        %mul3A_441 = arith.mulf %gather3A_439, %gather3A_440 : vector<16xf32>
        %add3A_442 = arith.addf %add3A_436, %mul3A_441 : vector<16xf32>
        %broadcast_in_dim3A_443 = arith.constant 7 : i32
        %broadcast_in_dim3A_444 = vector.broadcast %broadcast_in_dim3A_443 : i32 to vector<16xi32>
        %gather3A_445 = tpu.vector_load_idx %arg9[%gather3A_397, %broadcast_in_dim3A_444] : memref<10240x8xf32, #tpu.memory_space<vmem>>[vector<16xi32>, vector<16xi32>], vector<16xf32>,
        %gather3A_446 = tpu.vector_load_idx %arg9[%gather3A_398, %broadcast_in_dim3A_444] : memref<10240x8xf32, #tpu.memory_space<vmem>>[vector<16xi32>, vector<16xi32>], vector<16xf32>,
        %mul3A_447 = arith.mulf %gather3A_445, %gather3A_446 : vector<16xf32>
        %add3A_448 = arith.addf %add3A_442, %mul3A_447 : vector<16xf32>
        tpu.vector_store_idx %arg14[%broadcast_in_dim3A, %add3A_396], %add3A_448 : memref<40x128xf32, #tpu.memory_space<vmem>>[vector<16xi32>, vector<16xi32>], vector<16xf32>,
        %add3A_449 = arith.constant 96 : i32
        %add3A_450 = vector.broadcast %add3A_449 : i32 to vector<16xi32>
        %add3A_451 = arith.addi %add3A_450, %iota3A : vector<16xi32>
        %gather3A_452 = tpu.vector_load_idx %arg10[%broadcast_in_dim3A, %add3A_451] : memref<40x128xi32, #tpu.memory_space<vmem>>[vector<16xi32>, vector<16xi32>], vector<16xi32>,
        %gather3A_453 = tpu.vector_load_idx %arg12[%broadcast_in_dim3A, %add3A_451] : memref<40x128xi32, #tpu.memory_space<vmem>>[vector<16xi32>, vector<16xi32>], vector<16xi32>,
        %broadcast_in_dim3A_454 = arith.constant 0.000000e+00 : f32
        %broadcast_in_dim3A_455 = vector.broadcast %broadcast_in_dim3A_454 : f32 to vector<16xf32>
        %broadcast_in_dim3A_456 = arith.constant 0 : i32
        %broadcast_in_dim3A_457 = vector.broadcast %broadcast_in_dim3A_456 : i32 to vector<16xi32>
        %gather3A_458 = tpu.vector_load_idx %arg9[%gather3A_452, %broadcast_in_dim3A_457] : memref<10240x8xf32, #tpu.memory_space<vmem>>[vector<16xi32>, vector<16xi32>], vector<16xf32>,
        %gather3A_459 = tpu.vector_load_idx %arg9[%gather3A_453, %broadcast_in_dim3A_457] : memref<10240x8xf32, #tpu.memory_space<vmem>>[vector<16xi32>, vector<16xi32>], vector<16xf32>,
        %mul3A_460 = arith.mulf %gather3A_458, %gather3A_459 : vector<16xf32>
        %add3A_461 = arith.addf %broadcast_in_dim3A_455, %mul3A_460 : vector<16xf32>
        %broadcast_in_dim3A_462 = arith.constant 1 : i32
        %broadcast_in_dim3A_463 = vector.broadcast %broadcast_in_dim3A_462 : i32 to vector<16xi32>
        %gather3A_464 = tpu.vector_load_idx %arg9[%gather3A_452, %broadcast_in_dim3A_463] : memref<10240x8xf32, #tpu.memory_space<vmem>>[vector<16xi32>, vector<16xi32>], vector<16xf32>,
        %gather3A_465 = tpu.vector_load_idx %arg9[%gather3A_453, %broadcast_in_dim3A_463] : memref<10240x8xf32, #tpu.memory_space<vmem>>[vector<16xi32>, vector<16xi32>], vector<16xf32>,
        %mul3A_466 = arith.mulf %gather3A_464, %gather3A_465 : vector<16xf32>
        %add3A_467 = arith.addf %add3A_461, %mul3A_466 : vector<16xf32>
        %broadcast_in_dim3A_468 = arith.constant 2 : i32
        %broadcast_in_dim3A_469 = vector.broadcast %broadcast_in_dim3A_468 : i32 to vector<16xi32>
        %gather3A_470 = tpu.vector_load_idx %arg9[%gather3A_452, %broadcast_in_dim3A_469] : memref<10240x8xf32, #tpu.memory_space<vmem>>[vector<16xi32>, vector<16xi32>], vector<16xf32>,
        %gather3A_471 = tpu.vector_load_idx %arg9[%gather3A_453, %broadcast_in_dim3A_469] : memref<10240x8xf32, #tpu.memory_space<vmem>>[vector<16xi32>, vector<16xi32>], vector<16xf32>,
        %mul3A_472 = arith.mulf %gather3A_470, %gather3A_471 : vector<16xf32>
        %add3A_473 = arith.addf %add3A_467, %mul3A_472 : vector<16xf32>
        %broadcast_in_dim3A_474 = arith.constant 3 : i32
        %broadcast_in_dim3A_475 = vector.broadcast %broadcast_in_dim3A_474 : i32 to vector<16xi32>
        %gather3A_476 = tpu.vector_load_idx %arg9[%gather3A_452, %broadcast_in_dim3A_475] : memref<10240x8xf32, #tpu.memory_space<vmem>>[vector<16xi32>, vector<16xi32>], vector<16xf32>,
        %gather3A_477 = tpu.vector_load_idx %arg9[%gather3A_453, %broadcast_in_dim3A_475] : memref<10240x8xf32, #tpu.memory_space<vmem>>[vector<16xi32>, vector<16xi32>], vector<16xf32>,
        %mul3A_478 = arith.mulf %gather3A_476, %gather3A_477 : vector<16xf32>
        %add3A_479 = arith.addf %add3A_473, %mul3A_478 : vector<16xf32>
        %broadcast_in_dim3A_480 = arith.constant 4 : i32
        %broadcast_in_dim3A_481 = vector.broadcast %broadcast_in_dim3A_480 : i32 to vector<16xi32>
        %gather3A_482 = tpu.vector_load_idx %arg9[%gather3A_452, %broadcast_in_dim3A_481] : memref<10240x8xf32, #tpu.memory_space<vmem>>[vector<16xi32>, vector<16xi32>], vector<16xf32>,
        %gather3A_483 = tpu.vector_load_idx %arg9[%gather3A_453, %broadcast_in_dim3A_481] : memref<10240x8xf32, #tpu.memory_space<vmem>>[vector<16xi32>, vector<16xi32>], vector<16xf32>,
        %mul3A_484 = arith.mulf %gather3A_482, %gather3A_483 : vector<16xf32>
        %add3A_485 = arith.addf %add3A_479, %mul3A_484 : vector<16xf32>
        %broadcast_in_dim3A_486 = arith.constant 5 : i32
        %broadcast_in_dim3A_487 = vector.broadcast %broadcast_in_dim3A_486 : i32 to vector<16xi32>
        %gather3A_488 = tpu.vector_load_idx %arg9[%gather3A_452, %broadcast_in_dim3A_487] : memref<10240x8xf32, #tpu.memory_space<vmem>>[vector<16xi32>, vector<16xi32>], vector<16xf32>,
        %gather3A_489 = tpu.vector_load_idx %arg9[%gather3A_453, %broadcast_in_dim3A_487] : memref<10240x8xf32, #tpu.memory_space<vmem>>[vector<16xi32>, vector<16xi32>], vector<16xf32>,
        %mul3A_490 = arith.mulf %gather3A_488, %gather3A_489 : vector<16xf32>
        %add3A_491 = arith.addf %add3A_485, %mul3A_490 : vector<16xf32>
        %broadcast_in_dim3A_492 = arith.constant 6 : i32
        %broadcast_in_dim3A_493 = vector.broadcast %broadcast_in_dim3A_492 : i32 to vector<16xi32>
        %gather3A_494 = tpu.vector_load_idx %arg9[%gather3A_452, %broadcast_in_dim3A_493] : memref<10240x8xf32, #tpu.memory_space<vmem>>[vector<16xi32>, vector<16xi32>], vector<16xf32>,
        %gather3A_495 = tpu.vector_load_idx %arg9[%gather3A_453, %broadcast_in_dim3A_493] : memref<10240x8xf32, #tpu.memory_space<vmem>>[vector<16xi32>, vector<16xi32>], vector<16xf32>,
        %mul3A_496 = arith.mulf %gather3A_494, %gather3A_495 : vector<16xf32>
        %add3A_497 = arith.addf %add3A_491, %mul3A_496 : vector<16xf32>
        %broadcast_in_dim3A_498 = arith.constant 7 : i32
        %broadcast_in_dim3A_499 = vector.broadcast %broadcast_in_dim3A_498 : i32 to vector<16xi32>
        %gather3A_500 = tpu.vector_load_idx %arg9[%gather3A_452, %broadcast_in_dim3A_499] : memref<10240x8xf32, #tpu.memory_space<vmem>>[vector<16xi32>, vector<16xi32>], vector<16xf32>,
        %gather3A_501 = tpu.vector_load_idx %arg9[%gather3A_453, %broadcast_in_dim3A_499] : memref<10240x8xf32, #tpu.memory_space<vmem>>[vector<16xi32>, vector<16xi32>], vector<16xf32>,
        %mul3A_502 = arith.mulf %gather3A_500, %gather3A_501 : vector<16xf32>
        %add3A_503 = arith.addf %add3A_497, %mul3A_502 : vector<16xf32>
        tpu.vector_store_idx %arg14[%broadcast_in_dim3A, %add3A_451], %add3A_503 : memref<40x128xf32, #tpu.memory_space<vmem>>[vector<16xi32>, vector<16xi32>], vector<16xf32>,
        %add3A_504 = arith.constant 112 : i32
        %add3A_505 = vector.broadcast %add3A_504 : i32 to vector<16xi32>
        %add3A_506 = arith.addi %add3A_505, %iota3A : vector<16xi32>
        %gather3A_507 = tpu.vector_load_idx %arg10[%broadcast_in_dim3A, %add3A_506] : memref<40x128xi32, #tpu.memory_space<vmem>>[vector<16xi32>, vector<16xi32>], vector<16xi32>,
        %gather3A_508 = tpu.vector_load_idx %arg12[%broadcast_in_dim3A, %add3A_506] : memref<40x128xi32, #tpu.memory_space<vmem>>[vector<16xi32>, vector<16xi32>], vector<16xi32>,
        %broadcast_in_dim3A_509 = arith.constant 0.000000e+00 : f32
        %broadcast_in_dim3A_510 = vector.broadcast %broadcast_in_dim3A_509 : f32 to vector<16xf32>
        %broadcast_in_dim3A_511 = arith.constant 0 : i32
        %broadcast_in_dim3A_512 = vector.broadcast %broadcast_in_dim3A_511 : i32 to vector<16xi32>
        %gather3A_513 = tpu.vector_load_idx %arg9[%gather3A_507, %broadcast_in_dim3A_512] : memref<10240x8xf32, #tpu.memory_space<vmem>>[vector<16xi32>, vector<16xi32>], vector<16xf32>,
        %gather3A_514 = tpu.vector_load_idx %arg9[%gather3A_508, %broadcast_in_dim3A_512] : memref<10240x8xf32, #tpu.memory_space<vmem>>[vector<16xi32>, vector<16xi32>], vector<16xf32>,
        %mul3A_515 = arith.mulf %gather3A_513, %gather3A_514 : vector<16xf32>
        %add3A_516 = arith.addf %broadcast_in_dim3A_510, %mul3A_515 : vector<16xf32>
        %broadcast_in_dim3A_517 = arith.constant 1 : i32
        %broadcast_in_dim3A_518 = vector.broadcast %broadcast_in_dim3A_517 : i32 to vector<16xi32>
        %gather3A_519 = tpu.vector_load_idx %arg9[%gather3A_507, %broadcast_in_dim3A_518] : memref<10240x8xf32, #tpu.memory_space<vmem>>[vector<16xi32>, vector<16xi32>], vector<16xf32>,
        %gather3A_520 = tpu.vector_load_idx %arg9[%gather3A_508, %broadcast_in_dim3A_518] : memref<10240x8xf32, #tpu.memory_space<vmem>>[vector<16xi32>, vector<16xi32>], vector<16xf32>,
        %mul3A_521 = arith.mulf %gather3A_519, %gather3A_520 : vector<16xf32>
        %add3A_522 = arith.addf %add3A_516, %mul3A_521 : vector<16xf32>
        %broadcast_in_dim3A_523 = arith.constant 2 : i32
        %broadcast_in_dim3A_524 = vector.broadcast %broadcast_in_dim3A_523 : i32 to vector<16xi32>
        %gather3A_525 = tpu.vector_load_idx %arg9[%gather3A_507, %broadcast_in_dim3A_524] : memref<10240x8xf32, #tpu.memory_space<vmem>>[vector<16xi32>, vector<16xi32>], vector<16xf32>,
        %gather3A_526 = tpu.vector_load_idx %arg9[%gather3A_508, %broadcast_in_dim3A_524] : memref<10240x8xf32, #tpu.memory_space<vmem>>[vector<16xi32>, vector<16xi32>], vector<16xf32>,
        %mul3A_527 = arith.mulf %gather3A_525, %gather3A_526 : vector<16xf32>
        %add3A_528 = arith.addf %add3A_522, %mul3A_527 : vector<16xf32>
        %broadcast_in_dim3A_529 = arith.constant 3 : i32
        %broadcast_in_dim3A_530 = vector.broadcast %broadcast_in_dim3A_529 : i32 to vector<16xi32>
        %gather3A_531 = tpu.vector_load_idx %arg9[%gather3A_507, %broadcast_in_dim3A_530] : memref<10240x8xf32, #tpu.memory_space<vmem>>[vector<16xi32>, vector<16xi32>], vector<16xf32>,
        %gather3A_532 = tpu.vector_load_idx %arg9[%gather3A_508, %broadcast_in_dim3A_530] : memref<10240x8xf32, #tpu.memory_space<vmem>>[vector<16xi32>, vector<16xi32>], vector<16xf32>,
        %mul3A_533 = arith.mulf %gather3A_531, %gather3A_532 : vector<16xf32>
        %add3A_534 = arith.addf %add3A_528, %mul3A_533 : vector<16xf32>
        %broadcast_in_dim3A_535 = arith.constant 4 : i32
        %broadcast_in_dim3A_536 = vector.broadcast %broadcast_in_dim3A_535 : i32 to vector<16xi32>
        %gather3A_537 = tpu.vector_load_idx %arg9[%gather3A_507, %broadcast_in_dim3A_536] : memref<10240x8xf32, #tpu.memory_space<vmem>>[vector<16xi32>, vector<16xi32>], vector<16xf32>,
        %gather3A_538 = tpu.vector_load_idx %arg9[%gather3A_508, %broadcast_in_dim3A_536] : memref<10240x8xf32, #tpu.memory_space<vmem>>[vector<16xi32>, vector<16xi32>], vector<16xf32>,
        %mul3A_539 = arith.mulf %gather3A_537, %gather3A_538 : vector<16xf32>
        %add3A_540 = arith.addf %add3A_534, %mul3A_539 : vector<16xf32>
        %broadcast_in_dim3A_541 = arith.constant 5 : i32
        %broadcast_in_dim3A_542 = vector.broadcast %broadcast_in_dim3A_541 : i32 to vector<16xi32>
        %gather3A_543 = tpu.vector_load_idx %arg9[%gather3A_507, %broadcast_in_dim3A_542] : memref<10240x8xf32, #tpu.memory_space<vmem>>[vector<16xi32>, vector<16xi32>], vector<16xf32>,
        %gather3A_544 = tpu.vector_load_idx %arg9[%gather3A_508, %broadcast_in_dim3A_542] : memref<10240x8xf32, #tpu.memory_space<vmem>>[vector<16xi32>, vector<16xi32>], vector<16xf32>,
        %mul3A_545 = arith.mulf %gather3A_543, %gather3A_544 : vector<16xf32>
        %add3A_546 = arith.addf %add3A_540, %mul3A_545 : vector<16xf32>
        %broadcast_in_dim3A_547 = arith.constant 6 : i32
        %broadcast_in_dim3A_548 = vector.broadcast %broadcast_in_dim3A_547 : i32 to vector<16xi32>
        %gather3A_549 = tpu.vector_load_idx %arg9[%gather3A_507, %broadcast_in_dim3A_548] : memref<10240x8xf32, #tpu.memory_space<vmem>>[vector<16xi32>, vector<16xi32>], vector<16xf32>,
        %gather3A_550 = tpu.vector_load_idx %arg9[%gather3A_508, %broadcast_in_dim3A_548] : memref<10240x8xf32, #tpu.memory_space<vmem>>[vector<16xi32>, vector<16xi32>], vector<16xf32>,
        %mul3A_551 = arith.mulf %gather3A_549, %gather3A_550 : vector<16xf32>
        %add3A_552 = arith.addf %add3A_546, %mul3A_551 : vector<16xf32>
        %broadcast_in_dim3A_553 = arith.constant 7 : i32
        %broadcast_in_dim3A_554 = vector.broadcast %broadcast_in_dim3A_553 : i32 to vector<16xi32>
        %gather3A_555 = tpu.vector_load_idx %arg9[%gather3A_507, %broadcast_in_dim3A_554] : memref<10240x8xf32, #tpu.memory_space<vmem>>[vector<16xi32>, vector<16xi32>], vector<16xf32>,
        %gather3A_556 = tpu.vector_load_idx %arg9[%gather3A_508, %broadcast_in_dim3A_554] : memref<10240x8xf32, #tpu.memory_space<vmem>>[vector<16xi32>, vector<16xi32>], vector<16xf32>,
        %mul3A_557 = arith.mulf %gather3A_555, %gather3A_556 : vector<16xf32>
        %add3A_558 = arith.addf %add3A_552, %mul3A_557 : vector<16xf32>
        tpu.vector_store_idx %arg14[%broadcast_in_dim3A, %add3A_506], %add3A_558 : memref<40x128xf32, #tpu.memory_space<vmem>>[vector<16xi32>, vector<16xi32>], vector<16xf32>,
      }
      %scan3A_87 = arith.constant 40 : i32
      %mul3A_88 = arith.constant 40 : i32
      %mul3A_89 = arith.muli %add3A_67, %mul3A_88 : i32
      %add3A_90 = arith.addi %mul3A_32, %mul3A_89 : i32
      "tpu.region"() ({
        %run_scoped3A = tpu.sem_alloc : memref<!tpu.dma_semaphore, #tpu.memory_space<semaphore_mem>>
        %dma_start3A_119 = arith.constant 0 : i32
        %dma_start3A_120 = tpu.memref_slice %arg8[%select_n3A_9, %add3A_90, %dma_start3A_119] : memref<4x2560x128xf32, #tpu.memory_space<hbm>> -> memref<1x40x128xf32, #tpu.memory_space<hbm>>
        %dma_start3A_121 = tpu.memref_squeeze %dma_start3A_120 : memref<1x40x128xf32, #tpu.memory_space<hbm>> -> memref<40x128xf32, #tpu.memory_space<hbm>>
        %dma_start3A_122 = arith.constant 0 : i32
        %dma_start3A_123 = tpu.memref_slice %arg8[%select_n3A_9, %add3A_90, %dma_start3A_122] : memref<4x2560x128xf32, #tpu.memory_space<hbm>> -> memref<1x40x128xf32, #tpu.memory_space<hbm>>
        %dma_start3A_124 = tpu.memref_squeeze %dma_start3A_123 : memref<1x40x128xf32, #tpu.memory_space<hbm>> -> memref<40x128xf32, #tpu.memory_space<hbm>>
        tpu.enqueue_dma source(%arg14 : memref<40x128xf32, #tpu.memory_space<vmem>>) target(%dma_start3A_124 : memref<40x128xf32, #tpu.memory_space<hbm>>) target_semaphore(%run_scoped3A : memref<!tpu.dma_semaphore, #tpu.memory_space<semaphore_mem>>)
        %dma_wait3A_125 = arith.constant 0 : i32
        %dma_wait3A_126 = tpu.memref_slice %arg8[%select_n3A_9, %add3A_90, %dma_wait3A_125] : memref<4x2560x128xf32, #tpu.memory_space<hbm>> -> memref<1x40x128xf32, #tpu.memory_space<hbm>>
        %dma_wait3A_127 = tpu.memref_squeeze %dma_wait3A_126 : memref<1x40x128xf32, #tpu.memory_space<hbm>> -> memref<40x128xf32, #tpu.memory_space<hbm>>
        %dma_wait3A_128 = arith.constant 0 : i32
        %dma_wait3A_129 = tpu.memref_slice %arg8[%select_n3A_9, %add3A_90, %dma_wait3A_128] : memref<4x2560x128xf32, #tpu.memory_space<hbm>> -> memref<1x40x128xf32, #tpu.memory_space<hbm>>
        %dma_wait3A_130 = tpu.memref_squeeze %dma_wait3A_129 : memref<1x40x128xf32, #tpu.memory_space<hbm>> -> memref<40x128xf32, #tpu.memory_space<hbm>>
        tpu.wait_dma2 semaphore(%run_scoped3A : memref<!tpu.dma_semaphore, #tpu.memory_space<semaphore_mem>>) src(%arg14 : memref<40x128xf32, #tpu.memory_space<vmem>>) dst(%dma_wait3A_130 : memref<40x128xf32, #tpu.memory_space<hbm>>)
        tpu.yield
      }) : () -> ()
      %mul3A_91 = arith.constant 2 : i32
      %mul3A_92 = arith.muli %scan3A_63, %mul3A_91 : i32
      %add3A_93 = arith.constant 1 : i32
      %add3A_94 = arith.addi %mul3A_92, %add3A_93 : i32
      %dma_wait3A_95 = arith.constant 0 : i32
      %dma_wait3A_96 = tpu.memref_slice %arg2[%mul3A_32, %dma_wait3A_95] : memref<2560x128xi32, #tpu.memory_space<hbm>> -> memref<40x128xi32, #tpu.memory_space<hbm>>
      %dma_wait3A_97 = arith.constant 0 : i32
      %dma_wait3A_98 = tpu.memref_slice %arg2[%mul3A_32, %dma_wait3A_97] : memref<2560x128xi32, #tpu.memory_space<hbm>> -> memref<40x128xi32, #tpu.memory_space<hbm>>
      tpu.wait_dma2 semaphore(%arg16 : memref<!tpu.dma_semaphore, #tpu.memory_space<semaphore_mem>>) src(%dma_wait3A_98 : memref<40x128xi32, #tpu.memory_space<hbm>>) dst(%arg11 : memref<40x128xi32, #tpu.memory_space<vmem>>)
      %dma_wait3A_99 = arith.constant 0 : i32
      %dma_wait3A_100 = tpu.memref_slice %arg3[%mul3A_32, %dma_wait3A_99] : memref<2560x128xi32, #tpu.memory_space<hbm>> -> memref<40x128xi32, #tpu.memory_space<hbm>>
      %dma_wait3A_101 = arith.constant 0 : i32
      %dma_wait3A_102 = tpu.memref_slice %arg3[%mul3A_32, %dma_wait3A_101] : memref<2560x128xi32, #tpu.memory_space<hbm>> -> memref<40x128xi32, #tpu.memory_space<hbm>>
      tpu.wait_dma2 semaphore(%arg18 : memref<!tpu.dma_semaphore, #tpu.memory_space<semaphore_mem>>) src(%dma_wait3A_102 : memref<40x128xi32, #tpu.memory_space<hbm>>) dst(%arg13 : memref<40x128xi32, #tpu.memory_space<vmem>>)
      %add3A_103 = arith.constant 1 : i32
      %add3A_104 = arith.addi %add3A_94, %add3A_103 : i32
      %lt3A_105 = arith.constant 8 : i32
      %lt3A_106 = arith.cmpi slt, %add3A_104, %lt3A_105 : i32
      %convert_element_type3A_107 = arith.extui %lt3A_106 : i1 to i32
      %cond3A_108 = arith.constant 0 : i32
      %cond3A_109 = arith.cmpi ne, %convert_element_type3A_107, %cond3A_108 : i32
      scf.if %cond3A_109 {
        %add3A_119 = arith.constant 1 : i32
        %add3A_120 = arith.addi %add3A_94, %add3A_119 : i32
        %mul3A_121 = arith.constant 40 : i32
        %mul3A_122 = arith.muli %add3A_120, %mul3A_121 : i32
        %add3A_123 = arith.addi %mul3A_32, %mul3A_122 : i32
        %dma_start3A_124 = arith.constant 0 : i32
        %dma_start3A_125 = tpu.memref_slice %arg2[%add3A_123, %dma_start3A_124] : memref<2560x128xi32, #tpu.memory_space<hbm>> -> memref<40x128xi32, #tpu.memory_space<hbm>>
        %dma_start3A_126 = arith.constant 0 : i32
        %dma_start3A_127 = tpu.memref_slice %arg2[%add3A_123, %dma_start3A_126] : memref<2560x128xi32, #tpu.memory_space<hbm>> -> memref<40x128xi32, #tpu.memory_space<hbm>>
        tpu.enqueue_dma source(%dma_start3A_127 : memref<40x128xi32, #tpu.memory_space<hbm>>) target(%arg10 : memref<40x128xi32, #tpu.memory_space<vmem>>) target_semaphore(%arg15 : memref<!tpu.dma_semaphore, #tpu.memory_space<semaphore_mem>>)
        %dma_start3A_128 = arith.constant 0 : i32
        %dma_start3A_129 = tpu.memref_slice %arg3[%add3A_123, %dma_start3A_128] : memref<2560x128xi32, #tpu.memory_space<hbm>> -> memref<40x128xi32, #tpu.memory_space<hbm>>
        %dma_start3A_130 = arith.constant 0 : i32
        %dma_start3A_131 = tpu.memref_slice %arg3[%add3A_123, %dma_start3A_130] : memref<2560x128xi32, #tpu.memory_space<hbm>> -> memref<40x128xi32, #tpu.memory_space<hbm>>
        tpu.enqueue_dma source(%dma_start3A_131 : memref<40x128xi32, #tpu.memory_space<hbm>>) target(%arg12 : memref<40x128xi32, #tpu.memory_space<vmem>>) target_semaphore(%arg17 : memref<!tpu.dma_semaphore, #tpu.memory_space<semaphore_mem>>)
      } else {
      }
      %scan3A_110 = arith.constant 0 : i32
      %scan3A_111 = arith.constant 0 : i32
      %scan3A_112 = arith.constant 40 : i32
      %scan3A_113 = arith.addi %scan3A_111, %scan3A_112 : i32
      %scan3A_114 = arith.constant 1 : i32
      scf.for %scan3A_119 = %scan3A_111 to %scan3A_113 step %scan3A_114  : i32 {
        %broadcast_in_dim3A = vector.broadcast %scan3A_119 : i32 to vector<16xi32>
        %add3A_120 = arith.constant 0 : i32
        %add3A_121 = vector.broadcast %add3A_120 : i32 to vector<16xi32>
        %add3A_122 = arith.addi %add3A_121, %iota3A : vector<16xi32>
        %gather3A = tpu.vector_load_idx %arg11[%broadcast_in_dim3A, %add3A_122] : memref<40x128xi32, #tpu.memory_space<vmem>>[vector<16xi32>, vector<16xi32>], vector<16xi32>,
        %gather3A_123 = tpu.vector_load_idx %arg13[%broadcast_in_dim3A, %add3A_122] : memref<40x128xi32, #tpu.memory_space<vmem>>[vector<16xi32>, vector<16xi32>], vector<16xi32>,
        %broadcast_in_dim3A_124 = arith.constant 0.000000e+00 : f32
        %broadcast_in_dim3A_125 = vector.broadcast %broadcast_in_dim3A_124 : f32 to vector<16xf32>
        %broadcast_in_dim3A_126 = arith.constant 0 : i32
        %broadcast_in_dim3A_127 = vector.broadcast %broadcast_in_dim3A_126 : i32 to vector<16xi32>
        %gather3A_128 = tpu.vector_load_idx %arg9[%gather3A, %broadcast_in_dim3A_127] : memref<10240x8xf32, #tpu.memory_space<vmem>>[vector<16xi32>, vector<16xi32>], vector<16xf32>,
        %gather3A_129 = tpu.vector_load_idx %arg9[%gather3A_123, %broadcast_in_dim3A_127] : memref<10240x8xf32, #tpu.memory_space<vmem>>[vector<16xi32>, vector<16xi32>], vector<16xf32>,
        %mul3A_130 = arith.mulf %gather3A_128, %gather3A_129 : vector<16xf32>
        %add3A_131 = arith.addf %broadcast_in_dim3A_125, %mul3A_130 : vector<16xf32>
        %broadcast_in_dim3A_132 = arith.constant 1 : i32
        %broadcast_in_dim3A_133 = vector.broadcast %broadcast_in_dim3A_132 : i32 to vector<16xi32>
        %gather3A_134 = tpu.vector_load_idx %arg9[%gather3A, %broadcast_in_dim3A_133] : memref<10240x8xf32, #tpu.memory_space<vmem>>[vector<16xi32>, vector<16xi32>], vector<16xf32>,
        %gather3A_135 = tpu.vector_load_idx %arg9[%gather3A_123, %broadcast_in_dim3A_133] : memref<10240x8xf32, #tpu.memory_space<vmem>>[vector<16xi32>, vector<16xi32>], vector<16xf32>,
        %mul3A_136 = arith.mulf %gather3A_134, %gather3A_135 : vector<16xf32>
        %add3A_137 = arith.addf %add3A_131, %mul3A_136 : vector<16xf32>
        %broadcast_in_dim3A_138 = arith.constant 2 : i32
        %broadcast_in_dim3A_139 = vector.broadcast %broadcast_in_dim3A_138 : i32 to vector<16xi32>
        %gather3A_140 = tpu.vector_load_idx %arg9[%gather3A, %broadcast_in_dim3A_139] : memref<10240x8xf32, #tpu.memory_space<vmem>>[vector<16xi32>, vector<16xi32>], vector<16xf32>,
        %gather3A_141 = tpu.vector_load_idx %arg9[%gather3A_123, %broadcast_in_dim3A_139] : memref<10240x8xf32, #tpu.memory_space<vmem>>[vector<16xi32>, vector<16xi32>], vector<16xf32>,
        %mul3A_142 = arith.mulf %gather3A_140, %gather3A_141 : vector<16xf32>
        %add3A_143 = arith.addf %add3A_137, %mul3A_142 : vector<16xf32>
        %broadcast_in_dim3A_144 = arith.constant 3 : i32
        %broadcast_in_dim3A_145 = vector.broadcast %broadcast_in_dim3A_144 : i32 to vector<16xi32>
        %gather3A_146 = tpu.vector_load_idx %arg9[%gather3A, %broadcast_in_dim3A_145] : memref<10240x8xf32, #tpu.memory_space<vmem>>[vector<16xi32>, vector<16xi32>], vector<16xf32>,
        %gather3A_147 = tpu.vector_load_idx %arg9[%gather3A_123, %broadcast_in_dim3A_145] : memref<10240x8xf32, #tpu.memory_space<vmem>>[vector<16xi32>, vector<16xi32>], vector<16xf32>,
        %mul3A_148 = arith.mulf %gather3A_146, %gather3A_147 : vector<16xf32>
        %add3A_149 = arith.addf %add3A_143, %mul3A_148 : vector<16xf32>
        %broadcast_in_dim3A_150 = arith.constant 4 : i32
        %broadcast_in_dim3A_151 = vector.broadcast %broadcast_in_dim3A_150 : i32 to vector<16xi32>
        %gather3A_152 = tpu.vector_load_idx %arg9[%gather3A, %broadcast_in_dim3A_151] : memref<10240x8xf32, #tpu.memory_space<vmem>>[vector<16xi32>, vector<16xi32>], vector<16xf32>,
        %gather3A_153 = tpu.vector_load_idx %arg9[%gather3A_123, %broadcast_in_dim3A_151] : memref<10240x8xf32, #tpu.memory_space<vmem>>[vector<16xi32>, vector<16xi32>], vector<16xf32>,
        %mul3A_154 = arith.mulf %gather3A_152, %gather3A_153 : vector<16xf32>
        %add3A_155 = arith.addf %add3A_149, %mul3A_154 : vector<16xf32>
        %broadcast_in_dim3A_156 = arith.constant 5 : i32
        %broadcast_in_dim3A_157 = vector.broadcast %broadcast_in_dim3A_156 : i32 to vector<16xi32>
        %gather3A_158 = tpu.vector_load_idx %arg9[%gather3A, %broadcast_in_dim3A_157] : memref<10240x8xf32, #tpu.memory_space<vmem>>[vector<16xi32>, vector<16xi32>], vector<16xf32>,
        %gather3A_159 = tpu.vector_load_idx %arg9[%gather3A_123, %broadcast_in_dim3A_157] : memref<10240x8xf32, #tpu.memory_space<vmem>>[vector<16xi32>, vector<16xi32>], vector<16xf32>,
        %mul3A_160 = arith.mulf %gather3A_158, %gather3A_159 : vector<16xf32>
        %add3A_161 = arith.addf %add3A_155, %mul3A_160 : vector<16xf32>
        %broadcast_in_dim3A_162 = arith.constant 6 : i32
        %broadcast_in_dim3A_163 = vector.broadcast %broadcast_in_dim3A_162 : i32 to vector<16xi32>
        %gather3A_164 = tpu.vector_load_idx %arg9[%gather3A, %broadcast_in_dim3A_163] : memref<10240x8xf32, #tpu.memory_space<vmem>>[vector<16xi32>, vector<16xi32>], vector<16xf32>,
        %gather3A_165 = tpu.vector_load_idx %arg9[%gather3A_123, %broadcast_in_dim3A_163] : memref<10240x8xf32, #tpu.memory_space<vmem>>[vector<16xi32>, vector<16xi32>], vector<16xf32>,
        %mul3A_166 = arith.mulf %gather3A_164, %gather3A_165 : vector<16xf32>
        %add3A_167 = arith.addf %add3A_161, %mul3A_166 : vector<16xf32>
        %broadcast_in_dim3A_168 = arith.constant 7 : i32
        %broadcast_in_dim3A_169 = vector.broadcast %broadcast_in_dim3A_168 : i32 to vector<16xi32>
        %gather3A_170 = tpu.vector_load_idx %arg9[%gather3A, %broadcast_in_dim3A_169] : memref<10240x8xf32, #tpu.memory_space<vmem>>[vector<16xi32>, vector<16xi32>], vector<16xf32>,
        %gather3A_171 = tpu.vector_load_idx %arg9[%gather3A_123, %broadcast_in_dim3A_169] : memref<10240x8xf32, #tpu.memory_space<vmem>>[vector<16xi32>, vector<16xi32>], vector<16xf32>,
        %mul3A_172 = arith.mulf %gather3A_170, %gather3A_171 : vector<16xf32>
        %add3A_173 = arith.addf %add3A_167, %mul3A_172 : vector<16xf32>
        tpu.vector_store_idx %arg14[%broadcast_in_dim3A, %add3A_122], %add3A_173 : memref<40x128xf32, #tpu.memory_space<vmem>>[vector<16xi32>, vector<16xi32>], vector<16xf32>,
        %add3A_174 = arith.constant 16 : i32
        %add3A_175 = vector.broadcast %add3A_174 : i32 to vector<16xi32>
        %add3A_176 = arith.addi %add3A_175, %iota3A : vector<16xi32>
        %gather3A_177 = tpu.vector_load_idx %arg11[%broadcast_in_dim3A, %add3A_176] : memref<40x128xi32, #tpu.memory_space<vmem>>[vector<16xi32>, vector<16xi32>], vector<16xi32>,
        %gather3A_178 = tpu.vector_load_idx %arg13[%broadcast_in_dim3A, %add3A_176] : memref<40x128xi32, #tpu.memory_space<vmem>>[vector<16xi32>, vector<16xi32>], vector<16xi32>,
        %broadcast_in_dim3A_179 = arith.constant 0.000000e+00 : f32
        %broadcast_in_dim3A_180 = vector.broadcast %broadcast_in_dim3A_179 : f32 to vector<16xf32>
        %broadcast_in_dim3A_181 = arith.constant 0 : i32
        %broadcast_in_dim3A_182 = vector.broadcast %broadcast_in_dim3A_181 : i32 to vector<16xi32>
        %gather3A_183 = tpu.vector_load_idx %arg9[%gather3A_177, %broadcast_in_dim3A_182] : memref<10240x8xf32, #tpu.memory_space<vmem>>[vector<16xi32>, vector<16xi32>], vector<16xf32>,
        %gather3A_184 = tpu.vector_load_idx %arg9[%gather3A_178, %broadcast_in_dim3A_182] : memref<10240x8xf32, #tpu.memory_space<vmem>>[vector<16xi32>, vector<16xi32>], vector<16xf32>,
        %mul3A_185 = arith.mulf %gather3A_183, %gather3A_184 : vector<16xf32>
        %add3A_186 = arith.addf %broadcast_in_dim3A_180, %mul3A_185 : vector<16xf32>
        %broadcast_in_dim3A_187 = arith.constant 1 : i32
        %broadcast_in_dim3A_188 = vector.broadcast %broadcast_in_dim3A_187 : i32 to vector<16xi32>
        %gather3A_189 = tpu.vector_load_idx %arg9[%gather3A_177, %broadcast_in_dim3A_188] : memref<10240x8xf32, #tpu.memory_space<vmem>>[vector<16xi32>, vector<16xi32>], vector<16xf32>,
        %gather3A_190 = tpu.vector_load_idx %arg9[%gather3A_178, %broadcast_in_dim3A_188] : memref<10240x8xf32, #tpu.memory_space<vmem>>[vector<16xi32>, vector<16xi32>], vector<16xf32>,
        %mul3A_191 = arith.mulf %gather3A_189, %gather3A_190 : vector<16xf32>
        %add3A_192 = arith.addf %add3A_186, %mul3A_191 : vector<16xf32>
        %broadcast_in_dim3A_193 = arith.constant 2 : i32
        %broadcast_in_dim3A_194 = vector.broadcast %broadcast_in_dim3A_193 : i32 to vector<16xi32>
        %gather3A_195 = tpu.vector_load_idx %arg9[%gather3A_177, %broadcast_in_dim3A_194] : memref<10240x8xf32, #tpu.memory_space<vmem>>[vector<16xi32>, vector<16xi32>], vector<16xf32>,
        %gather3A_196 = tpu.vector_load_idx %arg9[%gather3A_178, %broadcast_in_dim3A_194] : memref<10240x8xf32, #tpu.memory_space<vmem>>[vector<16xi32>, vector<16xi32>], vector<16xf32>,
        %mul3A_197 = arith.mulf %gather3A_195, %gather3A_196 : vector<16xf32>
        %add3A_198 = arith.addf %add3A_192, %mul3A_197 : vector<16xf32>
        %broadcast_in_dim3A_199 = arith.constant 3 : i32
        %broadcast_in_dim3A_200 = vector.broadcast %broadcast_in_dim3A_199 : i32 to vector<16xi32>
        %gather3A_201 = tpu.vector_load_idx %arg9[%gather3A_177, %broadcast_in_dim3A_200] : memref<10240x8xf32, #tpu.memory_space<vmem>>[vector<16xi32>, vector<16xi32>], vector<16xf32>,
        %gather3A_202 = tpu.vector_load_idx %arg9[%gather3A_178, %broadcast_in_dim3A_200] : memref<10240x8xf32, #tpu.memory_space<vmem>>[vector<16xi32>, vector<16xi32>], vector<16xf32>,
        %mul3A_203 = arith.mulf %gather3A_201, %gather3A_202 : vector<16xf32>
        %add3A_204 = arith.addf %add3A_198, %mul3A_203 : vector<16xf32>
        %broadcast_in_dim3A_205 = arith.constant 4 : i32
        %broadcast_in_dim3A_206 = vector.broadcast %broadcast_in_dim3A_205 : i32 to vector<16xi32>
        %gather3A_207 = tpu.vector_load_idx %arg9[%gather3A_177, %broadcast_in_dim3A_206] : memref<10240x8xf32, #tpu.memory_space<vmem>>[vector<16xi32>, vector<16xi32>], vector<16xf32>,
        %gather3A_208 = tpu.vector_load_idx %arg9[%gather3A_178, %broadcast_in_dim3A_206] : memref<10240x8xf32, #tpu.memory_space<vmem>>[vector<16xi32>, vector<16xi32>], vector<16xf32>,
        %mul3A_209 = arith.mulf %gather3A_207, %gather3A_208 : vector<16xf32>
        %add3A_210 = arith.addf %add3A_204, %mul3A_209 : vector<16xf32>
        %broadcast_in_dim3A_211 = arith.constant 5 : i32
        %broadcast_in_dim3A_212 = vector.broadcast %broadcast_in_dim3A_211 : i32 to vector<16xi32>
        %gather3A_213 = tpu.vector_load_idx %arg9[%gather3A_177, %broadcast_in_dim3A_212] : memref<10240x8xf32, #tpu.memory_space<vmem>>[vector<16xi32>, vector<16xi32>], vector<16xf32>,
        %gather3A_214 = tpu.vector_load_idx %arg9[%gather3A_178, %broadcast_in_dim3A_212] : memref<10240x8xf32, #tpu.memory_space<vmem>>[vector<16xi32>, vector<16xi32>], vector<16xf32>,
        %mul3A_215 = arith.mulf %gather3A_213, %gather3A_214 : vector<16xf32>
        %add3A_216 = arith.addf %add3A_210, %mul3A_215 : vector<16xf32>
        %broadcast_in_dim3A_217 = arith.constant 6 : i32
        %broadcast_in_dim3A_218 = vector.broadcast %broadcast_in_dim3A_217 : i32 to vector<16xi32>
        %gather3A_219 = tpu.vector_load_idx %arg9[%gather3A_177, %broadcast_in_dim3A_218] : memref<10240x8xf32, #tpu.memory_space<vmem>>[vector<16xi32>, vector<16xi32>], vector<16xf32>,
        %gather3A_220 = tpu.vector_load_idx %arg9[%gather3A_178, %broadcast_in_dim3A_218] : memref<10240x8xf32, #tpu.memory_space<vmem>>[vector<16xi32>, vector<16xi32>], vector<16xf32>,
        %mul3A_221 = arith.mulf %gather3A_219, %gather3A_220 : vector<16xf32>
        %add3A_222 = arith.addf %add3A_216, %mul3A_221 : vector<16xf32>
        %broadcast_in_dim3A_223 = arith.constant 7 : i32
        %broadcast_in_dim3A_224 = vector.broadcast %broadcast_in_dim3A_223 : i32 to vector<16xi32>
        %gather3A_225 = tpu.vector_load_idx %arg9[%gather3A_177, %broadcast_in_dim3A_224] : memref<10240x8xf32, #tpu.memory_space<vmem>>[vector<16xi32>, vector<16xi32>], vector<16xf32>,
        %gather3A_226 = tpu.vector_load_idx %arg9[%gather3A_178, %broadcast_in_dim3A_224] : memref<10240x8xf32, #tpu.memory_space<vmem>>[vector<16xi32>, vector<16xi32>], vector<16xf32>,
        %mul3A_227 = arith.mulf %gather3A_225, %gather3A_226 : vector<16xf32>
        %add3A_228 = arith.addf %add3A_222, %mul3A_227 : vector<16xf32>
        tpu.vector_store_idx %arg14[%broadcast_in_dim3A, %add3A_176], %add3A_228 : memref<40x128xf32, #tpu.memory_space<vmem>>[vector<16xi32>, vector<16xi32>], vector<16xf32>,
        %add3A_229 = arith.constant 32 : i32
        %add3A_230 = vector.broadcast %add3A_229 : i32 to vector<16xi32>
        %add3A_231 = arith.addi %add3A_230, %iota3A : vector<16xi32>
        %gather3A_232 = tpu.vector_load_idx %arg11[%broadcast_in_dim3A, %add3A_231] : memref<40x128xi32, #tpu.memory_space<vmem>>[vector<16xi32>, vector<16xi32>], vector<16xi32>,
        %gather3A_233 = tpu.vector_load_idx %arg13[%broadcast_in_dim3A, %add3A_231] : memref<40x128xi32, #tpu.memory_space<vmem>>[vector<16xi32>, vector<16xi32>], vector<16xi32>,
        %broadcast_in_dim3A_234 = arith.constant 0.000000e+00 : f32
        %broadcast_in_dim3A_235 = vector.broadcast %broadcast_in_dim3A_234 : f32 to vector<16xf32>
        %broadcast_in_dim3A_236 = arith.constant 0 : i32
        %broadcast_in_dim3A_237 = vector.broadcast %broadcast_in_dim3A_236 : i32 to vector<16xi32>
        %gather3A_238 = tpu.vector_load_idx %arg9[%gather3A_232, %broadcast_in_dim3A_237] : memref<10240x8xf32, #tpu.memory_space<vmem>>[vector<16xi32>, vector<16xi32>], vector<16xf32>,
        %gather3A_239 = tpu.vector_load_idx %arg9[%gather3A_233, %broadcast_in_dim3A_237] : memref<10240x8xf32, #tpu.memory_space<vmem>>[vector<16xi32>, vector<16xi32>], vector<16xf32>,
        %mul3A_240 = arith.mulf %gather3A_238, %gather3A_239 : vector<16xf32>
        %add3A_241 = arith.addf %broadcast_in_dim3A_235, %mul3A_240 : vector<16xf32>
        %broadcast_in_dim3A_242 = arith.constant 1 : i32
        %broadcast_in_dim3A_243 = vector.broadcast %broadcast_in_dim3A_242 : i32 to vector<16xi32>
        %gather3A_244 = tpu.vector_load_idx %arg9[%gather3A_232, %broadcast_in_dim3A_243] : memref<10240x8xf32, #tpu.memory_space<vmem>>[vector<16xi32>, vector<16xi32>], vector<16xf32>,
        %gather3A_245 = tpu.vector_load_idx %arg9[%gather3A_233, %broadcast_in_dim3A_243] : memref<10240x8xf32, #tpu.memory_space<vmem>>[vector<16xi32>, vector<16xi32>], vector<16xf32>,
        %mul3A_246 = arith.mulf %gather3A_244, %gather3A_245 : vector<16xf32>
        %add3A_247 = arith.addf %add3A_241, %mul3A_246 : vector<16xf32>
        %broadcast_in_dim3A_248 = arith.constant 2 : i32
        %broadcast_in_dim3A_249 = vector.broadcast %broadcast_in_dim3A_248 : i32 to vector<16xi32>
        %gather3A_250 = tpu.vector_load_idx %arg9[%gather3A_232, %broadcast_in_dim3A_249] : memref<10240x8xf32, #tpu.memory_space<vmem>>[vector<16xi32>, vector<16xi32>], vector<16xf32>,
        %gather3A_251 = tpu.vector_load_idx %arg9[%gather3A_233, %broadcast_in_dim3A_249] : memref<10240x8xf32, #tpu.memory_space<vmem>>[vector<16xi32>, vector<16xi32>], vector<16xf32>,
        %mul3A_252 = arith.mulf %gather3A_250, %gather3A_251 : vector<16xf32>
        %add3A_253 = arith.addf %add3A_247, %mul3A_252 : vector<16xf32>
        %broadcast_in_dim3A_254 = arith.constant 3 : i32
        %broadcast_in_dim3A_255 = vector.broadcast %broadcast_in_dim3A_254 : i32 to vector<16xi32>
        %gather3A_256 = tpu.vector_load_idx %arg9[%gather3A_232, %broadcast_in_dim3A_255] : memref<10240x8xf32, #tpu.memory_space<vmem>>[vector<16xi32>, vector<16xi32>], vector<16xf32>,
        %gather3A_257 = tpu.vector_load_idx %arg9[%gather3A_233, %broadcast_in_dim3A_255] : memref<10240x8xf32, #tpu.memory_space<vmem>>[vector<16xi32>, vector<16xi32>], vector<16xf32>,
        %mul3A_258 = arith.mulf %gather3A_256, %gather3A_257 : vector<16xf32>
        %add3A_259 = arith.addf %add3A_253, %mul3A_258 : vector<16xf32>
        %broadcast_in_dim3A_260 = arith.constant 4 : i32
        %broadcast_in_dim3A_261 = vector.broadcast %broadcast_in_dim3A_260 : i32 to vector<16xi32>
        %gather3A_262 = tpu.vector_load_idx %arg9[%gather3A_232, %broadcast_in_dim3A_261] : memref<10240x8xf32, #tpu.memory_space<vmem>>[vector<16xi32>, vector<16xi32>], vector<16xf32>,
        %gather3A_263 = tpu.vector_load_idx %arg9[%gather3A_233, %broadcast_in_dim3A_261] : memref<10240x8xf32, #tpu.memory_space<vmem>>[vector<16xi32>, vector<16xi32>], vector<16xf32>,
        %mul3A_264 = arith.mulf %gather3A_262, %gather3A_263 : vector<16xf32>
        %add3A_265 = arith.addf %add3A_259, %mul3A_264 : vector<16xf32>
        %broadcast_in_dim3A_266 = arith.constant 5 : i32
        %broadcast_in_dim3A_267 = vector.broadcast %broadcast_in_dim3A_266 : i32 to vector<16xi32>
        %gather3A_268 = tpu.vector_load_idx %arg9[%gather3A_232, %broadcast_in_dim3A_267] : memref<10240x8xf32, #tpu.memory_space<vmem>>[vector<16xi32>, vector<16xi32>], vector<16xf32>,
        %gather3A_269 = tpu.vector_load_idx %arg9[%gather3A_233, %broadcast_in_dim3A_267] : memref<10240x8xf32, #tpu.memory_space<vmem>>[vector<16xi32>, vector<16xi32>], vector<16xf32>,
        %mul3A_270 = arith.mulf %gather3A_268, %gather3A_269 : vector<16xf32>
        %add3A_271 = arith.addf %add3A_265, %mul3A_270 : vector<16xf32>
        %broadcast_in_dim3A_272 = arith.constant 6 : i32
        %broadcast_in_dim3A_273 = vector.broadcast %broadcast_in_dim3A_272 : i32 to vector<16xi32>
        %gather3A_274 = tpu.vector_load_idx %arg9[%gather3A_232, %broadcast_in_dim3A_273] : memref<10240x8xf32, #tpu.memory_space<vmem>>[vector<16xi32>, vector<16xi32>], vector<16xf32>,
        %gather3A_275 = tpu.vector_load_idx %arg9[%gather3A_233, %broadcast_in_dim3A_273] : memref<10240x8xf32, #tpu.memory_space<vmem>>[vector<16xi32>, vector<16xi32>], vector<16xf32>,
        %mul3A_276 = arith.mulf %gather3A_274, %gather3A_275 : vector<16xf32>
        %add3A_277 = arith.addf %add3A_271, %mul3A_276 : vector<16xf32>
        %broadcast_in_dim3A_278 = arith.constant 7 : i32
        %broadcast_in_dim3A_279 = vector.broadcast %broadcast_in_dim3A_278 : i32 to vector<16xi32>
        %gather3A_280 = tpu.vector_load_idx %arg9[%gather3A_232, %broadcast_in_dim3A_279] : memref<10240x8xf32, #tpu.memory_space<vmem>>[vector<16xi32>, vector<16xi32>], vector<16xf32>,
        %gather3A_281 = tpu.vector_load_idx %arg9[%gather3A_233, %broadcast_in_dim3A_279] : memref<10240x8xf32, #tpu.memory_space<vmem>>[vector<16xi32>, vector<16xi32>], vector<16xf32>,
        %mul3A_282 = arith.mulf %gather3A_280, %gather3A_281 : vector<16xf32>
        %add3A_283 = arith.addf %add3A_277, %mul3A_282 : vector<16xf32>
        tpu.vector_store_idx %arg14[%broadcast_in_dim3A, %add3A_231], %add3A_283 : memref<40x128xf32, #tpu.memory_space<vmem>>[vector<16xi32>, vector<16xi32>], vector<16xf32>,
        %add3A_284 = arith.constant 48 : i32
        %add3A_285 = vector.broadcast %add3A_284 : i32 to vector<16xi32>
        %add3A_286 = arith.addi %add3A_285, %iota3A : vector<16xi32>
        %gather3A_287 = tpu.vector_load_idx %arg11[%broadcast_in_dim3A, %add3A_286] : memref<40x128xi32, #tpu.memory_space<vmem>>[vector<16xi32>, vector<16xi32>], vector<16xi32>,
        %gather3A_288 = tpu.vector_load_idx %arg13[%broadcast_in_dim3A, %add3A_286] : memref<40x128xi32, #tpu.memory_space<vmem>>[vector<16xi32>, vector<16xi32>], vector<16xi32>,
        %broadcast_in_dim3A_289 = arith.constant 0.000000e+00 : f32
        %broadcast_in_dim3A_290 = vector.broadcast %broadcast_in_dim3A_289 : f32 to vector<16xf32>
        %broadcast_in_dim3A_291 = arith.constant 0 : i32
        %broadcast_in_dim3A_292 = vector.broadcast %broadcast_in_dim3A_291 : i32 to vector<16xi32>
        %gather3A_293 = tpu.vector_load_idx %arg9[%gather3A_287, %broadcast_in_dim3A_292] : memref<10240x8xf32, #tpu.memory_space<vmem>>[vector<16xi32>, vector<16xi32>], vector<16xf32>,
        %gather3A_294 = tpu.vector_load_idx %arg9[%gather3A_288, %broadcast_in_dim3A_292] : memref<10240x8xf32, #tpu.memory_space<vmem>>[vector<16xi32>, vector<16xi32>], vector<16xf32>,
        %mul3A_295 = arith.mulf %gather3A_293, %gather3A_294 : vector<16xf32>
        %add3A_296 = arith.addf %broadcast_in_dim3A_290, %mul3A_295 : vector<16xf32>
        %broadcast_in_dim3A_297 = arith.constant 1 : i32
        %broadcast_in_dim3A_298 = vector.broadcast %broadcast_in_dim3A_297 : i32 to vector<16xi32>
        %gather3A_299 = tpu.vector_load_idx %arg9[%gather3A_287, %broadcast_in_dim3A_298] : memref<10240x8xf32, #tpu.memory_space<vmem>>[vector<16xi32>, vector<16xi32>], vector<16xf32>,
        %gather3A_300 = tpu.vector_load_idx %arg9[%gather3A_288, %broadcast_in_dim3A_298] : memref<10240x8xf32, #tpu.memory_space<vmem>>[vector<16xi32>, vector<16xi32>], vector<16xf32>,
        %mul3A_301 = arith.mulf %gather3A_299, %gather3A_300 : vector<16xf32>
        %add3A_302 = arith.addf %add3A_296, %mul3A_301 : vector<16xf32>
        %broadcast_in_dim3A_303 = arith.constant 2 : i32
        %broadcast_in_dim3A_304 = vector.broadcast %broadcast_in_dim3A_303 : i32 to vector<16xi32>
        %gather3A_305 = tpu.vector_load_idx %arg9[%gather3A_287, %broadcast_in_dim3A_304] : memref<10240x8xf32, #tpu.memory_space<vmem>>[vector<16xi32>, vector<16xi32>], vector<16xf32>,
        %gather3A_306 = tpu.vector_load_idx %arg9[%gather3A_288, %broadcast_in_dim3A_304] : memref<10240x8xf32, #tpu.memory_space<vmem>>[vector<16xi32>, vector<16xi32>], vector<16xf32>,
        %mul3A_307 = arith.mulf %gather3A_305, %gather3A_306 : vector<16xf32>
        %add3A_308 = arith.addf %add3A_302, %mul3A_307 : vector<16xf32>
        %broadcast_in_dim3A_309 = arith.constant 3 : i32
        %broadcast_in_dim3A_310 = vector.broadcast %broadcast_in_dim3A_309 : i32 to vector<16xi32>
        %gather3A_311 = tpu.vector_load_idx %arg9[%gather3A_287, %broadcast_in_dim3A_310] : memref<10240x8xf32, #tpu.memory_space<vmem>>[vector<16xi32>, vector<16xi32>], vector<16xf32>,
        %gather3A_312 = tpu.vector_load_idx %arg9[%gather3A_288, %broadcast_in_dim3A_310] : memref<10240x8xf32, #tpu.memory_space<vmem>>[vector<16xi32>, vector<16xi32>], vector<16xf32>,
        %mul3A_313 = arith.mulf %gather3A_311, %gather3A_312 : vector<16xf32>
        %add3A_314 = arith.addf %add3A_308, %mul3A_313 : vector<16xf32>
        %broadcast_in_dim3A_315 = arith.constant 4 : i32
        %broadcast_in_dim3A_316 = vector.broadcast %broadcast_in_dim3A_315 : i32 to vector<16xi32>
        %gather3A_317 = tpu.vector_load_idx %arg9[%gather3A_287, %broadcast_in_dim3A_316] : memref<10240x8xf32, #tpu.memory_space<vmem>>[vector<16xi32>, vector<16xi32>], vector<16xf32>,
        %gather3A_318 = tpu.vector_load_idx %arg9[%gather3A_288, %broadcast_in_dim3A_316] : memref<10240x8xf32, #tpu.memory_space<vmem>>[vector<16xi32>, vector<16xi32>], vector<16xf32>,
        %mul3A_319 = arith.mulf %gather3A_317, %gather3A_318 : vector<16xf32>
        %add3A_320 = arith.addf %add3A_314, %mul3A_319 : vector<16xf32>
        %broadcast_in_dim3A_321 = arith.constant 5 : i32
        %broadcast_in_dim3A_322 = vector.broadcast %broadcast_in_dim3A_321 : i32 to vector<16xi32>
        %gather3A_323 = tpu.vector_load_idx %arg9[%gather3A_287, %broadcast_in_dim3A_322] : memref<10240x8xf32, #tpu.memory_space<vmem>>[vector<16xi32>, vector<16xi32>], vector<16xf32>,
        %gather3A_324 = tpu.vector_load_idx %arg9[%gather3A_288, %broadcast_in_dim3A_322] : memref<10240x8xf32, #tpu.memory_space<vmem>>[vector<16xi32>, vector<16xi32>], vector<16xf32>,
        %mul3A_325 = arith.mulf %gather3A_323, %gather3A_324 : vector<16xf32>
        %add3A_326 = arith.addf %add3A_320, %mul3A_325 : vector<16xf32>
        %broadcast_in_dim3A_327 = arith.constant 6 : i32
        %broadcast_in_dim3A_328 = vector.broadcast %broadcast_in_dim3A_327 : i32 to vector<16xi32>
        %gather3A_329 = tpu.vector_load_idx %arg9[%gather3A_287, %broadcast_in_dim3A_328] : memref<10240x8xf32, #tpu.memory_space<vmem>>[vector<16xi32>, vector<16xi32>], vector<16xf32>,
        %gather3A_330 = tpu.vector_load_idx %arg9[%gather3A_288, %broadcast_in_dim3A_328] : memref<10240x8xf32, #tpu.memory_space<vmem>>[vector<16xi32>, vector<16xi32>], vector<16xf32>,
        %mul3A_331 = arith.mulf %gather3A_329, %gather3A_330 : vector<16xf32>
        %add3A_332 = arith.addf %add3A_326, %mul3A_331 : vector<16xf32>
        %broadcast_in_dim3A_333 = arith.constant 7 : i32
        %broadcast_in_dim3A_334 = vector.broadcast %broadcast_in_dim3A_333 : i32 to vector<16xi32>
        %gather3A_335 = tpu.vector_load_idx %arg9[%gather3A_287, %broadcast_in_dim3A_334] : memref<10240x8xf32, #tpu.memory_space<vmem>>[vector<16xi32>, vector<16xi32>], vector<16xf32>,
        %gather3A_336 = tpu.vector_load_idx %arg9[%gather3A_288, %broadcast_in_dim3A_334] : memref<10240x8xf32, #tpu.memory_space<vmem>>[vector<16xi32>, vector<16xi32>], vector<16xf32>,
        %mul3A_337 = arith.mulf %gather3A_335, %gather3A_336 : vector<16xf32>
        %add3A_338 = arith.addf %add3A_332, %mul3A_337 : vector<16xf32>
        tpu.vector_store_idx %arg14[%broadcast_in_dim3A, %add3A_286], %add3A_338 : memref<40x128xf32, #tpu.memory_space<vmem>>[vector<16xi32>, vector<16xi32>], vector<16xf32>,
        %add3A_339 = arith.constant 64 : i32
        %add3A_340 = vector.broadcast %add3A_339 : i32 to vector<16xi32>
        %add3A_341 = arith.addi %add3A_340, %iota3A : vector<16xi32>
        %gather3A_342 = tpu.vector_load_idx %arg11[%broadcast_in_dim3A, %add3A_341] : memref<40x128xi32, #tpu.memory_space<vmem>>[vector<16xi32>, vector<16xi32>], vector<16xi32>,
        %gather3A_343 = tpu.vector_load_idx %arg13[%broadcast_in_dim3A, %add3A_341] : memref<40x128xi32, #tpu.memory_space<vmem>>[vector<16xi32>, vector<16xi32>], vector<16xi32>,
        %broadcast_in_dim3A_344 = arith.constant 0.000000e+00 : f32
        %broadcast_in_dim3A_345 = vector.broadcast %broadcast_in_dim3A_344 : f32 to vector<16xf32>
        %broadcast_in_dim3A_346 = arith.constant 0 : i32
        %broadcast_in_dim3A_347 = vector.broadcast %broadcast_in_dim3A_346 : i32 to vector<16xi32>
        %gather3A_348 = tpu.vector_load_idx %arg9[%gather3A_342, %broadcast_in_dim3A_347] : memref<10240x8xf32, #tpu.memory_space<vmem>>[vector<16xi32>, vector<16xi32>], vector<16xf32>,
        %gather3A_349 = tpu.vector_load_idx %arg9[%gather3A_343, %broadcast_in_dim3A_347] : memref<10240x8xf32, #tpu.memory_space<vmem>>[vector<16xi32>, vector<16xi32>], vector<16xf32>,
        %mul3A_350 = arith.mulf %gather3A_348, %gather3A_349 : vector<16xf32>
        %add3A_351 = arith.addf %broadcast_in_dim3A_345, %mul3A_350 : vector<16xf32>
        %broadcast_in_dim3A_352 = arith.constant 1 : i32
        %broadcast_in_dim3A_353 = vector.broadcast %broadcast_in_dim3A_352 : i32 to vector<16xi32>
        %gather3A_354 = tpu.vector_load_idx %arg9[%gather3A_342, %broadcast_in_dim3A_353] : memref<10240x8xf32, #tpu.memory_space<vmem>>[vector<16xi32>, vector<16xi32>], vector<16xf32>,
        %gather3A_355 = tpu.vector_load_idx %arg9[%gather3A_343, %broadcast_in_dim3A_353] : memref<10240x8xf32, #tpu.memory_space<vmem>>[vector<16xi32>, vector<16xi32>], vector<16xf32>,
        %mul3A_356 = arith.mulf %gather3A_354, %gather3A_355 : vector<16xf32>
        %add3A_357 = arith.addf %add3A_351, %mul3A_356 : vector<16xf32>
        %broadcast_in_dim3A_358 = arith.constant 2 : i32
        %broadcast_in_dim3A_359 = vector.broadcast %broadcast_in_dim3A_358 : i32 to vector<16xi32>
        %gather3A_360 = tpu.vector_load_idx %arg9[%gather3A_342, %broadcast_in_dim3A_359] : memref<10240x8xf32, #tpu.memory_space<vmem>>[vector<16xi32>, vector<16xi32>], vector<16xf32>,
        %gather3A_361 = tpu.vector_load_idx %arg9[%gather3A_343, %broadcast_in_dim3A_359] : memref<10240x8xf32, #tpu.memory_space<vmem>>[vector<16xi32>, vector<16xi32>], vector<16xf32>,
        %mul3A_362 = arith.mulf %gather3A_360, %gather3A_361 : vector<16xf32>
        %add3A_363 = arith.addf %add3A_357, %mul3A_362 : vector<16xf32>
        %broadcast_in_dim3A_364 = arith.constant 3 : i32
        %broadcast_in_dim3A_365 = vector.broadcast %broadcast_in_dim3A_364 : i32 to vector<16xi32>
        %gather3A_366 = tpu.vector_load_idx %arg9[%gather3A_342, %broadcast_in_dim3A_365] : memref<10240x8xf32, #tpu.memory_space<vmem>>[vector<16xi32>, vector<16xi32>], vector<16xf32>,
        %gather3A_367 = tpu.vector_load_idx %arg9[%gather3A_343, %broadcast_in_dim3A_365] : memref<10240x8xf32, #tpu.memory_space<vmem>>[vector<16xi32>, vector<16xi32>], vector<16xf32>,
        %mul3A_368 = arith.mulf %gather3A_366, %gather3A_367 : vector<16xf32>
        %add3A_369 = arith.addf %add3A_363, %mul3A_368 : vector<16xf32>
        %broadcast_in_dim3A_370 = arith.constant 4 : i32
        %broadcast_in_dim3A_371 = vector.broadcast %broadcast_in_dim3A_370 : i32 to vector<16xi32>
        %gather3A_372 = tpu.vector_load_idx %arg9[%gather3A_342, %broadcast_in_dim3A_371] : memref<10240x8xf32, #tpu.memory_space<vmem>>[vector<16xi32>, vector<16xi32>], vector<16xf32>,
        %gather3A_373 = tpu.vector_load_idx %arg9[%gather3A_343, %broadcast_in_dim3A_371] : memref<10240x8xf32, #tpu.memory_space<vmem>>[vector<16xi32>, vector<16xi32>], vector<16xf32>,
        %mul3A_374 = arith.mulf %gather3A_372, %gather3A_373 : vector<16xf32>
        %add3A_375 = arith.addf %add3A_369, %mul3A_374 : vector<16xf32>
        %broadcast_in_dim3A_376 = arith.constant 5 : i32
        %broadcast_in_dim3A_377 = vector.broadcast %broadcast_in_dim3A_376 : i32 to vector<16xi32>
        %gather3A_378 = tpu.vector_load_idx %arg9[%gather3A_342, %broadcast_in_dim3A_377] : memref<10240x8xf32, #tpu.memory_space<vmem>>[vector<16xi32>, vector<16xi32>], vector<16xf32>,
        %gather3A_379 = tpu.vector_load_idx %arg9[%gather3A_343, %broadcast_in_dim3A_377] : memref<10240x8xf32, #tpu.memory_space<vmem>>[vector<16xi32>, vector<16xi32>], vector<16xf32>,
        %mul3A_380 = arith.mulf %gather3A_378, %gather3A_379 : vector<16xf32>
        %add3A_381 = arith.addf %add3A_375, %mul3A_380 : vector<16xf32>
        %broadcast_in_dim3A_382 = arith.constant 6 : i32
        %broadcast_in_dim3A_383 = vector.broadcast %broadcast_in_dim3A_382 : i32 to vector<16xi32>
        %gather3A_384 = tpu.vector_load_idx %arg9[%gather3A_342, %broadcast_in_dim3A_383] : memref<10240x8xf32, #tpu.memory_space<vmem>>[vector<16xi32>, vector<16xi32>], vector<16xf32>,
        %gather3A_385 = tpu.vector_load_idx %arg9[%gather3A_343, %broadcast_in_dim3A_383] : memref<10240x8xf32, #tpu.memory_space<vmem>>[vector<16xi32>, vector<16xi32>], vector<16xf32>,
        %mul3A_386 = arith.mulf %gather3A_384, %gather3A_385 : vector<16xf32>
        %add3A_387 = arith.addf %add3A_381, %mul3A_386 : vector<16xf32>
        %broadcast_in_dim3A_388 = arith.constant 7 : i32
        %broadcast_in_dim3A_389 = vector.broadcast %broadcast_in_dim3A_388 : i32 to vector<16xi32>
        %gather3A_390 = tpu.vector_load_idx %arg9[%gather3A_342, %broadcast_in_dim3A_389] : memref<10240x8xf32, #tpu.memory_space<vmem>>[vector<16xi32>, vector<16xi32>], vector<16xf32>,
        %gather3A_391 = tpu.vector_load_idx %arg9[%gather3A_343, %broadcast_in_dim3A_389] : memref<10240x8xf32, #tpu.memory_space<vmem>>[vector<16xi32>, vector<16xi32>], vector<16xf32>,
        %mul3A_392 = arith.mulf %gather3A_390, %gather3A_391 : vector<16xf32>
        %add3A_393 = arith.addf %add3A_387, %mul3A_392 : vector<16xf32>
        tpu.vector_store_idx %arg14[%broadcast_in_dim3A, %add3A_341], %add3A_393 : memref<40x128xf32, #tpu.memory_space<vmem>>[vector<16xi32>, vector<16xi32>], vector<16xf32>,
        %add3A_394 = arith.constant 80 : i32
        %add3A_395 = vector.broadcast %add3A_394 : i32 to vector<16xi32>
        %add3A_396 = arith.addi %add3A_395, %iota3A : vector<16xi32>
        %gather3A_397 = tpu.vector_load_idx %arg11[%broadcast_in_dim3A, %add3A_396] : memref<40x128xi32, #tpu.memory_space<vmem>>[vector<16xi32>, vector<16xi32>], vector<16xi32>,
        %gather3A_398 = tpu.vector_load_idx %arg13[%broadcast_in_dim3A, %add3A_396] : memref<40x128xi32, #tpu.memory_space<vmem>>[vector<16xi32>, vector<16xi32>], vector<16xi32>,
        %broadcast_in_dim3A_399 = arith.constant 0.000000e+00 : f32
        %broadcast_in_dim3A_400 = vector.broadcast %broadcast_in_dim3A_399 : f32 to vector<16xf32>
        %broadcast_in_dim3A_401 = arith.constant 0 : i32
        %broadcast_in_dim3A_402 = vector.broadcast %broadcast_in_dim3A_401 : i32 to vector<16xi32>
        %gather3A_403 = tpu.vector_load_idx %arg9[%gather3A_397, %broadcast_in_dim3A_402] : memref<10240x8xf32, #tpu.memory_space<vmem>>[vector<16xi32>, vector<16xi32>], vector<16xf32>,
        %gather3A_404 = tpu.vector_load_idx %arg9[%gather3A_398, %broadcast_in_dim3A_402] : memref<10240x8xf32, #tpu.memory_space<vmem>>[vector<16xi32>, vector<16xi32>], vector<16xf32>,
        %mul3A_405 = arith.mulf %gather3A_403, %gather3A_404 : vector<16xf32>
        %add3A_406 = arith.addf %broadcast_in_dim3A_400, %mul3A_405 : vector<16xf32>
        %broadcast_in_dim3A_407 = arith.constant 1 : i32
        %broadcast_in_dim3A_408 = vector.broadcast %broadcast_in_dim3A_407 : i32 to vector<16xi32>
        %gather3A_409 = tpu.vector_load_idx %arg9[%gather3A_397, %broadcast_in_dim3A_408] : memref<10240x8xf32, #tpu.memory_space<vmem>>[vector<16xi32>, vector<16xi32>], vector<16xf32>,
        %gather3A_410 = tpu.vector_load_idx %arg9[%gather3A_398, %broadcast_in_dim3A_408] : memref<10240x8xf32, #tpu.memory_space<vmem>>[vector<16xi32>, vector<16xi32>], vector<16xf32>,
        %mul3A_411 = arith.mulf %gather3A_409, %gather3A_410 : vector<16xf32>
        %add3A_412 = arith.addf %add3A_406, %mul3A_411 : vector<16xf32>
        %broadcast_in_dim3A_413 = arith.constant 2 : i32
        %broadcast_in_dim3A_414 = vector.broadcast %broadcast_in_dim3A_413 : i32 to vector<16xi32>
        %gather3A_415 = tpu.vector_load_idx %arg9[%gather3A_397, %broadcast_in_dim3A_414] : memref<10240x8xf32, #tpu.memory_space<vmem>>[vector<16xi32>, vector<16xi32>], vector<16xf32>,
        %gather3A_416 = tpu.vector_load_idx %arg9[%gather3A_398, %broadcast_in_dim3A_414] : memref<10240x8xf32, #tpu.memory_space<vmem>>[vector<16xi32>, vector<16xi32>], vector<16xf32>,
        %mul3A_417 = arith.mulf %gather3A_415, %gather3A_416 : vector<16xf32>
        %add3A_418 = arith.addf %add3A_412, %mul3A_417 : vector<16xf32>
        %broadcast_in_dim3A_419 = arith.constant 3 : i32
        %broadcast_in_dim3A_420 = vector.broadcast %broadcast_in_dim3A_419 : i32 to vector<16xi32>
        %gather3A_421 = tpu.vector_load_idx %arg9[%gather3A_397, %broadcast_in_dim3A_420] : memref<10240x8xf32, #tpu.memory_space<vmem>>[vector<16xi32>, vector<16xi32>], vector<16xf32>,
        %gather3A_422 = tpu.vector_load_idx %arg9[%gather3A_398, %broadcast_in_dim3A_420] : memref<10240x8xf32, #tpu.memory_space<vmem>>[vector<16xi32>, vector<16xi32>], vector<16xf32>,
        %mul3A_423 = arith.mulf %gather3A_421, %gather3A_422 : vector<16xf32>
        %add3A_424 = arith.addf %add3A_418, %mul3A_423 : vector<16xf32>
        %broadcast_in_dim3A_425 = arith.constant 4 : i32
        %broadcast_in_dim3A_426 = vector.broadcast %broadcast_in_dim3A_425 : i32 to vector<16xi32>
        %gather3A_427 = tpu.vector_load_idx %arg9[%gather3A_397, %broadcast_in_dim3A_426] : memref<10240x8xf32, #tpu.memory_space<vmem>>[vector<16xi32>, vector<16xi32>], vector<16xf32>,
        %gather3A_428 = tpu.vector_load_idx %arg9[%gather3A_398, %broadcast_in_dim3A_426] : memref<10240x8xf32, #tpu.memory_space<vmem>>[vector<16xi32>, vector<16xi32>], vector<16xf32>,
        %mul3A_429 = arith.mulf %gather3A_427, %gather3A_428 : vector<16xf32>
        %add3A_430 = arith.addf %add3A_424, %mul3A_429 : vector<16xf32>
        %broadcast_in_dim3A_431 = arith.constant 5 : i32
        %broadcast_in_dim3A_432 = vector.broadcast %broadcast_in_dim3A_431 : i32 to vector<16xi32>
        %gather3A_433 = tpu.vector_load_idx %arg9[%gather3A_397, %broadcast_in_dim3A_432] : memref<10240x8xf32, #tpu.memory_space<vmem>>[vector<16xi32>, vector<16xi32>], vector<16xf32>,
        %gather3A_434 = tpu.vector_load_idx %arg9[%gather3A_398, %broadcast_in_dim3A_432] : memref<10240x8xf32, #tpu.memory_space<vmem>>[vector<16xi32>, vector<16xi32>], vector<16xf32>,
        %mul3A_435 = arith.mulf %gather3A_433, %gather3A_434 : vector<16xf32>
        %add3A_436 = arith.addf %add3A_430, %mul3A_435 : vector<16xf32>
        %broadcast_in_dim3A_437 = arith.constant 6 : i32
        %broadcast_in_dim3A_438 = vector.broadcast %broadcast_in_dim3A_437 : i32 to vector<16xi32>
        %gather3A_439 = tpu.vector_load_idx %arg9[%gather3A_397, %broadcast_in_dim3A_438] : memref<10240x8xf32, #tpu.memory_space<vmem>>[vector<16xi32>, vector<16xi32>], vector<16xf32>,
        %gather3A_440 = tpu.vector_load_idx %arg9[%gather3A_398, %broadcast_in_dim3A_438] : memref<10240x8xf32, #tpu.memory_space<vmem>>[vector<16xi32>, vector<16xi32>], vector<16xf32>,
        %mul3A_441 = arith.mulf %gather3A_439, %gather3A_440 : vector<16xf32>
        %add3A_442 = arith.addf %add3A_436, %mul3A_441 : vector<16xf32>
        %broadcast_in_dim3A_443 = arith.constant 7 : i32
        %broadcast_in_dim3A_444 = vector.broadcast %broadcast_in_dim3A_443 : i32 to vector<16xi32>
        %gather3A_445 = tpu.vector_load_idx %arg9[%gather3A_397, %broadcast_in_dim3A_444] : memref<10240x8xf32, #tpu.memory_space<vmem>>[vector<16xi32>, vector<16xi32>], vector<16xf32>,
        %gather3A_446 = tpu.vector_load_idx %arg9[%gather3A_398, %broadcast_in_dim3A_444] : memref<10240x8xf32, #tpu.memory_space<vmem>>[vector<16xi32>, vector<16xi32>], vector<16xf32>,
        %mul3A_447 = arith.mulf %gather3A_445, %gather3A_446 : vector<16xf32>
        %add3A_448 = arith.addf %add3A_442, %mul3A_447 : vector<16xf32>
        tpu.vector_store_idx %arg14[%broadcast_in_dim3A, %add3A_396], %add3A_448 : memref<40x128xf32, #tpu.memory_space<vmem>>[vector<16xi32>, vector<16xi32>], vector<16xf32>,
        %add3A_449 = arith.constant 96 : i32
        %add3A_450 = vector.broadcast %add3A_449 : i32 to vector<16xi32>
        %add3A_451 = arith.addi %add3A_450, %iota3A : vector<16xi32>
        %gather3A_452 = tpu.vector_load_idx %arg11[%broadcast_in_dim3A, %add3A_451] : memref<40x128xi32, #tpu.memory_space<vmem>>[vector<16xi32>, vector<16xi32>], vector<16xi32>,
        %gather3A_453 = tpu.vector_load_idx %arg13[%broadcast_in_dim3A, %add3A_451] : memref<40x128xi32, #tpu.memory_space<vmem>>[vector<16xi32>, vector<16xi32>], vector<16xi32>,
        %broadcast_in_dim3A_454 = arith.constant 0.000000e+00 : f32
        %broadcast_in_dim3A_455 = vector.broadcast %broadcast_in_dim3A_454 : f32 to vector<16xf32>
        %broadcast_in_dim3A_456 = arith.constant 0 : i32
        %broadcast_in_dim3A_457 = vector.broadcast %broadcast_in_dim3A_456 : i32 to vector<16xi32>
        %gather3A_458 = tpu.vector_load_idx %arg9[%gather3A_452, %broadcast_in_dim3A_457] : memref<10240x8xf32, #tpu.memory_space<vmem>>[vector<16xi32>, vector<16xi32>], vector<16xf32>,
        %gather3A_459 = tpu.vector_load_idx %arg9[%gather3A_453, %broadcast_in_dim3A_457] : memref<10240x8xf32, #tpu.memory_space<vmem>>[vector<16xi32>, vector<16xi32>], vector<16xf32>,
        %mul3A_460 = arith.mulf %gather3A_458, %gather3A_459 : vector<16xf32>
        %add3A_461 = arith.addf %broadcast_in_dim3A_455, %mul3A_460 : vector<16xf32>
        %broadcast_in_dim3A_462 = arith.constant 1 : i32
        %broadcast_in_dim3A_463 = vector.broadcast %broadcast_in_dim3A_462 : i32 to vector<16xi32>
        %gather3A_464 = tpu.vector_load_idx %arg9[%gather3A_452, %broadcast_in_dim3A_463] : memref<10240x8xf32, #tpu.memory_space<vmem>>[vector<16xi32>, vector<16xi32>], vector<16xf32>,
        %gather3A_465 = tpu.vector_load_idx %arg9[%gather3A_453, %broadcast_in_dim3A_463] : memref<10240x8xf32, #tpu.memory_space<vmem>>[vector<16xi32>, vector<16xi32>], vector<16xf32>,
        %mul3A_466 = arith.mulf %gather3A_464, %gather3A_465 : vector<16xf32>
        %add3A_467 = arith.addf %add3A_461, %mul3A_466 : vector<16xf32>
        %broadcast_in_dim3A_468 = arith.constant 2 : i32
        %broadcast_in_dim3A_469 = vector.broadcast %broadcast_in_dim3A_468 : i32 to vector<16xi32>
        %gather3A_470 = tpu.vector_load_idx %arg9[%gather3A_452, %broadcast_in_dim3A_469] : memref<10240x8xf32, #tpu.memory_space<vmem>>[vector<16xi32>, vector<16xi32>], vector<16xf32>,
        %gather3A_471 = tpu.vector_load_idx %arg9[%gather3A_453, %broadcast_in_dim3A_469] : memref<10240x8xf32, #tpu.memory_space<vmem>>[vector<16xi32>, vector<16xi32>], vector<16xf32>,
        %mul3A_472 = arith.mulf %gather3A_470, %gather3A_471 : vector<16xf32>
        %add3A_473 = arith.addf %add3A_467, %mul3A_472 : vector<16xf32>
        %broadcast_in_dim3A_474 = arith.constant 3 : i32
        %broadcast_in_dim3A_475 = vector.broadcast %broadcast_in_dim3A_474 : i32 to vector<16xi32>
        %gather3A_476 = tpu.vector_load_idx %arg9[%gather3A_452, %broadcast_in_dim3A_475] : memref<10240x8xf32, #tpu.memory_space<vmem>>[vector<16xi32>, vector<16xi32>], vector<16xf32>,
        %gather3A_477 = tpu.vector_load_idx %arg9[%gather3A_453, %broadcast_in_dim3A_475] : memref<10240x8xf32, #tpu.memory_space<vmem>>[vector<16xi32>, vector<16xi32>], vector<16xf32>,
        %mul3A_478 = arith.mulf %gather3A_476, %gather3A_477 : vector<16xf32>
        %add3A_479 = arith.addf %add3A_473, %mul3A_478 : vector<16xf32>
        %broadcast_in_dim3A_480 = arith.constant 4 : i32
        %broadcast_in_dim3A_481 = vector.broadcast %broadcast_in_dim3A_480 : i32 to vector<16xi32>
        %gather3A_482 = tpu.vector_load_idx %arg9[%gather3A_452, %broadcast_in_dim3A_481] : memref<10240x8xf32, #tpu.memory_space<vmem>>[vector<16xi32>, vector<16xi32>], vector<16xf32>,
        %gather3A_483 = tpu.vector_load_idx %arg9[%gather3A_453, %broadcast_in_dim3A_481] : memref<10240x8xf32, #tpu.memory_space<vmem>>[vector<16xi32>, vector<16xi32>], vector<16xf32>,
        %mul3A_484 = arith.mulf %gather3A_482, %gather3A_483 : vector<16xf32>
        %add3A_485 = arith.addf %add3A_479, %mul3A_484 : vector<16xf32>
        %broadcast_in_dim3A_486 = arith.constant 5 : i32
        %broadcast_in_dim3A_487 = vector.broadcast %broadcast_in_dim3A_486 : i32 to vector<16xi32>
        %gather3A_488 = tpu.vector_load_idx %arg9[%gather3A_452, %broadcast_in_dim3A_487] : memref<10240x8xf32, #tpu.memory_space<vmem>>[vector<16xi32>, vector<16xi32>], vector<16xf32>,
        %gather3A_489 = tpu.vector_load_idx %arg9[%gather3A_453, %broadcast_in_dim3A_487] : memref<10240x8xf32, #tpu.memory_space<vmem>>[vector<16xi32>, vector<16xi32>], vector<16xf32>,
        %mul3A_490 = arith.mulf %gather3A_488, %gather3A_489 : vector<16xf32>
        %add3A_491 = arith.addf %add3A_485, %mul3A_490 : vector<16xf32>
        %broadcast_in_dim3A_492 = arith.constant 6 : i32
        %broadcast_in_dim3A_493 = vector.broadcast %broadcast_in_dim3A_492 : i32 to vector<16xi32>
        %gather3A_494 = tpu.vector_load_idx %arg9[%gather3A_452, %broadcast_in_dim3A_493] : memref<10240x8xf32, #tpu.memory_space<vmem>>[vector<16xi32>, vector<16xi32>], vector<16xf32>,
        %gather3A_495 = tpu.vector_load_idx %arg9[%gather3A_453, %broadcast_in_dim3A_493] : memref<10240x8xf32, #tpu.memory_space<vmem>>[vector<16xi32>, vector<16xi32>], vector<16xf32>,
        %mul3A_496 = arith.mulf %gather3A_494, %gather3A_495 : vector<16xf32>
        %add3A_497 = arith.addf %add3A_491, %mul3A_496 : vector<16xf32>
        %broadcast_in_dim3A_498 = arith.constant 7 : i32
        %broadcast_in_dim3A_499 = vector.broadcast %broadcast_in_dim3A_498 : i32 to vector<16xi32>
        %gather3A_500 = tpu.vector_load_idx %arg9[%gather3A_452, %broadcast_in_dim3A_499] : memref<10240x8xf32, #tpu.memory_space<vmem>>[vector<16xi32>, vector<16xi32>], vector<16xf32>,
        %gather3A_501 = tpu.vector_load_idx %arg9[%gather3A_453, %broadcast_in_dim3A_499] : memref<10240x8xf32, #tpu.memory_space<vmem>>[vector<16xi32>, vector<16xi32>], vector<16xf32>,
        %mul3A_502 = arith.mulf %gather3A_500, %gather3A_501 : vector<16xf32>
        %add3A_503 = arith.addf %add3A_497, %mul3A_502 : vector<16xf32>
        tpu.vector_store_idx %arg14[%broadcast_in_dim3A, %add3A_451], %add3A_503 : memref<40x128xf32, #tpu.memory_space<vmem>>[vector<16xi32>, vector<16xi32>], vector<16xf32>,
        %add3A_504 = arith.constant 112 : i32
        %add3A_505 = vector.broadcast %add3A_504 : i32 to vector<16xi32>
        %add3A_506 = arith.addi %add3A_505, %iota3A : vector<16xi32>
        %gather3A_507 = tpu.vector_load_idx %arg11[%broadcast_in_dim3A, %add3A_506] : memref<40x128xi32, #tpu.memory_space<vmem>>[vector<16xi32>, vector<16xi32>], vector<16xi32>,
        %gather3A_508 = tpu.vector_load_idx %arg13[%broadcast_in_dim3A, %add3A_506] : memref<40x128xi32, #tpu.memory_space<vmem>>[vector<16xi32>, vector<16xi32>], vector<16xi32>,
        %broadcast_in_dim3A_509 = arith.constant 0.000000e+00 : f32
        %broadcast_in_dim3A_510 = vector.broadcast %broadcast_in_dim3A_509 : f32 to vector<16xf32>
        %broadcast_in_dim3A_511 = arith.constant 0 : i32
        %broadcast_in_dim3A_512 = vector.broadcast %broadcast_in_dim3A_511 : i32 to vector<16xi32>
        %gather3A_513 = tpu.vector_load_idx %arg9[%gather3A_507, %broadcast_in_dim3A_512] : memref<10240x8xf32, #tpu.memory_space<vmem>>[vector<16xi32>, vector<16xi32>], vector<16xf32>,
        %gather3A_514 = tpu.vector_load_idx %arg9[%gather3A_508, %broadcast_in_dim3A_512] : memref<10240x8xf32, #tpu.memory_space<vmem>>[vector<16xi32>, vector<16xi32>], vector<16xf32>,
        %mul3A_515 = arith.mulf %gather3A_513, %gather3A_514 : vector<16xf32>
        %add3A_516 = arith.addf %broadcast_in_dim3A_510, %mul3A_515 : vector<16xf32>
        %broadcast_in_dim3A_517 = arith.constant 1 : i32
        %broadcast_in_dim3A_518 = vector.broadcast %broadcast_in_dim3A_517 : i32 to vector<16xi32>
        %gather3A_519 = tpu.vector_load_idx %arg9[%gather3A_507, %broadcast_in_dim3A_518] : memref<10240x8xf32, #tpu.memory_space<vmem>>[vector<16xi32>, vector<16xi32>], vector<16xf32>,
        %gather3A_520 = tpu.vector_load_idx %arg9[%gather3A_508, %broadcast_in_dim3A_518] : memref<10240x8xf32, #tpu.memory_space<vmem>>[vector<16xi32>, vector<16xi32>], vector<16xf32>,
        %mul3A_521 = arith.mulf %gather3A_519, %gather3A_520 : vector<16xf32>
        %add3A_522 = arith.addf %add3A_516, %mul3A_521 : vector<16xf32>
        %broadcast_in_dim3A_523 = arith.constant 2 : i32
        %broadcast_in_dim3A_524 = vector.broadcast %broadcast_in_dim3A_523 : i32 to vector<16xi32>
        %gather3A_525 = tpu.vector_load_idx %arg9[%gather3A_507, %broadcast_in_dim3A_524] : memref<10240x8xf32, #tpu.memory_space<vmem>>[vector<16xi32>, vector<16xi32>], vector<16xf32>,
        %gather3A_526 = tpu.vector_load_idx %arg9[%gather3A_508, %broadcast_in_dim3A_524] : memref<10240x8xf32, #tpu.memory_space<vmem>>[vector<16xi32>, vector<16xi32>], vector<16xf32>,
        %mul3A_527 = arith.mulf %gather3A_525, %gather3A_526 : vector<16xf32>
        %add3A_528 = arith.addf %add3A_522, %mul3A_527 : vector<16xf32>
        %broadcast_in_dim3A_529 = arith.constant 3 : i32
        %broadcast_in_dim3A_530 = vector.broadcast %broadcast_in_dim3A_529 : i32 to vector<16xi32>
        %gather3A_531 = tpu.vector_load_idx %arg9[%gather3A_507, %broadcast_in_dim3A_530] : memref<10240x8xf32, #tpu.memory_space<vmem>>[vector<16xi32>, vector<16xi32>], vector<16xf32>,
        %gather3A_532 = tpu.vector_load_idx %arg9[%gather3A_508, %broadcast_in_dim3A_530] : memref<10240x8xf32, #tpu.memory_space<vmem>>[vector<16xi32>, vector<16xi32>], vector<16xf32>,
        %mul3A_533 = arith.mulf %gather3A_531, %gather3A_532 : vector<16xf32>
        %add3A_534 = arith.addf %add3A_528, %mul3A_533 : vector<16xf32>
        %broadcast_in_dim3A_535 = arith.constant 4 : i32
        %broadcast_in_dim3A_536 = vector.broadcast %broadcast_in_dim3A_535 : i32 to vector<16xi32>
        %gather3A_537 = tpu.vector_load_idx %arg9[%gather3A_507, %broadcast_in_dim3A_536] : memref<10240x8xf32, #tpu.memory_space<vmem>>[vector<16xi32>, vector<16xi32>], vector<16xf32>,
        %gather3A_538 = tpu.vector_load_idx %arg9[%gather3A_508, %broadcast_in_dim3A_536] : memref<10240x8xf32, #tpu.memory_space<vmem>>[vector<16xi32>, vector<16xi32>], vector<16xf32>,
        %mul3A_539 = arith.mulf %gather3A_537, %gather3A_538 : vector<16xf32>
        %add3A_540 = arith.addf %add3A_534, %mul3A_539 : vector<16xf32>
        %broadcast_in_dim3A_541 = arith.constant 5 : i32
        %broadcast_in_dim3A_542 = vector.broadcast %broadcast_in_dim3A_541 : i32 to vector<16xi32>
        %gather3A_543 = tpu.vector_load_idx %arg9[%gather3A_507, %broadcast_in_dim3A_542] : memref<10240x8xf32, #tpu.memory_space<vmem>>[vector<16xi32>, vector<16xi32>], vector<16xf32>,
        %gather3A_544 = tpu.vector_load_idx %arg9[%gather3A_508, %broadcast_in_dim3A_542] : memref<10240x8xf32, #tpu.memory_space<vmem>>[vector<16xi32>, vector<16xi32>], vector<16xf32>,
        %mul3A_545 = arith.mulf %gather3A_543, %gather3A_544 : vector<16xf32>
        %add3A_546 = arith.addf %add3A_540, %mul3A_545 : vector<16xf32>
        %broadcast_in_dim3A_547 = arith.constant 6 : i32
        %broadcast_in_dim3A_548 = vector.broadcast %broadcast_in_dim3A_547 : i32 to vector<16xi32>
        %gather3A_549 = tpu.vector_load_idx %arg9[%gather3A_507, %broadcast_in_dim3A_548] : memref<10240x8xf32, #tpu.memory_space<vmem>>[vector<16xi32>, vector<16xi32>], vector<16xf32>,
        %gather3A_550 = tpu.vector_load_idx %arg9[%gather3A_508, %broadcast_in_dim3A_548] : memref<10240x8xf32, #tpu.memory_space<vmem>>[vector<16xi32>, vector<16xi32>], vector<16xf32>,
        %mul3A_551 = arith.mulf %gather3A_549, %gather3A_550 : vector<16xf32>
        %add3A_552 = arith.addf %add3A_546, %mul3A_551 : vector<16xf32>
        %broadcast_in_dim3A_553 = arith.constant 7 : i32
        %broadcast_in_dim3A_554 = vector.broadcast %broadcast_in_dim3A_553 : i32 to vector<16xi32>
        %gather3A_555 = tpu.vector_load_idx %arg9[%gather3A_507, %broadcast_in_dim3A_554] : memref<10240x8xf32, #tpu.memory_space<vmem>>[vector<16xi32>, vector<16xi32>], vector<16xf32>,
        %gather3A_556 = tpu.vector_load_idx %arg9[%gather3A_508, %broadcast_in_dim3A_554] : memref<10240x8xf32, #tpu.memory_space<vmem>>[vector<16xi32>, vector<16xi32>], vector<16xf32>,
        %mul3A_557 = arith.mulf %gather3A_555, %gather3A_556 : vector<16xf32>
        %add3A_558 = arith.addf %add3A_552, %mul3A_557 : vector<16xf32>
        tpu.vector_store_idx %arg14[%broadcast_in_dim3A, %add3A_506], %add3A_558 : memref<40x128xf32, #tpu.memory_space<vmem>>[vector<16xi32>, vector<16xi32>], vector<16xf32>,
      }
      %scan3A_115 = arith.constant 40 : i32
      %mul3A_116 = arith.constant 40 : i32
      %mul3A_117 = arith.muli %add3A_94, %mul3A_116 : i32
      %add3A_118 = arith.addi %mul3A_32, %mul3A_117 : i32
      "tpu.region"() ({
        %run_scoped3A = tpu.sem_alloc : memref<!tpu.dma_semaphore, #tpu.memory_space<semaphore_mem>>
        %dma_start3A_119 = arith.constant 0 : i32
        %dma_start3A_120 = tpu.memref_slice %arg8[%select_n3A_9, %add3A_118, %dma_start3A_119] : memref<4x2560x128xf32, #tpu.memory_space<hbm>> -> memref<1x40x128xf32, #tpu.memory_space<hbm>>
        %dma_start3A_121 = tpu.memref_squeeze %dma_start3A_120 : memref<1x40x128xf32, #tpu.memory_space<hbm>> -> memref<40x128xf32, #tpu.memory_space<hbm>>
        %dma_start3A_122 = arith.constant 0 : i32
        %dma_start3A_123 = tpu.memref_slice %arg8[%select_n3A_9, %add3A_118, %dma_start3A_122] : memref<4x2560x128xf32, #tpu.memory_space<hbm>> -> memref<1x40x128xf32, #tpu.memory_space<hbm>>
        %dma_start3A_124 = tpu.memref_squeeze %dma_start3A_123 : memref<1x40x128xf32, #tpu.memory_space<hbm>> -> memref<40x128xf32, #tpu.memory_space<hbm>>
        tpu.enqueue_dma source(%arg14 : memref<40x128xf32, #tpu.memory_space<vmem>>) target(%dma_start3A_124 : memref<40x128xf32, #tpu.memory_space<hbm>>) target_semaphore(%run_scoped3A : memref<!tpu.dma_semaphore, #tpu.memory_space<semaphore_mem>>)
        %dma_wait3A_125 = arith.constant 0 : i32
        %dma_wait3A_126 = tpu.memref_slice %arg8[%select_n3A_9, %add3A_118, %dma_wait3A_125] : memref<4x2560x128xf32, #tpu.memory_space<hbm>> -> memref<1x40x128xf32, #tpu.memory_space<hbm>>
        %dma_wait3A_127 = tpu.memref_squeeze %dma_wait3A_126 : memref<1x40x128xf32, #tpu.memory_space<hbm>> -> memref<40x128xf32, #tpu.memory_space<hbm>>
        %dma_wait3A_128 = arith.constant 0 : i32
        %dma_wait3A_129 = tpu.memref_slice %arg8[%select_n3A_9, %add3A_118, %dma_wait3A_128] : memref<4x2560x128xf32, #tpu.memory_space<hbm>> -> memref<1x40x128xf32, #tpu.memory_space<hbm>>
        %dma_wait3A_130 = tpu.memref_squeeze %dma_wait3A_129 : memref<1x40x128xf32, #tpu.memory_space<hbm>> -> memref<40x128xf32, #tpu.memory_space<hbm>>
        tpu.wait_dma2 semaphore(%run_scoped3A : memref<!tpu.dma_semaphore, #tpu.memory_space<semaphore_mem>>) src(%arg14 : memref<40x128xf32, #tpu.memory_space<vmem>>) dst(%dma_wait3A_130 : memref<40x128xf32, #tpu.memory_space<hbm>>)
        tpu.yield
      }) : () -> ()
    }
    %scan3A_62 = arith.constant 4 : i32
    return
  }
}

module attributes {stable_mosaic.version = 14 : i64} {
  func.func @body(%arg0: i32, %arg1: memref<1x1x1024x16xf32, #tpu.memory_space<vmem>>, %arg2: memref<1x1x1024x16xf32, #tpu.memory_space<vmem>>, %arg3: memref<1024x128xf32, #tpu.memory_space<vmem>>, %arg4: memref<128x32xf32, #tpu.memory_space<vmem>>, %arg5: memref<1x1024x1xf32, #tpu.memory_space<vmem>>, %arg6: memref<1024x32xf32, #tpu.memory_space<vmem>>) attributes {dimension_semantics = [#tpu.dimension_semantics<arbitrary>], iteration_bounds = array<i64: 10>, scalar_prefetch = 0 : i64, scratch_operands = 0 : i64, tpu.core_type = #tpu.core_type<tc>, window_params = [{transform_indices = @transform_0, window_bounds = array<i64: 1, 1, 1024, 16>}, {transform_indices = @transform_1, window_bounds = array<i64: 1, 1, 1024, 16>}, {transform_indices = @transform_2, window_bounds = array<i64: 1024, 128>}, {pipeline_mode = #tpu.pipeline_mode<synchronous>, transform_indices = @transform_3, window_bounds = array<i64: 128, 32>}, {transform_indices = @transform_4, window_bounds = array<i64: 1, 1024, 1>}, {transform_indices = @transform_5, window_bounds = array<i64: 1024, 32>}]} {
    %get3A = arith.constant 0 : index
    %get3A_0 = arith.constant 0 : index
    %get3A_1 = arith.constant 0 : index
    %get3A_2 = arith.constant 0 : index
    %get3A_3 = vector.load %arg1[%get3A, %get3A_0, %get3A_1, %get3A_2] : memref<1x1x1024x16xf32, #tpu.memory_space<vmem>>, vector<1x1x1024x16xf32>
    %get3A_4 = vector.shape_cast %get3A_3 : vector<1x1x1024x16xf32> to vector<1024x16xf32>
    %slice3A = vector.extract_strided_slice %get3A_4 {offsets = [0, 0], sizes = [1024, 1], strides = [1, 1]} : vector<1024x16xf32> to vector<1024x1xf32>
    %get3A_5 = arith.constant 0 : index
    %get3A_6 = arith.constant 0 : index
    %get3A_7 = arith.constant 0 : index
    %get3A_8 = arith.constant 0 : index
    %get3A_9 = vector.load %arg2[%get3A_5, %get3A_6, %get3A_7, %get3A_8] : memref<1x1x1024x16xf32, #tpu.memory_space<vmem>>, vector<1x1x1024x16xf32>
    %get3A_10 = vector.shape_cast %get3A_9 : vector<1x1x1024x16xf32> to vector<1024x16xf32>
    %slice3A_11 = vector.extract_strided_slice %get3A_10 {offsets = [0, 0], sizes = [1024, 1], strides = [1, 1]} : vector<1024x16xf32> to vector<1024x1xf32>
    %add3A = arith.addf %slice3A, %slice3A_11 : vector<1024x1xf32>
    %add3A_12 = arith.constant 1.000000e+00 : f32
    %add3A_13 = vector.broadcast %add3A_12 : f32 to vector<1024x1xf32>
    %add3A_14 = arith.addf %add3A, %add3A_13 : vector<1024x1xf32>
    %rsqrt3A = math.rsqrt %add3A_14 : vector<1024x1xf32>
    %get3A_15 = arith.constant 0 : index
    %get3A_16 = arith.constant 0 : index
    %get3A_17 = vector.load %arg3[%get3A_15, %get3A_16] : memref<1024x128xf32, #tpu.memory_space<vmem>>, vector<1024x128xf32>
    %get3A_18 = arith.constant 0 : index
    %get3A_19 = arith.constant 0 : index
    %get3A_20 = vector.load %arg4[%get3A_18, %get3A_19] : memref<128x32xf32, #tpu.memory_space<vmem>>, vector<128x32xf32>
    %dot_general3A = arith.constant dense<0.000000e+00> : vector<1024x32xf32>
    %dot_general3A_21 = tpu.matmul %get3A_17, %get3A_20, %dot_general3A {dimension_numbers = #tpu.dot_dimension_numbers<[1], [0], [0], [1], [0, 0, 1, 1], [], []>, transpose_lhs_hint = false} : vector<1024x128xf32>, vector<128x32xf32>, vector<1024x32xf32> -> vector<1024x32xf32>
    %swap3A = arith.constant 0 : index
    %swap3A_22 = arith.constant 0 : index
    %swap3A_23 = arith.constant 0 : index
    %swap3A_24 = vector.load %arg5[%swap3A, %swap3A_22, %swap3A_23] : memref<1x1024x1xf32, #tpu.memory_space<vmem>>, vector<1x1024x1xf32>
    %swap3A_25 = vector.shape_cast %swap3A_24 : vector<1x1024x1xf32> to vector<1024x1xf32>
    %swap3A_26 = vector.shape_cast %rsqrt3A : vector<1024x1xf32> to vector<1x1024x1xf32>
    tpu.vector_store %arg5[%swap3A, %swap3A_22, %swap3A_23], %swap3A_26 {strides = array<i32>} : memref<1x1024x1xf32, #tpu.memory_space<vmem>>, vector<1x1024x1xf32>,
    %mul3A = vector.broadcast %rsqrt3A : vector<1024x1xf32> to vector<1024x32xf32>
    %mul3A_27 = arith.mulf %dot_general3A_21, %mul3A : vector<1024x32xf32>
    %swap3A_28 = arith.constant 0 : index
    %swap3A_29 = arith.constant 0 : index
    %swap3A_30 = vector.load %arg6[%swap3A_28, %swap3A_29] : memref<1024x32xf32, #tpu.memory_space<vmem>>, vector<1024x32xf32>
    tpu.vector_store %arg6[%swap3A_28, %swap3A_29], %mul3A_27 {strides = array<i32>} : memref<1024x32xf32, #tpu.memory_space<vmem>>, vector<1024x32xf32>,
    return
  }
  func.func @transform_0(%arg0: i32) -> (i32, i32, i32, i32) {
    %c0_i32 = arith.constant 0 : i32
    %c0_i32_0 = arith.constant 0 : i32
    %c0_i32_1 = arith.constant 0 : i32
    %c0_i32_2 = arith.constant 0 : i32
    return %c0_i32, %arg0, %c0_i32_0, %c0_i32_1 : i32, i32, i32, i32
  }
  func.func @transform_1(%arg0: i32) -> (i32, i32, i32, i32) {
    %c1_i32 = arith.constant 1 : i32
    %c0_i32 = arith.constant 0 : i32
    %c0_i32_0 = arith.constant 0 : i32
    %c0_i32_1 = arith.constant 0 : i32
    return %c1_i32, %arg0, %c0_i32, %c0_i32_0 : i32, i32, i32, i32
  }
  func.func @transform_2(%arg0: i32) -> (i32, i32) {
    %c0_i32 = arith.constant 0 : i32
    %c0_i32_0 = arith.constant 0 : i32
    return %arg0, %c0_i32 : i32, i32
  }
  func.func @transform_3(%arg0: i32) -> (i32, i32) {
    %c0_i32 = arith.constant 0 : i32
    %c0_i32_0 = arith.constant 0 : i32
    %c0_i32_1 = arith.constant 0 : i32
    return %c0_i32, %c0_i32_0 : i32, i32
  }
  func.func @transform_4(%arg0: i32) -> (i32, i32, i32) {
    %c0_i32 = arith.constant 0 : i32
    %c0_i32_0 = arith.constant 0 : i32
    %c0_i32_1 = arith.constant 0 : i32
    return %arg0, %c0_i32, %c0_i32_0 : i32, i32, i32
  }
  func.func @transform_5(%arg0: i32) -> (i32, i32) {
    %c0_i32 = arith.constant 0 : i32
    %c0_i32_0 = arith.constant 0 : i32
    return %arg0, %c0_i32 : i32, i32
  }
}

module attributes {stable_mosaic.version = 14 : i64} {
  func.func @body(%arg0: i32, %arg1: memref<1x1024x32xf32, #tpu.memory_space<vmem>>, %arg2: memref<1x1024x32xf32, #tpu.memory_space<vmem>>, %arg3: memref<1024x32xf32, #tpu.memory_space<vmem>>, %arg4: memref<1x1024x1xf32, #tpu.memory_space<vmem>>, %arg5: memref<32x32xf32, #tpu.memory_space<vmem>>, %arg6: memref<1x32xf32, #tpu.memory_space<vmem>>, %arg7: memref<1024x32xf32, #tpu.memory_space<vmem>>) attributes {dimension_semantics = [#tpu.dimension_semantics<arbitrary>], iteration_bounds = array<i64: 10>, scalar_prefetch = 0 : i64, scratch_operands = 0 : i64, tpu.core_type = #tpu.core_type<tc>, window_params = [{transform_indices = @transform_0, window_bounds = array<i64: 1, 1024, 32>}, {transform_indices = @transform_1, window_bounds = array<i64: 1, 1024, 32>}, {transform_indices = @transform_2, window_bounds = array<i64: 1024, 32>}, {transform_indices = @transform_3, window_bounds = array<i64: 1, 1024, 1>}, {pipeline_mode = #tpu.pipeline_mode<synchronous>, transform_indices = @transform_4, window_bounds = array<i64: 32, 32>}, {pipeline_mode = #tpu.pipeline_mode<synchronous>, transform_indices = @transform_5, window_bounds = array<i64: 1, 32>}, {transform_indices = @transform_6, window_bounds = array<i64: 1024, 32>}]} {
    %get3A = arith.constant 0 : index
    %get3A_0 = arith.constant 0 : index
    %get3A_1 = arith.constant 0 : index
    %get3A_2 = vector.load %arg4[%get3A, %get3A_0, %get3A_1] : memref<1x1024x1xf32, #tpu.memory_space<vmem>>, vector<1x1024x1xf32>
    %get3A_3 = vector.shape_cast %get3A_2 : vector<1x1024x1xf32> to vector<1024x1xf32>
    %get3A_4 = arith.constant 0 : index
    %get3A_5 = arith.constant 0 : index
    %get3A_6 = arith.constant 0 : index
    %get3A_7 = vector.load %arg1[%get3A_4, %get3A_5, %get3A_6] : memref<1x1024x32xf32, #tpu.memory_space<vmem>>, vector<1x1024x32xf32>
    %get3A_8 = vector.shape_cast %get3A_7 : vector<1x1024x32xf32> to vector<1024x32xf32>
    %get3A_9 = arith.constant 0 : index
    %get3A_10 = arith.constant 0 : index
    %get3A_11 = arith.constant 0 : index
    %get3A_12 = vector.load %arg2[%get3A_9, %get3A_10, %get3A_11] : memref<1x1024x32xf32, #tpu.memory_space<vmem>>, vector<1x1024x32xf32>
    %get3A_13 = vector.shape_cast %get3A_12 : vector<1x1024x32xf32> to vector<1024x32xf32>
    %add3A = arith.addf %get3A_8, %get3A_13 : vector<1024x32xf32>
    %get3A_14 = arith.constant 0 : index
    %get3A_15 = arith.constant 0 : index
    %get3A_16 = vector.load %arg3[%get3A_14, %get3A_15] : memref<1024x32xf32, #tpu.memory_space<vmem>>, vector<1024x32xf32>
    %add3A_17 = arith.addf %add3A, %get3A_16 : vector<1024x32xf32>
    %mul3A = vector.broadcast %get3A_3 : vector<1024x1xf32> to vector<1024x32xf32>
    %mul3A_18 = arith.mulf %add3A_17, %mul3A : vector<1024x32xf32>
    %get3A_19 = arith.constant 0 : index
    %get3A_20 = arith.constant 0 : index
    %get3A_21 = vector.load %arg6[%get3A_19, %get3A_20] : memref<1x32xf32, #tpu.memory_space<vmem>>, vector<1x32xf32>
    %add3A_22 = vector.broadcast %get3A_21 : vector<1x32xf32> to vector<1024x32xf32>
    %add3A_23 = arith.addf %mul3A_18, %add3A_22 : vector<1024x32xf32>
    %max3A = arith.constant 0.000000e+00 : f32
    %max3A_24 = vector.broadcast %max3A : f32 to vector<1024x32xf32>
    %max3A_25 = arith.maximumf %add3A_23, %max3A_24 : vector<1024x32xf32>
    %get3A_26 = arith.constant 0 : index
    %get3A_27 = arith.constant 0 : index
    %get3A_28 = vector.load %arg5[%get3A_26, %get3A_27] : memref<32x32xf32, #tpu.memory_space<vmem>>, vector<32x32xf32>
    %dot_general3A = arith.constant dense<0.000000e+00> : vector<1024x32xf32>
    %dot_general3A_29 = tpu.matmul %max3A_25, %get3A_28, %dot_general3A {dimension_numbers = #tpu.dot_dimension_numbers<[1], [0], [0], [1], [0, 0, 1, 1], [], []>, transpose_lhs_hint = false} : vector<1024x32xf32>, vector<32x32xf32>, vector<1024x32xf32> -> vector<1024x32xf32>
    %mul3A_30 = vector.broadcast %get3A_3 : vector<1024x1xf32> to vector<1024x32xf32>
    %mul3A_31 = arith.mulf %dot_general3A_29, %mul3A_30 : vector<1024x32xf32>
    %swap3A = arith.constant 0 : index
    %swap3A_32 = arith.constant 0 : index
    %swap3A_33 = vector.load %arg7[%swap3A, %swap3A_32] : memref<1024x32xf32, #tpu.memory_space<vmem>>, vector<1024x32xf32>
    tpu.vector_store %arg7[%swap3A, %swap3A_32], %mul3A_31 {strides = array<i32>} : memref<1024x32xf32, #tpu.memory_space<vmem>>, vector<1024x32xf32>,
    return
  }
  func.func @transform_0(%arg0: i32) -> (i32, i32, i32) {
    %c0_i32 = arith.constant 0 : i32
    %c0_i32_0 = arith.constant 0 : i32
    %c0_i32_1 = arith.constant 0 : i32
    return %c0_i32, %arg0, %c0_i32_0 : i32, i32, i32
  }
  func.func @transform_1(%arg0: i32) -> (i32, i32, i32) {
    %c1_i32 = arith.constant 1 : i32
    %c0_i32 = arith.constant 0 : i32
    %c0_i32_0 = arith.constant 0 : i32
    return %c1_i32, %arg0, %c0_i32 : i32, i32, i32
  }
  func.func @transform_2(%arg0: i32) -> (i32, i32) {
    %c0_i32 = arith.constant 0 : i32
    %c0_i32_0 = arith.constant 0 : i32
    return %arg0, %c0_i32 : i32, i32
  }
  func.func @transform_3(%arg0: i32) -> (i32, i32, i32) {
    %c0_i32 = arith.constant 0 : i32
    %c0_i32_0 = arith.constant 0 : i32
    %c0_i32_1 = arith.constant 0 : i32
    return %arg0, %c0_i32, %c0_i32_0 : i32, i32, i32
  }
  func.func @transform_4(%arg0: i32) -> (i32, i32) {
    %c0_i32 = arith.constant 0 : i32
    %c0_i32_0 = arith.constant 0 : i32
    %c0_i32_1 = arith.constant 0 : i32
    return %c0_i32, %c0_i32_0 : i32, i32
  }
  func.func @transform_5(%arg0: i32) -> (i32, i32) {
    %c0_i32 = arith.constant 0 : i32
    %c0_i32_0 = arith.constant 0 : i32
    %c0_i32_1 = arith.constant 0 : i32
    return %c0_i32, %c0_i32_0 : i32, i32
  }
  func.func @transform_6(%arg0: i32) -> (i32, i32) {
    %c0_i32 = arith.constant 0 : i32
    %c0_i32_0 = arith.constant 0 : i32
    return %arg0, %c0_i32 : i32, i32
  }
}

module attributes {stable_mosaic.version = 14 : i64} {
  func.func @body(%arg0: i32, %arg1: memref<1x1024x32xf32, #tpu.memory_space<vmem>>, %arg2: memref<1x1024x32xf32, #tpu.memory_space<vmem>>, %arg3: memref<1024x32xf32, #tpu.memory_space<vmem>>, %arg4: memref<1x1024x1xf32, #tpu.memory_space<vmem>>, %arg5: memref<1x32xf32, #tpu.memory_space<vmem>>, %arg6: memref<1024x32xf32, #tpu.memory_space<vmem>>, %arg7: memref<1x32xf32, #tpu.memory_space<vmem>>, %arg8: memref<1024x8xf32, #tpu.memory_space<vmem>>, %arg9: memref<1024x8xf32, #tpu.memory_space<vmem>>, %arg10: memref<1024x8xf32, #tpu.memory_space<vmem>>, %arg11: memref<1024x8xf32, #tpu.memory_space<vmem>>) attributes {dimension_semantics = [#tpu.dimension_semantics<arbitrary>], iteration_bounds = array<i64: 10>, scalar_prefetch = 0 : i64, scratch_operands = 0 : i64, tpu.core_type = #tpu.core_type<tc>, window_params = [{transform_indices = @transform_0, window_bounds = array<i64: 1, 1024, 32>}, {transform_indices = @transform_1, window_bounds = array<i64: 1, 1024, 32>}, {transform_indices = @transform_2, window_bounds = array<i64: 1024, 32>}, {transform_indices = @transform_3, window_bounds = array<i64: 1, 1024, 1>}, {pipeline_mode = #tpu.pipeline_mode<synchronous>, transform_indices = @transform_4, window_bounds = array<i64: 1, 32>}, {transform_indices = @transform_5, window_bounds = array<i64: 1024, 32>}, {pipeline_mode = #tpu.pipeline_mode<synchronous>, transform_indices = @transform_6, window_bounds = array<i64: 1, 32>}, {transform_indices = @transform_7, window_bounds = array<i64: 1024, 8>}, {transform_indices = @transform_8, window_bounds = array<i64: 1024, 8>}, {transform_indices = @transform_9, window_bounds = array<i64: 1024, 8>}, {transform_indices = @transform_10, window_bounds = array<i64: 1024, 8>}]} {
    %get3A = arith.constant 0 : index
    %get3A_0 = arith.constant 0 : index
    %get3A_1 = arith.constant 0 : index
    %get3A_2 = vector.load %arg4[%get3A, %get3A_0, %get3A_1] : memref<1x1024x1xf32, #tpu.memory_space<vmem>>, vector<1x1024x1xf32>
    %get3A_3 = vector.shape_cast %get3A_2 : vector<1x1024x1xf32> to vector<1024x1xf32>
    %get3A_4 = arith.constant 0 : index
    %get3A_5 = arith.constant 0 : index
    %get3A_6 = arith.constant 0 : index
    %get3A_7 = vector.load %arg1[%get3A_4, %get3A_5, %get3A_6] : memref<1x1024x32xf32, #tpu.memory_space<vmem>>, vector<1x1024x32xf32>
    %get3A_8 = vector.shape_cast %get3A_7 : vector<1x1024x32xf32> to vector<1024x32xf32>
    %get3A_9 = arith.constant 0 : index
    %get3A_10 = arith.constant 0 : index
    %get3A_11 = arith.constant 0 : index
    %get3A_12 = vector.load %arg2[%get3A_9, %get3A_10, %get3A_11] : memref<1x1024x32xf32, #tpu.memory_space<vmem>>, vector<1x1024x32xf32>
    %get3A_13 = vector.shape_cast %get3A_12 : vector<1x1024x32xf32> to vector<1024x32xf32>
    %add3A = arith.addf %get3A_8, %get3A_13 : vector<1024x32xf32>
    %get3A_14 = arith.constant 0 : index
    %get3A_15 = arith.constant 0 : index
    %get3A_16 = vector.load %arg3[%get3A_14, %get3A_15] : memref<1024x32xf32, #tpu.memory_space<vmem>>, vector<1024x32xf32>
    %add3A_17 = arith.addf %add3A, %get3A_16 : vector<1024x32xf32>
    %mul3A = vector.broadcast %get3A_3 : vector<1024x1xf32> to vector<1024x32xf32>
    %mul3A_18 = arith.mulf %add3A_17, %mul3A : vector<1024x32xf32>
    %get3A_19 = arith.constant 0 : index
    %get3A_20 = arith.constant 0 : index
    %get3A_21 = vector.load %arg5[%get3A_19, %get3A_20] : memref<1x32xf32, #tpu.memory_space<vmem>>, vector<1x32xf32>
    %add3A_22 = vector.broadcast %get3A_21 : vector<1x32xf32> to vector<1024x32xf32>
    %add3A_23 = arith.addf %mul3A_18, %add3A_22 : vector<1024x32xf32>
    %reduce_max3A = arith.constant dense<0xFF800000> : vector<1024xf32>
    %reduce_max3A_24 = vector.multi_reduction <maximumf>, %add3A_23, %reduce_max3A [1] : vector<1024x32xf32> to vector<1024xf32>
    %broadcast_in_dim3A = vector.shape_cast %reduce_max3A_24 : vector<1024xf32> to vector<1024x1xf32>
    %sub3A = vector.broadcast %broadcast_in_dim3A : vector<1024x1xf32> to vector<1024x32xf32>
    %sub3A_25 = arith.subf %add3A_23, %sub3A : vector<1024x32xf32>
    %exp3A = math.exp %sub3A_25 : vector<1024x32xf32>
    %reduce_sum3A = arith.constant dense<0.000000e+00> : vector<1024xf32>
    %reduce_sum3A_26 = vector.multi_reduction <add>, %exp3A, %reduce_sum3A [1] : vector<1024x32xf32> to vector<1024xf32>
    %broadcast_in_dim3A_27 = vector.shape_cast %reduce_sum3A_26 : vector<1024xf32> to vector<1024x1xf32>
    %div3A = vector.broadcast %broadcast_in_dim3A_27 : vector<1024x1xf32> to vector<1024x32xf32>
    %div3A_28 = arith.divf %exp3A, %div3A : vector<1024x32xf32>
    %mul3A_29 = arith.constant 1024 : i32
    %mul3A_30 = arith.muli %arg0, %mul3A_29 : i32
    %iota3A = tpu.iota {dimensions = array<i32: 0>} : vector<1024x1xi32>
    %add3A_31 = vector.broadcast %mul3A_30 : i32 to vector<1024x1xi32>
    %add3A_32 = arith.addi %add3A_31, %iota3A : vector<1024x1xi32>
    %lt3A = arith.constant 10000 : i32
    %lt3A_33 = vector.broadcast %lt3A : i32 to vector<1024x1xi32>
    %lt3A_34 = arith.cmpi slt, %add3A_32, %lt3A_33 : vector<1024x1xi32>
    %jit3A = arith.constant 0.000000e+00 : f32
    %broadcast_in_dim3A_35 = vector.shape_cast %lt3A_34 : vector<1024x1xi1> to vector<1024x1xi1>
    %broadcast_in_dim3A_36 = vector.broadcast %broadcast_in_dim3A_35 : vector<1024x1xi1> to vector<1024x32xi1>
    %broadcast_in_dim3A_37 = vector.broadcast %jit3A : f32 to vector<1024x32xf32>
    %select_n3A = arith.select %broadcast_in_dim3A_36, %div3A_28, %broadcast_in_dim3A_37 : vector<1024x32xi1>, vector<1024x32xf32>
    %swap3A = arith.constant 0 : index
    %swap3A_38 = arith.constant 0 : index
    %swap3A_39 = vector.load %arg6[%swap3A, %swap3A_38] : memref<1024x32xf32, #tpu.memory_space<vmem>>, vector<1024x32xf32>
    tpu.vector_store %arg6[%swap3A, %swap3A_38], %select_n3A {strides = array<i32>} : memref<1024x32xf32, #tpu.memory_space<vmem>>, vector<1024x32xf32>,
    %slice3A = vector.extract_strided_slice %select_n3A {offsets = [0, 0], sizes = [1024, 8], strides = [1, 1]} : vector<1024x32xf32> to vector<1024x8xf32>
    %swap3A_40 = arith.constant 0 : index
    %swap3A_41 = arith.constant 0 : index
    %swap3A_42 = vector.load %arg8[%swap3A_40, %swap3A_41] : memref<1024x8xf32, #tpu.memory_space<vmem>>, vector<1024x8xf32>
    tpu.vector_store %arg8[%swap3A_40, %swap3A_41], %slice3A {strides = array<i32>} : memref<1024x8xf32, #tpu.memory_space<vmem>>, vector<1024x8xf32>,
    %slice3A_43 = vector.extract_strided_slice %select_n3A {offsets = [0, 8], sizes = [1024, 8], strides = [1, 1]} : vector<1024x32xf32> to vector<1024x8xf32>
    %swap3A_44 = arith.constant 0 : index
    %swap3A_45 = arith.constant 0 : index
    %swap3A_46 = vector.load %arg9[%swap3A_44, %swap3A_45] : memref<1024x8xf32, #tpu.memory_space<vmem>>, vector<1024x8xf32>
    tpu.vector_store %arg9[%swap3A_44, %swap3A_45], %slice3A_43 {strides = array<i32>} : memref<1024x8xf32, #tpu.memory_space<vmem>>, vector<1024x8xf32>,
    %slice3A_47 = vector.extract_strided_slice %select_n3A {offsets = [0, 16], sizes = [1024, 8], strides = [1, 1]} : vector<1024x32xf32> to vector<1024x8xf32>
    %swap3A_48 = arith.constant 0 : index
    %swap3A_49 = arith.constant 0 : index
    %swap3A_50 = vector.load %arg10[%swap3A_48, %swap3A_49] : memref<1024x8xf32, #tpu.memory_space<vmem>>, vector<1024x8xf32>
    tpu.vector_store %arg10[%swap3A_48, %swap3A_49], %slice3A_47 {strides = array<i32>} : memref<1024x8xf32, #tpu.memory_space<vmem>>, vector<1024x8xf32>,
    %slice3A_51 = vector.extract_strided_slice %select_n3A {offsets = [0, 24], sizes = [1024, 8], strides = [1, 1]} : vector<1024x32xf32> to vector<1024x8xf32>
    %swap3A_52 = arith.constant 0 : index
    %swap3A_53 = arith.constant 0 : index
    %swap3A_54 = vector.load %arg11[%swap3A_52, %swap3A_53] : memref<1024x8xf32, #tpu.memory_space<vmem>>, vector<1024x8xf32>
    tpu.vector_store %arg11[%swap3A_52, %swap3A_53], %slice3A_51 {strides = array<i32>} : memref<1024x8xf32, #tpu.memory_space<vmem>>, vector<1024x8xf32>,
    %mul3A_55 = arith.mulf %select_n3A, %select_n3A : vector<1024x32xf32>
    %sub3A_56 = arith.constant 1.000000e+00 : f32
    %sub3A_57 = vector.broadcast %sub3A_56 : f32 to vector<1024x32xf32>
    %sub3A_58 = arith.subf %sub3A_57, %mul3A_55 : vector<1024x32xf32>
    %log3A = math.log %sub3A_58 : vector<1024x32xf32>
    %reduce_sum3A_59 = arith.constant dense<0.000000e+00> : vector<32xf32>
    %reduce_sum3A_60 = vector.multi_reduction <add>, %log3A, %reduce_sum3A_59 [0] : vector<1024x32xf32> to vector<32xf32>
    %broadcast_in_dim3A_61 = vector.shape_cast %reduce_sum3A_60 : vector<32xf32> to vector<1x32xf32>
    %eq3A = arith.constant 0 : i32
    %eq3A_62 = arith.cmpi eq, %arg0, %eq3A : i32
    %convert_element_type3A = arith.extui %eq3A_62 : i1 to i32
    %cond3A = arith.constant 0 : i32
    %cond3A_63 = arith.cmpi ne, %convert_element_type3A, %cond3A : i32
    scf.if %cond3A_63 {
      %swap3A_68 = arith.constant 0 : index
      %swap3A_69 = arith.constant 0 : index
      %swap3A_70 = vector.load %arg7[%swap3A_68, %swap3A_69] : memref<1x32xf32, #tpu.memory_space<vmem>>, vector<1x32xf32>
      tpu.vector_store %arg7[%swap3A_68, %swap3A_69], %broadcast_in_dim3A_61 {strides = array<i32>} : memref<1x32xf32, #tpu.memory_space<vmem>>, vector<1x32xf32>,
    } else {
    }
    %ne3A = arith.constant 0 : i32
    %ne3A_64 = arith.cmpi ne, %arg0, %ne3A : i32
    %convert_element_type3A_65 = arith.extui %ne3A_64 : i1 to i32
    %cond3A_66 = arith.constant 0 : i32
    %cond3A_67 = arith.cmpi ne, %convert_element_type3A_65, %cond3A_66 : i32
    scf.if %cond3A_67 {
      %get3A_68 = arith.constant 0 : index
      %get3A_69 = arith.constant 0 : index
      %get3A_70 = vector.load %arg7[%get3A_68, %get3A_69] : memref<1x32xf32, #tpu.memory_space<vmem>>, vector<1x32xf32>
      %add3A_71 = arith.addf %get3A_70, %broadcast_in_dim3A_61 : vector<1x32xf32>
      %swap3A_72 = arith.constant 0 : index
      %swap3A_73 = arith.constant 0 : index
      %swap3A_74 = vector.load %arg7[%swap3A_72, %swap3A_73] : memref<1x32xf32, #tpu.memory_space<vmem>>, vector<1x32xf32>
      tpu.vector_store %arg7[%swap3A_72, %swap3A_73], %add3A_71 {strides = array<i32>} : memref<1x32xf32, #tpu.memory_space<vmem>>, vector<1x32xf32>,
    } else {
    }
    return
  }
  func.func @transform_0(%arg0: i32) -> (i32, i32, i32) {
    %c0_i32 = arith.constant 0 : i32
    %c0_i32_0 = arith.constant 0 : i32
    %c0_i32_1 = arith.constant 0 : i32
    return %c0_i32, %arg0, %c0_i32_0 : i32, i32, i32
  }
  func.func @transform_1(%arg0: i32) -> (i32, i32, i32) {
    %c1_i32 = arith.constant 1 : i32
    %c0_i32 = arith.constant 0 : i32
    %c0_i32_0 = arith.constant 0 : i32
    return %c1_i32, %arg0, %c0_i32 : i32, i32, i32
  }
  func.func @transform_2(%arg0: i32) -> (i32, i32) {
    %c0_i32 = arith.constant 0 : i32
    %c0_i32_0 = arith.constant 0 : i32
    return %arg0, %c0_i32 : i32, i32
  }
  func.func @transform_3(%arg0: i32) -> (i32, i32, i32) {
    %c0_i32 = arith.constant 0 : i32
    %c0_i32_0 = arith.constant 0 : i32
    %c0_i32_1 = arith.constant 0 : i32
    return %arg0, %c0_i32, %c0_i32_0 : i32, i32, i32
  }
  func.func @transform_4(%arg0: i32) -> (i32, i32) {
    %c0_i32 = arith.constant 0 : i32
    %c0_i32_0 = arith.constant 0 : i32
    %c0_i32_1 = arith.constant 0 : i32
    return %c0_i32, %c0_i32_0 : i32, i32
  }
  func.func @transform_5(%arg0: i32) -> (i32, i32) {
    %c0_i32 = arith.constant 0 : i32
    %c0_i32_0 = arith.constant 0 : i32
    return %arg0, %c0_i32 : i32, i32
  }
  func.func @transform_6(%arg0: i32) -> (i32, i32) {
    %c0_i32 = arith.constant 0 : i32
    %c0_i32_0 = arith.constant 0 : i32
    %c0_i32_1 = arith.constant 0 : i32
    return %c0_i32, %c0_i32_0 : i32, i32
  }
  func.func @transform_7(%arg0: i32) -> (i32, i32) {
    %c0_i32 = arith.constant 0 : i32
    %c0_i32_0 = arith.constant 0 : i32
    return %arg0, %c0_i32 : i32, i32
  }
  func.func @transform_8(%arg0: i32) -> (i32, i32) {
    %c0_i32 = arith.constant 0 : i32
    %c0_i32_0 = arith.constant 0 : i32
    return %arg0, %c0_i32 : i32, i32
  }
  func.func @transform_9(%arg0: i32) -> (i32, i32) {
    %c0_i32 = arith.constant 0 : i32
    %c0_i32_0 = arith.constant 0 : i32
    return %arg0, %c0_i32 : i32, i32
  }
  func.func @transform_10(%arg0: i32) -> (i32, i32) {
    %c0_i32 = arith.constant 0 : i32
    %c0_i32_0 = arith.constant 0 : i32
    return %arg0, %c0_i32 : i32, i32
  }
}

module attributes {stable_mosaic.version = 14 : i64} {
  func.func @body(%arg0: i32, %arg1: memref<4x2560x128xf32, #tpu.memory_space<vmem>>, %arg2: memref<2560x128xf32, #tpu.memory_space<vmem>>, %arg3: memref<1x32xf32, #tpu.memory_space<vmem>>, %arg4: memref<1x1xf32, #tpu.memory_space<smem>>) attributes {dimension_semantics = [#tpu.dimension_semantics<arbitrary>], iteration_bounds = array<i64: 1>, scalar_prefetch = 0 : i64, scratch_operands = 0 : i64, tpu.core_type = #tpu.core_type<tc>, window_params = [{pipeline_mode = #tpu.pipeline_mode<synchronous>, transform_indices = @transform_0, window_bounds = array<i64: 4, 2560, 128>}, {pipeline_mode = #tpu.pipeline_mode<synchronous>, transform_indices = @transform_1, window_bounds = array<i64: 2560, 128>}, {pipeline_mode = #tpu.pipeline_mode<synchronous>, transform_indices = @transform_2, window_bounds = array<i64: 1, 32>}, {transform_indices = @transform_3, window_bounds = array<i64: 1, 1>}]} {
    %get3A = arith.constant 0 : index
    %get3A_0 = arith.constant 0 : index
    %get3A_1 = arith.constant 0 : index
    %get3A_2 = vector.load %arg1[%get3A, %get3A_0, %get3A_1] : memref<4x2560x128xf32, #tpu.memory_space<vmem>>, vector<4x2560x128xf32>
    %slice3A = vector.extract_strided_slice %get3A_2 {offsets = [0, 0, 0], sizes = [1, 2560, 128], strides = [1, 1, 1]} : vector<4x2560x128xf32> to vector<1x2560x128xf32>
    %squeeze3A = vector.shape_cast %slice3A : vector<1x2560x128xf32> to vector<2560x128xf32>
    %slice3A_3 = vector.extract_strided_slice %get3A_2 {offsets = [1, 0, 0], sizes = [1, 2560, 128], strides = [1, 1, 1]} : vector<4x2560x128xf32> to vector<1x2560x128xf32>
    %squeeze3A_4 = vector.shape_cast %slice3A_3 : vector<1x2560x128xf32> to vector<2560x128xf32>
    %add3A = arith.addf %squeeze3A, %squeeze3A_4 : vector<2560x128xf32>
    %slice3A_5 = vector.extract_strided_slice %get3A_2 {offsets = [2, 0, 0], sizes = [1, 2560, 128], strides = [1, 1, 1]} : vector<4x2560x128xf32> to vector<1x2560x128xf32>
    %squeeze3A_6 = vector.shape_cast %slice3A_5 : vector<1x2560x128xf32> to vector<2560x128xf32>
    %add3A_7 = arith.addf %add3A, %squeeze3A_6 : vector<2560x128xf32>
    %slice3A_8 = vector.extract_strided_slice %get3A_2 {offsets = [3, 0, 0], sizes = [1, 2560, 128], strides = [1, 1, 1]} : vector<4x2560x128xf32> to vector<1x2560x128xf32>
    %squeeze3A_9 = vector.shape_cast %slice3A_8 : vector<1x2560x128xf32> to vector<2560x128xf32>
    %add3A_10 = arith.addf %add3A_7, %squeeze3A_9 : vector<2560x128xf32>
    %get3A_11 = arith.constant 0 : index
    %get3A_12 = arith.constant 0 : index
    %get3A_13 = vector.load %arg2[%get3A_11, %get3A_12] : memref<2560x128xf32, #tpu.memory_space<vmem>>, vector<2560x128xf32>
    %sub3A = arith.subf %add3A_10, %get3A_13 : vector<2560x128xf32>
    %mul3A = arith.mulf %sub3A, %sub3A : vector<2560x128xf32>
    %reduce_sum3A = vector.shape_cast %mul3A : vector<2560x128xf32> to vector<1x2560x128xf32>
    %reduce_sum3A_14 = arith.constant dense<0.000000e+00> : vector<1xf32>
    %reduce_sum3A_15 = vector.multi_reduction <add>, %reduce_sum3A, %reduce_sum3A_14 [1, 2] : vector<1x2560x128xf32> to vector<1xf32>
    %reduce_sum3A_16 = vector.shape_cast %reduce_sum3A_15 : vector<1xf32> to vector<1x1x1xf32>
    %reduce_sum3A_17 = vector.extract %reduce_sum3A_16[0, 0, 0] : f32 from vector<1x1x1xf32>
    %iota3A = tpu.iota {dimensions = array<i32: 1>} : vector<1x32xi32>
    %lt3A = arith.constant 30 : i32
    %lt3A_18 = vector.broadcast %lt3A : i32 to vector<1x32xi32>
    %lt3A_19 = arith.cmpi slt, %iota3A, %lt3A_18 : vector<1x32xi32>
    %get3A_20 = arith.constant 0 : index
    %get3A_21 = arith.constant 0 : index
    %get3A_22 = vector.load %arg3[%get3A_20, %get3A_21] : memref<1x32xf32, #tpu.memory_space<vmem>>, vector<1x32xf32>
    %exp3A = math.exp %get3A_22 : vector<1x32xf32>
    %sub3A_23 = arith.constant 1.000100e+00 : f32
    %sub3A_24 = vector.broadcast %sub3A_23 : f32 to vector<1x32xf32>
    %sub3A_25 = arith.subf %sub3A_24, %exp3A : vector<1x32xf32>
    %log3A = math.log %sub3A_25 : vector<1x32xf32>
    %jit3A = arith.constant 0.000000e+00 : f32
    %broadcast_in_dim3A = vector.broadcast %jit3A : f32 to vector<1x32xf32>
    %select_n3A = arith.select %lt3A_19, %log3A, %broadcast_in_dim3A : vector<1x32xi1>, vector<1x32xf32>
    %reduce_sum3A_26 = vector.shape_cast %select_n3A : vector<1x32xf32> to vector<1x1x32xf32>
    %reduce_sum3A_27 = arith.constant dense<0.000000e+00> : vector<1xf32>
    %reduce_sum3A_28 = vector.multi_reduction <add>, %reduce_sum3A_26, %reduce_sum3A_27 [1, 2] : vector<1x1x32xf32> to vector<1xf32>
    %reduce_sum3A_29 = vector.shape_cast %reduce_sum3A_28 : vector<1xf32> to vector<1x1x1xf32>
    %reduce_sum3A_30 = vector.extract %reduce_sum3A_29[0, 0, 0] : f32 from vector<1x1x1xf32>
    %neg3A = arith.constant 0.000000e+00 : f32
    %neg3A_31 = arith.subf %neg3A, %reduce_sum3A_30 : f32
    %mul3A_32 = arith.constant 3.125000e-06 : f32
    %mul3A_33 = arith.mulf %reduce_sum3A_17, %mul3A_32 : f32
    %mul3A_34 = arith.constant 0.00999999977 : f32
    %mul3A_35 = arith.mulf %mul3A_34, %neg3A_31 : f32
    %add3A_36 = arith.addf %mul3A_33, %mul3A_35 : f32
    %swap3A = arith.constant 0 : index
    %swap3A_37 = arith.constant 0 : index
    %swap3A_38 = memref.load %arg4[%swap3A, %swap3A_37] : memref<1x1xf32, #tpu.memory_space<smem>>
    memref.store %add3A_36, %arg4[%swap3A, %swap3A_37] : memref<1x1xf32, #tpu.memory_space<smem>>
    return
  }
  func.func @transform_0(%arg0: i32) -> (i32, i32, i32) {
    %c0_i32 = arith.constant 0 : i32
    %c0_i32_0 = arith.constant 0 : i32
    %c0_i32_1 = arith.constant 0 : i32
    %c0_i32_2 = arith.constant 0 : i32
    return %c0_i32, %c0_i32_0, %c0_i32_1 : i32, i32, i32
  }
  func.func @transform_1(%arg0: i32) -> (i32, i32) {
    %c0_i32 = arith.constant 0 : i32
    %c0_i32_0 = arith.constant 0 : i32
    %c0_i32_1 = arith.constant 0 : i32
    return %c0_i32, %c0_i32_0 : i32, i32
  }
  func.func @transform_2(%arg0: i32) -> (i32, i32) {
    %c0_i32 = arith.constant 0 : i32
    %c0_i32_0 = arith.constant 0 : i32
    %c0_i32_1 = arith.constant 0 : i32
    return %c0_i32, %c0_i32_0 : i32, i32
  }
  func.func @transform_3(%arg0: i32) -> (i32, i32) {
    %c0_i32 = arith.constant 0 : i32
    %c0_i32_0 = arith.constant 0 : i32
    %c0_i32_1 = arith.constant 0 : i32
    return %c0_i32, %c0_i32_0 : i32, i32
  }
}

</mosaic_0001>

<sc_bundles>
// kernel: kernel.10.cloned.1.call-start
scs
__scs_entry_jumppad:
0x0: {  	(pc) =	sbr.rel $0x88, $3  }
0x1: {  	(tag) =	ssettag $0x0;
	lr =	simm.s32 $0x1  }
0x2: {  	[smem:$0x3F9A] =	sst lr;
	_ =	strace $0xD0000000  }
0x3: {  	_ = 	snop  }
0x4: {  	_ = 	snop  }
0x5: {  	_ = 	snop  }
0x6: {  	_ = 	snop  }
0x7: {  	_ = 	snop  }
__scs_overlays_trampoline_lowered:
0x8: {  	[smem:$0x3FA9] =	sst s0  }
0x9: {  	[smem:$0x3FAA] =	sst s1  }
0xa: {  	[smem:$0x3FAB] =	sst s2  }
0xb: {  	[smem:$0x3FAC] =	sst s3  }
0xc: {  	[smem:$0x3FAD] =	sst s4  }
0xd: {  	[smem:$0x3FAE] =	sst s5  }
0xe: {  	[smem:$0x3FAF] =	sst s6  }
0xf: {  	[smem:$0x3FB0] =	sst s7  }
0x10: {  	[smem:$0x3FB1] =	sst s8  }
0x11: {  	[smem:$0x3FB2] =	sst s9;
	s0 =	simm.s32 @!p0 $0x0  }
0x12: {  	s1 =	sld [smem:$0x3F98];
	s0 =	simm.s32 @p0 $0x1  }
0x13: {  	[smem:$0x3FB3] =	sst s0;
	s0 =	simm.s32 @!p1 $0x0  }
0x14: {  	s2 =	sld [smem:$0x3F97];
	s0 =	simm.s32 @p1 $0x1  }
0x15: {  	[smem:$0x3FB4] =	sst s0;
	s0 =	simm.s32 @!p2 $0x0  }
0x16: {  	s3 =	sld [smem:$0x3FDB];
	s0 =	simm.s32 @p2 $0x1  }
0x17: {  	s4 =	simm.s32 $0x1BF5;
	[smem:$0x3FB6] =	sst s0  }
0x18: {  	s0 =	sld [smem:$0x3F99];
	_ =	swait.ge [sflag:s4], $0x0  }
0x19: {  	s7 =	sld [smem:$0x3F9A]  }
0x1a: {  	s8 =	sadd.s32 $0xFFFFE003, lr  }
0x1b: {  	s9 =	sadd.s32 $0xFFFFFEF7, lr;
	s5 =	simm.s32 $0xFFFFFFFF;
	p2 =	slt.u32 s8, $0xFFFFF086  }
0x1c: {  	p1 =	slt.u32 s9, $0xF7A;
	s5 =	simm.s32 @!p2 $0x0  }
0x1d: {  	s5 =	simm.s32 @p1 $0x1;
	p0 =	seq.s32 s7, s2  }
0x1e: {  	s7 =	smul.u32 @!p0 $0xF7A, s2;
	p2 =	seq.s32 @!p0 s5, $0x0  }
0x1f: {  	s9 =	smul.u32 $0xF7A, s1;
	s8 =	simm.s32 @!p0 $0x1BF5;
	p2 =	por !p2, p0  }
0x20: {  	[sflag:s8] =	ssyncset.s32 @!p0 $0xFFFFF086;
	s6 =	sadd.s32 @!p0 s3, s7;
	s7 =	simm.s32 @!p0 $0x108  }
0x21: {  	s3 =	sadd.s32 s3, s9;
	s6 =	sadd.s32 @!p0 $0x88, s6;
	s7 =	simm.s32 @p2 $0x1082  }
0x22: {  	[simem:s7], [sflag:s8] =	dma.local @!p0 [hbm:s6], $0xF7A  }
0x23: {  	s9 =	sor.u32 $0xD0000000, s2;
	s6 =	simm.s32 $0x108;
	_ =	swait.ge @!p0 [sflag:s8], $0x0  }
0x24: {  	s3 =	sadd.s32 $0x88, s3;
	s6 =	simm.s32 @!p1 $0x1082;
	[sflag:s4] =	ssyncset.s32 $0xFFFFF086  }
0x25: {  	[simem:s6], [sflag:s4] =	dma.local [hbm:s3], $0xF7A  }
0x26: {  	[smem:$0x3F9A] =	sst s1;
	(tag) =	ssettag s2;
	_ =	strace s9  }
0x27: {  	s1 =	sld [smem:$0x3FAA]  }
0x28: {  	s2 =	sld [smem:$0x3FAB]  }
0x29: {  	s4 =	sld [smem:$0x3FAD]  }
0x2a: {  	p0 =	seq.s32 s5, $0x0;
	s5 =	sld [smem:$0x3FAE]  }
0x2b: {  	s6 =	sld [smem:$0x3FAF]  }
0x2c: {  	s7 =	sld [smem:$0x3FB0]  }
0x2d: {  	s3 =	simm.s32 $0x108;
	s8 =	sld [smem:$0x3FB1]  }
0x2e: {  	s3 =	simm.s32 @!p0 $0x1082;
	s9 =	sld [smem:$0x3FB2]  }
0x2f: {  	lr =	sadd.s32 s0, s3;
	s0 =	sld [smem:$0x3FA9]  }
0x30: {  	s3 =	sld [smem:$0x3FAC]  }
0x31: {  	[smem:$0x3FB5] =	sst s10  }
0x32: {  	s10 =	sld [smem:$0x3FB3];
	_ =	sdelay $0x3  }
0x33: {  	p0 =	seq.s32 s10, $0x1;
	s10 =	sld [smem:$0x3FB5];
	_ =	sdelay $0x3  }
0x34: {  	[smem:$0x3FB5] =	sst s10  }
0x35: {  	s10 =	sld [smem:$0x3FB4];
	_ =	sdelay $0x3  }
0x36: {  	p1 =	seq.s32 s10, $0x1;
	s10 =	sld [smem:$0x3FB5];
	_ =	sdelay $0x3  }
0x37: {  	[smem:$0x3FB5] =	sst s10  }
0x38: {  	s10 =	sld [smem:$0x3FB6]  }
0x39: {  	_ = 	snop;
	(pc) =	sbr.ind lr, $3  }
0x3a: {  	_ = 	snop  }
0x3b: {  	_ = 	snop  }
0x3c: {  	p2 =	seq.s32 s10, $0x1;
	s10 =	sld [smem:$0x3FB5]  }
0x3d: {  	_ =	shalt  }
0x3e: {  	_ =	shalt  }
0x3f: {  	_ =	shalt  }
0x40: {  	_ =	shalt  }
0x41: {  	_ =	shalt  }
0x42: {  	_ =	shalt  }
0x43: {  	_ =	shalt  }
0x44: {  	_ =	shalt  }
0x45: {  	_ =	shalt  }
0x46: {  	_ =	shalt  }
0x47: {  	_ =	shalt  }
0x48: {  	_ =	shalt  }
0x49: {  	_ =	shalt  }
0x4a: {  	_ =	shalt  }
0x4b: {  	_ =	shalt  }
0x4c: {  	_ =	shalt  }
0x4d: {  	_ =	shalt  }
0x4e: {  	_ =	shalt  }
0x4f: {  	_ =	shalt  }
0x50: {  	_ =	shalt  }
0x51: {  	_ =	shalt  }
0x52: {  	_ =	shalt  }
0x53: {  	_ =	shalt  }
0x54: {  	_ =	shalt  }
0x55: {  	_ =	shalt  }
0x56: {  	_ =	shalt  }
0x57: {  	_ =	shalt  }
0x58: {  	_ =	shalt  }
0x59: {  	_ =	shalt  }
0x5a: {  	_ =	shalt  }
0x5b: {  	_ =	shalt  }
0x5c: {  	_ =	shalt  }
0x5d: {  	_ =	shalt  }
0x5e: {  	_ =	shalt  }
0x5f: {  	_ =	shalt  }
0x60: {  	_ =	shalt  }
0x61: {  	_ =	shalt  }
0x62: {  	_ =	shalt  }
0x63: {  	_ =	shalt  }
0x64: {  	_ =	shalt  }
0x65: {  	_ =	shalt  }
0x66: {  	_ =	shalt  }
0x67: {  	_ =	shalt  }
0x68: {  	_ =	shalt  }
0x69: {  	_ =	shalt  }
0x6a: {  	_ =	shalt  }
0x6b: {  	_ =	shalt  }
0x6c: {  	_ =	shalt  }
0x6d: {  	_ =	shalt  }
0x6e: {  	_ =	shalt  }
0x6f: {  	_ =	shalt  }
0x70: {  	_ =	shalt  }
0x71: {  	_ =	shalt  }
0x72: {  	_ =	shalt  }
0x73: {  	_ =	shalt  }
0x74: {  	_ =	shalt  }
0x75: {  	_ =	shalt  }
0x76: {  	_ =	shalt  }
0x77: {  	_ =	shalt  }
0x78: {  	_ =	shalt  }
0x79: {  	_ =	shalt  }
0x7a: {  	_ =	shalt  }
0x7b: {  	_ =	shalt  }
0x7c: {  	_ =	shalt  }
0x7d: {  	_ =	shalt  }
0x7e: {  	_ =	shalt  }
0x7f: {  	_ =	shalt  }
0x80: {  	_ =	shalt  }
0x81: {  	_ =	shalt  }
0x82: {  	_ =	shalt  }
0x83: {  	_ =	shalt  }
0x84: {  	_ =	shalt  }
0x85: {  	_ =	shalt  }
0x86: {  	_ =	shalt  }
0x87: {  	_ =	shalt  }
.Lfunc_end0:
.L_simem_size_0:
called_computation_lowered:
.L_overlay_start_0:
0x88: {  	s2 =	sld [smem:$0x3FD9]  }
0x89: {  	s3 =	sld [smem:$0x3FFE];
	_ =	sdelay $0x1  }
0x8a: {  	s1 =	srdreg.scid  }
0x8b: {  	s0 =	sand.u32 $0x1, s1  }
0x8c: {  	s16 =	sshll.u32 s0, $0xA;
	s2 =	sadd.s32 s3, s2  }
0x8d: {  	s2 =	sadd.s32 s2, s16  }
0x8e: {  	[smem:$0x3FC1] =	sst s2  }
0x8f: {  	_ = 	snop  }
0x90: {  	(tm) =	ssettm $0x1  }
0x91: {  	s17 =	sld [smem:$0x3FFB];
	_ =	sdelay $0x3  }
0x92: {  	_ =	strace s17  }
0x93: {  	s2 =	sld [smem:$0x3FFC];
	_ =	sdelay $0x3  }
0x94: {  	_ =	strace s2  }
0x95: {  	s2 =	sld [smem:$0x3FFD];
	_ =	sdelay $0x3  }
0x96: {  	_ =	strace s2  }
0x97: {  	_ =	strace $0x8FFFFFFF  }
0x98: {  	s18 =	sld [smem:$0x3FDB];
	_ =	sdelay $0x1  }
0x99: {  	s19 =	simm.s32 $_scs_section_size  }
0x9a: {  	s4 =	simm.s32 $_size__tile_overlayer_lowered;
	s5 =	simm.s32 $_tile_overlayer_lowered  }
0x9b: {  	s22 =	simm.s32 $0x1BFF;
	s21 =	sshll.u32 s5, $0x1;
	s2 =	sadd.s32 s19, s18  }
0x9c: {  	s6 =	simm.s32 $0x0;
	s20 =	sshll.u32 s4, $0x1;
	s4 =	sadd.s32 s21, s2  }
0x9d: {  	[timem:s6], [sflag:s22] =	dma.local [hbm:s4], s20  }
0x9e: {  	_ =	swait.ge [sflag:s22], s20  }
0x9f: {  	s3 =	ssub.s32 $0x0, s20;
	[sflag:s22] =	ssyncset.done $0x0  }
0xa0: {  	[sflag:s22] =	ssyncadd.s32 s3;
	_ =	sdelay $0x1  }
0xa1: {  	s23 =	simm.s32 $0x1B8B  }
0xa2: {  	_ =	swait.ge [sflag:s23], $0x1  }
0xa3: {  	[sflag:s23] =	ssyncset.done $0x0  }
0xa4: {  	s25 =	simm.s32 $0x1B8E;
	s24 =	sld [smem:$0x3FFE];
	[sflag:s23] =	ssyncadd.s32 $0xFFFFFFFF  }
0xa5: {  	s26 =	simm.s32 $execute0_lowered;
	[smem:$0x3FD2] =	sst s25  }
0xa6: {  	s4 =	sshll.u32 s26, $0x1;
	_ =	strace $0x80000046;
	[dreg:$0x1] =	wrdreg $0xFFFFFFFF  }
0xa7: {  	s28 =	simm.s32 $_size_execute0_lowered;
	s2 =	sadd.s32 s2, s4;
	[dreg:$0x0] =	wrdreg $0x0  }
0xa8: {  	s4 =	sshll.u32 s28, $0x1;
	[dreg:$0x2] =	wrdreg s2  }
0xa9: {  	[dreg:$0x3] =	wrdreg s4  }
0xaa: {  	[dreg:$0x4] =	wrdreg $0xC0  }
0xab: {  	_ =	task [dreg:s6], $0x5FFFF  }
0xac: {  	[dreg:$0x1] =	wrdreg $0xFFFFFFFF  }
0xad: {  	[dreg:$0x0] =	wrdreg $0x60  }
0xae: {  	[dreg:$0x2] =	wrdreg s24  }
0xaf: {  	[dreg:$0x3] =	wrdreg $0x0  }
0xb0: {  	[dreg:$0x4] =	wrdreg $0x9  }
0xb1: {  	_ =	task.clear_ibuf [dreg:s6], $0x5FFFF;
	_ =	strace $0x90000046  }
0xb2: {  	s29 =	simm.s32 $0x9;
	_ =	strace $0x80000048  }
0xb3: {  	_ =	swait.ge [sflag:s29], $0x1  }
0xb4: {  	[sflag:s29] =	ssyncadd.s32 $0xFFFFFFFF  }
0xb5: {  	_ =	strace $0x90000048  }
0xb6: {  	_ =	sfence  }
0xb7: {  	s30 =	sld [smem:$0x0];
	_ =	sdelay $0x2  }
0xb8: {  	s31 =	sshll.u32 s1, $0xD;
	s1 =	sshrl.u32 s1, $0x2  }
0xb9: {  	s3 =	sand.u32 $0x4000, s31;
	s1 =	sadd.s32 s1, s30  }
0xba: {  	s0 =	sor.u32 s3, s0;
	s1 =	sshll.u32 s1, $0x11  }
0xbb: {  	s0 =	sor.u32 s1, s0  }
0xbc: {  	s0 =	sadd.s32 $0x8F2B, s0  }
0xbd: {  	[sflag:s0] =	ssyncadd.remote.s32 $0x1  }
0xbe: {  	_ =	sfence.sel $0xFFFF  }
0xbf: {  	[dreg:$0x0] =	wrdreg $0xFFFFFFFF;
	(pc) =	sbr.abs _section_cstart, $3  }
0xc0: {  	[dreg:$0x1] =	wrdreg $0xFFFFFFFF  }
0xc1: {  	_ =	task.clear_ibuf [dreg:s6], $0x2FFFF;
	_ =	strace $0x9FFFFFFF  }
0xc2: {  	(tm) =	ssettm $0x7FFFFFFF  }
0xc3: {  	_ =	shalt  }
tec
execute0_lowered:
.L_overlay_start_1:
0x0: {  	(tag) =	ssettag $0x1  }
0x1: {  	s4 =	rddreg [dreg:$0x0]  }
0x2: {  	s2 =	rddreg [dreg:$0x1];
	s3 =	srdreg.scid  }
0x3: {  	s1 =	stileid.u32;
	s0 =	rddreg [dreg:$0x2];
	s10 =	simm.s32 $0x1  }
0x4: {  	s11 =	simm.s32 $0x2800;
	s12 =	simm.s32 $0x80;
	s5 =	sand.u32 $0x1, s3  }
0x5: {  	s6 =	smul.u32 $0x2800, s1;
	s3 =	simm.s32 $0x0;
	s13 =	sshll.u32 s1, $0x6  }
0x6: {  	s7 =	sshll.u32 s5, $0x4;
	s8 =	smul.u32 $0x28000, s5;
	[smem:$0x7FF] =	sst s3  }
0x7: {  	s5 =	ssub.s32 $0x2, s5;
	s13 =	sor.u32 $0x1C01, s13;
	s7 =	sor.u32 s1, s7  }
0x8: {  	s9 =	sshrl.u32 s5, $0x1;
	s7 =	smul.u32 $0x500, s7;
	s8 =	sadd.s32 s6, s8  }
0x9: {  	_ =	strace $0x80000047;
	s9 =	ssub.s32 s5, s9;
	s8 =	sshrl.u32 s8, $0x3  }
0xa: {  	s7 =	sadd.s32 s7, s4;
	s8 =	sadd.s32 s8, s4;
	s4 =	sadd.s32 s6, s2  }
0xb: {  	s5 =	sadd.s32 $0x2400, s7;
	s6 =	sadd.s32 $0xC400, s8;
	s7 =	smax.u32 s9, $0x1  }
0xc: {  	v0 =	vlaneseq.u32;
	v1 =	vimm.f32 $0.0e+00;
	v2 =	vimm.f32 $1.000000000e+00;
	s8 =	simm.s32 $0x5800;
	s9 =	simm.s32 $0x5000;
	s14 =	sshrl.u32 s4, $0x3  }
.LBB2_1:
0xd: {  	s15 =	simm.s32 $0x0  }
.LBB2_2:
0xe: {  	s16 =	sshll.u32 s15, $0x4  }
0xf: {  	p0 =	sne.s32 s15, $0x27F;
	v3 =	vor.u32 s16, v0  }
.Ltmp0:
0x10: {  	_ = 	snop;
	(pc) =	sbr.rel @p0 .LBB2_2-.Ltmp0, $2  }
0x11: {  	_ =	sdelay $0x2  }
0x12: {  	s15 =	sadd.s32 $0x1, s15;
	[tilespmem:v3+s8+$0x0] =	vst.idx.msk $0xffff, v1  }
0x13: {  	s16 =	simm.s32 $0x0  }
0x14: {  	s15 =	simm.s32 $0x1;
	v3 =	vor.u32 s16, v0  }
.LBB2_4:
0x15: {  	p0 =	sne.s32 s15, $0x7F  }
.Ltmp1:
0x16: {  	_ = 	snop;
	(pc) =	sbr.rel @p0 .LBB2_4-.Ltmp1, $3  }
0x17: {  	_ =	sdelay $0x1  }
0x18: {  	s16 =	sshll.u32 s15, $0x4;
	s15 =	sadd.s32 $0x1, s15;
	[tilespmem:v3+s9+$0x0] =	vst.idx.msk $0xffff, v2  }
0x19: {  	v3 =	vor.u32 s16, v0  }
0x1a: {  	_ =	sdelay $0x3  }
0x1b: {  	[tilespmem:v3+s9+$0x0] =	vst.idx.msk $0xffff, v2  }
0x1c: {  	[spmem:s4] =	stream.linear.scatter [tilespmem:s8], [sflag:$0x1], $0x2800, $0x38;
	[tilespmem:$0x8000] =	vst v63  }
0x1d: {  	_ =	swait.ge [sflag:s10], $0x2800  }
0x1e: {  	[sflag:s10] =	ssyncset.done $0x0  }
0x1f: {  	s15 =	simm.s32 $0x0;
	[sflag:s10] =	ssyncadd.s32 $0xFFFFD800  }
0x20: {  	[tilespmem:s11], [sflag:$0x1] =	stream.linear.gather [hbm4b:s5+s15], $0x2800, $0x38;
	[tilespmem:$0x8000] =	vst v63  }
0x21: {  	_ =	swait.ge [sflag:s10], $0x2800  }
0x22: {  	[sflag:s10] =	ssyncset.done $0x0  }
0x23: {  	[sflag:s10] =	ssyncadd.s32 $0xFFFFD800  }
0x24: {  	s31 =	simm.s32 $0x2800;
	[bflag:$0x0] =	sbarrier.arrive $0xFFFF  }
0x25: {  	[spmem:s2] =	stream.indirect.scatter.add.f32 [tilespmem:s9], [sflag:$0x1], $0x10, s31, s12, $0xb8;
	[tilespmem:$0x8000] =	vst v63  }
0x26: {  	s15 =	simm.s32 $0x200;
	_ =	swait.ge [sflag:s10], $0x800  }
.LBB2_6:
0x27: {  	s16 =	sshra.s32 s15, $0x2;
	[sflag:s10] =	ssyncset.done $0x0;
	p0 =	sne.s32 s15, $0x9E00  }
.Ltmp2:
0x28: {  	s16 =	sadd.s32 $0x2800, s16;
	[sflag:s10] =	ssyncadd.s32 $0xFFFFF800;
	(pc) =	sbr.rel @p0 .LBB2_6-.Ltmp2, $3  }
0x29: {  	[spmem:s2] =	stream.indirect.scatter.add.f32 [tilespmem:s9], [sflag:$0x1], $0x10, s16, s12, $0xb8;
	[tilespmem:$0x8000] =	vst v63  }
0x2a: {  	s15 =	sadd.s32 $0x200, s15;
	_ =	sdelay $0x1  }
0x2b: {  	_ =	swait.ge [sflag:s10], $0x800  }
0x2c: {  	[sflag:s10] =	ssyncset.done $0x0;
	s3 =	sadd.s32 $0x1, s3  }
0x2d: {  	[sflag:s10] =	ssyncadd.s32 $0xFFFFF800;
	p0 =	sne.s32 s3, s7  }
.Ltmp3:
0x2e: {  	[bflag:$0x0] =	sbarrier.arrive $0xFFFF;
	(pc) =	sbr.rel @p0 .LBB2_1-.Ltmp3, $4  }
0x2f: {  	[hbm:s6], [sflag:s13] =	dma.local [spmem:s14], $0x500  }
0x30: {  	_ =	swait.ge [sflag:s10], $0x500  }
0x31: {  	[sflag:s10] =	ssyncset.done $0x0  }
0x32: {  	[sflag:s10] =	ssyncadd.s32 $0xFFFFFB00  }
0x33: {  	_ =	sfence.sel $0x180000  }
0x34: {  	[bflag:$0x0] =	sbarrier.arrive $0xFFFF  }
0x35: {  	p0 =	sne.s32 s1, $0x0;
	_ =	strace $0x90000047  }
0x36: {  	s0 =	sadd.s32 @!p0 $0x100000, s0;
	[bflag:$0x2] =	sbarrier.arrive $0xFFFF  }
0x37: {  	[sflag:s0] =	ssyncadd.tile.s32 @!p0 $0x1;
	_ =	shalt  }
.Lfunc_end2:
_tile_overlayer_lowered:
.L_overlay_start_2:
0x38: {  	(tag) =	ssettag $0x2  }
0x39: {  	s0 =	rddreg [dreg:$0x0];
	s2 =	stileid.u32  }
0x3a: {  	s1 =	rddreg [dreg:$0x1];
	p0 =	sne.s32 s2, $0x0  }
0x3b: {  	s3 =	rddreg [dreg:$0x2];
	[bflag:$0x3] =	sbarrier.arrive $0xFFFF;
	s2 =	simm.s32 @!p0 $0x1C01  }
0x3c: {  	[timem:s3], [sflag:s2] =	dma.local @!p0 [hbm:s0], s1  }
0x3d: {  	s0 =	simm.s32 @!p0 $0x1  }
0x3e: {  	_ =	swait.ge @!p0 [sflag:s0], s1  }
0x3f: {  	s1 =	ssub.s32 @!p0 $0x0, s1;
	[sflag:s0] =	ssyncset.done @!p0 $0x0  }
0x40: {  	[sflag:s0] =	ssyncadd.s32 @!p0 s1  }
0x41: {  	[bflag:$0x3] =	sbarrier.arrive $0xFFFF  }
0x42: {  	_ =	shalt  }

// kernel: kernel.13.cloned.1.call-start
scs
__scs_entry_jumppad:
0x0: {  	(pc) =	sbr.rel $0x88, $3  }
0x1: {  	(tag) =	ssettag $0x0;
	lr =	simm.s32 $0x1  }
0x2: {  	[smem:$0x3F9A] =	sst lr;
	_ =	strace $0xD0000000  }
0x3: {  	_ = 	snop  }
0x4: {  	_ = 	snop  }
0x5: {  	_ = 	snop  }
0x6: {  	_ = 	snop  }
0x7: {  	_ = 	snop  }
__scs_overlays_trampoline_lowered:
0x8: {  	[smem:$0x3FA9] =	sst s0  }
0x9: {  	[smem:$0x3FAA] =	sst s1  }
0xa: {  	[smem:$0x3FAB] =	sst s2  }
0xb: {  	[smem:$0x3FAC] =	sst s3  }
0xc: {  	[smem:$0x3FAD] =	sst s4  }
0xd: {  	[smem:$0x3FAE] =	sst s5  }
0xe: {  	[smem:$0x3FAF] =	sst s6  }
0xf: {  	[smem:$0x3FB0] =	sst s7  }
0x10: {  	[smem:$0x3FB1] =	sst s8  }
0x11: {  	[smem:$0x3FB2] =	sst s9;
	s0 =	simm.s32 @!p0 $0x0  }
0x12: {  	s1 =	sld [smem:$0x3F98];
	s0 =	simm.s32 @p0 $0x1  }
0x13: {  	[smem:$0x3FB3] =	sst s0;
	s0 =	simm.s32 @!p1 $0x0  }
0x14: {  	s2 =	sld [smem:$0x3F97];
	s0 =	simm.s32 @p1 $0x1  }
0x15: {  	[smem:$0x3FB4] =	sst s0;
	s0 =	simm.s32 @!p2 $0x0  }
0x16: {  	s3 =	sld [smem:$0x3FDB];
	s0 =	simm.s32 @p2 $0x1  }
0x17: {  	s4 =	simm.s32 $0x1BF5;
	[smem:$0x3FB6] =	sst s0  }
0x18: {  	s0 =	sld [smem:$0x3F99];
	_ =	swait.ge [sflag:s4], $0x0  }
0x19: {  	s7 =	sld [smem:$0x3F9A]  }
0x1a: {  	s8 =	sadd.s32 $0xFFFFE003, lr  }
0x1b: {  	s9 =	sadd.s32 $0xFFFFFEF7, lr;
	s5 =	simm.s32 $0xFFFFFFFF;
	p2 =	slt.u32 s8, $0xFFFFF086  }
0x1c: {  	p1 =	slt.u32 s9, $0xF7A;
	s5 =	simm.s32 @!p2 $0x0  }
0x1d: {  	s5 =	simm.s32 @p1 $0x1;
	p0 =	seq.s32 s7, s2  }
0x1e: {  	s7 =	smul.u32 @!p0 $0xF7A, s2;
	p2 =	seq.s32 @!p0 s5, $0x0  }
0x1f: {  	s9 =	smul.u32 $0xF7A, s1;
	s8 =	simm.s32 @!p0 $0x1BF5;
	p2 =	por !p2, p0  }
0x20: {  	[sflag:s8] =	ssyncset.s32 @!p0 $0xFFFFF086;
	s6 =	sadd.s32 @!p0 s3, s7;
	s7 =	simm.s32 @!p0 $0x108  }
0x21: {  	s3 =	sadd.s32 s3, s9;
	s6 =	sadd.s32 @!p0 $0x88, s6;
	s7 =	simm.s32 @p2 $0x1082  }
0x22: {  	[simem:s7], [sflag:s8] =	dma.local @!p0 [hbm:s6], $0xF7A  }
0x23: {  	s9 =	sor.u32 $0xD0000000, s2;
	s6 =	simm.s32 $0x108;
	_ =	swait.ge @!p0 [sflag:s8], $0x0  }
0x24: {  	s3 =	sadd.s32 $0x88, s3;
	s6 =	simm.s32 @!p1 $0x1082;
	[sflag:s4] =	ssyncset.s32 $0xFFFFF086  }
0x25: {  	[simem:s6], [sflag:s4] =	dma.local [hbm:s3], $0xF7A  }
0x26: {  	[smem:$0x3F9A] =	sst s1;
	(tag) =	ssettag s2;
	_ =	strace s9  }
0x27: {  	s1 =	sld [smem:$0x3FAA]  }
0x28: {  	s2 =	sld [smem:$0x3FAB]  }
0x29: {  	s4 =	sld [smem:$0x3FAD]  }
0x2a: {  	p0 =	seq.s32 s5, $0x0;
	s5 =	sld [smem:$0x3FAE]  }
0x2b: {  	s6 =	sld [smem:$0x3FAF]  }
0x2c: {  	s7 =	sld [smem:$0x3FB0]  }
0x2d: {  	s3 =	simm.s32 $0x108;
	s8 =	sld [smem:$0x3FB1]  }
0x2e: {  	s3 =	simm.s32 @!p0 $0x1082;
	s9 =	sld [smem:$0x3FB2]  }
0x2f: {  	lr =	sadd.s32 s0, s3;
	s0 =	sld [smem:$0x3FA9]  }
0x30: {  	s3 =	sld [smem:$0x3FAC]  }
0x31: {  	[smem:$0x3FB5] =	sst s10  }
0x32: {  	s10 =	sld [smem:$0x3FB3];
	_ =	sdelay $0x3  }
0x33: {  	p0 =	seq.s32 s10, $0x1;
	s10 =	sld [smem:$0x3FB5];
	_ =	sdelay $0x3  }
0x34: {  	[smem:$0x3FB5] =	sst s10  }
0x35: {  	s10 =	sld [smem:$0x3FB4];
	_ =	sdelay $0x3  }
0x36: {  	p1 =	seq.s32 s10, $0x1;
	s10 =	sld [smem:$0x3FB5];
	_ =	sdelay $0x3  }
0x37: {  	[smem:$0x3FB5] =	sst s10  }
0x38: {  	s10 =	sld [smem:$0x3FB6]  }
0x39: {  	_ = 	snop;
	(pc) =	sbr.ind lr, $3  }
0x3a: {  	_ = 	snop  }
0x3b: {  	_ = 	snop  }
0x3c: {  	p2 =	seq.s32 s10, $0x1;
	s10 =	sld [smem:$0x3FB5]  }
0x3d: {  	_ =	shalt  }
0x3e: {  	_ =	shalt  }
0x3f: {  	_ =	shalt  }
0x40: {  	_ =	shalt  }
0x41: {  	_ =	shalt  }
0x42: {  	_ =	shalt  }
0x43: {  	_ =	shalt  }
0x44: {  	_ =	shalt  }
0x45: {  	_ =	shalt  }
0x46: {  	_ =	shalt  }
0x47: {  	_ =	shalt  }
0x48: {  	_ =	shalt  }
0x49: {  	_ =	shalt  }
0x4a: {  	_ =	shalt  }
0x4b: {  	_ =	shalt  }
0x4c: {  	_ =	shalt  }
0x4d: {  	_ =	shalt  }
0x4e: {  	_ =	shalt  }
0x4f: {  	_ =	shalt  }
0x50: {  	_ =	shalt  }
0x51: {  	_ =	shalt  }
0x52: {  	_ =	shalt  }
0x53: {  	_ =	shalt  }
0x54: {  	_ =	shalt  }
0x55: {  	_ =	shalt  }
0x56: {  	_ =	shalt  }
0x57: {  	_ =	shalt  }
0x58: {  	_ =	shalt  }
0x59: {  	_ =	shalt  }
0x5a: {  	_ =	shalt  }
0x5b: {  	_ =	shalt  }
0x5c: {  	_ =	shalt  }
0x5d: {  	_ =	shalt  }
0x5e: {  	_ =	shalt  }
0x5f: {  	_ =	shalt  }
0x60: {  	_ =	shalt  }
0x61: {  	_ =	shalt  }
0x62: {  	_ =	shalt  }
0x63: {  	_ =	shalt  }
0x64: {  	_ =	shalt  }
0x65: {  	_ =	shalt  }
0x66: {  	_ =	shalt  }
0x67: {  	_ =	shalt  }
0x68: {  	_ =	shalt  }
0x69: {  	_ =	shalt  }
0x6a: {  	_ =	shalt  }
0x6b: {  	_ =	shalt  }
0x6c: {  	_ =	shalt  }
0x6d: {  	_ =	shalt  }
0x6e: {  	_ =	shalt  }
0x6f: {  	_ =	shalt  }
0x70: {  	_ =	shalt  }
0x71: {  	_ =	shalt  }
0x72: {  	_ =	shalt  }
0x73: {  	_ =	shalt  }
0x74: {  	_ =	shalt  }
0x75: {  	_ =	shalt  }
0x76: {  	_ =	shalt  }
0x77: {  	_ =	shalt  }
0x78: {  	_ =	shalt  }
0x79: {  	_ =	shalt  }
0x7a: {  	_ =	shalt  }
0x7b: {  	_ =	shalt  }
0x7c: {  	_ =	shalt  }
0x7d: {  	_ =	shalt  }
0x7e: {  	_ =	shalt  }
0x7f: {  	_ =	shalt  }
0x80: {  	_ =	shalt  }
0x81: {  	_ =	shalt  }
0x82: {  	_ =	shalt  }
0x83: {  	_ =	shalt  }
0x84: {  	_ =	shalt  }
0x85: {  	_ =	shalt  }
0x86: {  	_ =	shalt  }
0x87: {  	_ =	shalt  }
.Lfunc_end0:
.L_simem_size_0:
called_computation.1_lowered:
.L_overlay_start_0:
0x88: {  	s2 =	sld [smem:$0x3FD9]  }
0x89: {  	s3 =	sld [smem:$0x3FFE];
	_ =	sdelay $0x1  }
0x8a: {  	s1 =	srdreg.scid  }
0x8b: {  	s0 =	sand.u32 $0x1, s1  }
0x8c: {  	s16 =	sshll.u32 s0, $0xA;
	s2 =	sadd.s32 s3, s2  }
0x8d: {  	s2 =	sadd.s32 s2, s16  }
0x8e: {  	[smem:$0x3FC1] =	sst s2  }
0x8f: {  	_ = 	snop  }
0x90: {  	(tm) =	ssettm $0x1  }
0x91: {  	s17 =	sld [smem:$0x3FFB];
	_ =	sdelay $0x3  }
0x92: {  	_ =	strace s17  }
0x93: {  	s2 =	sld [smem:$0x3FFC];
	_ =	sdelay $0x3  }
0x94: {  	_ =	strace s2  }
0x95: {  	s2 =	sld [smem:$0x3FFD];
	_ =	sdelay $0x3  }
0x96: {  	_ =	strace s2  }
0x97: {  	_ =	strace $0x8FFFFFFF  }
0x98: {  	s18 =	sld [smem:$0x3FDB];
	_ =	sdelay $0x1  }
0x99: {  	s19 =	simm.s32 $_scs_section_size  }
0x9a: {  	s4 =	simm.s32 $_size__tile_overlayer_lowered;
	s5 =	simm.s32 $_tile_overlayer_lowered  }
0x9b: {  	s22 =	simm.s32 $0x1BFF;
	s21 =	sshll.u32 s5, $0x1;
	s2 =	sadd.s32 s19, s18  }
0x9c: {  	s6 =	simm.s32 $0x0;
	s20 =	sshll.u32 s4, $0x1;
	s4 =	sadd.s32 s21, s2  }
0x9d: {  	[timem:s6], [sflag:s22] =	dma.local [hbm:s4], s20  }
0x9e: {  	_ =	swait.ge [sflag:s22], s20  }
0x9f: {  	s3 =	ssub.s32 $0x0, s20;
	[sflag:s22] =	ssyncset.done $0x0  }
0xa0: {  	[sflag:s22] =	ssyncadd.s32 s3;
	_ =	sdelay $0x1  }
0xa1: {  	s23 =	simm.s32 $0x1B8B  }
0xa2: {  	_ =	swait.ge [sflag:s23], $0x1  }
0xa3: {  	[sflag:s23] =	ssyncset.done $0x0  }
0xa4: {  	s25 =	simm.s32 $0x1B8E;
	s24 =	sld [smem:$0x3FFE];
	[sflag:s23] =	ssyncadd.s32 $0xFFFFFFFF  }
0xa5: {  	s26 =	simm.s32 $execute0_lowered;
	[smem:$0x3FD2] =	sst s25  }
0xa6: {  	s4 =	sshll.u32 s26, $0x1;
	_ =	strace $0x80000049;
	[dreg:$0x1] =	wrdreg $0xFFFFFFFF  }
0xa7: {  	s28 =	simm.s32 $_size_execute0_lowered;
	s2 =	sadd.s32 s2, s4;
	[dreg:$0x0] =	wrdreg $0x0  }
0xa8: {  	s4 =	sshll.u32 s28, $0x1;
	[dreg:$0x2] =	wrdreg s2  }
0xa9: {  	[dreg:$0x3] =	wrdreg s4  }
0xaa: {  	[dreg:$0x4] =	wrdreg $0xC0  }
0xab: {  	_ =	task [dreg:s6], $0x5FFFF  }
0xac: {  	[dreg:$0x1] =	wrdreg $0xFFFFFFFF  }
0xad: {  	[dreg:$0x0] =	wrdreg $0x60  }
0xae: {  	[dreg:$0x2] =	wrdreg s24  }
0xaf: {  	[dreg:$0x3] =	wrdreg $0x0  }
0xb0: {  	[dreg:$0x4] =	wrdreg $0x50000  }
0xb1: {  	[dreg:$0x5] =	wrdreg $0x9  }
0xb2: {  	_ =	task.clear_ibuf [dreg:s6], $0x6FFFF;
	_ =	strace $0x90000049  }
0xb3: {  	s29 =	simm.s32 $0x9;
	_ =	strace $0x8000004B  }
0xb4: {  	_ =	swait.ge [sflag:s29], $0x1  }
0xb5: {  	[sflag:s29] =	ssyncadd.s32 $0xFFFFFFFF  }
0xb6: {  	_ =	strace $0x9000004B  }
0xb7: {  	_ =	sfence  }
0xb8: {  	s30 =	sld [smem:$0x0];
	_ =	sdelay $0x2  }
0xb9: {  	s31 =	sshll.u32 s1, $0xD;
	s1 =	sshrl.u32 s1, $0x2  }
0xba: {  	s3 =	sand.u32 $0x4000, s31;
	s1 =	sadd.s32 s1, s30  }
0xbb: {  	s0 =	sor.u32 s3, s0;
	s1 =	sshll.u32 s1, $0x11  }
0xbc: {  	s0 =	sor.u32 s1, s0  }
0xbd: {  	s0 =	sadd.s32 $0x8F2B, s0  }
0xbe: {  	[sflag:s0] =	ssyncadd.remote.s32 $0x1  }
0xbf: {  	_ =	sfence.sel $0xFFFF  }
0xc0: {  	[dreg:$0x0] =	wrdreg $0xFFFFFFFF;
	(pc) =	sbr.abs _section_cstart, $3  }
0xc1: {  	[dreg:$0x1] =	wrdreg $0xFFFFFFFF  }
0xc2: {  	_ =	task.clear_ibuf [dreg:s6], $0x2FFFF;
	_ =	strace $0x9FFFFFFF  }
0xc3: {  	(tm) =	ssettm $0x7FFFFFFF  }
tec
execute0_lowered:
.L_overlay_start_1:
0x0: {  	(tag) =	ssettag $0x1  }
0x1: {  	s6 =	rddreg [dreg:$0x0]  }
0x2: {  	s2 =	rddreg [dreg:$0x1]  }
0x3: {  	s0 =	srdreg.scid;
	s3 =	rddreg [dreg:$0x2]  }
0x4: {  	s4 =	simm.s32 $0x0;
	s12 =	simm.s32 $0x3;
	s15 =	simm.s32 $0xA000  }
0x5: {  	s16 =	simm.s32 $0xC800;
	s17 =	simm.s32 $0x80;
	s18 =	simm.s32 $0xF000  }
0x6: {  	s19 =	simm.s32 $0xA080;
	s20 =	simm.s32 $0x10000;
	s21 =	simm.s32 $0x1  }
0x7: {  	s22 =	simm.s32 $0x2;
	s5 =	sand.u32 $0x1, s0;
	s0 =	stileid.u32  }
0x8: {  	s23 =	simm.s32 $0xEF00;
	s24 =	simm.s32 $0xEF80;
	s8 =	smul.u32 $0x5000, s0  }
0x9: {  	[smem:$0x7FF] =	sst s4;
	s1 =	sshll.u32 s5, $0x4;
	s9 =	smul.u32 $0x50000, s5  }
0xa: {  	s5 =	ssub.s32 $0x2, s5;
	s13 =	sshll.u32 s0, $0x6;
	s1 =	sor.u32 s0, s1  }
0xb: {  	s11 =	sshrl.u32 s5, $0x1;
	s13 =	sor.u32 $0x1C03, s13;
	s7 =	smul.u32 $0x500, s1  }
0xc: {  	s1 =	rddreg [dreg:$0x3];
	_ =	strace $0x8000004A;
	s31 =	sshrl.u32 s8, $0x3  }
0xd: {  	s9 =	sadd.s32 s8, s9;
	s11 =	ssub.s32 s5, s11;
	s14 =	sadd.s32 s8, s3  }
0xe: {  	s5 =	sadd.s32 s8, s2;
	s9 =	sshrl.u32 s9, $0x3;
	s14 =	sshrl.u32 s14, $0x3  }
0xf: {  	s10 =	sadd.s32 s7, s6;
	s7 =	sadd.s32 s31, s6;
	s9 =	sadd.s32 s9, s6  }
0x10: {  	v0 =	vlaneseq.u32;
	s6 =	sadd.s32 $0xC400, s7;
	s7 =	sadd.s32 $0x16400, s10;
	s8 =	sadd.s32 $0x2400, s10  }
0x11: {  	v1 =	vimm.f32 $0.0e+00;
	v2 =	vor.u32 $0x10, v0;
	s9 =	sadd.s32 $0x48400, s9;
	s10 =	smax.u32 s11, $0x1;
	s11 =	simm.s32 $0x11000  }
.LBB2_1:
0x12: {  	s26 =	simm.s32 $0x0  }
0x13: {  	v3 =	vor.u32 s26, v0  }
0x14: {  	s25 =	simm.s32 $0x1;
	v4 =	vor.u32 s26, v2  }
.LBB2_2:
0x15: {  	p0 =	sne.s32 s25, $0x27F  }
.Ltmp0:
0x16: {  	_ = 	snop;
	(pc) =	sbr.rel @p0 .LBB2_2-.Ltmp0, $4  }
0x17: {  	_ = 	snop  }
0x18: {  	s26 =	sshll.u32 s25, $0x5;
	[tilespmem:v3+s11+$0x0] =	vst.idx.msk $0xffff, v1  }
0x19: {  	s25 =	sadd.s32 $0x1, s25;
	v3 =	vor.u32 s26, v0;
	[tilespmem:v4+s11+$0x0] =	vst.idx.msk $0xffff, v1  }
0x1a: {  	v4 =	vor.u32 s26, v2  }
0x1b: {  	_ =	sdelay $0x3  }
0x1c: {  	[tilespmem:v3+s11+$0x0] =	vst.idx.msk $0xffff, v1  }
0x1d: {  	[tilespmem:v4+s11+$0x0] =	vst.idx.msk $0xffff, v1  }
0x1e: {  	[spmem:s5] =	stream.linear.scatter [tilespmem:s11], [sflag:$0x3], $0x5000, $0x38;
	[tilespmem:$0x16000] =	vst v63  }
0x1f: {  	_ =	swait.ge [sflag:s12], $0x5000  }
0x20: {  	[sflag:s12] =	ssyncset.done $0x0  }
0x21: {  	[sflag:s12] =	ssyncadd.s32 $0xFFFFB000  }
0x22: {  	[spmem:s14], [sflag:s13] =	dma.local [hbm:s6], $0xA00  }
0x23: {  	_ =	swait.ge [sflag:s12], $0xA00  }
0x24: {  	[sflag:s12] =	ssyncset.done $0x0  }
0x25: {  	s25 =	simm.s32 $0x0;
	[sflag:s12] =	ssyncadd.s32 $0xFFFFF600  }
0x26: {  	[tilespmem:s15], [sflag:$0x3] =	stream.linear.gather [hbm4b:s7+s25], $0x2800, $0x38;
	[tilespmem:$0x16000] =	vst v63  }
0x27: {  	_ =	swait.ge [sflag:s12], $0x2800  }
0x28: {  	[sflag:s12] =	ssyncset.done $0x0  }
0x29: {  	[sflag:s12] =	ssyncadd.s32 $0xFFFFD800  }
0x2a: {  	[tilespmem:s16], [sflag:$0x3] =	stream.linear.gather [hbm4b:s8+s25], $0x2800, $0x38;
	[tilespmem:$0x16000] =	vst v63  }
0x2b: {  	_ =	swait.ge [sflag:s12], $0x2800  }
0x2c: {  	[sflag:s12] =	ssyncset.done $0x0  }
0x2d: {  	[sflag:s12] =	ssyncadd.s32 $0xFFFFD800  }
0x2e: {  	[bflag:$0x0] =	sbarrier.arrive $0xFFFF  }
0x2f: {  	[tilespmem:s18], [sflag:$0x1] =	stream.indirect.gather [spmem:s3], $0x20, s15, s17, $0xb8;
	[tilespmem:$0x16000] =	vst v63  }
0x30: {  	_ = 	snop  }
0x31: {  	[tilespmem:s20], [sflag:$0x2] =	stream.indirect.gather [spmem:s3], $0x20, s19, s17, $0xb8;
	[tilespmem:$0x16000] =	vst v63  }
0x32: {  	_ =	swait.ge [sflag:s21], $0x1000  }
0x33: {  	[sflag:s21] =	ssyncset.done $0x0  }
0x34: {  	s29 =	simm.s32 $0xC800;
	[sflag:s21] =	ssyncadd.s32 $0xFFFFF000  }
0x35: {  	[spmem:s2] =	stream.indirect.scatter.add.f32 [tilespmem:s18], [sflag:$0x3], $0x20, s29, s17, $0xb8;
	[tilespmem:$0x16000] =	vst v63  }
0x36: {  	_ =	swait.ge [sflag:s12], $0x1000  }
0x37: {  	[sflag:s12] =	ssyncset.done $0x0  }
0x38: {  	s30 =	simm.s32 $0xA100;
	[sflag:s12] =	ssyncadd.s32 $0xFFFFF000  }
0x39: {  	[tilespmem:s18], [sflag:$0x1] =	stream.indirect.gather [spmem:s3], $0x20, s30, s17, $0xb8;
	[tilespmem:$0x16000] =	vst v63  }
0x3a: {  	_ =	swait.ge [sflag:s22], $0x1000  }
0x3b: {  	[sflag:s22] =	ssyncset.done $0x0  }
0x3c: {  	s31 =	simm.s32 $0xC880;
	[sflag:s22] =	ssyncadd.s32 $0xFFFFF000  }
0x3d: {  	[spmem:s2] =	stream.indirect.scatter.add.f32 [tilespmem:s20], [sflag:$0x3], $0x20, s31, s17, $0xb8;
	[tilespmem:$0x16000] =	vst v63  }
0x3e: {  	_ =	swait.ge [sflag:s12], $0x1000  }
0x3f: {  	[sflag:s12] =	ssyncset.done $0x0  }
0x40: {  	s26 =	simm.s32 $0xA180;
	s25 =	simm.s32 $0x400;
	[sflag:s12] =	ssyncadd.s32 $0xFFFFF000  }
.LBB2_4:
0x41: {  	[tilespmem:s20], [sflag:$0x2] =	stream.indirect.gather [spmem:s3], $0x20, s26, s17, $0xb8;
	[tilespmem:$0x16000] =	vst v63  }
0x42: {  	s26 =	smov.u32 s25  }
0x43: {  	p0 =	sne.s32 s25, $0x9800;
	s25 =	sadd.s32 $0x400, s25;
	_ =	swait.ge [sflag:s21], $0x1000  }
0x44: {  	s26 =	sshra.s32 s26, $0x2;
	[sflag:s21] =	ssyncset.done $0x0  }
0x45: {  	s28 =	sadd.s32 $0xC800, s26;
	[sflag:s21] =	ssyncadd.s32 $0xFFFFF000  }
0x46: {  	[spmem:s2] =	stream.indirect.scatter.add.f32 [tilespmem:s18], [sflag:$0x3], $0x20, s28, s17, $0xb8;
	[tilespmem:$0x16000] =	vst v63  }
0x47: {  	_ =	swait.ge [sflag:s12], $0x1000  }
0x48: {  	[sflag:s12] =	ssyncset.done $0x0  }
0x49: {  	s28 =	sadd.s32 $0xA100, s26;
	[sflag:s12] =	ssyncadd.s32 $0xFFFFF000  }
0x4a: {  	[tilespmem:s18], [sflag:$0x1] =	stream.indirect.gather [spmem:s3], $0x20, s28, s17, $0xb8;
	[tilespmem:$0x16000] =	vst v63  }
0x4b: {  	_ =	swait.ge [sflag:s22], $0x1000  }
0x4c: {  	[sflag:s22] =	ssyncset.done $0x0  }
.Ltmp1:
0x4d: {  	s28 =	sadd.s32 $0xC880, s26;
	[sflag:s22] =	ssyncadd.s32 $0xFFFFF000;
	(pc) =	sbr.rel @p0 .LBB2_4-.Ltmp1, $4  }
0x4e: {  	[spmem:s2] =	stream.indirect.scatter.add.f32 [tilespmem:s20], [sflag:$0x3], $0x20, s28, s17, $0xb8;
	[tilespmem:$0x16000] =	vst v63  }
0x4f: {  	_ =	swait.ge [sflag:s12], $0x1000  }
0x50: {  	[sflag:s12] =	ssyncset.done $0x0  }
0x51: {  	s26 =	sadd.s32 $0xA180, s26;
	[sflag:s12] =	ssyncadd.s32 $0xFFFFF000  }
0x52: {  	[tilespmem:s20], [sflag:$0x2] =	stream.indirect.gather [spmem:s3], $0x20, s26, s17, $0xb8;
	[tilespmem:$0x16000] =	vst v63  }
0x53: {  	_ =	swait.ge [sflag:s21], $0x1000  }
0x54: {  	[sflag:s21] =	ssyncset.done $0x0  }
0x55: {  	[sflag:s21] =	ssyncadd.s32 $0xFFFFF000  }
0x56: {  	[spmem:s2] =	stream.indirect.scatter.add.f32 [tilespmem:s18], [sflag:$0x3], $0x20, s23, s17, $0xb8;
	[tilespmem:$0x16000] =	vst v63  }
0x57: {  	_ =	swait.ge [sflag:s12], $0x1000  }
0x58: {  	[sflag:s12] =	ssyncset.done $0x0  }
0x59: {  	[sflag:s12] =	ssyncadd.s32 $0xFFFFF000  }
0x5a: {  	_ =	swait.ge [sflag:s22], $0x1000  }
0x5b: {  	[sflag:s22] =	ssyncset.done $0x0  }
0x5c: {  	[sflag:s22] =	ssyncadd.s32 $0xFFFFF000  }
0x5d: {  	[spmem:s2] =	stream.indirect.scatter.add.f32 [tilespmem:s20], [sflag:$0x3], $0x20, s24, s17, $0xb8;
	[tilespmem:$0x16000] =	vst v63  }
0x5e: {  	_ =	swait.ge [sflag:s12], $0x1000  }
0x5f: {  	s4 =	sadd.s32 $0x1, s4;
	[sflag:s12] =	ssyncset.done $0x0  }
0x60: {  	p0 =	sne.s32 s4, s10;
	[sflag:s12] =	ssyncadd.s32 $0xFFFFF000  }
.Ltmp2:
0x61: {  	s25 =	sshrl.u32 s5, $0x3;
	[bflag:$0x0] =	sbarrier.arrive $0xFFFF;
	(pc) =	sbr.rel @p0 .LBB2_1-.Ltmp2, $4  }
0x62: {  	[hbm:s9], [sflag:s13] =	dma.local [spmem:s25], $0xA00  }
0x63: {  	_ =	swait.ge [sflag:s12], $0xA00  }
0x64: {  	[sflag:s12] =	ssyncset.done $0x0  }
0x65: {  	[sflag:s12] =	ssyncadd.s32 $0xFFFFF600  }
0x66: {  	_ =	sfence.sel $0x180000  }
0x67: {  	[bflag:$0x0] =	sbarrier.arrive $0xFFFF  }
0x68: {  	p0 =	sne.s32 s0, $0x0;
	_ =	strace $0x9000004A  }
0x69: {  	s0 =	sadd.s32 @!p0 $0x100000, s1;
	[bflag:$0x2] =	sbarrier.arrive $0xFFFF  }
0x6a: {  	[sflag:s0] =	ssyncadd.tile.s32 @!p0 $0x1;
	_ =	shalt  }
.Lfunc_end2:
_tile_overlayer_lowered:
.L_overlay_start_2:
0x6b: {  	(tag) =	ssettag $0x2  }
0x6c: {  	s0 =	rddreg [dreg:$0x0];
	s2 =	stileid.u32  }
0x6d: {  	s1 =	rddreg [dreg:$0x1];
	p0 =	sne.s32 s2, $0x0  }
0x6e: {  	s3 =	rddreg [dreg:$0x2];
	[bflag:$0x3] =	sbarrier.arrive $0xFFFF;
	s2 =	simm.s32 @!p0 $0x1C03  }
0x6f: {  	[timem:s3], [sflag:s2] =	dma.local @!p0 [hbm:s0], s1  }
0x70: {  	s0 =	simm.s32 @!p0 $0x3  }
0x71: {  	_ =	swait.ge @!p0 [sflag:s0], s1  }
0x72: {  	s1 =	ssub.s32 @!p0 $0x0, s1;
	[sflag:s0] =	ssyncset.done @!p0 $0x0  }
0x73: {  	[sflag:s0] =	ssyncadd.s32 @!p0 s1  }
0x74: {  	[bflag:$0x3] =	sbarrier.arrive $0xFFFF  }
0x75: {  	_ =	shalt  }

// kernel: kernel.16.cloned.1.call-start
scs
__scs_entry_jumppad:
0x0: {  	(pc) =	sbr.rel $0x88, $3  }
0x1: {  	(tag) =	ssettag $0x0;
	lr =	simm.s32 $0x1  }
0x2: {  	[smem:$0x3F9A] =	sst lr;
	_ =	strace $0xD0000000  }
0x3: {  	_ = 	snop  }
0x4: {  	_ = 	snop  }
0x5: {  	_ = 	snop  }
0x6: {  	_ = 	snop  }
0x7: {  	_ = 	snop  }
__scs_overlays_trampoline_lowered:
0x8: {  	[smem:$0x3FA9] =	sst s0  }
0x9: {  	[smem:$0x3FAA] =	sst s1  }
0xa: {  	[smem:$0x3FAB] =	sst s2  }
0xb: {  	[smem:$0x3FAC] =	sst s3  }
0xc: {  	[smem:$0x3FAD] =	sst s4  }
0xd: {  	[smem:$0x3FAE] =	sst s5  }
0xe: {  	[smem:$0x3FAF] =	sst s6  }
0xf: {  	[smem:$0x3FB0] =	sst s7  }
0x10: {  	[smem:$0x3FB1] =	sst s8  }
0x11: {  	[smem:$0x3FB2] =	sst s9;
	s0 =	simm.s32 @!p0 $0x0  }
0x12: {  	s1 =	sld [smem:$0x3F98];
	s0 =	simm.s32 @p0 $0x1  }
0x13: {  	[smem:$0x3FB3] =	sst s0;
	s0 =	simm.s32 @!p1 $0x0  }
0x14: {  	s2 =	sld [smem:$0x3F97];
	s0 =	simm.s32 @p1 $0x1  }
0x15: {  	[smem:$0x3FB4] =	sst s0;
	s0 =	simm.s32 @!p2 $0x0  }
0x16: {  	s3 =	sld [smem:$0x3FDB];
	s0 =	simm.s32 @p2 $0x1  }
0x17: {  	s4 =	simm.s32 $0x1BF5;
	[smem:$0x3FB6] =	sst s0  }
0x18: {  	s0 =	sld [smem:$0x3F99];
	_ =	swait.ge [sflag:s4], $0x0  }
0x19: {  	s7 =	sld [smem:$0x3F9A]  }
0x1a: {  	s8 =	sadd.s32 $0xFFFFE003, lr  }
0x1b: {  	s9 =	sadd.s32 $0xFFFFFEF7, lr;
	s5 =	simm.s32 $0xFFFFFFFF;
	p2 =	slt.u32 s8, $0xFFFFF086  }
0x1c: {  	p1 =	slt.u32 s9, $0xF7A;
	s5 =	simm.s32 @!p2 $0x0  }
0x1d: {  	s5 =	simm.s32 @p1 $0x1;
	p0 =	seq.s32 s7, s2  }
0x1e: {  	s7 =	smul.u32 @!p0 $0xF7A, s2;
	p2 =	seq.s32 @!p0 s5, $0x0  }
0x1f: {  	s9 =	smul.u32 $0xF7A, s1;
	s8 =	simm.s32 @!p0 $0x1BF5;
	p2 =	por !p2, p0  }
0x20: {  	[sflag:s8] =	ssyncset.s32 @!p0 $0xFFFFF086;
	s6 =	sadd.s32 @!p0 s3, s7;
	s7 =	simm.s32 @!p0 $0x108  }
0x21: {  	s3 =	sadd.s32 s3, s9;
	s6 =	sadd.s32 @!p0 $0x88, s6;
	s7 =	simm.s32 @p2 $0x1082  }
0x22: {  	[simem:s7], [sflag:s8] =	dma.local @!p0 [hbm:s6], $0xF7A  }
0x23: {  	s9 =	sor.u32 $0xD0000000, s2;
	s6 =	simm.s32 $0x108;
	_ =	swait.ge @!p0 [sflag:s8], $0x0  }
0x24: {  	s3 =	sadd.s32 $0x88, s3;
	s6 =	simm.s32 @!p1 $0x1082;
	[sflag:s4] =	ssyncset.s32 $0xFFFFF086  }
0x25: {  	[simem:s6], [sflag:s4] =	dma.local [hbm:s3], $0xF7A  }
0x26: {  	[smem:$0x3F9A] =	sst s1;
	(tag) =	ssettag s2;
	_ =	strace s9  }
0x27: {  	s1 =	sld [smem:$0x3FAA]  }
0x28: {  	s2 =	sld [smem:$0x3FAB]  }
0x29: {  	s4 =	sld [smem:$0x3FAD]  }
0x2a: {  	p0 =	seq.s32 s5, $0x0;
	s5 =	sld [smem:$0x3FAE]  }
0x2b: {  	s6 =	sld [smem:$0x3FAF]  }
0x2c: {  	s7 =	sld [smem:$0x3FB0]  }
0x2d: {  	s3 =	simm.s32 $0x108;
	s8 =	sld [smem:$0x3FB1]  }
0x2e: {  	s3 =	simm.s32 @!p0 $0x1082;
	s9 =	sld [smem:$0x3FB2]  }
0x2f: {  	lr =	sadd.s32 s0, s3;
	s0 =	sld [smem:$0x3FA9]  }
0x30: {  	s3 =	sld [smem:$0x3FAC]  }
0x31: {  	[smem:$0x3FB5] =	sst s10  }
0x32: {  	s10 =	sld [smem:$0x3FB3];
	_ =	sdelay $0x3  }
0x33: {  	p0 =	seq.s32 s10, $0x1;
	s10 =	sld [smem:$0x3FB5];
	_ =	sdelay $0x3  }
0x34: {  	[smem:$0x3FB5] =	sst s10  }
0x35: {  	s10 =	sld [smem:$0x3FB4];
	_ =	sdelay $0x3  }
0x36: {  	p1 =	seq.s32 s10, $0x1;
	s10 =	sld [smem:$0x3FB5];
	_ =	sdelay $0x3  }
0x37: {  	[smem:$0x3FB5] =	sst s10  }
0x38: {  	s10 =	sld [smem:$0x3FB6]  }
0x39: {  	_ = 	snop;
	(pc) =	sbr.ind lr, $3  }
0x3a: {  	_ = 	snop  }
0x3b: {  	_ = 	snop  }
0x3c: {  	p2 =	seq.s32 s10, $0x1;
	s10 =	sld [smem:$0x3FB5]  }
0x3d: {  	_ =	shalt  }
0x3e: {  	_ =	shalt  }
0x3f: {  	_ =	shalt  }
0x40: {  	_ =	shalt  }
0x41: {  	_ =	shalt  }
0x42: {  	_ =	shalt  }
0x43: {  	_ =	shalt  }
0x44: {  	_ =	shalt  }
0x45: {  	_ =	shalt  }
0x46: {  	_ =	shalt  }
0x47: {  	_ =	shalt  }
0x48: {  	_ =	shalt  }
0x49: {  	_ =	shalt  }
0x4a: {  	_ =	shalt  }
0x4b: {  	_ =	shalt  }
0x4c: {  	_ =	shalt  }
0x4d: {  	_ =	shalt  }
0x4e: {  	_ =	shalt  }
0x4f: {  	_ =	shalt  }
0x50: {  	_ =	shalt  }
0x51: {  	_ =	shalt  }
0x52: {  	_ =	shalt  }
0x53: {  	_ =	shalt  }
0x54: {  	_ =	shalt  }
0x55: {  	_ =	shalt  }
0x56: {  	_ =	shalt  }
0x57: {  	_ =	shalt  }
0x58: {  	_ =	shalt  }
0x59: {  	_ =	shalt  }
0x5a: {  	_ =	shalt  }
0x5b: {  	_ =	shalt  }
0x5c: {  	_ =	shalt  }
0x5d: {  	_ =	shalt  }
0x5e: {  	_ =	shalt  }
0x5f: {  	_ =	shalt  }
0x60: {  	_ =	shalt  }
0x61: {  	_ =	shalt  }
0x62: {  	_ =	shalt  }
0x63: {  	_ =	shalt  }
0x64: {  	_ =	shalt  }
0x65: {  	_ =	shalt  }
0x66: {  	_ =	shalt  }
0x67: {  	_ =	shalt  }
0x68: {  	_ =	shalt  }
0x69: {  	_ =	shalt  }
0x6a: {  	_ =	shalt  }
0x6b: {  	_ =	shalt  }
0x6c: {  	_ =	shalt  }
0x6d: {  	_ =	shalt  }
0x6e: {  	_ =	shalt  }
0x6f: {  	_ =	shalt  }
0x70: {  	_ =	shalt  }
0x71: {  	_ =	shalt  }
0x72: {  	_ =	shalt  }
0x73: {  	_ =	shalt  }
0x74: {  	_ =	shalt  }
0x75: {  	_ =	shalt  }
0x76: {  	_ =	shalt  }
0x77: {  	_ =	shalt  }
0x78: {  	_ =	shalt  }
0x79: {  	_ =	shalt  }
0x7a: {  	_ =	shalt  }
0x7b: {  	_ =	shalt  }
0x7c: {  	_ =	shalt  }
0x7d: {  	_ =	shalt  }
0x7e: {  	_ =	shalt  }
0x7f: {  	_ =	shalt  }
0x80: {  	_ =	shalt  }
0x81: {  	_ =	shalt  }
0x82: {  	_ =	shalt  }
0x83: {  	_ =	shalt  }
0x84: {  	_ =	shalt  }
0x85: {  	_ =	shalt  }
0x86: {  	_ =	shalt  }
0x87: {  	_ =	shalt  }
.Lfunc_end0:
.L_simem_size_0:
called_computation.2_lowered:
.L_overlay_start_0:
0x88: {  	s2 =	sld [smem:$0x3FD9]  }
0x89: {  	s3 =	sld [smem:$0x3FFE];
	_ =	sdelay $0x1  }
0x8a: {  	s1 =	srdreg.scid  }
0x8b: {  	s0 =	sand.u32 $0x1, s1  }
0x8c: {  	s16 =	sshll.u32 s0, $0xA;
	s2 =	sadd.s32 s3, s2  }
0x8d: {  	s2 =	sadd.s32 s2, s16  }
0x8e: {  	[smem:$0x3FC1] =	sst s2  }
0x8f: {  	_ = 	snop  }
0x90: {  	(tm) =	ssettm $0x1  }
0x91: {  	s17 =	sld [smem:$0x3FFB];
	_ =	sdelay $0x3  }
0x92: {  	_ =	strace s17  }
0x93: {  	s2 =	sld [smem:$0x3FFC];
	_ =	sdelay $0x3  }
0x94: {  	_ =	strace s2  }
0x95: {  	s2 =	sld [smem:$0x3FFD];
	_ =	sdelay $0x3  }
0x96: {  	_ =	strace s2  }
0x97: {  	_ =	strace $0x8FFFFFFF  }
0x98: {  	s18 =	sld [smem:$0x3FDB];
	_ =	sdelay $0x1  }
0x99: {  	s19 =	simm.s32 $_scs_section_size  }
0x9a: {  	s4 =	simm.s32 $_size__tile_overlayer_lowered;
	s5 =	simm.s32 $_tile_overlayer_lowered  }
0x9b: {  	s22 =	simm.s32 $0x1BFF;
	s21 =	sshll.u32 s5, $0x1;
	s2 =	sadd.s32 s19, s18  }
0x9c: {  	s6 =	simm.s32 $0x0;
	s20 =	sshll.u32 s4, $0x1;
	s4 =	sadd.s32 s21, s2  }
0x9d: {  	[timem:s6], [sflag:s22] =	dma.local [hbm:s4], s20  }
0x9e: {  	_ =	swait.ge [sflag:s22], s20  }
0x9f: {  	s3 =	ssub.s32 $0x0, s20;
	[sflag:s22] =	ssyncset.done $0x0  }
0xa0: {  	[sflag:s22] =	ssyncadd.s32 s3;
	_ =	sdelay $0x1  }
0xa1: {  	s23 =	simm.s32 $0x1B8B  }
0xa2: {  	_ =	swait.ge [sflag:s23], $0x1  }
0xa3: {  	[sflag:s23] =	ssyncset.done $0x0  }
0xa4: {  	s25 =	simm.s32 $0x1B8E;
	s24 =	sld [smem:$0x3FFE];
	[sflag:s23] =	ssyncadd.s32 $0xFFFFFFFF  }
0xa5: {  	s26 =	simm.s32 $execute0_lowered;
	[smem:$0x3FD2] =	sst s25  }
0xa6: {  	s4 =	sshll.u32 s26, $0x1;
	_ =	strace $0x8000004C;
	[dreg:$0x1] =	wrdreg $0xFFFFFFFF  }
0xa7: {  	s28 =	simm.s32 $_size_execute0_lowered;
	s2 =	sadd.s32 s2, s4;
	[dreg:$0x0] =	wrdreg $0x0  }
0xa8: {  	s4 =	sshll.u32 s28, $0x1;
	[dreg:$0x2] =	wrdreg s2  }
0xa9: {  	[dreg:$0x3] =	wrdreg s4  }
0xaa: {  	[dreg:$0x4] =	wrdreg $0xC0  }
0xab: {  	_ =	task [dreg:s6], $0x5FFFF  }
0xac: {  	[dreg:$0x1] =	wrdreg $0xFFFFFFFF  }
0xad: {  	[dreg:$0x0] =	wrdreg $0x60  }
0xae: {  	[dreg:$0x2] =	wrdreg s24  }
0xaf: {  	[dreg:$0x3] =	wrdreg $0x0  }
0xb0: {  	[dreg:$0x4] =	wrdreg $0x50000  }
0xb1: {  	[dreg:$0x5] =	wrdreg $0x9  }
0xb2: {  	_ =	task.clear_ibuf [dreg:s6], $0x6FFFF;
	_ =	strace $0x9000004C  }
0xb3: {  	s29 =	simm.s32 $0x9;
	_ =	strace $0x8000004E  }
0xb4: {  	_ =	swait.ge [sflag:s29], $0x1  }
0xb5: {  	[sflag:s29] =	ssyncadd.s32 $0xFFFFFFFF  }
0xb6: {  	_ =	strace $0x9000004E  }
0xb7: {  	_ =	sfence  }
0xb8: {  	s30 =	sld [smem:$0x0];
	_ =	sdelay $0x2  }
0xb9: {  	s31 =	sshll.u32 s1, $0xD;
	s1 =	sshrl.u32 s1, $0x2  }
0xba: {  	s3 =	sand.u32 $0x4000, s31;
	s1 =	sadd.s32 s1, s30  }
0xbb: {  	s0 =	sor.u32 s3, s0;
	s1 =	sshll.u32 s1, $0x11  }
0xbc: {  	s0 =	sor.u32 s1, s0  }
0xbd: {  	s0 =	sadd.s32 $0x8F2B, s0  }
0xbe: {  	[sflag:s0] =	ssyncadd.remote.s32 $0x1  }
0xbf: {  	_ =	sfence.sel $0xFFFF  }
0xc0: {  	[dreg:$0x0] =	wrdreg $0xFFFFFFFF;
	(pc) =	sbr.abs _section_cstart, $3  }
0xc1: {  	[dreg:$0x1] =	wrdreg $0xFFFFFFFF  }
0xc2: {  	_ =	task.clear_ibuf [dreg:s6], $0x2FFFF;
	_ =	strace $0x9FFFFFFF  }
0xc3: {  	(tm) =	ssettm $0x7FFFFFFF  }
tec
execute0_lowered:
.L_overlay_start_1:
0x0: {  	(tag) =	ssettag $0x1  }
0x1: {  	s6 =	rddreg [dreg:$0x0]  }
0x2: {  	s2 =	rddreg [dreg:$0x1]  }
0x3: {  	s0 =	srdreg.scid;
	s3 =	rddreg [dreg:$0x2]  }
0x4: {  	s4 =	simm.s32 $0x0;
	s12 =	simm.s32 $0x3;
	s15 =	simm.s32 $0xA000  }
0x5: {  	s16 =	simm.s32 $0xC800;
	s17 =	simm.s32 $0x80;
	s18 =	simm.s32 $0xF000  }
0x6: {  	s19 =	simm.s32 $0xA080;
	s20 =	simm.s32 $0x10000;
	s21 =	simm.s32 $0x1  }
0x7: {  	s22 =	simm.s32 $0x2;
	s5 =	sand.u32 $0x1, s0;
	s0 =	stileid.u32  }
0x8: {  	s23 =	simm.s32 $0xEF00;
	s24 =	simm.s32 $0xEF80;
	s8 =	smul.u32 $0x5000, s0  }
0x9: {  	[smem:$0x7FF] =	sst s4;
	s1 =	sshll.u32 s5, $0x4;
	s9 =	smul.u32 $0x50000, s5  }
0xa: {  	s5 =	ssub.s32 $0x2, s5;
	s13 =	sshll.u32 s0, $0x6;
	s1 =	sor.u32 s0, s1  }
0xb: {  	s11 =	sshrl.u32 s5, $0x1;
	s13 =	sor.u32 $0x1C03, s13;
	s7 =	smul.u32 $0x500, s1  }
0xc: {  	s1 =	rddreg [dreg:$0x3];
	_ =	strace $0x8000004D;
	s31 =	sshrl.u32 s8, $0x3  }
0xd: {  	s9 =	sadd.s32 s8, s9;
	s11 =	ssub.s32 s5, s11;
	s14 =	sadd.s32 s8, s3  }
0xe: {  	s5 =	sadd.s32 s8, s2;
	s9 =	sshrl.u32 s9, $0x3;
	s14 =	sshrl.u32 s14, $0x3  }
0xf: {  	s10 =	sadd.s32 s7, s6;
	s7 =	sadd.s32 s31, s6;
	s9 =	sadd.s32 s9, s6  }
0x10: {  	v0 =	vlaneseq.u32;
	s6 =	sadd.s32 $0xC400, s7;
	s7 =	sadd.s32 $0x16400, s10;
	s8 =	sadd.s32 $0x2400, s10  }
0x11: {  	v1 =	vimm.f32 $0.0e+00;
	v2 =	vor.u32 $0x10, v0;
	s9 =	sadd.s32 $0x70400, s9;
	s10 =	smax.u32 s11, $0x1;
	s11 =	simm.s32 $0x11000  }
.LBB2_1:
0x12: {  	s26 =	simm.s32 $0x0  }
0x13: {  	v3 =	vor.u32 s26, v0  }
0x14: {  	s25 =	simm.s32 $0x1;
	v4 =	vor.u32 s26, v2  }
.LBB2_2:
0x15: {  	p0 =	sne.s32 s25, $0x27F  }
.Ltmp0:
0x16: {  	_ = 	snop;
	(pc) =	sbr.rel @p0 .LBB2_2-.Ltmp0, $4  }
0x17: {  	_ = 	snop  }
0x18: {  	s26 =	sshll.u32 s25, $0x5;
	[tilespmem:v3+s11+$0x0] =	vst.idx.msk $0xffff, v1  }
0x19: {  	s25 =	sadd.s32 $0x1, s25;
	v3 =	vor.u32 s26, v0;
	[tilespmem:v4+s11+$0x0] =	vst.idx.msk $0xffff, v1  }
0x1a: {  	v4 =	vor.u32 s26, v2  }
0x1b: {  	_ =	sdelay $0x3  }
0x1c: {  	[tilespmem:v3+s11+$0x0] =	vst.idx.msk $0xffff, v1  }
0x1d: {  	[tilespmem:v4+s11+$0x0] =	vst.idx.msk $0xffff, v1  }
0x1e: {  	[spmem:s5] =	stream.linear.scatter [tilespmem:s11], [sflag:$0x3], $0x5000, $0x38;
	[tilespmem:$0x16000] =	vst v63  }
0x1f: {  	_ =	swait.ge [sflag:s12], $0x5000  }
0x20: {  	[sflag:s12] =	ssyncset.done $0x0  }
0x21: {  	[sflag:s12] =	ssyncadd.s32 $0xFFFFB000  }
0x22: {  	[spmem:s14], [sflag:s13] =	dma.local [hbm:s6], $0xA00  }
0x23: {  	_ =	swait.ge [sflag:s12], $0xA00  }
0x24: {  	[sflag:s12] =	ssyncset.done $0x0  }
0x25: {  	s25 =	simm.s32 $0x0;
	[sflag:s12] =	ssyncadd.s32 $0xFFFFF600  }
0x26: {  	[tilespmem:s15], [sflag:$0x3] =	stream.linear.gather [hbm4b:s7+s25], $0x2800, $0x38;
	[tilespmem:$0x16000] =	vst v63  }
0x27: {  	_ =	swait.ge [sflag:s12], $0x2800  }
0x28: {  	[sflag:s12] =	ssyncset.done $0x0  }
0x29: {  	[sflag:s12] =	ssyncadd.s32 $0xFFFFD800  }
0x2a: {  	[tilespmem:s16], [sflag:$0x3] =	stream.linear.gather [hbm4b:s8+s25], $0x2800, $0x38;
	[tilespmem:$0x16000] =	vst v63  }
0x2b: {  	_ =	swait.ge [sflag:s12], $0x2800  }
0x2c: {  	[sflag:s12] =	ssyncset.done $0x0  }
0x2d: {  	[sflag:s12] =	ssyncadd.s32 $0xFFFFD800  }
0x2e: {  	[bflag:$0x0] =	sbarrier.arrive $0xFFFF  }
0x2f: {  	[tilespmem:s18], [sflag:$0x1] =	stream.indirect.gather [spmem:s3], $0x20, s15, s17, $0xb8;
	[tilespmem:$0x16000] =	vst v63  }
0x30: {  	_ = 	snop  }
0x31: {  	[tilespmem:s20], [sflag:$0x2] =	stream.indirect.gather [spmem:s3], $0x20, s19, s17, $0xb8;
	[tilespmem:$0x16000] =	vst v63  }
0x32: {  	_ =	swait.ge [sflag:s21], $0x1000  }
0x33: {  	[sflag:s21] =	ssyncset.done $0x0  }
0x34: {  	s29 =	simm.s32 $0xC800;
	[sflag:s21] =	ssyncadd.s32 $0xFFFFF000  }
0x35: {  	[spmem:s2] =	stream.indirect.scatter.add.f32 [tilespmem:s18], [sflag:$0x3], $0x20, s29, s17, $0xb8;
	[tilespmem:$0x16000] =	vst v63  }
0x36: {  	_ =	swait.ge [sflag:s12], $0x1000  }
0x37: {  	[sflag:s12] =	ssyncset.done $0x0  }
0x38: {  	s30 =	simm.s32 $0xA100;
	[sflag:s12] =	ssyncadd.s32 $0xFFFFF000  }
0x39: {  	[tilespmem:s18], [sflag:$0x1] =	stream.indirect.gather [spmem:s3], $0x20, s30, s17, $0xb8;
	[tilespmem:$0x16000] =	vst v63  }
0x3a: {  	_ =	swait.ge [sflag:s22], $0x1000  }
0x3b: {  	[sflag:s22] =	ssyncset.done $0x0  }
0x3c: {  	s31 =	simm.s32 $0xC880;
	[sflag:s22] =	ssyncadd.s32 $0xFFFFF000  }
0x3d: {  	[spmem:s2] =	stream.indirect.scatter.add.f32 [tilespmem:s20], [sflag:$0x3], $0x20, s31, s17, $0xb8;
	[tilespmem:$0x16000] =	vst v63  }
0x3e: {  	_ =	swait.ge [sflag:s12], $0x1000  }
0x3f: {  	[sflag:s12] =	ssyncset.done $0x0  }
0x40: {  	s26 =	simm.s32 $0xA180;
	s25 =	simm.s32 $0x400;
	[sflag:s12] =	ssyncadd.s32 $0xFFFFF000  }
.LBB2_4:
0x41: {  	[tilespmem:s20], [sflag:$0x2] =	stream.indirect.gather [spmem:s3], $0x20, s26, s17, $0xb8;
	[tilespmem:$0x16000] =	vst v63  }
0x42: {  	s26 =	smov.u32 s25  }
0x43: {  	p0 =	sne.s32 s25, $0x9800;
	s25 =	sadd.s32 $0x400, s25;
	_ =	swait.ge [sflag:s21], $0x1000  }
0x44: {  	s26 =	sshra.s32 s26, $0x2;
	[sflag:s21] =	ssyncset.done $0x0  }
0x45: {  	s28 =	sadd.s32 $0xC800, s26;
	[sflag:s21] =	ssyncadd.s32 $0xFFFFF000  }
0x46: {  	[spmem:s2] =	stream.indirect.scatter.add.f32 [tilespmem:s18], [sflag:$0x3], $0x20, s28, s17, $0xb8;
	[tilespmem:$0x16000] =	vst v63  }
0x47: {  	_ =	swait.ge [sflag:s12], $0x1000  }
0x48: {  	[sflag:s12] =	ssyncset.done $0x0  }
0x49: {  	s28 =	sadd.s32 $0xA100, s26;
	[sflag:s12] =	ssyncadd.s32 $0xFFFFF000  }
0x4a: {  	[tilespmem:s18], [sflag:$0x1] =	stream.indirect.gather [spmem:s3], $0x20, s28, s17, $0xb8;
	[tilespmem:$0x16000] =	vst v63  }
0x4b: {  	_ =	swait.ge [sflag:s22], $0x1000  }
0x4c: {  	[sflag:s22] =	ssyncset.done $0x0  }
.Ltmp1:
0x4d: {  	s28 =	sadd.s32 $0xC880, s26;
	[sflag:s22] =	ssyncadd.s32 $0xFFFFF000;
	(pc) =	sbr.rel @p0 .LBB2_4-.Ltmp1, $4  }
0x4e: {  	[spmem:s2] =	stream.indirect.scatter.add.f32 [tilespmem:s20], [sflag:$0x3], $0x20, s28, s17, $0xb8;
	[tilespmem:$0x16000] =	vst v63  }
0x4f: {  	_ =	swait.ge [sflag:s12], $0x1000  }
0x50: {  	[sflag:s12] =	ssyncset.done $0x0  }
0x51: {  	s26 =	sadd.s32 $0xA180, s26;
	[sflag:s12] =	ssyncadd.s32 $0xFFFFF000  }
0x52: {  	[tilespmem:s20], [sflag:$0x2] =	stream.indirect.gather [spmem:s3], $0x20, s26, s17, $0xb8;
	[tilespmem:$0x16000] =	vst v63  }
0x53: {  	_ =	swait.ge [sflag:s21], $0x1000  }
0x54: {  	[sflag:s21] =	ssyncset.done $0x0  }
0x55: {  	[sflag:s21] =	ssyncadd.s32 $0xFFFFF000  }
0x56: {  	[spmem:s2] =	stream.indirect.scatter.add.f32 [tilespmem:s18], [sflag:$0x3], $0x20, s23, s17, $0xb8;
	[tilespmem:$0x16000] =	vst v63  }
0x57: {  	_ =	swait.ge [sflag:s12], $0x1000  }
0x58: {  	[sflag:s12] =	ssyncset.done $0x0  }
0x59: {  	[sflag:s12] =	ssyncadd.s32 $0xFFFFF000  }
0x5a: {  	_ =	swait.ge [sflag:s22], $0x1000  }
0x5b: {  	[sflag:s22] =	ssyncset.done $0x0  }
0x5c: {  	[sflag:s22] =	ssyncadd.s32 $0xFFFFF000  }
0x5d: {  	[spmem:s2] =	stream.indirect.scatter.add.f32 [tilespmem:s20], [sflag:$0x3], $0x20, s24, s17, $0xb8;
	[tilespmem:$0x16000] =	vst v63  }
0x5e: {  	_ =	swait.ge [sflag:s12], $0x1000  }
0x5f: {  	s4 =	sadd.s32 $0x1, s4;
	[sflag:s12] =	ssyncset.done $0x0  }
0x60: {  	p0 =	sne.s32 s4, s10;
	[sflag:s12] =	ssyncadd.s32 $0xFFFFF000  }
.Ltmp2:
0x61: {  	s25 =	sshrl.u32 s5, $0x3;
	[bflag:$0x0] =	sbarrier.arrive $0xFFFF;
	(pc) =	sbr.rel @p0 .LBB2_1-.Ltmp2, $4  }
0x62: {  	[hbm:s9], [sflag:s13] =	dma.local [spmem:s25], $0xA00  }
0x63: {  	_ =	swait.ge [sflag:s12], $0xA00  }
0x64: {  	[sflag:s12] =	ssyncset.done $0x0  }
0x65: {  	[sflag:s12] =	ssyncadd.s32 $0xFFFFF600  }
0x66: {  	_ =	sfence.sel $0x180000  }
0x67: {  	[bflag:$0x0] =	sbarrier.arrive $0xFFFF  }
0x68: {  	p0 =	sne.s32 s0, $0x0;
	_ =	strace $0x9000004D  }
0x69: {  	s0 =	sadd.s32 @!p0 $0x100000, s1;
	[bflag:$0x2] =	sbarrier.arrive $0xFFFF  }
0x6a: {  	[sflag:s0] =	ssyncadd.tile.s32 @!p0 $0x1;
	_ =	shalt  }
.Lfunc_end2:
_tile_overlayer_lowered:
.L_overlay_start_2:
0x6b: {  	(tag) =	ssettag $0x2  }
0x6c: {  	s0 =	rddreg [dreg:$0x0];
	s2 =	stileid.u32  }
0x6d: {  	s1 =	rddreg [dreg:$0x1];
	p0 =	sne.s32 s2, $0x0  }
0x6e: {  	s3 =	rddreg [dreg:$0x2];
	[bflag:$0x3] =	sbarrier.arrive $0xFFFF;
	s2 =	simm.s32 @!p0 $0x1C03  }
0x6f: {  	[timem:s3], [sflag:s2] =	dma.local @!p0 [hbm:s0], s1  }
0x70: {  	s0 =	simm.s32 @!p0 $0x3  }
0x71: {  	_ =	swait.ge @!p0 [sflag:s0], s1  }
0x72: {  	s1 =	ssub.s32 @!p0 $0x0, s1;
	[sflag:s0] =	ssyncset.done @!p0 $0x0  }
0x73: {  	[sflag:s0] =	ssyncadd.s32 @!p0 s1  }
0x74: {  	[bflag:$0x3] =	sbarrier.arrive $0xFFFF  }
0x75: {  	_ =	shalt  }

// kernel: kernel.19.cloned.1.call-start
scs
__scs_entry_jumppad:
0x0: {  	(pc) =	sbr.rel $0x88, $3  }
0x1: {  	(tag) =	ssettag $0x0;
	lr =	simm.s32 $0x1  }
0x2: {  	[smem:$0x3F9A] =	sst lr;
	_ =	strace $0xD0000000  }
0x3: {  	_ = 	snop  }
0x4: {  	_ = 	snop  }
0x5: {  	_ = 	snop  }
0x6: {  	_ = 	snop  }
0x7: {  	_ = 	snop  }
__scs_overlays_trampoline_lowered:
0x8: {  	[smem:$0x3FA9] =	sst s0  }
0x9: {  	[smem:$0x3FAA] =	sst s1  }
0xa: {  	[smem:$0x3FAB] =	sst s2  }
0xb: {  	[smem:$0x3FAC] =	sst s3  }
0xc: {  	[smem:$0x3FAD] =	sst s4  }
0xd: {  	[smem:$0x3FAE] =	sst s5  }
0xe: {  	[smem:$0x3FAF] =	sst s6  }
0xf: {  	[smem:$0x3FB0] =	sst s7  }
0x10: {  	[smem:$0x3FB1] =	sst s8  }
0x11: {  	[smem:$0x3FB2] =	sst s9;
	s0 =	simm.s32 @!p0 $0x0  }
0x12: {  	s1 =	sld [smem:$0x3F98];
	s0 =	simm.s32 @p0 $0x1  }
0x13: {  	[smem:$0x3FB3] =	sst s0;
	s0 =	simm.s32 @!p1 $0x0  }
0x14: {  	s2 =	sld [smem:$0x3F97];
	s0 =	simm.s32 @p1 $0x1  }
0x15: {  	[smem:$0x3FB4] =	sst s0;
	s0 =	simm.s32 @!p2 $0x0  }
0x16: {  	s3 =	sld [smem:$0x3FDB];
	s0 =	simm.s32 @p2 $0x1  }
0x17: {  	s4 =	simm.s32 $0x1BF5;
	[smem:$0x3FB6] =	sst s0  }
0x18: {  	s0 =	sld [smem:$0x3F99];
	_ =	swait.ge [sflag:s4], $0x0  }
0x19: {  	s7 =	sld [smem:$0x3F9A]  }
0x1a: {  	s8 =	sadd.s32 $0xFFFFE003, lr  }
0x1b: {  	s9 =	sadd.s32 $0xFFFFFEF7, lr;
	s5 =	simm.s32 $0xFFFFFFFF;
	p2 =	slt.u32 s8, $0xFFFFF086  }
0x1c: {  	p1 =	slt.u32 s9, $0xF7A;
	s5 =	simm.s32 @!p2 $0x0  }
0x1d: {  	s5 =	simm.s32 @p1 $0x1;
	p0 =	seq.s32 s7, s2  }
0x1e: {  	s7 =	smul.u32 @!p0 $0xF7A, s2;
	p2 =	seq.s32 @!p0 s5, $0x0  }
0x1f: {  	s9 =	smul.u32 $0xF7A, s1;
	s8 =	simm.s32 @!p0 $0x1BF5;
	p2 =	por !p2, p0  }
0x20: {  	[sflag:s8] =	ssyncset.s32 @!p0 $0xFFFFF086;
	s6 =	sadd.s32 @!p0 s3, s7;
	s7 =	simm.s32 @!p0 $0x108  }
0x21: {  	s3 =	sadd.s32 s3, s9;
	s6 =	sadd.s32 @!p0 $0x88, s6;
	s7 =	simm.s32 @p2 $0x1082  }
0x22: {  	[simem:s7], [sflag:s8] =	dma.local @!p0 [hbm:s6], $0xF7A  }
0x23: {  	s9 =	sor.u32 $0xD0000000, s2;
	s6 =	simm.s32 $0x108;
	_ =	swait.ge @!p0 [sflag:s8], $0x0  }
0x24: {  	s3 =	sadd.s32 $0x88, s3;
	s6 =	simm.s32 @!p1 $0x1082;
	[sflag:s4] =	ssyncset.s32 $0xFFFFF086  }
0x25: {  	[simem:s6], [sflag:s4] =	dma.local [hbm:s3], $0xF7A  }
0x26: {  	[smem:$0x3F9A] =	sst s1;
	(tag) =	ssettag s2;
	_ =	strace s9  }
0x27: {  	s1 =	sld [smem:$0x3FAA]  }
0x28: {  	s2 =	sld [smem:$0x3FAB]  }
0x29: {  	s4 =	sld [smem:$0x3FAD]  }
0x2a: {  	p0 =	seq.s32 s5, $0x0;
	s5 =	sld [smem:$0x3FAE]  }
0x2b: {  	s6 =	sld [smem:$0x3FAF]  }
0x2c: {  	s7 =	sld [smem:$0x3FB0]  }
0x2d: {  	s3 =	simm.s32 $0x108;
	s8 =	sld [smem:$0x3FB1]  }
0x2e: {  	s3 =	simm.s32 @!p0 $0x1082;
	s9 =	sld [smem:$0x3FB2]  }
0x2f: {  	lr =	sadd.s32 s0, s3;
	s0 =	sld [smem:$0x3FA9]  }
0x30: {  	s3 =	sld [smem:$0x3FAC]  }
0x31: {  	[smem:$0x3FB5] =	sst s10  }
0x32: {  	s10 =	sld [smem:$0x3FB3];
	_ =	sdelay $0x3  }
0x33: {  	p0 =	seq.s32 s10, $0x1;
	s10 =	sld [smem:$0x3FB5];
	_ =	sdelay $0x3  }
0x34: {  	[smem:$0x3FB5] =	sst s10  }
0x35: {  	s10 =	sld [smem:$0x3FB4];
	_ =	sdelay $0x3  }
0x36: {  	p1 =	seq.s32 s10, $0x1;
	s10 =	sld [smem:$0x3FB5];
	_ =	sdelay $0x3  }
0x37: {  	[smem:$0x3FB5] =	sst s10  }
0x38: {  	s10 =	sld [smem:$0x3FB6]  }
0x39: {  	_ = 	snop;
	(pc) =	sbr.ind lr, $3  }
0x3a: {  	_ = 	snop  }
0x3b: {  	_ = 	snop  }
0x3c: {  	p2 =	seq.s32 s10, $0x1;
	s10 =	sld [smem:$0x3FB5]  }
0x3d: {  	_ =	shalt  }
0x3e: {  	_ =	shalt  }
0x3f: {  	_ =	shalt  }
0x40: {  	_ =	shalt  }
0x41: {  	_ =	shalt  }
0x42: {  	_ =	shalt  }
0x43: {  	_ =	shalt  }
0x44: {  	_ =	shalt  }
0x45: {  	_ =	shalt  }
0x46: {  	_ =	shalt  }
0x47: {  	_ =	shalt  }
0x48: {  	_ =	shalt  }
0x49: {  	_ =	shalt  }
0x4a: {  	_ =	shalt  }
0x4b: {  	_ =	shalt  }
0x4c: {  	_ =	shalt  }
0x4d: {  	_ =	shalt  }
0x4e: {  	_ =	shalt  }
0x4f: {  	_ =	shalt  }
0x50: {  	_ =	shalt  }
0x51: {  	_ =	shalt  }
0x52: {  	_ =	shalt  }
0x53: {  	_ =	shalt  }
0x54: {  	_ =	shalt  }
0x55: {  	_ =	shalt  }
0x56: {  	_ =	shalt  }
0x57: {  	_ =	shalt  }
0x58: {  	_ =	shalt  }
0x59: {  	_ =	shalt  }
0x5a: {  	_ =	shalt  }
0x5b: {  	_ =	shalt  }
0x5c: {  	_ =	shalt  }
0x5d: {  	_ =	shalt  }
0x5e: {  	_ =	shalt  }
0x5f: {  	_ =	shalt  }
0x60: {  	_ =	shalt  }
0x61: {  	_ =	shalt  }
0x62: {  	_ =	shalt  }
0x63: {  	_ =	shalt  }
0x64: {  	_ =	shalt  }
0x65: {  	_ =	shalt  }
0x66: {  	_ =	shalt  }
0x67: {  	_ =	shalt  }
0x68: {  	_ =	shalt  }
0x69: {  	_ =	shalt  }
0x6a: {  	_ =	shalt  }
0x6b: {  	_ =	shalt  }
0x6c: {  	_ =	shalt  }
0x6d: {  	_ =	shalt  }
0x6e: {  	_ =	shalt  }
0x6f: {  	_ =	shalt  }
0x70: {  	_ =	shalt  }
0x71: {  	_ =	shalt  }
0x72: {  	_ =	shalt  }
0x73: {  	_ =	shalt  }
0x74: {  	_ =	shalt  }
0x75: {  	_ =	shalt  }
0x76: {  	_ =	shalt  }
0x77: {  	_ =	shalt  }
0x78: {  	_ =	shalt  }
0x79: {  	_ =	shalt  }
0x7a: {  	_ =	shalt  }
0x7b: {  	_ =	shalt  }
0x7c: {  	_ =	shalt  }
0x7d: {  	_ =	shalt  }
0x7e: {  	_ =	shalt  }
0x7f: {  	_ =	shalt  }
0x80: {  	_ =	shalt  }
0x81: {  	_ =	shalt  }
0x82: {  	_ =	shalt  }
0x83: {  	_ =	shalt  }
0x84: {  	_ =	shalt  }
0x85: {  	_ =	shalt  }
0x86: {  	_ =	shalt  }
0x87: {  	_ =	shalt  }
.Lfunc_end0:
.L_simem_size_0:
called_computation.3_lowered:
.L_overlay_start_0:
0x88: {  	s2 =	sld [smem:$0x3FD9]  }
0x89: {  	s3 =	sld [smem:$0x3FFE];
	_ =	sdelay $0x1  }
0x8a: {  	s1 =	srdreg.scid  }
0x8b: {  	s0 =	sand.u32 $0x1, s1  }
0x8c: {  	s16 =	sshll.u32 s0, $0xA;
	s2 =	sadd.s32 s3, s2  }
0x8d: {  	s2 =	sadd.s32 s2, s16  }
0x8e: {  	[smem:$0x3FC1] =	sst s2  }
0x8f: {  	_ = 	snop  }
0x90: {  	(tm) =	ssettm $0x1  }
0x91: {  	s17 =	sld [smem:$0x3FFB];
	_ =	sdelay $0x3  }
0x92: {  	_ =	strace s17  }
0x93: {  	s2 =	sld [smem:$0x3FFC];
	_ =	sdelay $0x3  }
0x94: {  	_ =	strace s2  }
0x95: {  	s2 =	sld [smem:$0x3FFD];
	_ =	sdelay $0x3  }
0x96: {  	_ =	strace s2  }
0x97: {  	_ =	strace $0x8FFFFFFF  }
0x98: {  	s18 =	sld [smem:$0x3FDB];
	_ =	sdelay $0x1  }
0x99: {  	s19 =	simm.s32 $_scs_section_size  }
0x9a: {  	s4 =	simm.s32 $_size__tile_overlayer_lowered;
	s5 =	simm.s32 $_tile_overlayer_lowered  }
0x9b: {  	s22 =	simm.s32 $0x1BFF;
	s21 =	sshll.u32 s5, $0x1;
	s2 =	sadd.s32 s19, s18  }
0x9c: {  	s6 =	simm.s32 $0x0;
	s20 =	sshll.u32 s4, $0x1;
	s4 =	sadd.s32 s21, s2  }
0x9d: {  	[timem:s6], [sflag:s22] =	dma.local [hbm:s4], s20  }
0x9e: {  	_ =	swait.ge [sflag:s22], s20  }
0x9f: {  	s3 =	ssub.s32 $0x0, s20;
	[sflag:s22] =	ssyncset.done $0x0  }
0xa0: {  	[sflag:s22] =	ssyncadd.s32 s3;
	_ =	sdelay $0x1  }
0xa1: {  	s23 =	simm.s32 $0x1B8B  }
0xa2: {  	_ =	swait.ge [sflag:s23], $0x1  }
0xa3: {  	[sflag:s23] =	ssyncset.done $0x0  }
0xa4: {  	s25 =	simm.s32 $0x1B8E;
	s24 =	sld [smem:$0x3FFE];
	[sflag:s23] =	ssyncadd.s32 $0xFFFFFFFF  }
0xa5: {  	s26 =	simm.s32 $execute0_lowered;
	[smem:$0x3FD2] =	sst s25  }
0xa6: {  	s4 =	sshll.u32 s26, $0x1;
	_ =	strace $0x8000004F;
	[dreg:$0x1] =	wrdreg $0xFFFFFFFF  }
0xa7: {  	s28 =	simm.s32 $_size_execute0_lowered;
	s2 =	sadd.s32 s2, s4;
	[dreg:$0x0] =	wrdreg $0x0  }
0xa8: {  	s4 =	sshll.u32 s28, $0x1;
	[dreg:$0x2] =	wrdreg s2  }
0xa9: {  	[dreg:$0x3] =	wrdreg s4  }
0xaa: {  	[dreg:$0x4] =	wrdreg $0xC0  }
0xab: {  	_ =	task [dreg:s6], $0x5FFFF  }
0xac: {  	[dreg:$0x1] =	wrdreg $0xFFFFFFFF  }
0xad: {  	[dreg:$0x0] =	wrdreg $0x60  }
0xae: {  	[dreg:$0x2] =	wrdreg s24  }
0xaf: {  	[dreg:$0x3] =	wrdreg $0x9  }
0xb0: {  	_ =	task.clear_ibuf [dreg:s6], $0x4FFFF;
	_ =	strace $0x9000004F  }
0xb1: {  	s29 =	simm.s32 $0x9;
	_ =	strace $0x80000051  }
0xb2: {  	_ =	swait.ge [sflag:s29], $0x1  }
0xb3: {  	[sflag:s29] =	ssyncadd.s32 $0xFFFFFFFF  }
0xb4: {  	_ =	strace $0x90000051  }
0xb5: {  	_ =	sfence  }
0xb6: {  	s30 =	sld [smem:$0x0];
	_ =	sdelay $0x2  }
0xb7: {  	s31 =	sshll.u32 s1, $0xD;
	s1 =	sshrl.u32 s1, $0x2  }
0xb8: {  	s3 =	sand.u32 $0x4000, s31;
	s1 =	sadd.s32 s1, s30  }
0xb9: {  	s0 =	sor.u32 s3, s0;
	s1 =	sshll.u32 s1, $0x11  }
0xba: {  	s0 =	sor.u32 s1, s0  }
0xbb: {  	s0 =	sadd.s32 $0x8F2B, s0  }
0xbc: {  	[sflag:s0] =	ssyncadd.remote.s32 $0x1  }
0xbd: {  	_ =	sfence.sel $0xFFFF  }
0xbe: {  	[dreg:$0x0] =	wrdreg $0xFFFFFFFF;
	(pc) =	sbr.abs _section_cstart, $3  }
0xbf: {  	[dreg:$0x1] =	wrdreg $0xFFFFFFFF  }
0xc0: {  	_ =	task.clear_ibuf [dreg:s6], $0x2FFFF;
	_ =	strace $0x9FFFFFFF  }
0xc1: {  	(tm) =	ssettm $0x7FFFFFFF  }
tec
execute0_lowered:
.L_overlay_start_1:
0x0: {  	(tag) =	ssettag $0x1  }
0x1: {  	s6 =	rddreg [dreg:$0x0];
	s1 =	simm.s32 $0x0;
	s2 =	srdreg.scid  }
0x2: {  	s9 =	simm.s32 $0x1;
	s17 =	simm.s32 $0x16800;
	s18 =	simm.s32 $0x3  }
0x3: {  	s19 =	simm.s32 $0x15400;
	s20 =	simm.s32 $0x17C00;
	s21 =	simm.s32 $0x19000  }
0x4: {  	s22 =	simm.s32 $0x2;
	s23 =	simm.s32 $0x4;
	s24 =	simm.s32 $0x0  }
0x5: {  	s25 =	simm.s32 $0x0;
	[smem:$0x7FF] =	sst s1;
	s7 =	sand.u32 $0x1, s2  }
0x6: {  	s2 =	stileid.u32;
	s3 =	sadd.s32 $0x16400, s6;
	s5 =	sadd.s32 $0x13C00, s6  }
0x7: {  	s14 =	sadd.s32 $0x11400, s6;
	s15 =	sadd.s32 $0xEC00, s6;
	s4 =	sshll.u32 s7, $0x4  }
0x8: {  	s10 =	sadd.s32 $0xC400, s6;
	s12 =	sand.u32 $0x3, s2;
	s8 =	sor.u32 s2, s4  }
0x9: {  	_ =	strace $0x80000050;
	p0 =	sne.s32 s12, $0x0;
	p1 =	seq.s32 s8, $0x0  }
0xa: {  	s7 =	ssub.s32 $0x2, s7;
	s4 =	sadd.s32 $0x2400, s6;
	p0 =	por !p0, !p1  }
0xb: {  	s6 =	sadd.s32 $0x20400, s6;
	s31 =	sshrl.u32 s7, $0x1;
	p0 =	por !p0, !p0  }
0xc: {  	s8 =	sshrl.u32 s8, $0x2;
	s9 =	simm.s32 @!p0 $0x0;
	p0 =	sgt.s32 s12, $0x1  }
0xd: {  	s16 =	ssub.s32 s7, s31;
	s8 =	ssub.s32 s8, s9;
	p1 =	seq.s32 @p0 s12, $0x2  }
0xe: {  	s7 =	simm.s32 $0x1;
	s11 =	smul.u32 $0xA000, s8;
	p1 =	por !p1, !p0  }
0xf: {  	s8 =	smul.u32 $0x140, s8;
	s15 =	smov.u32 @p1 s10;
	p1 =	seq.s32 @!p0 s12, $0x0  }
0x10: {  	v0 =	vlaneseq.u32;
	s12 =	smul.u32 $0x50000, s12;
	s11 =	sshrl.u32 s11, $0x3;
	p1 =	por !p1, p0  }
0x11: {  	v1 =	vor.u32 $0x10, v0;
	s13 =	sadd.s32 $0x50, s8;
	s9 =	sadd.s32 s3, s11;
	s10 =	sadd.s32 s4, s11  }
0x12: {  	v2 =	vor.u32 $0x20, v0;
	v3 =	vor.u32 $0x30, v0;
	v4 =	vor.u32 $0x40, v0;
	s11 =	sor.u32 $0x28, s8;
	s5 =	smov.u32 @p1 s14;
	s14 =	smax.u32 s16, $0x1  }
0x13: {  	v5 =	vor.u32 $0x50, v0;
	v6 =	vor.u32 $0x60, v0;
	v7 =	vor.u32 $0x70, v0;
	s16 =	simm.s32 $0x14000;
	s5 =	smov.u32 @p0 s15;
	s15 =	simm.s32 $0x5  }
.LBB2_1:
0x14: {  	[tilespmem:s25], [sflag:$0x5] =	stream.linear.gather [hbm4b:s5+s25], $0x14000, $0x38;
	[tilespmem:$0x1A400] =	vst v63  }
0x15: {  	_ =	swait.ge [sflag:s15], $0x14000  }
0x16: {  	[sflag:s15] =	ssyncset.done $0x0  }
0x17: {  	[sflag:s15] =	ssyncadd.s32 $0xFFFEC000  }
0x18: {  	[tilespmem:s16], [sflag:$0x1] =	stream.linear.gather [hbm4b:s9+s25], $0x1400, $0x38;
	[tilespmem:$0x1A400] =	vst v63  }
0x19: {  	s26 =	simm.s32 $0x0  }
0x1a: {  	[tilespmem:s17], [sflag:$0x3] =	stream.linear.gather [hbm4b:s10+s25], $0x1400, $0x38;
	[tilespmem:$0x1A400] =	vst v63  }
.LBB2_2:
0x1b: {  	_ =	swait.ge [sflag:s7], $0x1400;
	s29 =	smul.u32 $0x50, s26  }
0x1c: {  	[sflag:s7] =	ssyncset.done $0x0  }
0x1d: {  	[sflag:s7] =	ssyncadd.s32 $0xFFFFEC00;
	s28 =	sadd.s32 s29, s11  }
0x1e: {  	_ =	swait.ge [sflag:s18], $0x1400;
	s30 =	sshll.u32 s28, $0x4  }
0x1f: {  	[sflag:s18] =	ssyncset.done $0x0;
	s30 =	sand.u32 $0x1FFFFF80, s30  }
0x20: {  	[sflag:s18] =	ssyncadd.s32 $0xFFFFEC00;
	s31 =	sadd.s32 s3, s30  }
0x21: {  	[tilespmem:s19], [sflag:$0x2] =	stream.linear.gather [hbm4b:s31+s25], $0x1400, $0x38;
	[tilespmem:$0x1A400] =	vst v63  }
0x22: {  	s30 =	sadd.s32 s4, s30  }
0x23: {  	[tilespmem:s20], [sflag:$0x4] =	stream.linear.gather [hbm4b:s30+s25], $0x1400, $0x38;
	[tilespmem:$0x1A400] =	vst v63  }
0x24: {  	s30 =	simm.s32 $0x0  }
.LBB2_3:
0x25: {  	s31 =	sshll.u32 s30, $0x7  }
0x26: {  	v8 =	vor.u32 s31, v0;
	_ =	sdelay $0x4  }
0x27: {  	v9 =	vld.idx.msk [tilespmem:v8+s16+$0x0], $0xffff  }
0x28: {  	v10 =	vld.idx.msk [tilespmem:v8+s17+$0x0], $0xffff;
	_ =	sdelay $0x3  }
0x29: {  	v9 =	vshll.u32 v9, $0x3  }
0x2a: {  	v10 =	vshll.u32 v10, $0x3  }
0x2b: {  	v11 =	vor.u32 $0x1, v9  }
0x2c: {  	v12 =	vor.u32 $0x1, v10  }
0x2d: {  	v13 =	vor.u32 $0x2, v9  }
0x2e: {  	v15 =	vor.u32 $0x2, v10;
	v14 =	vld.idx.msk [tilespmem:v9+s1+$0x0], $0xffff  }
0x2f: {  	v17 =	vor.u32 $0x3, v9;
	v16 =	vld.idx.msk [tilespmem:v10+s1+$0x0], $0xffff  }
0x30: {  	v18 =	vor.u32 $0x3, v10;
	v11 =	vld.idx.msk [tilespmem:v11+s1+$0x0], $0xffff  }
0x31: {  	v19 =	vor.u32 $0x4, v9;
	v12 =	vld.idx.msk [tilespmem:v12+s1+$0x0], $0xffff  }
0x32: {  	v20 =	vor.u32 $0x4, v10;
	v13 =	vld.idx.msk [tilespmem:v13+s1+$0x0], $0xffff  }
0x33: {  	v21 =	vor.u32 $0x5, v9;
	v15 =	vld.idx.msk [tilespmem:v15+s1+$0x0], $0xffff  }
0x34: {  	v49 =	vor.u32 $0x5, v10;
	v48 =	vld.idx.msk [tilespmem:v17+s1+$0x0], $0xffff;
	v14 =	vmul.f32 v16, v14  }
0x35: {  	v22 =	vor.u32 $0x6, v9;
	v18 =	vld.idx.msk [tilespmem:v18+s1+$0x0], $0xffff  }
0x36: {  	v51 =	vor.u32 $0x6, v10;
	v50 =	vld.idx.msk [tilespmem:v19+s1+$0x0], $0xffff;
	v11 =	vmul.f32 v12, v11;
	v14 =	vadd.f32 $0.0e+00, v14  }
0x37: {  	v9 =	vor.u32 $0x7, v9;
	v20 =	vld.idx.msk [tilespmem:v20+s1+$0x0], $0xffff  }
0x38: {  	v10 =	vor.u32 $0x7, v10;
	v52 =	vld.idx.msk [tilespmem:v21+s1+$0x0], $0xffff;
	v13 =	vmul.f32 v15, v13;
	v11 =	vadd.f32 v11, v14  }
0x39: {  	v53 =	vld.idx.msk [tilespmem:v49+s1+$0x0], $0xffff  }
0x3a: {  	v55 =	vld.idx.msk [tilespmem:v22+s1+$0x0], $0xffff;
	v54 =	vmul.f32 v18, v48;
	v11 =	vadd.f32 v13, v11  }
0x3b: {  	v56 =	vld.idx.msk [tilespmem:v51+s1+$0x0], $0xffff  }
0x3c: {  	v9 =	vld.idx.msk [tilespmem:v9+s1+$0x0], $0xffff;
	v12 =	vmul.f32 v20, v50;
	v11 =	vadd.f32 v54, v11  }
0x3d: {  	v10 =	vld.idx.msk [tilespmem:v10+s1+$0x0], $0xffff  }
0x3e: {  	v57 =	vmul.f32 v53, v52;
	v11 =	vadd.f32 v12, v11;
	_ =	sdelay $0x1  }
0x3f: {  	v58 =	vmul.f32 v56, v55;
	v11 =	vadd.f32 v57, v11;
	_ =	sdelay $0x1  }
0x40: {  	v59 =	vor.u32 s31, v1;
	v9 =	vmul.f32 v10, v9;
	v11 =	vadd.f32 v58, v11;
	_ =	sdelay $0x1  }
0x41: {  	v9 =	vadd.f32 v9, v11;
	_ =	sdelay $0x1  }
0x42: {  	[tilespmem:v8+s21+$0x0] =	vst.idx.msk $0xffff, v9  }
0x43: {  	v8 =	vld.idx.msk [tilespmem:v59+s16+$0x0], $0xffff  }
0x44: {  	v9 =	vld.idx.msk [tilespmem:v59+s17+$0x0], $0xffff;
	_ =	sdelay $0x3  }
0x45: {  	v8 =	vshll.u32 v8, $0x3  }
0x46: {  	v9 =	vshll.u32 v9, $0x3  }
0x47: {  	v60 =	vor.u32 $0x1, v8  }
0x48: {  	v61 =	vor.u32 $0x1, v9  }
0x49: {  	v62 =	vor.u32 $0x2, v8  }
0x4a: {  	v24 =	vor.u32 $0x2, v9;
	v63 =	vld.idx.msk [tilespmem:v8+s1+$0x0], $0xffff  }
0x4b: {  	v26 =	vor.u32 $0x3, v8;
	v25 =	vld.idx.msk [tilespmem:v9+s1+$0x0], $0xffff  }
0x4c: {  	v27 =	vor.u32 $0x3, v9;
	v11 =	vld.idx.msk [tilespmem:v60+s1+$0x0], $0xffff  }
0x4d: {  	v28 =	vor.u32 $0x4, v8;
	v12 =	vld.idx.msk [tilespmem:v61+s1+$0x0], $0xffff  }
0x4e: {  	v29 =	vor.u32 $0x4, v9;
	v13 =	vld.idx.msk [tilespmem:v62+s1+$0x0], $0xffff  }
0x4f: {  	v30 =	vor.u32 $0x5, v8;
	v15 =	vld.idx.msk [tilespmem:v24+s1+$0x0], $0xffff  }
0x50: {  	v32 =	vor.u32 $0x5, v9;
	v31 =	vld.idx.msk [tilespmem:v26+s1+$0x0], $0xffff;
	v14 =	vmul.f32 v25, v63  }
0x51: {  	v33 =	vor.u32 $0x6, v8;
	v18 =	vld.idx.msk [tilespmem:v27+s1+$0x0], $0xffff  }
0x52: {  	v35 =	vor.u32 $0x6, v9;
	v34 =	vld.idx.msk [tilespmem:v28+s1+$0x0], $0xffff;
	v11 =	vmul.f32 v12, v11;
	v14 =	vadd.f32 $0.0e+00, v14  }
0x53: {  	v8 =	vor.u32 $0x7, v8;
	v20 =	vld.idx.msk [tilespmem:v29+s1+$0x0], $0xffff  }
0x54: {  	v9 =	vor.u32 $0x7, v9;
	v36 =	vld.idx.msk [tilespmem:v30+s1+$0x0], $0xffff;
	v13 =	vmul.f32 v15, v13;
	v11 =	vadd.f32 v11, v14  }
0x55: {  	v37 =	vld.idx.msk [tilespmem:v32+s1+$0x0], $0xffff  }
0x56: {  	v39 =	vld.idx.msk [tilespmem:v33+s1+$0x0], $0xffff;
	v38 =	vmul.f32 v18, v31;
	v11 =	vadd.f32 v13, v11  }
0x57: {  	v40 =	vld.idx.msk [tilespmem:v35+s1+$0x0], $0xffff  }
0x58: {  	v8 =	vld.idx.msk [tilespmem:v8+s1+$0x0], $0xffff;
	v12 =	vmul.f32 v20, v34;
	v11 =	vadd.f32 v38, v11  }
0x59: {  	v9 =	vld.idx.msk [tilespmem:v9+s1+$0x0], $0xffff  }
0x5a: {  	v41 =	vmul.f32 v37, v36;
	v11 =	vadd.f32 v12, v11;
	_ =	sdelay $0x1  }
0x5b: {  	v42 =	vmul.f32 v40, v39;
	v11 =	vadd.f32 v41, v11;
	_ =	sdelay $0x1  }
0x5c: {  	v43 =	vor.u32 s31, v2;
	v8 =	vmul.f32 v9, v8;
	v11 =	vadd.f32 v42, v11;
	_ =	sdelay $0x1  }
0x5d: {  	v8 =	vadd.f32 v8, v11;
	_ =	sdelay $0x1  }
0x5e: {  	[tilespmem:v59+s21+$0x0] =	vst.idx.msk $0xffff, v8  }
0x5f: {  	v8 =	vld.idx.msk [tilespmem:v43+s16+$0x0], $0xffff  }
0x60: {  	v10 =	vld.idx.msk [tilespmem:v43+s17+$0x0], $0xffff;
	_ =	sdelay $0x3  }
0x61: {  	v8 =	vshll.u32 v8, $0x3  }
0x62: {  	v10 =	vshll.u32 v10, $0x3  }
0x63: {  	v44 =	vor.u32 $0x1, v8  }
0x64: {  	v45 =	vor.u32 $0x1, v10  }
0x65: {  	v46 =	vor.u32 $0x2, v8  }
0x66: {  	v48 =	vor.u32 $0x2, v10;
	v47 =	vld.idx.msk [tilespmem:v8+s1+$0x0], $0xffff  }
0x67: {  	v50 =	vor.u32 $0x3, v8;
	v49 =	vld.idx.msk [tilespmem:v10+s1+$0x0], $0xffff  }
0x68: {  	v51 =	vor.u32 $0x3, v10;
	v11 =	vld.idx.msk [tilespmem:v44+s1+$0x0], $0xffff  }
0x69: {  	v52 =	vor.u32 $0x4, v8;
	v12 =	vld.idx.msk [tilespmem:v45+s1+$0x0], $0xffff  }
0x6a: {  	v53 =	vor.u32 $0x4, v10;
	v13 =	vld.idx.msk [tilespmem:v46+s1+$0x0], $0xffff  }
0x6b: {  	v54 =	vor.u32 $0x5, v8;
	v15 =	vld.idx.msk [tilespmem:v48+s1+$0x0], $0xffff  }
0x6c: {  	v56 =	vor.u32 $0x5, v10;
	v55 =	vld.idx.msk [tilespmem:v50+s1+$0x0], $0xffff;
	v14 =	vmul.f32 v49, v47  }
0x6d: {  	v57 =	vor.u32 $0x6, v8;
	v18 =	vld.idx.msk [tilespmem:v51+s1+$0x0], $0xffff  }
0x6e: {  	v59 =	vor.u32 $0x6, v10;
	v58 =	vld.idx.msk [tilespmem:v52+s1+$0x0], $0xffff;
	v11 =	vmul.f32 v12, v11;
	v14 =	vadd.f32 $0.0e+00, v14  }
0x6f: {  	v8 =	vor.u32 $0x7, v8;
	v20 =	vld.idx.msk [tilespmem:v53+s1+$0x0], $0xffff  }
0x70: {  	v10 =	vor.u32 $0x7, v10;
	v60 =	vld.idx.msk [tilespmem:v54+s1+$0x0], $0xffff;
	v13 =	vmul.f32 v15, v13;
	v11 =	vadd.f32 v11, v14  }
0x71: {  	v61 =	vld.idx.msk [tilespmem:v56+s1+$0x0], $0xffff  }
0x72: {  	v63 =	vld.idx.msk [tilespmem:v57+s1+$0x0], $0xffff;
	v62 =	vmul.f32 v18, v55;
	v11 =	vadd.f32 v13, v11  }
0x73: {  	v21 =	vld.idx.msk [tilespmem:v59+s1+$0x0], $0xffff  }
0x74: {  	v8 =	vld.idx.msk [tilespmem:v8+s1+$0x0], $0xffff;
	v12 =	vmul.f32 v20, v58;
	v11 =	vadd.f32 v62, v11  }
0x75: {  	v10 =	vld.idx.msk [tilespmem:v10+s1+$0x0], $0xffff  }
0x76: {  	v22 =	vmul.f32 v61, v60;
	v11 =	vadd.f32 v12, v11;
	_ =	sdelay $0x1  }
0x77: {  	v23 =	vmul.f32 v21, v63;
	v11 =	vadd.f32 v22, v11;
	_ =	sdelay $0x1  }
0x78: {  	v24 =	vor.u32 s31, v3;
	v8 =	vmul.f32 v10, v8;
	v11 =	vadd.f32 v23, v11;
	_ =	sdelay $0x1  }
0x79: {  	v8 =	vadd.f32 v8, v11;
	_ =	sdelay $0x1  }
0x7a: {  	[tilespmem:v43+s21+$0x0] =	vst.idx.msk $0xffff, v8  }
0x7b: {  	v8 =	vld.idx.msk [tilespmem:v24+s16+$0x0], $0xffff  }
0x7c: {  	v9 =	vld.idx.msk [tilespmem:v24+s17+$0x0], $0xffff;
	_ =	sdelay $0x3  }
0x7d: {  	v8 =	vshll.u32 v8, $0x3  }
0x7e: {  	v9 =	vshll.u32 v9, $0x3  }
0x7f: {  	v25 =	vor.u32 $0x1, v8  }
0x80: {  	v26 =	vor.u32 $0x1, v9  }
0x81: {  	v27 =	vor.u32 $0x2, v8  }
0x82: {  	v29 =	vor.u32 $0x2, v9;
	v28 =	vld.idx.msk [tilespmem:v8+s1+$0x0], $0xffff  }
0x83: {  	v31 =	vor.u32 $0x3, v8;
	v30 =	vld.idx.msk [tilespmem:v9+s1+$0x0], $0xffff  }
0x84: {  	v32 =	vor.u32 $0x3, v9;
	v11 =	vld.idx.msk [tilespmem:v25+s1+$0x0], $0xffff  }
0x85: {  	v33 =	vor.u32 $0x4, v8;
	v12 =	vld.idx.msk [tilespmem:v26+s1+$0x0], $0xffff  }
0x86: {  	v34 =	vor.u32 $0x4, v9;
	v13 =	vld.idx.msk [tilespmem:v27+s1+$0x0], $0xffff  }
0x87: {  	v35 =	vor.u32 $0x5, v8;
	v15 =	vld.idx.msk [tilespmem:v29+s1+$0x0], $0xffff  }
0x88: {  	v37 =	vor.u32 $0x5, v9;
	v36 =	vld.idx.msk [tilespmem:v31+s1+$0x0], $0xffff;
	v14 =	vmul.f32 v30, v28  }
0x89: {  	v38 =	vor.u32 $0x6, v8;
	v18 =	vld.idx.msk [tilespmem:v32+s1+$0x0], $0xffff  }
0x8a: {  	v40 =	vor.u32 $0x6, v9;
	v39 =	vld.idx.msk [tilespmem:v33+s1+$0x0], $0xffff;
	v11 =	vmul.f32 v12, v11;
	v14 =	vadd.f32 $0.0e+00, v14  }
0x8b: {  	v8 =	vor.u32 $0x7, v8;
	v20 =	vld.idx.msk [tilespmem:v34+s1+$0x0], $0xffff  }
0x8c: {  	v9 =	vor.u32 $0x7, v9;
	v41 =	vld.idx.msk [tilespmem:v35+s1+$0x0], $0xffff;
	v13 =	vmul.f32 v15, v13;
	v11 =	vadd.f32 v11, v14  }
0x8d: {  	v42 =	vld.idx.msk [tilespmem:v37+s1+$0x0], $0xffff  }
0x8e: {  	v44 =	vld.idx.msk [tilespmem:v38+s1+$0x0], $0xffff;
	v43 =	vmul.f32 v18, v36;
	v11 =	vadd.f32 v13, v11  }
0x8f: {  	v45 =	vld.idx.msk [tilespmem:v40+s1+$0x0], $0xffff  }
0x90: {  	v8 =	vld.idx.msk [tilespmem:v8+s1+$0x0], $0xffff;
	v12 =	vmul.f32 v20, v39;
	v11 =	vadd.f32 v43, v11  }
0x91: {  	v9 =	vld.idx.msk [tilespmem:v9+s1+$0x0], $0xffff  }
0x92: {  	v46 =	vmul.f32 v42, v41;
	v11 =	vadd.f32 v12, v11;
	_ =	sdelay $0x1  }
0x93: {  	v47 =	vmul.f32 v45, v44;
	v11 =	vadd.f32 v46, v11;
	_ =	sdelay $0x1  }
0x94: {  	v48 =	vor.u32 s31, v4;
	v8 =	vmul.f32 v9, v8;
	v11 =	vadd.f32 v47, v11;
	_ =	sdelay $0x1  }
0x95: {  	v8 =	vadd.f32 v8, v11;
	_ =	sdelay $0x1  }
0x96: {  	[tilespmem:v24+s21+$0x0] =	vst.idx.msk $0xffff, v8  }
0x97: {  	v8 =	vld.idx.msk [tilespmem:v48+s16+$0x0], $0xffff  }
0x98: {  	v10 =	vld.idx.msk [tilespmem:v48+s17+$0x0], $0xffff;
	_ =	sdelay $0x3  }
0x99: {  	v8 =	vshll.u32 v8, $0x3  }
0x9a: {  	v10 =	vshll.u32 v10, $0x3  }
0x9b: {  	v49 =	vor.u32 $0x1, v8  }
0x9c: {  	v50 =	vor.u32 $0x1, v10  }
0x9d: {  	v51 =	vor.u32 $0x2, v8  }
0x9e: {  	v53 =	vor.u32 $0x2, v10;
	v52 =	vld.idx.msk [tilespmem:v8+s1+$0x0], $0xffff  }
0x9f: {  	v55 =	vor.u32 $0x3, v8;
	v54 =	vld.idx.msk [tilespmem:v10+s1+$0x0], $0xffff  }
0xa0: {  	v56 =	vor.u32 $0x3, v10;
	v11 =	vld.idx.msk [tilespmem:v49+s1+$0x0], $0xffff  }
0xa1: {  	v57 =	vor.u32 $0x4, v8;
	v12 =	vld.idx.msk [tilespmem:v50+s1+$0x0], $0xffff  }
0xa2: {  	v58 =	vor.u32 $0x4, v10;
	v13 =	vld.idx.msk [tilespmem:v51+s1+$0x0], $0xffff  }
0xa3: {  	v59 =	vor.u32 $0x5, v8;
	v15 =	vld.idx.msk [tilespmem:v53+s1+$0x0], $0xffff  }
0xa4: {  	v61 =	vor.u32 $0x5, v10;
	v60 =	vld.idx.msk [tilespmem:v55+s1+$0x0], $0xffff;
	v14 =	vmul.f32 v54, v52  }
0xa5: {  	v62 =	vor.u32 $0x6, v8;
	v18 =	vld.idx.msk [tilespmem:v56+s1+$0x0], $0xffff  }
0xa6: {  	v24 =	vor.u32 $0x6, v10;
	v63 =	vld.idx.msk [tilespmem:v57+s1+$0x0], $0xffff;
	v11 =	vmul.f32 v12, v11;
	v14 =	vadd.f32 $0.0e+00, v14  }
0xa7: {  	v8 =	vor.u32 $0x7, v8;
	v20 =	vld.idx.msk [tilespmem:v58+s1+$0x0], $0xffff  }
0xa8: {  	v10 =	vor.u32 $0x7, v10;
	v25 =	vld.idx.msk [tilespmem:v59+s1+$0x0], $0xffff;
	v13 =	vmul.f32 v15, v13;
	v11 =	vadd.f32 v11, v14  }
0xa9: {  	v26 =	vld.idx.msk [tilespmem:v61+s1+$0x0], $0xffff  }
0xaa: {  	v28 =	vld.idx.msk [tilespmem:v62+s1+$0x0], $0xffff;
	v27 =	vmul.f32 v18, v60;
	v11 =	vadd.f32 v13, v11  }
0xab: {  	v29 =	vld.idx.msk [tilespmem:v24+s1+$0x0], $0xffff  }
0xac: {  	v8 =	vld.idx.msk [tilespmem:v8+s1+$0x0], $0xffff;
	v12 =	vmul.f32 v20, v63;
	v11 =	vadd.f32 v27, v11  }
0xad: {  	v10 =	vld.idx.msk [tilespmem:v10+s1+$0x0], $0xffff  }
0xae: {  	v30 =	vmul.f32 v26, v25;
	v11 =	vadd.f32 v12, v11;
	_ =	sdelay $0x1  }
0xaf: {  	v31 =	vmul.f32 v29, v28;
	v11 =	vadd.f32 v30, v11;
	_ =	sdelay $0x1  }
0xb0: {  	v32 =	vor.u32 s31, v5;
	v8 =	vmul.f32 v10, v8;
	v11 =	vadd.f32 v31, v11;
	_ =	sdelay $0x1  }
0xb1: {  	v8 =	vadd.f32 v8, v11;
	_ =	sdelay $0x1  }
0xb2: {  	[tilespmem:v48+s21+$0x0] =	vst.idx.msk $0xffff, v8  }
0xb3: {  	v8 =	vld.idx.msk [tilespmem:v32+s16+$0x0], $0xffff  }
0xb4: {  	v9 =	vld.idx.msk [tilespmem:v32+s17+$0x0], $0xffff;
	_ =	sdelay $0x3  }
0xb5: {  	v8 =	vshll.u32 v8, $0x3  }
0xb6: {  	v9 =	vshll.u32 v9, $0x3  }
0xb7: {  	v33 =	vor.u32 $0x1, v8  }
0xb8: {  	v34 =	vor.u32 $0x1, v9  }
0xb9: {  	v35 =	vor.u32 $0x2, v8  }
0xba: {  	v37 =	vor.u32 $0x2, v9;
	v36 =	vld.idx.msk [tilespmem:v8+s1+$0x0], $0xffff  }
0xbb: {  	v39 =	vor.u32 $0x3, v8;
	v38 =	vld.idx.msk [tilespmem:v9+s1+$0x0], $0xffff  }
0xbc: {  	v40 =	vor.u32 $0x3, v9;
	v11 =	vld.idx.msk [tilespmem:v33+s1+$0x0], $0xffff  }
0xbd: {  	v41 =	vor.u32 $0x4, v8;
	v12 =	vld.idx.msk [tilespmem:v34+s1+$0x0], $0xffff  }
0xbe: {  	v42 =	vor.u32 $0x4, v9;
	v13 =	vld.idx.msk [tilespmem:v35+s1+$0x0], $0xffff  }
0xbf: {  	v43 =	vor.u32 $0x5, v8;
	v15 =	vld.idx.msk [tilespmem:v37+s1+$0x0], $0xffff  }
0xc0: {  	v45 =	vor.u32 $0x5, v9;
	v44 =	vld.idx.msk [tilespmem:v39+s1+$0x0], $0xffff;
	v14 =	vmul.f32 v38, v36  }
0xc1: {  	v46 =	vor.u32 $0x6, v8;
	v18 =	vld.idx.msk [tilespmem:v40+s1+$0x0], $0xffff  }
0xc2: {  	v48 =	vor.u32 $0x6, v9;
	v47 =	vld.idx.msk [tilespmem:v41+s1+$0x0], $0xffff;
	v11 =	vmul.f32 v12, v11;
	v14 =	vadd.f32 $0.0e+00, v14  }
0xc3: {  	v8 =	vor.u32 $0x7, v8;
	v20 =	vld.idx.msk [tilespmem:v42+s1+$0x0], $0xffff  }
0xc4: {  	v9 =	vor.u32 $0x7, v9;
	v49 =	vld.idx.msk [tilespmem:v43+s1+$0x0], $0xffff;
	v13 =	vmul.f32 v15, v13;
	v11 =	vadd.f32 v11, v14  }
0xc5: {  	v50 =	vld.idx.msk [tilespmem:v45+s1+$0x0], $0xffff  }
0xc6: {  	v52 =	vld.idx.msk [tilespmem:v46+s1+$0x0], $0xffff;
	v51 =	vmul.f32 v18, v44;
	v11 =	vadd.f32 v13, v11  }
0xc7: {  	v53 =	vld.idx.msk [tilespmem:v48+s1+$0x0], $0xffff  }
0xc8: {  	v8 =	vld.idx.msk [tilespmem:v8+s1+$0x0], $0xffff;
	v12 =	vmul.f32 v20, v47;
	v11 =	vadd.f32 v51, v11  }
0xc9: {  	v9 =	vld.idx.msk [tilespmem:v9+s1+$0x0], $0xffff  }
0xca: {  	v54 =	vmul.f32 v50, v49;
	v11 =	vadd.f32 v12, v11;
	_ =	sdelay $0x1  }
0xcb: {  	v55 =	vmul.f32 v53, v52;
	v11 =	vadd.f32 v54, v11;
	_ =	sdelay $0x1  }
0xcc: {  	v56 =	vor.u32 s31, v6;
	v8 =	vmul.f32 v9, v8;
	v11 =	vadd.f32 v55, v11;
	_ =	sdelay $0x1  }
0xcd: {  	v8 =	vadd.f32 v8, v11;
	_ =	sdelay $0x1  }
0xce: {  	[tilespmem:v32+s21+$0x0] =	vst.idx.msk $0xffff, v8  }
0xcf: {  	v8 =	vld.idx.msk [tilespmem:v56+s16+$0x0], $0xffff  }
0xd0: {  	v10 =	vld.idx.msk [tilespmem:v56+s17+$0x0], $0xffff;
	_ =	sdelay $0x3  }
0xd1: {  	v8 =	vshll.u32 v8, $0x3  }
0xd2: {  	v10 =	vshll.u32 v10, $0x3  }
0xd3: {  	v57 =	vor.u32 $0x1, v8  }
0xd4: {  	v58 =	vor.u32 $0x1, v10  }
0xd5: {  	v59 =	vor.u32 $0x2, v8  }
0xd6: {  	v61 =	vor.u32 $0x2, v10;
	v60 =	vld.idx.msk [tilespmem:v8+s1+$0x0], $0xffff  }
0xd7: {  	v63 =	vor.u32 $0x3, v8;
	v62 =	vld.idx.msk [tilespmem:v10+s1+$0x0], $0xffff  }
0xd8: {  	v24 =	vor.u32 $0x3, v10;
	v11 =	vld.idx.msk [tilespmem:v57+s1+$0x0], $0xffff  }
0xd9: {  	v25 =	vor.u32 $0x4, v8;
	v12 =	vld.idx.msk [tilespmem:v58+s1+$0x0], $0xffff  }
0xda: {  	v26 =	vor.u32 $0x4, v10;
	v13 =	vld.idx.msk [tilespmem:v59+s1+$0x0], $0xffff  }
0xdb: {  	v27 =	vor.u32 $0x5, v8;
	v15 =	vld.idx.msk [tilespmem:v61+s1+$0x0], $0xffff  }
0xdc: {  	v29 =	vor.u32 $0x5, v10;
	v28 =	vld.idx.msk [tilespmem:v63+s1+$0x0], $0xffff;
	v14 =	vmul.f32 v62, v60  }
0xdd: {  	v30 =	vor.u32 $0x6, v8;
	v18 =	vld.idx.msk [tilespmem:v24+s1+$0x0], $0xffff  }
0xde: {  	v32 =	vor.u32 $0x6, v10;
	v31 =	vld.idx.msk [tilespmem:v25+s1+$0x0], $0xffff;
	v11 =	vmul.f32 v12, v11;
	v14 =	vadd.f32 $0.0e+00, v14  }
0xdf: {  	v8 =	vor.u32 $0x7, v8;
	v20 =	vld.idx.msk [tilespmem:v26+s1+$0x0], $0xffff  }
0xe0: {  	v10 =	vor.u32 $0x7, v10;
	v33 =	vld.idx.msk [tilespmem:v27+s1+$0x0], $0xffff;
	v13 =	vmul.f32 v15, v13;
	v11 =	vadd.f32 v11, v14  }
0xe1: {  	v34 =	vld.idx.msk [tilespmem:v29+s1+$0x0], $0xffff  }
0xe2: {  	v36 =	vld.idx.msk [tilespmem:v30+s1+$0x0], $0xffff;
	v35 =	vmul.f32 v18, v28;
	v11 =	vadd.f32 v13, v11  }
0xe3: {  	v37 =	vld.idx.msk [tilespmem:v32+s1+$0x0], $0xffff  }
0xe4: {  	v8 =	vld.idx.msk [tilespmem:v8+s1+$0x0], $0xffff;
	v12 =	vmul.f32 v20, v31;
	v11 =	vadd.f32 v35, v11  }
0xe5: {  	v10 =	vld.idx.msk [tilespmem:v10+s1+$0x0], $0xffff  }
0xe6: {  	v38 =	vmul.f32 v34, v33;
	v11 =	vadd.f32 v12, v11;
	_ =	sdelay $0x1  }
0xe7: {  	v39 =	vmul.f32 v37, v36;
	v11 =	vadd.f32 v38, v11;
	_ =	sdelay $0x1  }
0xe8: {  	v40 =	vor.u32 s31, v7;
	v8 =	vmul.f32 v10, v8;
	v11 =	vadd.f32 v39, v11;
	_ =	sdelay $0x1  }
0xe9: {  	v8 =	vadd.f32 v8, v11;
	_ =	sdelay $0x1  }
0xea: {  	[tilespmem:v56+s21+$0x0] =	vst.idx.msk $0xffff, v8  }
0xeb: {  	v8 =	vld.idx.msk [tilespmem:v40+s16+$0x0], $0xffff  }
0xec: {  	v9 =	vld.idx.msk [tilespmem:v40+s17+$0x0], $0xffff;
	_ =	sdelay $0x3  }
0xed: {  	v8 =	vshll.u32 v8, $0x3  }
0xee: {  	v9 =	vshll.u32 v9, $0x3  }
0xef: {  	v41 =	vor.u32 $0x1, v8  }
0xf0: {  	v42 =	vor.u32 $0x1, v9  }
0xf1: {  	v43 =	vor.u32 $0x2, v8  }
0xf2: {  	v45 =	vor.u32 $0x2, v9;
	v44 =	vld.idx.msk [tilespmem:v8+s1+$0x0], $0xffff  }
0xf3: {  	v47 =	vor.u32 $0x3, v8;
	v46 =	vld.idx.msk [tilespmem:v9+s1+$0x0], $0xffff  }
0xf4: {  	v48 =	vor.u32 $0x3, v9;
	v11 =	vld.idx.msk [tilespmem:v41+s1+$0x0], $0xffff  }
0xf5: {  	v49 =	vor.u32 $0x4, v8;
	v12 =	vld.idx.msk [tilespmem:v42+s1+$0x0], $0xffff  }
0xf6: {  	v50 =	vor.u32 $0x4, v9;
	v13 =	vld.idx.msk [tilespmem:v43+s1+$0x0], $0xffff  }
0xf7: {  	v51 =	vor.u32 $0x5, v8;
	v15 =	vld.idx.msk [tilespmem:v45+s1+$0x0], $0xffff  }
0xf8: {  	v53 =	vor.u32 $0x5, v9;
	v52 =	vld.idx.msk [tilespmem:v47+s1+$0x0], $0xffff;
	v14 =	vmul.f32 v46, v44  }
0xf9: {  	v54 =	vor.u32 $0x6, v8;
	v18 =	vld.idx.msk [tilespmem:v48+s1+$0x0], $0xffff  }
0xfa: {  	v56 =	vor.u32 $0x6, v9;
	v55 =	vld.idx.msk [tilespmem:v49+s1+$0x0], $0xffff;
	v11 =	vmul.f32 v12, v11;
	v14 =	vadd.f32 $0.0e+00, v14  }
0xfb: {  	v8 =	vor.u32 $0x7, v8;
	v20 =	vld.idx.msk [tilespmem:v50+s1+$0x0], $0xffff  }
0xfc: {  	v9 =	vor.u32 $0x7, v9;
	v57 =	vld.idx.msk [tilespmem:v51+s1+$0x0], $0xffff;
	v13 =	vmul.f32 v15, v13;
	v11 =	vadd.f32 v11, v14  }
0xfd: {  	v58 =	vld.idx.msk [tilespmem:v53+s1+$0x0], $0xffff  }
0xfe: {  	v60 =	vld.idx.msk [tilespmem:v54+s1+$0x0], $0xffff;
	v59 =	vmul.f32 v18, v52;
	v11 =	vadd.f32 v13, v11  }
0xff: {  	v61 =	vld.idx.msk [tilespmem:v56+s1+$0x0], $0xffff  }
0x100: {  	v8 =	vld.idx.msk [tilespmem:v8+s1+$0x0], $0xffff;
	v12 =	vmul.f32 v20, v55;
	v11 =	vadd.f32 v59, v11  }
0x101: {  	v9 =	vld.idx.msk [tilespmem:v9+s1+$0x0], $0xffff  }
0x102: {  	v62 =	vmul.f32 v58, v57;
	v11 =	vadd.f32 v12, v11;
	_ =	sdelay $0x1  }
0x103: {  	v63 =	vmul.f32 v61, v60;
	v11 =	vadd.f32 v62, v11  }
0x104: {  	p0 =	sne.s32 s30, $0x27  }
.Ltmp0:
0x105: {  	v8 =	vmul.f32 v9, v8;
	v11 =	vadd.f32 v63, v11;
	(pc) =	sbr.rel @p0 .LBB2_3-.Ltmp0, $3  }
0x106: {  	_ = 	snop  }
0x107: {  	v8 =	vadd.f32 v8, v11;
	_ =	sdelay $0x1  }
0x108: {  	s30 =	sadd.s32 $0x1, s30;
	[tilespmem:v40+s21+$0x0] =	vst.idx.msk $0xffff, v8  }
0x109: {  	s30 =	sadd.s32 s8, s29  }
0x10a: {  	s30 =	sshll.u32 s30, $0x7  }
0x10b: {  	s30 =	sadd.s32 s12, s30  }
0x10c: {  	s30 =	sshrl.u32 s30, $0x3  }
0x10d: {  	s30 =	sadd.s32 s6, s30  }
0x10e: {  	[hbm4b:s30+s1] =	stream.linear.scatter [tilespmem:s21], [sflag:$0x5], $0x1400, $0x38;
	[tilespmem:$0x1A400] =	vst v63  }
0x10f: {  	_ =	swait.ge [sflag:s15], $0x1400  }
0x110: {  	[sflag:s15] =	ssyncset.done $0x0  }
0x111: {  	[sflag:s15] =	ssyncadd.s32 $0xFFFFEC00  }
0x112: {  	_ =	swait.ge [sflag:s22], $0x1400  }
0x113: {  	p0 =	seq.s32 s26, $0x3;
	[sflag:s22] =	ssyncset.done $0x0  }
0x114: {  	s29 =	sadd.s32 @!p0 s29, s13;
	[sflag:s22] =	ssyncadd.s32 $0xFFFFEC00  }
0x115: {  	s29 =	sshll.u32 @!p0 s29, $0x4;
	_ =	swait.ge [sflag:s23], $0x1400  }
0x116: {  	s31 =	simm.s32 @!p0 $0x0;
	s29 =	sand.u32 @!p0 $0x1FFFFF00, s29;
	[sflag:s23] =	ssyncset.done $0x0  }
0x117: {  	s0 =	simm.s32 @!p0 $0x14000;
	s30 =	sadd.s32 @!p0 s3, s29;
	[sflag:s23] =	ssyncadd.s32 $0xFFFFEC00  }
0x118: {  	[tilespmem:s0], [sflag:$0x1] =	stream.linear.gather @!p0 [hbm4b:s30+s31], $0x1400, $0x38;
	[tilespmem:$0x1A400] =	vst v63  }
0x119: {  	s0 =	sadd.s32 @!p0 s4, s29;
	s29 =	simm.s32 @!p0 $0x16800  }
0x11a: {  	[tilespmem:s29], [sflag:$0x3] =	stream.linear.gather @!p0 [hbm4b:s0+s31], $0x1400, $0x38;
	[tilespmem:$0x1A400] =	vst v63  }
0x11b: {  	s29 =	simm.s32 $0x0  }
.LBB2_5:
0x11c: {  	s30 =	sshll.u32 s29, $0x7  }
0x11d: {  	v8 =	vor.u32 s30, v0;
	_ =	sdelay $0x4  }
0x11e: {  	v9 =	vld.idx.msk [tilespmem:v8+s19+$0x0], $0xffff  }
0x11f: {  	v10 =	vld.idx.msk [tilespmem:v8+s20+$0x0], $0xffff;
	_ =	sdelay $0x3  }
0x120: {  	v9 =	vshll.u32 v9, $0x3  }
0x121: {  	v10 =	vshll.u32 v10, $0x3  }
0x122: {  	v11 =	vor.u32 $0x1, v9  }
0x123: {  	v12 =	vor.u32 $0x1, v10  }
0x124: {  	v13 =	vor.u32 $0x2, v9  }
0x125: {  	v15 =	vor.u32 $0x2, v10;
	v14 =	vld.idx.msk [tilespmem:v9+s1+$0x0], $0xffff  }
0x126: {  	v17 =	vor.u32 $0x3, v9;
	v16 =	vld.idx.msk [tilespmem:v10+s1+$0x0], $0xffff  }
0x127: {  	v18 =	vor.u32 $0x3, v10;
	v11 =	vld.idx.msk [tilespmem:v11+s1+$0x0], $0xffff  }
0x128: {  	v19 =	vor.u32 $0x4, v9;
	v12 =	vld.idx.msk [tilespmem:v12+s1+$0x0], $0xffff  }
0x129: {  	v20 =	vor.u32 $0x4, v10;
	v13 =	vld.idx.msk [tilespmem:v13+s1+$0x0], $0xffff  }
0x12a: {  	v21 =	vor.u32 $0x5, v9;
	v15 =	vld.idx.msk [tilespmem:v15+s1+$0x0], $0xffff  }
0x12b: {  	v49 =	vor.u32 $0x5, v10;
	v48 =	vld.idx.msk [tilespmem:v17+s1+$0x0], $0xffff;
	v14 =	vmul.f32 v16, v14  }
0x12c: {  	v22 =	vor.u32 $0x6, v9;
	v18 =	vld.idx.msk [tilespmem:v18+s1+$0x0], $0xffff  }
0x12d: {  	v51 =	vor.u32 $0x6, v10;
	v50 =	vld.idx.msk [tilespmem:v19+s1+$0x0], $0xffff;
	v11 =	vmul.f32 v12, v11;
	v14 =	vadd.f32 $0.0e+00, v14  }
0x12e: {  	v9 =	vor.u32 $0x7, v9;
	v20 =	vld.idx.msk [tilespmem:v20+s1+$0x0], $0xffff  }
0x12f: {  	v10 =	vor.u32 $0x7, v10;
	v52 =	vld.idx.msk [tilespmem:v21+s1+$0x0], $0xffff;
	v13 =	vmul.f32 v15, v13;
	v11 =	vadd.f32 v11, v14  }
0x130: {  	v53 =	vld.idx.msk [tilespmem:v49+s1+$0x0], $0xffff  }
0x131: {  	v55 =	vld.idx.msk [tilespmem:v22+s1+$0x0], $0xffff;
	v54 =	vmul.f32 v18, v48;
	v11 =	vadd.f32 v13, v11  }
0x132: {  	v56 =	vld.idx.msk [tilespmem:v51+s1+$0x0], $0xffff  }
0x133: {  	v9 =	vld.idx.msk [tilespmem:v9+s1+$0x0], $0xffff;
	v12 =	vmul.f32 v20, v50;
	v11 =	vadd.f32 v54, v11  }
0x134: {  	v10 =	vld.idx.msk [tilespmem:v10+s1+$0x0], $0xffff  }
0x135: {  	v57 =	vmul.f32 v53, v52;
	v11 =	vadd.f32 v12, v11;
	_ =	sdelay $0x1  }
0x136: {  	v58 =	vmul.f32 v56, v55;
	v11 =	vadd.f32 v57, v11;
	_ =	sdelay $0x1  }
0x137: {  	v59 =	vor.u32 s30, v1;
	v9 =	vmul.f32 v10, v9;
	v11 =	vadd.f32 v58, v11;
	_ =	sdelay $0x1  }
0x138: {  	v9 =	vadd.f32 v9, v11;
	_ =	sdelay $0x1  }
0x139: {  	[tilespmem:v8+s21+$0x0] =	vst.idx.msk $0xffff, v9  }
0x13a: {  	v8 =	vld.idx.msk [tilespmem:v59+s19+$0x0], $0xffff  }
0x13b: {  	v9 =	vld.idx.msk [tilespmem:v59+s20+$0x0], $0xffff;
	_ =	sdelay $0x3  }
0x13c: {  	v8 =	vshll.u32 v8, $0x3  }
0x13d: {  	v9 =	vshll.u32 v9, $0x3  }
0x13e: {  	v60 =	vor.u32 $0x1, v8  }
0x13f: {  	v61 =	vor.u32 $0x1, v9  }
0x140: {  	v62 =	vor.u32 $0x2, v8  }
0x141: {  	v24 =	vor.u32 $0x2, v9;
	v63 =	vld.idx.msk [tilespmem:v8+s1+$0x0], $0xffff  }
0x142: {  	v26 =	vor.u32 $0x3, v8;
	v25 =	vld.idx.msk [tilespmem:v9+s1+$0x0], $0xffff  }
0x143: {  	v27 =	vor.u32 $0x3, v9;
	v11 =	vld.idx.msk [tilespmem:v60+s1+$0x0], $0xffff  }
0x144: {  	v28 =	vor.u32 $0x4, v8;
	v12 =	vld.idx.msk [tilespmem:v61+s1+$0x0], $0xffff  }
0x145: {  	v29 =	vor.u32 $0x4, v9;
	v13 =	vld.idx.msk [tilespmem:v62+s1+$0x0], $0xffff  }
0x146: {  	v30 =	vor.u32 $0x5, v8;
	v15 =	vld.idx.msk [tilespmem:v24+s1+$0x0], $0xffff  }
0x147: {  	v32 =	vor.u32 $0x5, v9;
	v31 =	vld.idx.msk [tilespmem:v26+s1+$0x0], $0xffff;
	v14 =	vmul.f32 v25, v63  }
0x148: {  	v33 =	vor.u32 $0x6, v8;
	v18 =	vld.idx.msk [tilespmem:v27+s1+$0x0], $0xffff  }
0x149: {  	v35 =	vor.u32 $0x6, v9;
	v34 =	vld.idx.msk [tilespmem:v28+s1+$0x0], $0xffff;
	v11 =	vmul.f32 v12, v11;
	v14 =	vadd.f32 $0.0e+00, v14  }
0x14a: {  	v8 =	vor.u32 $0x7, v8;
	v20 =	vld.idx.msk [tilespmem:v29+s1+$0x0], $0xffff  }
0x14b: {  	v9 =	vor.u32 $0x7, v9;
	v36 =	vld.idx.msk [tilespmem:v30+s1+$0x0], $0xffff;
	v13 =	vmul.f32 v15, v13;
	v11 =	vadd.f32 v11, v14  }
0x14c: {  	v37 =	vld.idx.msk [tilespmem:v32+s1+$0x0], $0xffff  }
0x14d: {  	v39 =	vld.idx.msk [tilespmem:v33+s1+$0x0], $0xffff;
	v38 =	vmul.f32 v18, v31;
	v11 =	vadd.f32 v13, v11  }
0x14e: {  	v40 =	vld.idx.msk [tilespmem:v35+s1+$0x0], $0xffff  }
0x14f: {  	v8 =	vld.idx.msk [tilespmem:v8+s1+$0x0], $0xffff;
	v12 =	vmul.f32 v20, v34;
	v11 =	vadd.f32 v38, v11  }
0x150: {  	v9 =	vld.idx.msk [tilespmem:v9+s1+$0x0], $0xffff  }
0x151: {  	v41 =	vmul.f32 v37, v36;
	v11 =	vadd.f32 v12, v11;
	_ =	sdelay $0x1  }
0x152: {  	v42 =	vmul.f32 v40, v39;
	v11 =	vadd.f32 v41, v11;
	_ =	sdelay $0x1  }
0x153: {  	v43 =	vor.u32 s30, v2;
	v8 =	vmul.f32 v9, v8;
	v11 =	vadd.f32 v42, v11;
	_ =	sdelay $0x1  }
0x154: {  	v8 =	vadd.f32 v8, v11;
	_ =	sdelay $0x1  }
0x155: {  	[tilespmem:v59+s21+$0x0] =	vst.idx.msk $0xffff, v8  }
0x156: {  	v8 =	vld.idx.msk [tilespmem:v43+s19+$0x0], $0xffff  }
0x157: {  	v10 =	vld.idx.msk [tilespmem:v43+s20+$0x0], $0xffff;
	_ =	sdelay $0x3  }
0x158: {  	v8 =	vshll.u32 v8, $0x3  }
0x159: {  	v10 =	vshll.u32 v10, $0x3  }
0x15a: {  	v44 =	vor.u32 $0x1, v8  }
0x15b: {  	v45 =	vor.u32 $0x1, v10  }
0x15c: {  	v46 =	vor.u32 $0x2, v8  }
0x15d: {  	v48 =	vor.u32 $0x2, v10;
	v47 =	vld.idx.msk [tilespmem:v8+s1+$0x0], $0xffff  }
0x15e: {  	v50 =	vor.u32 $0x3, v8;
	v49 =	vld.idx.msk [tilespmem:v10+s1+$0x0], $0xffff  }
0x15f: {  	v51 =	vor.u32 $0x3, v10;
	v11 =	vld.idx.msk [tilespmem:v44+s1+$0x0], $0xffff  }
0x160: {  	v52 =	vor.u32 $0x4, v8;
	v12 =	vld.idx.msk [tilespmem:v45+s1+$0x0], $0xffff  }
0x161: {  	v53 =	vor.u32 $0x4, v10;
	v13 =	vld.idx.msk [tilespmem:v46+s1+$0x0], $0xffff  }
0x162: {  	v54 =	vor.u32 $0x5, v8;
	v15 =	vld.idx.msk [tilespmem:v48+s1+$0x0], $0xffff  }
0x163: {  	v56 =	vor.u32 $0x5, v10;
	v55 =	vld.idx.msk [tilespmem:v50+s1+$0x0], $0xffff;
	v14 =	vmul.f32 v49, v47  }
0x164: {  	v57 =	vor.u32 $0x6, v8;
	v18 =	vld.idx.msk [tilespmem:v51+s1+$0x0], $0xffff  }
0x165: {  	v59 =	vor.u32 $0x6, v10;
	v58 =	vld.idx.msk [tilespmem:v52+s1+$0x0], $0xffff;
	v11 =	vmul.f32 v12, v11;
	v14 =	vadd.f32 $0.0e+00, v14  }
0x166: {  	v8 =	vor.u32 $0x7, v8;
	v20 =	vld.idx.msk [tilespmem:v53+s1+$0x0], $0xffff  }
0x167: {  	v10 =	vor.u32 $0x7, v10;
	v60 =	vld.idx.msk [tilespmem:v54+s1+$0x0], $0xffff;
	v13 =	vmul.f32 v15, v13;
	v11 =	vadd.f32 v11, v14  }
0x168: {  	v61 =	vld.idx.msk [tilespmem:v56+s1+$0x0], $0xffff  }
0x169: {  	v63 =	vld.idx.msk [tilespmem:v57+s1+$0x0], $0xffff;
	v62 =	vmul.f32 v18, v55;
	v11 =	vadd.f32 v13, v11  }
0x16a: {  	v21 =	vld.idx.msk [tilespmem:v59+s1+$0x0], $0xffff  }
0x16b: {  	v8 =	vld.idx.msk [tilespmem:v8+s1+$0x0], $0xffff;
	v12 =	vmul.f32 v20, v58;
	v11 =	vadd.f32 v62, v11  }
0x16c: {  	v10 =	vld.idx.msk [tilespmem:v10+s1+$0x0], $0xffff  }
0x16d: {  	v22 =	vmul.f32 v61, v60;
	v11 =	vadd.f32 v12, v11;
	_ =	sdelay $0x1  }
0x16e: {  	v23 =	vmul.f32 v21, v63;
	v11 =	vadd.f32 v22, v11;
	_ =	sdelay $0x1  }
0x16f: {  	v24 =	vor.u32 s30, v3;
	v8 =	vmul.f32 v10, v8;
	v11 =	vadd.f32 v23, v11;
	_ =	sdelay $0x1  }
0x170: {  	v8 =	vadd.f32 v8, v11;
	_ =	sdelay $0x1  }
0x171: {  	[tilespmem:v43+s21+$0x0] =	vst.idx.msk $0xffff, v8  }
0x172: {  	v8 =	vld.idx.msk [tilespmem:v24+s19+$0x0], $0xffff  }
0x173: {  	v9 =	vld.idx.msk [tilespmem:v24+s20+$0x0], $0xffff;
	_ =	sdelay $0x3  }
0x174: {  	v8 =	vshll.u32 v8, $0x3  }
0x175: {  	v9 =	vshll.u32 v9, $0x3  }
0x176: {  	v25 =	vor.u32 $0x1, v8  }
0x177: {  	v26 =	vor.u32 $0x1, v9  }
0x178: {  	v27 =	vor.u32 $0x2, v8  }
0x179: {  	v29 =	vor.u32 $0x2, v9;
	v28 =	vld.idx.msk [tilespmem:v8+s1+$0x0], $0xffff  }
0x17a: {  	v31 =	vor.u32 $0x3, v8;
	v30 =	vld.idx.msk [tilespmem:v9+s1+$0x0], $0xffff  }
0x17b: {  	v32 =	vor.u32 $0x3, v9;
	v11 =	vld.idx.msk [tilespmem:v25+s1+$0x0], $0xffff  }
0x17c: {  	v33 =	vor.u32 $0x4, v8;
	v12 =	vld.idx.msk [tilespmem:v26+s1+$0x0], $0xffff  }
0x17d: {  	v34 =	vor.u32 $0x4, v9;
	v13 =	vld.idx.msk [tilespmem:v27+s1+$0x0], $0xffff  }
0x17e: {  	v35 =	vor.u32 $0x5, v8;
	v15 =	vld.idx.msk [tilespmem:v29+s1+$0x0], $0xffff  }
0x17f: {  	v37 =	vor.u32 $0x5, v9;
	v36 =	vld.idx.msk [tilespmem:v31+s1+$0x0], $0xffff;
	v14 =	vmul.f32 v30, v28  }
0x180: {  	v38 =	vor.u32 $0x6, v8;
	v18 =	vld.idx.msk [tilespmem:v32+s1+$0x0], $0xffff  }
0x181: {  	v40 =	vor.u32 $0x6, v9;
	v39 =	vld.idx.msk [tilespmem:v33+s1+$0x0], $0xffff;
	v11 =	vmul.f32 v12, v11;
	v14 =	vadd.f32 $0.0e+00, v14  }
0x182: {  	v8 =	vor.u32 $0x7, v8;
	v20 =	vld.idx.msk [tilespmem:v34+s1+$0x0], $0xffff  }
0x183: {  	v9 =	vor.u32 $0x7, v9;
	v41 =	vld.idx.msk [tilespmem:v35+s1+$0x0], $0xffff;
	v13 =	vmul.f32 v15, v13;
	v11 =	vadd.f32 v11, v14  }
0x184: {  	v42 =	vld.idx.msk [tilespmem:v37+s1+$0x0], $0xffff  }
0x185: {  	v44 =	vld.idx.msk [tilespmem:v38+s1+$0x0], $0xffff;
	v43 =	vmul.f32 v18, v36;
	v11 =	vadd.f32 v13, v11  }
0x186: {  	v45 =	vld.idx.msk [tilespmem:v40+s1+$0x0], $0xffff  }
0x187: {  	v8 =	vld.idx.msk [tilespmem:v8+s1+$0x0], $0xffff;
	v12 =	vmul.f32 v20, v39;
	v11 =	vadd.f32 v43, v11  }
0x188: {  	v9 =	vld.idx.msk [tilespmem:v9+s1+$0x0], $0xffff  }
0x189: {  	v46 =	vmul.f32 v42, v41;
	v11 =	vadd.f32 v12, v11;
	_ =	sdelay $0x1  }
0x18a: {  	v47 =	vmul.f32 v45, v44;
	v11 =	vadd.f32 v46, v11;
	_ =	sdelay $0x1  }
0x18b: {  	v48 =	vor.u32 s30, v4;
	v8 =	vmul.f32 v9, v8;
	v11 =	vadd.f32 v47, v11;
	_ =	sdelay $0x1  }
0x18c: {  	v8 =	vadd.f32 v8, v11;
	_ =	sdelay $0x1  }
0x18d: {  	[tilespmem:v24+s21+$0x0] =	vst.idx.msk $0xffff, v8  }
0x18e: {  	v8 =	vld.idx.msk [tilespmem:v48+s19+$0x0], $0xffff  }
0x18f: {  	v10 =	vld.idx.msk [tilespmem:v48+s20+$0x0], $0xffff;
	_ =	sdelay $0x3  }
0x190: {  	v8 =	vshll.u32 v8, $0x3  }
0x191: {  	v10 =	vshll.u32 v10, $0x3  }
0x192: {  	v49 =	vor.u32 $0x1, v8  }
0x193: {  	v50 =	vor.u32 $0x1, v10  }
0x194: {  	v51 =	vor.u32 $0x2, v8  }
0x195: {  	v53 =	vor.u32 $0x2, v10;
	v52 =	vld.idx.msk [tilespmem:v8+s1+$0x0], $0xffff  }
0x196: {  	v55 =	vor.u32 $0x3, v8;
	v54 =	vld.idx.msk [tilespmem:v10+s1+$0x0], $0xffff  }
0x197: {  	v56 =	vor.u32 $0x3, v10;
	v11 =	vld.idx.msk [tilespmem:v49+s1+$0x0], $0xffff  }
0x198: {  	v57 =	vor.u32 $0x4, v8;
	v12 =	vld.idx.msk [tilespmem:v50+s1+$0x0], $0xffff  }
0x199: {  	v58 =	vor.u32 $0x4, v10;
	v13 =	vld.idx.msk [tilespmem:v51+s1+$0x0], $0xffff  }
0x19a: {  	v59 =	vor.u32 $0x5, v8;
	v15 =	vld.idx.msk [tilespmem:v53+s1+$0x0], $0xffff  }
0x19b: {  	v61 =	vor.u32 $0x5, v10;
	v60 =	vld.idx.msk [tilespmem:v55+s1+$0x0], $0xffff;
	v14 =	vmul.f32 v54, v52  }
0x19c: {  	v62 =	vor.u32 $0x6, v8;
	v18 =	vld.idx.msk [tilespmem:v56+s1+$0x0], $0xffff  }
0x19d: {  	v24 =	vor.u32 $0x6, v10;
	v63 =	vld.idx.msk [tilespmem:v57+s1+$0x0], $0xffff;
	v11 =	vmul.f32 v12, v11;
	v14 =	vadd.f32 $0.0e+00, v14  }
0x19e: {  	v8 =	vor.u32 $0x7, v8;
	v20 =	vld.idx.msk [tilespmem:v58+s1+$0x0], $0xffff  }
0x19f: {  	v10 =	vor.u32 $0x7, v10;
	v25 =	vld.idx.msk [tilespmem:v59+s1+$0x0], $0xffff;
	v13 =	vmul.f32 v15, v13;
	v11 =	vadd.f32 v11, v14  }
0x1a0: {  	v26 =	vld.idx.msk [tilespmem:v61+s1+$0x0], $0xffff  }
0x1a1: {  	v28 =	vld.idx.msk [tilespmem:v62+s1+$0x0], $0xffff;
	v27 =	vmul.f32 v18, v60;
	v11 =	vadd.f32 v13, v11  }
0x1a2: {  	v29 =	vld.idx.msk [tilespmem:v24+s1+$0x0], $0xffff  }
0x1a3: {  	v8 =	vld.idx.msk [tilespmem:v8+s1+$0x0], $0xffff;
	v12 =	vmul.f32 v20, v63;
	v11 =	vadd.f32 v27, v11  }
0x1a4: {  	v10 =	vld.idx.msk [tilespmem:v10+s1+$0x0], $0xffff  }
0x1a5: {  	v30 =	vmul.f32 v26, v25;
	v11 =	vadd.f32 v12, v11;
	_ =	sdelay $0x1  }
0x1a6: {  	v31 =	vmul.f32 v29, v28;
	v11 =	vadd.f32 v30, v11;
	_ =	sdelay $0x1  }
0x1a7: {  	v32 =	vor.u32 s30, v5;
	v8 =	vmul.f32 v10, v8;
	v11 =	vadd.f32 v31, v11;
	_ =	sdelay $0x1  }
0x1a8: {  	v8 =	vadd.f32 v8, v11;
	_ =	sdelay $0x1  }
0x1a9: {  	[tilespmem:v48+s21+$0x0] =	vst.idx.msk $0xffff, v8  }
0x1aa: {  	v8 =	vld.idx.msk [tilespmem:v32+s19+$0x0], $0xffff  }
0x1ab: {  	v9 =	vld.idx.msk [tilespmem:v32+s20+$0x0], $0xffff;
	_ =	sdelay $0x3  }
0x1ac: {  	v8 =	vshll.u32 v8, $0x3  }
0x1ad: {  	v9 =	vshll.u32 v9, $0x3  }
0x1ae: {  	v33 =	vor.u32 $0x1, v8  }
0x1af: {  	v34 =	vor.u32 $0x1, v9  }
0x1b0: {  	v35 =	vor.u32 $0x2, v8  }
0x1b1: {  	v37 =	vor.u32 $0x2, v9;
	v36 =	vld.idx.msk [tilespmem:v8+s1+$0x0], $0xffff  }
0x1b2: {  	v39 =	vor.u32 $0x3, v8;
	v38 =	vld.idx.msk [tilespmem:v9+s1+$0x0], $0xffff  }
0x1b3: {  	v40 =	vor.u32 $0x3, v9;
	v11 =	vld.idx.msk [tilespmem:v33+s1+$0x0], $0xffff  }
0x1b4: {  	v41 =	vor.u32 $0x4, v8;
	v12 =	vld.idx.msk [tilespmem:v34+s1+$0x0], $0xffff  }
0x1b5: {  	v42 =	vor.u32 $0x4, v9;
	v13 =	vld.idx.msk [tilespmem:v35+s1+$0x0], $0xffff  }
0x1b6: {  	v43 =	vor.u32 $0x5, v8;
	v15 =	vld.idx.msk [tilespmem:v37+s1+$0x0], $0xffff  }
0x1b7: {  	v45 =	vor.u32 $0x5, v9;
	v44 =	vld.idx.msk [tilespmem:v39+s1+$0x0], $0xffff;
	v14 =	vmul.f32 v38, v36  }
0x1b8: {  	v46 =	vor.u32 $0x6, v8;
	v18 =	vld.idx.msk [tilespmem:v40+s1+$0x0], $0xffff  }
0x1b9: {  	v48 =	vor.u32 $0x6, v9;
	v47 =	vld.idx.msk [tilespmem:v41+s1+$0x0], $0xffff;
	v11 =	vmul.f32 v12, v11;
	v14 =	vadd.f32 $0.0e+00, v14  }
0x1ba: {  	v8 =	vor.u32 $0x7, v8;
	v20 =	vld.idx.msk [tilespmem:v42+s1+$0x0], $0xffff  }
0x1bb: {  	v9 =	vor.u32 $0x7, v9;
	v49 =	vld.idx.msk [tilespmem:v43+s1+$0x0], $0xffff;
	v13 =	vmul.f32 v15, v13;
	v11 =	vadd.f32 v11, v14  }
0x1bc: {  	v50 =	vld.idx.msk [tilespmem:v45+s1+$0x0], $0xffff  }
0x1bd: {  	v52 =	vld.idx.msk [tilespmem:v46+s1+$0x0], $0xffff;
	v51 =	vmul.f32 v18, v44;
	v11 =	vadd.f32 v13, v11  }
0x1be: {  	v53 =	vld.idx.msk [tilespmem:v48+s1+$0x0], $0xffff  }
0x1bf: {  	v8 =	vld.idx.msk [tilespmem:v8+s1+$0x0], $0xffff;
	v12 =	vmul.f32 v20, v47;
	v11 =	vadd.f32 v51, v11  }
0x1c0: {  	v9 =	vld.idx.msk [tilespmem:v9+s1+$0x0], $0xffff  }
0x1c1: {  	v54 =	vmul.f32 v50, v49;
	v11 =	vadd.f32 v12, v11;
	_ =	sdelay $0x1  }
0x1c2: {  	v55 =	vmul.f32 v53, v52;
	v11 =	vadd.f32 v54, v11;
	_ =	sdelay $0x1  }
0x1c3: {  	v56 =	vor.u32 s30, v6;
	v8 =	vmul.f32 v9, v8;
	v11 =	vadd.f32 v55, v11;
	_ =	sdelay $0x1  }
0x1c4: {  	v8 =	vadd.f32 v8, v11;
	_ =	sdelay $0x1  }
0x1c5: {  	[tilespmem:v32+s21+$0x0] =	vst.idx.msk $0xffff, v8  }
0x1c6: {  	v8 =	vld.idx.msk [tilespmem:v56+s19+$0x0], $0xffff  }
0x1c7: {  	v10 =	vld.idx.msk [tilespmem:v56+s20+$0x0], $0xffff;
	_ =	sdelay $0x3  }
0x1c8: {  	v8 =	vshll.u32 v8, $0x3  }
0x1c9: {  	v10 =	vshll.u32 v10, $0x3  }
0x1ca: {  	v57 =	vor.u32 $0x1, v8  }
0x1cb: {  	v58 =	vor.u32 $0x1, v10  }
0x1cc: {  	v59 =	vor.u32 $0x2, v8  }
0x1cd: {  	v61 =	vor.u32 $0x2, v10;
	v60 =	vld.idx.msk [tilespmem:v8+s1+$0x0], $0xffff  }
0x1ce: {  	v63 =	vor.u32 $0x3, v8;
	v62 =	vld.idx.msk [tilespmem:v10+s1+$0x0], $0xffff  }
0x1cf: {  	v24 =	vor.u32 $0x3, v10;
	v11 =	vld.idx.msk [tilespmem:v57+s1+$0x0], $0xffff  }
0x1d0: {  	v25 =	vor.u32 $0x4, v8;
	v12 =	vld.idx.msk [tilespmem:v58+s1+$0x0], $0xffff  }
0x1d1: {  	v26 =	vor.u32 $0x4, v10;
	v13 =	vld.idx.msk [tilespmem:v59+s1+$0x0], $0xffff  }
0x1d2: {  	v27 =	vor.u32 $0x5, v8;
	v15 =	vld.idx.msk [tilespmem:v61+s1+$0x0], $0xffff  }
0x1d3: {  	v29 =	vor.u32 $0x5, v10;
	v28 =	vld.idx.msk [tilespmem:v63+s1+$0x0], $0xffff;
	v14 =	vmul.f32 v62, v60  }
0x1d4: {  	v30 =	vor.u32 $0x6, v8;
	v18 =	vld.idx.msk [tilespmem:v24+s1+$0x0], $0xffff  }
0x1d5: {  	v32 =	vor.u32 $0x6, v10;
	v31 =	vld.idx.msk [tilespmem:v25+s1+$0x0], $0xffff;
	v11 =	vmul.f32 v12, v11;
	v14 =	vadd.f32 $0.0e+00, v14  }
0x1d6: {  	v8 =	vor.u32 $0x7, v8;
	v20 =	vld.idx.msk [tilespmem:v26+s1+$0x0], $0xffff  }
0x1d7: {  	v10 =	vor.u32 $0x7, v10;
	v33 =	vld.idx.msk [tilespmem:v27+s1+$0x0], $0xffff;
	v13 =	vmul.f32 v15, v13;
	v11 =	vadd.f32 v11, v14  }
0x1d8: {  	v34 =	vld.idx.msk [tilespmem:v29+s1+$0x0], $0xffff  }
0x1d9: {  	v36 =	vld.idx.msk [tilespmem:v30+s1+$0x0], $0xffff;
	v35 =	vmul.f32 v18, v28;
	v11 =	vadd.f32 v13, v11  }
0x1da: {  	v37 =	vld.idx.msk [tilespmem:v32+s1+$0x0], $0xffff  }
0x1db: {  	v8 =	vld.idx.msk [tilespmem:v8+s1+$0x0], $0xffff;
	v12 =	vmul.f32 v20, v31;
	v11 =	vadd.f32 v35, v11  }
0x1dc: {  	v10 =	vld.idx.msk [tilespmem:v10+s1+$0x0], $0xffff  }
0x1dd: {  	v38 =	vmul.f32 v34, v33;
	v11 =	vadd.f32 v12, v11;
	_ =	sdelay $0x1  }
0x1de: {  	v39 =	vmul.f32 v37, v36;
	v11 =	vadd.f32 v38, v11;
	_ =	sdelay $0x1  }
0x1df: {  	v40 =	vor.u32 s30, v7;
	v8 =	vmul.f32 v10, v8;
	v11 =	vadd.f32 v39, v11;
	_ =	sdelay $0x1  }
0x1e0: {  	v8 =	vadd.f32 v8, v11;
	_ =	sdelay $0x1  }
0x1e1: {  	[tilespmem:v56+s21+$0x0] =	vst.idx.msk $0xffff, v8  }
0x1e2: {  	v8 =	vld.idx.msk [tilespmem:v40+s19+$0x0], $0xffff  }
0x1e3: {  	v9 =	vld.idx.msk [tilespmem:v40+s20+$0x0], $0xffff;
	_ =	sdelay $0x3  }
0x1e4: {  	v8 =	vshll.u32 v8, $0x3  }
0x1e5: {  	v9 =	vshll.u32 v9, $0x3  }
0x1e6: {  	v41 =	vor.u32 $0x1, v8  }
0x1e7: {  	v42 =	vor.u32 $0x1, v9  }
0x1e8: {  	v43 =	vor.u32 $0x2, v8  }
0x1e9: {  	v45 =	vor.u32 $0x2, v9;
	v44 =	vld.idx.msk [tilespmem:v8+s1+$0x0], $0xffff  }
0x1ea: {  	v47 =	vor.u32 $0x3, v8;
	v46 =	vld.idx.msk [tilespmem:v9+s1+$0x0], $0xffff  }
0x1eb: {  	v48 =	vor.u32 $0x3, v9;
	v11 =	vld.idx.msk [tilespmem:v41+s1+$0x0], $0xffff  }
0x1ec: {  	v49 =	vor.u32 $0x4, v8;
	v12 =	vld.idx.msk [tilespmem:v42+s1+$0x0], $0xffff  }
0x1ed: {  	v50 =	vor.u32 $0x4, v9;
	v13 =	vld.idx.msk [tilespmem:v43+s1+$0x0], $0xffff  }
0x1ee: {  	v51 =	vor.u32 $0x5, v8;
	v15 =	vld.idx.msk [tilespmem:v45+s1+$0x0], $0xffff  }
0x1ef: {  	v53 =	vor.u32 $0x5, v9;
	v52 =	vld.idx.msk [tilespmem:v47+s1+$0x0], $0xffff;
	v14 =	vmul.f32 v46, v44  }
0x1f0: {  	v54 =	vor.u32 $0x6, v8;
	v18 =	vld.idx.msk [tilespmem:v48+s1+$0x0], $0xffff  }
0x1f1: {  	v56 =	vor.u32 $0x6, v9;
	v55 =	vld.idx.msk [tilespmem:v49+s1+$0x0], $0xffff;
	v11 =	vmul.f32 v12, v11;
	v14 =	vadd.f32 $0.0e+00, v14  }
0x1f2: {  	v8 =	vor.u32 $0x7, v8;
	v20 =	vld.idx.msk [tilespmem:v50+s1+$0x0], $0xffff  }
0x1f3: {  	v9 =	vor.u32 $0x7, v9;
	v57 =	vld.idx.msk [tilespmem:v51+s1+$0x0], $0xffff;
	v13 =	vmul.f32 v15, v13;
	v11 =	vadd.f32 v11, v14  }
0x1f4: {  	v58 =	vld.idx.msk [tilespmem:v53+s1+$0x0], $0xffff  }
0x1f5: {  	v60 =	vld.idx.msk [tilespmem:v54+s1+$0x0], $0xffff;
	v59 =	vmul.f32 v18, v52;
	v11 =	vadd.f32 v13, v11  }
0x1f6: {  	v61 =	vld.idx.msk [tilespmem:v56+s1+$0x0], $0xffff  }
0x1f7: {  	v8 =	vld.idx.msk [tilespmem:v8+s1+$0x0], $0xffff;
	v12 =	vmul.f32 v20, v55;
	v11 =	vadd.f32 v59, v11  }
0x1f8: {  	v9 =	vld.idx.msk [tilespmem:v9+s1+$0x0], $0xffff  }
0x1f9: {  	v62 =	vmul.f32 v58, v57;
	v11 =	vadd.f32 v12, v11;
	_ =	sdelay $0x1  }
0x1fa: {  	v63 =	vmul.f32 v61, v60;
	v11 =	vadd.f32 v62, v11  }
0x1fb: {  	p0 =	sne.s32 s29, $0x27  }
.Ltmp1:
0x1fc: {  	v8 =	vmul.f32 v9, v8;
	v11 =	vadd.f32 v63, v11;
	(pc) =	sbr.rel @p0 .LBB2_5-.Ltmp1, $3  }
0x1fd: {  	_ = 	snop  }
0x1fe: {  	v8 =	vadd.f32 v8, v11;
	_ =	sdelay $0x1  }
0x1ff: {  	s29 =	sadd.s32 $0x1, s29;
	[tilespmem:v40+s21+$0x0] =	vst.idx.msk $0xffff, v8  }
0x200: {  	s0 =	sshll.u32 s28, $0x7  }
0x201: {  	s26 =	sadd.s32 $0x1, s26;
	s0 =	sadd.s32 s12, s0  }
0x202: {  	p0 =	sne.s32 s26, $0x4;
	s0 =	sshrl.u32 s0, $0x3  }
.Ltmp2:
0x203: {  	s0 =	sadd.s32 s6, s0;
	(pc) =	sbr.rel @p0 .LBB2_2-.Ltmp2, $4  }
0x204: {  	[hbm4b:s0+s1] =	stream.linear.scatter [tilespmem:s21], [sflag:$0x5], $0x1400, $0x38;
	[tilespmem:$0x1A400] =	vst v63  }
0x205: {  	_ =	swait.ge [sflag:s15], $0x1400  }
0x206: {  	[sflag:s15] =	ssyncset.done $0x0  }
0x207: {  	[sflag:s15] =	ssyncadd.s32 $0xFFFFEC00  }
0x208: {  	s24 =	sadd.s32 $0x1, s24  }
0x209: {  	p0 =	sne.s32 s24, s14  }
.Ltmp3:
0x20a: {  	_ = 	snop;
	(pc) =	sbr.rel @p0 .LBB2_1-.Ltmp3, $1  }
0x20b: {  	_ =	sdelay $0x3  }
0x20c: {  	_ =	sfence.sel $0x180000  }
0x20d: {  	[bflag:$0x0] =	sbarrier.arrive $0xFFFF  }
0x20e: {  	_ =	strace $0x90000050  }
0x20f: {  	[bflag:$0x2] =	sbarrier.arrive $0xFFFF  }
0x210: {  	p0 =	sne.s32 s2, $0x0;
	s0 =	rddreg [dreg:$0x1]  }
0x211: {  	s0 =	sadd.s32 @!p0 $0x100000, s0  }
0x212: {  	[sflag:s0] =	ssyncadd.tile.s32 @!p0 $0x1;
	_ =	shalt  }
.Lfunc_end2:
_tile_overlayer_lowered:
.L_overlay_start_2:
0x213: {  	(tag) =	ssettag $0x2  }
0x214: {  	s0 =	rddreg [dreg:$0x0];
	s2 =	stileid.u32  }
0x215: {  	s1 =	rddreg [dreg:$0x1];
	p0 =	sne.s32 s2, $0x0  }
0x216: {  	s3 =	rddreg [dreg:$0x2];
	[bflag:$0x3] =	sbarrier.arrive $0xFFFF;
	s2 =	simm.s32 @!p0 $0x1C05  }
0x217: {  	[timem:s3], [sflag:s2] =	dma.local @!p0 [hbm:s0], s1  }
0x218: {  	s0 =	simm.s32 @!p0 $0x5  }
0x219: {  	_ =	swait.ge @!p0 [sflag:s0], s1  }
0x21a: {  	s1 =	ssub.s32 @!p0 $0x0, s1;
	[sflag:s0] =	ssyncset.done @!p0 $0x0  }
0x21b: {  	[sflag:s0] =	ssyncadd.s32 @!p0 s1  }
0x21c: {  	[bflag:$0x3] =	sbarrier.arrive $0xFFFF  }
0x21d: {  	_ =	shalt  }

</sc_bundles>
